<compile_context>
chip_gen: v7x
topology: tpu7x:2x2x1
jax: 0.10.2.dev20260603
libtpu: 0.0.44.dev20260713+nightly
codegen_flags: <defaults>
</compile_context>

<pallas_src>
import functools

import jax
import jax.numpy as jnp
from jax import lax
from jax.experimental import pallas as pl
from jax.experimental.pallas import tpu as pltpu
from jax.experimental.pallas import tpu_sc as plsc

_N = 10000
_E = 320000
_DIN = 128
_DH = 64
_DL = 32
_DOUT = 3

_NC, _NS = 2, 16
_NW = _NC * _NS
_CH = 125
_CPW = 80
_SPAN = 640
_NPAD = _NS * _SPAN

_mesh = plsc.VectorSubcoreMesh(core_axis_name="c", subcore_axis_name="s")


def _deg_body(dst_hbm, degp_hbm, idx_v, ones_v, zb, shared):
    c = lax.axis_index("c")
    s = lax.axis_index("s")
    wid = c * _NS + s
    for j in range(8):
        ones_v[0, pl.ds(j * 16, 16)] = jnp.full((16,), 1.0, jnp.float32)
    for j in range(4):
        zb[pl.ds(j * 16, 16)] = jnp.zeros((16,), jnp.float32)
    for j in range(10):
        pltpu.sync_copy(zb, shared.at[pl.ds(s * _SPAN + j * 64, 64)])
    pltpu.sync_copy(dst_hbm.at[wid], idx_v)
    plsc.subcore_barrier()

    def chunk(i, carry):
        pltpu.sync_copy(ones_v.at[0, pl.ds(0, _CH)], shared.at[idx_v.at[i]],
                        add=True)
        return carry

    lax.fori_loop(0, _CPW, chunk, 0)
    plsc.subcore_barrier()
    pltpu.sync_copy(shared.at[pl.ds(s * _SPAN, _SPAN)],
                    degp_hbm.at[c, pl.ds(s * _SPAN, _SPAN)])


_deg_call = pl.kernel(
    _deg_body,
    out_type=jax.ShapeDtypeStruct((_NC, _NPAD), jnp.float32),
    mesh=_mesh,
    scratch_types=[
        pltpu.VMEM((_CPW, _CH), jnp.int32),
        pltpu.VMEM((1, 128), jnp.float32),
        pltpu.VMEM((64,), jnp.float32),
        pltpu.VMEM_SHARED((_NPAD,), jnp.float32),
    ],
)


_NBUF = 5


def _spmm_body(hp_hbm, src_hbm, dst_hbm, part_hbm, isrc, idst, rows, zb,
               shared, g0, g1, g2, g3, g4, s0, s1, s2, s3, s4):
    gsems = (g0, g1, g2, g3, g4)
    ssems = (s0, s1, s2, s3, s4)
    c = lax.axis_index("c")
    s = lax.axis_index("s")
    wid = c * _NS + s
    for i in range(16):
        for j in range(4):
            zb[i, pl.ds(j * 16, 16)] = jnp.zeros((16,), jnp.float32)
    for j in range(40):
        pltpu.sync_copy(zb, shared.at[pl.ds(s * _SPAN + j * 16, 16), :])
    pltpu.sync_copy(src_hbm.at[wid], isrc)
    pltpu.sync_copy(dst_hbm.at[wid], idst)
    plsc.subcore_barrier()

    for b in range(_NBUF):
        pltpu.async_copy(hp_hbm.at[isrc.at[b]], rows.at[b], gsems[b])

    def step(k, carry):
        for b in range(_NBUF):
            ch = k * _NBUF + b
            pltpu.make_async_copy(hp_hbm.at[isrc.at[ch]], rows.at[b],
                                  gsems[b]).wait()
            pltpu.async_copy(rows.at[b], shared.at[idst.at[ch]], ssems[b],
                             add=True)
            pltpu.make_async_copy(rows.at[b], shared.at[idst.at[ch]],
                                  ssems[b]).wait()

            @pl.when(k < _CPW // _NBUF - 1)
            def _():
                pltpu.async_copy(hp_hbm.at[isrc.at[ch + _NBUF]], rows.at[b],
                                 gsems[b])
        return carry

    lax.fori_loop(0, _CPW // _NBUF, step, 0)
    plsc.subcore_barrier()
    pltpu.sync_copy(shared.at[pl.ds(s * _SPAN, _SPAN), :],
                    part_hbm.at[c, pl.ds(s * _SPAN, _SPAN), :])


_spmm_call = pl.kernel(
    _spmm_body,
    out_type=jax.ShapeDtypeStruct((_NC, _NPAD, _DH), jnp.float32),
    mesh=_mesh,
    compiler_params=pltpu.CompilerParams(use_tc_tiling_on_sc=False),
    scratch_types=[
        pltpu.VMEM((_CPW, _CH), jnp.int32),
        pltpu.VMEM((_CPW, _CH), jnp.int32),
        pltpu.VMEM((_NBUF, _CH, _DH), jnp.float32),
        pltpu.VMEM((16, _DH), jnp.float32),
        pltpu.VMEM_SHARED((_NPAD, _DH), jnp.float32),
        pltpu.SemaphoreType.DMA,
        pltpu.SemaphoreType.DMA,
        pltpu.SemaphoreType.DMA,
        pltpu.SemaphoreType.DMA,
        pltpu.SemaphoreType.DMA,
        pltpu.SemaphoreType.DMA,
        pltpu.SemaphoreType.DMA,
        pltpu.SemaphoreType.DMA,
        pltpu.SemaphoreType.DMA,
        pltpu.SemaphoreType.DMA,
    ],
)


_BN = 2000


def _dinv_of(degt_blk):
    return lax.rsqrt(degt_blk[:, 0] + degt_blk[:, 1] + 1.0)


def _tc1a_body(x_ref, w1_ref, h_ref):
    h_ref[...] = jnp.dot(x_ref[...], w1_ref[...],
                         preferred_element_type=jnp.float32)


def _tc1a(x, W1):
    return pl.pallas_call(
        _tc1a_body,
        grid=(_N // _BN,),
        in_specs=[
            pl.BlockSpec((_BN, _DIN), lambda i: (i, 0)),
            pl.BlockSpec((_DIN, _DH), lambda i: (0, 0)),
        ],
        out_specs=pl.BlockSpec((_BN, _DH), lambda i: (i, 0)),
        out_shape=jax.ShapeDtypeStruct((_N, _DH), jnp.float32),
    )(x, W1)


def _tc1b_body(h_ref, degp_ref, hp_ref):
    dinv = _dinv_of(degp_ref[...])
    hp_ref[...] = h_ref[...] * dinv[:, None]


def _tc1b(h, degp):
    return pl.pallas_call(
        _tc1b_body,
        grid=(_N // _BN,),
        in_specs=[
            pl.BlockSpec((_BN, _DH), lambda i: (i, 0)),
            pl.BlockSpec((_BN, _NC), lambda i: (i, 0)),
        ],
        out_specs=pl.BlockSpec((_BN, _DH), lambda i: (i, 0)),
        out_shape=jax.ShapeDtypeStruct((_N, _DH), jnp.float32),
    )(h, degp)


def _tc2_body(q_ref, hp_ref, degp_ref, b1_ref, we_ref, be_ref, wd_ref,
              bd_ref, wc_ref, bc_ref, z_ref, pred_ref, hp2_ref):
    dinv = _dinv_of(degp_ref[...])
    s1 = dinv[:, None] * (q_ref[0] + q_ref[1] + hp_ref[...]) + b1_ref[...]
    h1 = jnp.maximum(s1, 0.0)
    z = jnp.dot(h1, we_ref[...], preferred_element_type=jnp.float32) + be_ref[...]
    h2 = jnp.maximum(
        jnp.dot(z, wd_ref[...], preferred_element_type=jnp.float32) + bd_ref[...],
        0.0)
    z_ref[...] = z
    pred_ref[...] = jnp.dot(z, wc_ref[...], preferred_element_type=jnp.float32) + bc_ref[...]
    hp2_ref[...] = h2 * dinv[:, None]


def _tc2(q, hp, degp, b1, We, be, Wd, bd, Wc, bc):
    return pl.pallas_call(
        _tc2_body,
        grid=(_N // _BN,),
        in_specs=[
            pl.BlockSpec((_NC, _BN, _DH), lambda i: (0, i, 0)),
            pl.BlockSpec((_BN, _DH), lambda i: (i, 0)),
            pl.BlockSpec((_BN, _NC), lambda i: (i, 0)),
            pl.BlockSpec((1, _DH), lambda i: (0, 0)),
            pl.BlockSpec((_DH, _DL), lambda i: (0, 0)),
            pl.BlockSpec((1, _DL), lambda i: (0, 0)),
            pl.BlockSpec((_DL, _DH), lambda i: (0, 0)),
            pl.BlockSpec((1, _DH), lambda i: (0, 0)),
            pl.BlockSpec((_DL, _DOUT), lambda i: (0, 0)),
            pl.BlockSpec((1, _DOUT), lambda i: (0, 0)),
        ],
        out_specs=[
            pl.BlockSpec((_BN, _DL), lambda i: (i, 0)),
            pl.BlockSpec((_BN, _DOUT), lambda i: (i, 0)),
            pl.BlockSpec((_BN, _DH), lambda i: (i, 0)),
        ],
        out_shape=[
            jax.ShapeDtypeStruct((_N, _DL), jnp.float32),
            jax.ShapeDtypeStruct((_N, _DOUT), jnp.float32),
            jax.ShapeDtypeStruct((_N, _DH), jnp.float32),
        ],
    )(q, hp, degp, b1, We, be, Wd, bd, Wc, bc)


def _tc3_body(r_ref, hp2_ref, degp_ref, w2_ref, b2_ref, out_ref):
    dinv = _dinv_of(degp_ref[...])
    t = dinv[:, None] * (r_ref[0] + r_ref[1] + hp2_ref[...])
    out_ref[...] = jnp.dot(t, w2_ref[...], preferred_element_type=jnp.float32) + b2_ref[...]


def _tc3(r, hp2, degp, W2, b2):
    return pl.pallas_call(
        _tc3_body,
        grid=(_N // _BN,),
        in_specs=[
            pl.BlockSpec((_NC, _BN, _DH), lambda i: (0, i, 0)),
            pl.BlockSpec((_BN, _DH), lambda i: (i, 0)),
            pl.BlockSpec((_BN, _NC), lambda i: (i, 0)),
            pl.BlockSpec((_DH, _DIN), lambda i: (0, 0)),
            pl.BlockSpec((1, _DIN), lambda i: (0, 0)),
        ],
        out_specs=pl.BlockSpec((_BN, _DIN), lambda i: (i, 0)),
        out_shape=jax.ShapeDtypeStruct((_N, _DIN), jnp.float32),
    )(r, hp2, degp, W2, b2)


def kernel(x, edge_index, edge_attr, W1, b1, We, be, Wd, bd, W2, b2, Wc, bc):
    srcp = edge_index[0].reshape(_NW, _CPW, _CH)
    dstp = edge_index[1].reshape(_NW, _CPW, _CH)

    degp = _deg_call(dstp)
    h = _tc1a(x, W1)
    degt = degp.T
    hp = _tc1b(h, degt)
    q = _spmm_call(hp, srcp, dstp)
    z, pred, hp2 = _tc2(q, hp, degt, b1.reshape(1, -1), We,
                        be.reshape(1, -1), Wd, bd.reshape(1, -1), Wc,
                        bc.reshape(1, -1))
    r = _spmm_call(hp2, srcp, dstp)
    x_recon = _tc3(r, hp2, degt, W2, b2.reshape(1, -1))
    return (x_recon, z, pred)

# --- scband reference (transcript-rebuilt; emitter-appended) ---
"""Pipeline reference for scband-gnnvae-52905407152187 (READ-ONLY COPY).

The authoritative reference and input builder live on the scoring server;
editing this copy changes nothing except your own understanding.
"""

import jax, jax.numpy as jnp
import numpy as np

N = 10000
E = 320000
DIN = 128
DH = 64
DL = 32
DOUT = 3


def setup_inputs(seed: int = 0) -> dict:
    key = jax.random.key(seed)
    ks = jax.random.split(key, 14)
    x = jax.random.normal(ks[0], (N, DIN), dtype=jnp.float32)
    edge_index = jax.random.randint(ks[1], (2, E), 0, N, dtype=jnp.int32)
    edge_attr = jax.random.normal(ks[2], (E, 4), dtype=jnp.float32)
    W1 = jax.random.normal(ks[3], (DIN, DH), dtype=jnp.float32) * (1.0 / np.sqrt(DIN))
    b1 = jnp.zeros((DH,), dtype=jnp.float32)
    We = jax.random.normal(ks[4], (DH, DL), dtype=jnp.float32) * (1.0 / np.sqrt(DH))
    be = jnp.zeros((DL,), dtype=jnp.float32)
    Wd = jax.random.normal(ks[5], (DL, DH), dtype=jnp.float32) * (1.0 / np.sqrt(DL))
    bd = jnp.zeros((DH,), dtype=jnp.float32)
    W2 = jax.random.normal(ks[6], (DH, DIN), dtype=jnp.float32) * (1.0 / np.sqrt(DH))
    b2 = jnp.zeros((DIN,), dtype=jnp.float32)
    Wc = jax.random.normal(ks[7], (DL, DOUT), dtype=jnp.float32) * (1.0 / np.sqrt(DL))
    bc = jnp.zeros((DOUT,), dtype=jnp.float32)
    return {"x": x, "edge_index": edge_index, "edge_attr": edge_attr,
            "W1": W1, "b1": b1, "We": We, "be": be, "Wd": Wd, "bd": bd,
            "W2": W2, "b2": b2, "Wc": Wc, "bc": bc}


def _gcn_conv(h_in, src, dst, norm, W, b):
    # GCNConv: x @ W, propagate with symmetric norm, scatter-add to dst, add bias
    h = h_in @ W
    msg = h[src] * norm[:, None]
    out = jnp.zeros((N, W.shape[1]), dtype=h.dtype).at[dst].add(msg)
    return out + b


def reference(x, edge_index, edge_attr, W1, b1, We, be, Wd, bd, W2, b2, Wc, bc):
    # add self loops (as PyG GCNConv does by default)
    loop = jnp.arange(N, dtype=edge_index.dtype)
    src = jnp.concatenate([edge_index[0], loop])
    dst = jnp.concatenate([edge_index[1], loop])
    deg = jnp.zeros((N,), dtype=jnp.float32).at[dst].add(1.0)
    dinv = jnp.where(deg > 0, deg ** -0.5, 0.0)
    norm = dinv[src] * dinv[dst]
    # encode
    h1 = jax.nn.relu(_gcn_conv(x, src, dst, norm, W1, b1))
    z = h1 @ We + be
    # decode
    h2 = jax.nn.relu(z @ Wd + bd)
    x_recon = _gcn_conv(h2, src, dst, norm, W2, b2)
    # condition prediction
    pred = z @ Wc + bc
    return (x_recon, z, pred)

if __name__ == "__main__":
    import jax
    _d = setup_inputs()
    print(jax.jit(kernel)(*tuple(_d.values())))

</pallas_src>

<mosaic_0001>
#map = affine_map<(d0, d1) -> (0, 0, 0)>
#map1 = affine_map<(d0, d1) -> (0, 0)>
module attributes {stable_mosaic.version = 14 : i64} {
  func.func @_deg_body(%arg0: i32, %arg1: i32, %arg2: memref<32x80x125xi32, #tpu.memory_space<hbm>>, %arg3: memref<2x10240xf32, #tpu.memory_space<hbm>>, %arg4: memref<80x125xi32, #tpu.memory_space<vmem>>, %arg5: memref<1x128xf32, #tpu.memory_space<vmem>>, %arg6: memref<64xf32, #tpu.memory_space<vmem>>, %arg7: memref<10240xf32, #tpu.memory_space<vmem_shared>>) attributes {dimension_semantics = [#tpu.dimension_semantics<core_parallel>, #tpu.dimension_semantics<subcore_parallel>], iteration_bounds = array<i64: 2, 16>, scalar_prefetch = 0 : i64, scratch_operands = 4 : i64, tpu.core_type = #tpu.core_type<sc_vector_subcore>, window_params = [{transform_indices = #map}, {transform_indices = #map1}]} {
    %mul3A = arith.constant 16 : i32
    %mul3A_0 = arith.muli %arg0, %mul3A : i32
    %add3A = arith.addi %mul3A_0, %arg1 : i32
    %broadcast_in_dim3A = arith.constant 1.000000e+00 : f32
    %broadcast_in_dim3A_1 = vector.broadcast %broadcast_in_dim3A : f32 to vector<16xf32>
    %swap3A = arith.constant 0 : i32
    %swap3A_2 = arith.index_cast %swap3A : i32 to index
    %swap3A_3 = arith.constant 0 : index
    %swap3A_4 = tpu.vector_load %arg5[%swap3A_2, %swap3A_3] {strides = array<i32>} : memref<1x128xf32, #tpu.memory_space<vmem>>, vector<1x16xf32>,
    %swap3A_5 = vector.shape_cast %swap3A_4 : vector<1x16xf32> to vector<16xf32>
    %swap3A_6 = vector.shape_cast %broadcast_in_dim3A_1 : vector<16xf32> to vector<1x16xf32>
    tpu.vector_store %arg5[%swap3A_2, %swap3A_3], %swap3A_6 {strides = array<i32>} : memref<1x128xf32, #tpu.memory_space<vmem>>, vector<1x16xf32>,
    %broadcast_in_dim3A_7 = arith.constant 1.000000e+00 : f32
    %broadcast_in_dim3A_8 = vector.broadcast %broadcast_in_dim3A_7 : f32 to vector<16xf32>
    %swap3A_9 = arith.constant 0 : i32
    %swap3A_10 = arith.index_cast %swap3A_9 : i32 to index
    %swap3A_11 = arith.constant 16 : index
    %swap3A_12 = tpu.vector_load %arg5[%swap3A_10, %swap3A_11] {strides = array<i32>} : memref<1x128xf32, #tpu.memory_space<vmem>>, vector<1x16xf32>,
    %swap3A_13 = vector.shape_cast %swap3A_12 : vector<1x16xf32> to vector<16xf32>
    %swap3A_14 = vector.shape_cast %broadcast_in_dim3A_8 : vector<16xf32> to vector<1x16xf32>
    tpu.vector_store %arg5[%swap3A_10, %swap3A_11], %swap3A_14 {strides = array<i32>} : memref<1x128xf32, #tpu.memory_space<vmem>>, vector<1x16xf32>,
    %broadcast_in_dim3A_15 = arith.constant 1.000000e+00 : f32
    %broadcast_in_dim3A_16 = vector.broadcast %broadcast_in_dim3A_15 : f32 to vector<16xf32>
    %swap3A_17 = arith.constant 0 : i32
    %swap3A_18 = arith.index_cast %swap3A_17 : i32 to index
    %swap3A_19 = arith.constant 32 : index
    %swap3A_20 = tpu.vector_load %arg5[%swap3A_18, %swap3A_19] {strides = array<i32>} : memref<1x128xf32, #tpu.memory_space<vmem>>, vector<1x16xf32>,
    %swap3A_21 = vector.shape_cast %swap3A_20 : vector<1x16xf32> to vector<16xf32>
    %swap3A_22 = vector.shape_cast %broadcast_in_dim3A_16 : vector<16xf32> to vector<1x16xf32>
    tpu.vector_store %arg5[%swap3A_18, %swap3A_19], %swap3A_22 {strides = array<i32>} : memref<1x128xf32, #tpu.memory_space<vmem>>, vector<1x16xf32>,
    %broadcast_in_dim3A_23 = arith.constant 1.000000e+00 : f32
    %broadcast_in_dim3A_24 = vector.broadcast %broadcast_in_dim3A_23 : f32 to vector<16xf32>
    %swap3A_25 = arith.constant 0 : i32
    %swap3A_26 = arith.index_cast %swap3A_25 : i32 to index
    %swap3A_27 = arith.constant 48 : index
    %swap3A_28 = tpu.vector_load %arg5[%swap3A_26, %swap3A_27] {strides = array<i32>} : memref<1x128xf32, #tpu.memory_space<vmem>>, vector<1x16xf32>,
    %swap3A_29 = vector.shape_cast %swap3A_28 : vector<1x16xf32> to vector<16xf32>
    %swap3A_30 = vector.shape_cast %broadcast_in_dim3A_24 : vector<16xf32> to vector<1x16xf32>
    tpu.vector_store %arg5[%swap3A_26, %swap3A_27], %swap3A_30 {strides = array<i32>} : memref<1x128xf32, #tpu.memory_space<vmem>>, vector<1x16xf32>,
    %broadcast_in_dim3A_31 = arith.constant 1.000000e+00 : f32
    %broadcast_in_dim3A_32 = vector.broadcast %broadcast_in_dim3A_31 : f32 to vector<16xf32>
    %swap3A_33 = arith.constant 0 : i32
    %swap3A_34 = arith.index_cast %swap3A_33 : i32 to index
    %swap3A_35 = arith.constant 64 : index
    %swap3A_36 = tpu.vector_load %arg5[%swap3A_34, %swap3A_35] {strides = array<i32>} : memref<1x128xf32, #tpu.memory_space<vmem>>, vector<1x16xf32>,
    %swap3A_37 = vector.shape_cast %swap3A_36 : vector<1x16xf32> to vector<16xf32>
    %swap3A_38 = vector.shape_cast %broadcast_in_dim3A_32 : vector<16xf32> to vector<1x16xf32>
    tpu.vector_store %arg5[%swap3A_34, %swap3A_35], %swap3A_38 {strides = array<i32>} : memref<1x128xf32, #tpu.memory_space<vmem>>, vector<1x16xf32>,
    %broadcast_in_dim3A_39 = arith.constant 1.000000e+00 : f32
    %broadcast_in_dim3A_40 = vector.broadcast %broadcast_in_dim3A_39 : f32 to vector<16xf32>
    %swap3A_41 = arith.constant 0 : i32
    %swap3A_42 = arith.index_cast %swap3A_41 : i32 to index
    %swap3A_43 = arith.constant 80 : index
    %swap3A_44 = tpu.vector_load %arg5[%swap3A_42, %swap3A_43] {strides = array<i32>} : memref<1x128xf32, #tpu.memory_space<vmem>>, vector<1x16xf32>,
    %swap3A_45 = vector.shape_cast %swap3A_44 : vector<1x16xf32> to vector<16xf32>
    %swap3A_46 = vector.shape_cast %broadcast_in_dim3A_40 : vector<16xf32> to vector<1x16xf32>
    tpu.vector_store %arg5[%swap3A_42, %swap3A_43], %swap3A_46 {strides = array<i32>} : memref<1x128xf32, #tpu.memory_space<vmem>>, vector<1x16xf32>,
    %broadcast_in_dim3A_47 = arith.constant 1.000000e+00 : f32
    %broadcast_in_dim3A_48 = vector.broadcast %broadcast_in_dim3A_47 : f32 to vector<16xf32>
    %swap3A_49 = arith.constant 0 : i32
    %swap3A_50 = arith.index_cast %swap3A_49 : i32 to index
    %swap3A_51 = arith.constant 96 : index
    %swap3A_52 = tpu.vector_load %arg5[%swap3A_50, %swap3A_51] {strides = array<i32>} : memref<1x128xf32, #tpu.memory_space<vmem>>, vector<1x16xf32>,
    %swap3A_53 = vector.shape_cast %swap3A_52 : vector<1x16xf32> to vector<16xf32>
    %swap3A_54 = vector.shape_cast %broadcast_in_dim3A_48 : vector<16xf32> to vector<1x16xf32>
    tpu.vector_store %arg5[%swap3A_50, %swap3A_51], %swap3A_54 {strides = array<i32>} : memref<1x128xf32, #tpu.memory_space<vmem>>, vector<1x16xf32>,
    %broadcast_in_dim3A_55 = arith.constant 1.000000e+00 : f32
    %broadcast_in_dim3A_56 = vector.broadcast %broadcast_in_dim3A_55 : f32 to vector<16xf32>
    %swap3A_57 = arith.constant 0 : i32
    %swap3A_58 = arith.index_cast %swap3A_57 : i32 to index
    %swap3A_59 = arith.constant 112 : index
    %swap3A_60 = tpu.vector_load %arg5[%swap3A_58, %swap3A_59] {strides = array<i32>} : memref<1x128xf32, #tpu.memory_space<vmem>>, vector<1x16xf32>,
    %swap3A_61 = vector.shape_cast %swap3A_60 : vector<1x16xf32> to vector<16xf32>
    %swap3A_62 = vector.shape_cast %broadcast_in_dim3A_56 : vector<16xf32> to vector<1x16xf32>
    tpu.vector_store %arg5[%swap3A_58, %swap3A_59], %swap3A_62 {strides = array<i32>} : memref<1x128xf32, #tpu.memory_space<vmem>>, vector<1x16xf32>,
    %broadcast_in_dim3A_63 = arith.constant 0.000000e+00 : f32
    %broadcast_in_dim3A_64 = vector.broadcast %broadcast_in_dim3A_63 : f32 to vector<16xf32>
    %swap3A_65 = arith.constant 0 : index
    %swap3A_66 = tpu.vector_load %arg6[%swap3A_65] {strides = array<i32>} : memref<64xf32, #tpu.memory_space<vmem>>, vector<16xf32>,
    %swap3A_67 = vector.shape_cast %swap3A_66 : vector<16xf32> to vector<16xf32>
    %swap3A_68 = vector.shape_cast %broadcast_in_dim3A_64 : vector<16xf32> to vector<16xf32>
    tpu.vector_store %arg6[%swap3A_65], %swap3A_68 {strides = array<i32>} : memref<64xf32, #tpu.memory_space<vmem>>, vector<16xf32>,
    %broadcast_in_dim3A_69 = arith.constant 0.000000e+00 : f32
    %broadcast_in_dim3A_70 = vector.broadcast %broadcast_in_dim3A_69 : f32 to vector<16xf32>
    %swap3A_71 = arith.constant 16 : index
    %swap3A_72 = tpu.vector_load %arg6[%swap3A_71] {strides = array<i32>} : memref<64xf32, #tpu.memory_space<vmem>>, vector<16xf32>,
    %swap3A_73 = vector.shape_cast %swap3A_72 : vector<16xf32> to vector<16xf32>
    %swap3A_74 = vector.shape_cast %broadcast_in_dim3A_70 : vector<16xf32> to vector<16xf32>
    tpu.vector_store %arg6[%swap3A_71], %swap3A_74 {strides = array<i32>} : memref<64xf32, #tpu.memory_space<vmem>>, vector<16xf32>,
    %broadcast_in_dim3A_75 = arith.constant 0.000000e+00 : f32
    %broadcast_in_dim3A_76 = vector.broadcast %broadcast_in_dim3A_75 : f32 to vector<16xf32>
    %swap3A_77 = arith.constant 32 : index
    %swap3A_78 = tpu.vector_load %arg6[%swap3A_77] {strides = array<i32>} : memref<64xf32, #tpu.memory_space<vmem>>, vector<16xf32>,
    %swap3A_79 = vector.shape_cast %swap3A_78 : vector<16xf32> to vector<16xf32>
    %swap3A_80 = vector.shape_cast %broadcast_in_dim3A_76 : vector<16xf32> to vector<16xf32>
    tpu.vector_store %arg6[%swap3A_77], %swap3A_80 {strides = array<i32>} : memref<64xf32, #tpu.memory_space<vmem>>, vector<16xf32>,
    %broadcast_in_dim3A_81 = arith.constant 0.000000e+00 : f32
    %broadcast_in_dim3A_82 = vector.broadcast %broadcast_in_dim3A_81 : f32 to vector<16xf32>
    %swap3A_83 = arith.constant 48 : index
    %swap3A_84 = tpu.vector_load %arg6[%swap3A_83] {strides = array<i32>} : memref<64xf32, #tpu.memory_space<vmem>>, vector<16xf32>,
    %swap3A_85 = vector.shape_cast %swap3A_84 : vector<16xf32> to vector<16xf32>
    %swap3A_86 = vector.shape_cast %broadcast_in_dim3A_82 : vector<16xf32> to vector<16xf32>
    tpu.vector_store %arg6[%swap3A_83], %swap3A_86 {strides = array<i32>} : memref<64xf32, #tpu.memory_space<vmem>>, vector<16xf32>,
    %mul3A_87 = arith.constant 640 : i32
    %mul3A_88 = arith.muli %arg1, %mul3A_87 : i32
    %add3A_89 = arith.constant 0 : i32
    %add3A_90 = arith.addi %mul3A_88, %add3A_89 : i32
    "tpu.region"() ({
      %run_scoped3A = tpu.sem_alloc : memref<!tpu.dma_semaphore, #tpu.memory_space<semaphore_mem>>
      %dma_start3A = tpu.memref_slice %arg7[%add3A_90] : memref<10240xf32, #tpu.memory_space<vmem_shared>> -> memref<64xf32, #tpu.memory_space<vmem_shared>>
      %dma_start3A_137 = tpu.memref_slice %arg7[%add3A_90] : memref<10240xf32, #tpu.memory_space<vmem_shared>> -> memref<64xf32, #tpu.memory_space<vmem_shared>>
      tpu.enqueue_dma source(%arg6 : memref<64xf32, #tpu.memory_space<vmem>>) target(%dma_start3A_137 : memref<64xf32, #tpu.memory_space<vmem_shared>>) target_semaphore(%run_scoped3A : memref<!tpu.dma_semaphore, #tpu.memory_space<semaphore_mem>>)
      %dma_wait3A = tpu.memref_slice %arg7[%add3A_90] : memref<10240xf32, #tpu.memory_space<vmem_shared>> -> memref<64xf32, #tpu.memory_space<vmem_shared>>
      %dma_wait3A_138 = tpu.memref_slice %arg7[%add3A_90] : memref<10240xf32, #tpu.memory_space<vmem_shared>> -> memref<64xf32, #tpu.memory_space<vmem_shared>>
      tpu.wait_dma2 semaphore(%run_scoped3A : memref<!tpu.dma_semaphore, #tpu.memory_space<semaphore_mem>>) src(%arg6 : memref<64xf32, #tpu.memory_space<vmem>>) dst(%dma_wait3A_138 : memref<64xf32, #tpu.memory_space<vmem_shared>>)
      tpu.yield
    }) : () -> ()
    %mul3A_91 = arith.constant 640 : i32
    %mul3A_92 = arith.muli %arg1, %mul3A_91 : i32
    %add3A_93 = arith.constant 64 : i32
    %add3A_94 = arith.addi %mul3A_92, %add3A_93 : i32
    "tpu.region"() ({
      %run_scoped3A = tpu.sem_alloc : memref<!tpu.dma_semaphore, #tpu.memory_space<semaphore_mem>>
      %dma_start3A = tpu.memref_slice %arg7[%add3A_94] : memref<10240xf32, #tpu.memory_space<vmem_shared>> -> memref<64xf32, #tpu.memory_space<vmem_shared>>
      %dma_start3A_137 = tpu.memref_slice %arg7[%add3A_94] : memref<10240xf32, #tpu.memory_space<vmem_shared>> -> memref<64xf32, #tpu.memory_space<vmem_shared>>
      tpu.enqueue_dma source(%arg6 : memref<64xf32, #tpu.memory_space<vmem>>) target(%dma_start3A_137 : memref<64xf32, #tpu.memory_space<vmem_shared>>) target_semaphore(%run_scoped3A : memref<!tpu.dma_semaphore, #tpu.memory_space<semaphore_mem>>)
      %dma_wait3A = tpu.memref_slice %arg7[%add3A_94] : memref<10240xf32, #tpu.memory_space<vmem_shared>> -> memref<64xf32, #tpu.memory_space<vmem_shared>>
      %dma_wait3A_138 = tpu.memref_slice %arg7[%add3A_94] : memref<10240xf32, #tpu.memory_space<vmem_shared>> -> memref<64xf32, #tpu.memory_space<vmem_shared>>
      tpu.wait_dma2 semaphore(%run_scoped3A : memref<!tpu.dma_semaphore, #tpu.memory_space<semaphore_mem>>) src(%arg6 : memref<64xf32, #tpu.memory_space<vmem>>) dst(%dma_wait3A_138 : memref<64xf32, #tpu.memory_space<vmem_shared>>)
      tpu.yield
    }) : () -> ()
    %mul3A_95 = arith.constant 640 : i32
    %mul3A_96 = arith.muli %arg1, %mul3A_95 : i32
    %add3A_97 = arith.constant 128 : i32
    %add3A_98 = arith.addi %mul3A_96, %add3A_97 : i32
    "tpu.region"() ({
      %run_scoped3A = tpu.sem_alloc : memref<!tpu.dma_semaphore, #tpu.memory_space<semaphore_mem>>
      %dma_start3A = tpu.memref_slice %arg7[%add3A_98] : memref<10240xf32, #tpu.memory_space<vmem_shared>> -> memref<64xf32, #tpu.memory_space<vmem_shared>>
      %dma_start3A_137 = tpu.memref_slice %arg7[%add3A_98] : memref<10240xf32, #tpu.memory_space<vmem_shared>> -> memref<64xf32, #tpu.memory_space<vmem_shared>>
      tpu.enqueue_dma source(%arg6 : memref<64xf32, #tpu.memory_space<vmem>>) target(%dma_start3A_137 : memref<64xf32, #tpu.memory_space<vmem_shared>>) target_semaphore(%run_scoped3A : memref<!tpu.dma_semaphore, #tpu.memory_space<semaphore_mem>>)
      %dma_wait3A = tpu.memref_slice %arg7[%add3A_98] : memref<10240xf32, #tpu.memory_space<vmem_shared>> -> memref<64xf32, #tpu.memory_space<vmem_shared>>
      %dma_wait3A_138 = tpu.memref_slice %arg7[%add3A_98] : memref<10240xf32, #tpu.memory_space<vmem_shared>> -> memref<64xf32, #tpu.memory_space<vmem_shared>>
      tpu.wait_dma2 semaphore(%run_scoped3A : memref<!tpu.dma_semaphore, #tpu.memory_space<semaphore_mem>>) src(%arg6 : memref<64xf32, #tpu.memory_space<vmem>>) dst(%dma_wait3A_138 : memref<64xf32, #tpu.memory_space<vmem_shared>>)
      tpu.yield
    }) : () -> ()
    %mul3A_99 = arith.constant 640 : i32
    %mul3A_100 = arith.muli %arg1, %mul3A_99 : i32
    %add3A_101 = arith.constant 192 : i32
    %add3A_102 = arith.addi %mul3A_100, %add3A_101 : i32
    "tpu.region"() ({
      %run_scoped3A = tpu.sem_alloc : memref<!tpu.dma_semaphore, #tpu.memory_space<semaphore_mem>>
      %dma_start3A = tpu.memref_slice %arg7[%add3A_102] : memref<10240xf32, #tpu.memory_space<vmem_shared>> -> memref<64xf32, #tpu.memory_space<vmem_shared>>
      %dma_start3A_137 = tpu.memref_slice %arg7[%add3A_102] : memref<10240xf32, #tpu.memory_space<vmem_shared>> -> memref<64xf32, #tpu.memory_space<vmem_shared>>
      tpu.enqueue_dma source(%arg6 : memref<64xf32, #tpu.memory_space<vmem>>) target(%dma_start3A_137 : memref<64xf32, #tpu.memory_space<vmem_shared>>) target_semaphore(%run_scoped3A : memref<!tpu.dma_semaphore, #tpu.memory_space<semaphore_mem>>)
      %dma_wait3A = tpu.memref_slice %arg7[%add3A_102] : memref<10240xf32, #tpu.memory_space<vmem_shared>> -> memref<64xf32, #tpu.memory_space<vmem_shared>>
      %dma_wait3A_138 = tpu.memref_slice %arg7[%add3A_102] : memref<10240xf32, #tpu.memory_space<vmem_shared>> -> memref<64xf32, #tpu.memory_space<vmem_shared>>
      tpu.wait_dma2 semaphore(%run_scoped3A : memref<!tpu.dma_semaphore, #tpu.memory_space<semaphore_mem>>) src(%arg6 : memref<64xf32, #tpu.memory_space<vmem>>) dst(%dma_wait3A_138 : memref<64xf32, #tpu.memory_space<vmem_shared>>)
      tpu.yield
    }) : () -> ()
    %mul3A_103 = arith.constant 640 : i32
    %mul3A_104 = arith.muli %arg1, %mul3A_103 : i32
    %add3A_105 = arith.constant 256 : i32
    %add3A_106 = arith.addi %mul3A_104, %add3A_105 : i32
    "tpu.region"() ({
      %run_scoped3A = tpu.sem_alloc : memref<!tpu.dma_semaphore, #tpu.memory_space<semaphore_mem>>
      %dma_start3A = tpu.memref_slice %arg7[%add3A_106] : memref<10240xf32, #tpu.memory_space<vmem_shared>> -> memref<64xf32, #tpu.memory_space<vmem_shared>>
      %dma_start3A_137 = tpu.memref_slice %arg7[%add3A_106] : memref<10240xf32, #tpu.memory_space<vmem_shared>> -> memref<64xf32, #tpu.memory_space<vmem_shared>>
      tpu.enqueue_dma source(%arg6 : memref<64xf32, #tpu.memory_space<vmem>>) target(%dma_start3A_137 : memref<64xf32, #tpu.memory_space<vmem_shared>>) target_semaphore(%run_scoped3A : memref<!tpu.dma_semaphore, #tpu.memory_space<semaphore_mem>>)
      %dma_wait3A = tpu.memref_slice %arg7[%add3A_106] : memref<10240xf32, #tpu.memory_space<vmem_shared>> -> memref<64xf32, #tpu.memory_space<vmem_shared>>
      %dma_wait3A_138 = tpu.memref_slice %arg7[%add3A_106] : memref<10240xf32, #tpu.memory_space<vmem_shared>> -> memref<64xf32, #tpu.memory_space<vmem_shared>>
      tpu.wait_dma2 semaphore(%run_scoped3A : memref<!tpu.dma_semaphore, #tpu.memory_space<semaphore_mem>>) src(%arg6 : memref<64xf32, #tpu.memory_space<vmem>>) dst(%dma_wait3A_138 : memref<64xf32, #tpu.memory_space<vmem_shared>>)
      tpu.yield
    }) : () -> ()
    %mul3A_107 = arith.constant 640 : i32
    %mul3A_108 = arith.muli %arg1, %mul3A_107 : i32
    %add3A_109 = arith.constant 320 : i32
    %add3A_110 = arith.addi %mul3A_108, %add3A_109 : i32
    "tpu.region"() ({
      %run_scoped3A = tpu.sem_alloc : memref<!tpu.dma_semaphore, #tpu.memory_space<semaphore_mem>>
      %dma_start3A = tpu.memref_slice %arg7[%add3A_110] : memref<10240xf32, #tpu.memory_space<vmem_shared>> -> memref<64xf32, #tpu.memory_space<vmem_shared>>
      %dma_start3A_137 = tpu.memref_slice %arg7[%add3A_110] : memref<10240xf32, #tpu.memory_space<vmem_shared>> -> memref<64xf32, #tpu.memory_space<vmem_shared>>
      tpu.enqueue_dma source(%arg6 : memref<64xf32, #tpu.memory_space<vmem>>) target(%dma_start3A_137 : memref<64xf32, #tpu.memory_space<vmem_shared>>) target_semaphore(%run_scoped3A : memref<!tpu.dma_semaphore, #tpu.memory_space<semaphore_mem>>)
      %dma_wait3A = tpu.memref_slice %arg7[%add3A_110] : memref<10240xf32, #tpu.memory_space<vmem_shared>> -> memref<64xf32, #tpu.memory_space<vmem_shared>>
      %dma_wait3A_138 = tpu.memref_slice %arg7[%add3A_110] : memref<10240xf32, #tpu.memory_space<vmem_shared>> -> memref<64xf32, #tpu.memory_space<vmem_shared>>
      tpu.wait_dma2 semaphore(%run_scoped3A : memref<!tpu.dma_semaphore, #tpu.memory_space<semaphore_mem>>) src(%arg6 : memref<64xf32, #tpu.memory_space<vmem>>) dst(%dma_wait3A_138 : memref<64xf32, #tpu.memory_space<vmem_shared>>)
      tpu.yield
    }) : () -> ()
    %mul3A_111 = arith.constant 640 : i32
    %mul3A_112 = arith.muli %arg1, %mul3A_111 : i32
    %add3A_113 = arith.constant 384 : i32
    %add3A_114 = arith.addi %mul3A_112, %add3A_113 : i32
    "tpu.region"() ({
      %run_scoped3A = tpu.sem_alloc : memref<!tpu.dma_semaphore, #tpu.memory_space<semaphore_mem>>
      %dma_start3A = tpu.memref_slice %arg7[%add3A_114] : memref<10240xf32, #tpu.memory_space<vmem_shared>> -> memref<64xf32, #tpu.memory_space<vmem_shared>>
      %dma_start3A_137 = tpu.memref_slice %arg7[%add3A_114] : memref<10240xf32, #tpu.memory_space<vmem_shared>> -> memref<64xf32, #tpu.memory_space<vmem_shared>>
      tpu.enqueue_dma source(%arg6 : memref<64xf32, #tpu.memory_space<vmem>>) target(%dma_start3A_137 : memref<64xf32, #tpu.memory_space<vmem_shared>>) target_semaphore(%run_scoped3A : memref<!tpu.dma_semaphore, #tpu.memory_space<semaphore_mem>>)
      %dma_wait3A = tpu.memref_slice %arg7[%add3A_114] : memref<10240xf32, #tpu.memory_space<vmem_shared>> -> memref<64xf32, #tpu.memory_space<vmem_shared>>
      %dma_wait3A_138 = tpu.memref_slice %arg7[%add3A_114] : memref<10240xf32, #tpu.memory_space<vmem_shared>> -> memref<64xf32, #tpu.memory_space<vmem_shared>>
      tpu.wait_dma2 semaphore(%run_scoped3A : memref<!tpu.dma_semaphore, #tpu.memory_space<semaphore_mem>>) src(%arg6 : memref<64xf32, #tpu.memory_space<vmem>>) dst(%dma_wait3A_138 : memref<64xf32, #tpu.memory_space<vmem_shared>>)
      tpu.yield
    }) : () -> ()
    %mul3A_115 = arith.constant 640 : i32
    %mul3A_116 = arith.muli %arg1, %mul3A_115 : i32
    %add3A_117 = arith.constant 448 : i32
    %add3A_118 = arith.addi %mul3A_116, %add3A_117 : i32
    "tpu.region"() ({
      %run_scoped3A = tpu.sem_alloc : memref<!tpu.dma_semaphore, #tpu.memory_space<semaphore_mem>>
      %dma_start3A = tpu.memref_slice %arg7[%add3A_118] : memref<10240xf32, #tpu.memory_space<vmem_shared>> -> memref<64xf32, #tpu.memory_space<vmem_shared>>
      %dma_start3A_137 = tpu.memref_slice %arg7[%add3A_118] : memref<10240xf32, #tpu.memory_space<vmem_shared>> -> memref<64xf32, #tpu.memory_space<vmem_shared>>
      tpu.enqueue_dma source(%arg6 : memref<64xf32, #tpu.memory_space<vmem>>) target(%dma_start3A_137 : memref<64xf32, #tpu.memory_space<vmem_shared>>) target_semaphore(%run_scoped3A : memref<!tpu.dma_semaphore, #tpu.memory_space<semaphore_mem>>)
      %dma_wait3A = tpu.memref_slice %arg7[%add3A_118] : memref<10240xf32, #tpu.memory_space<vmem_shared>> -> memref<64xf32, #tpu.memory_space<vmem_shared>>
      %dma_wait3A_138 = tpu.memref_slice %arg7[%add3A_118] : memref<10240xf32, #tpu.memory_space<vmem_shared>> -> memref<64xf32, #tpu.memory_space<vmem_shared>>
      tpu.wait_dma2 semaphore(%run_scoped3A : memref<!tpu.dma_semaphore, #tpu.memory_space<semaphore_mem>>) src(%arg6 : memref<64xf32, #tpu.memory_space<vmem>>) dst(%dma_wait3A_138 : memref<64xf32, #tpu.memory_space<vmem_shared>>)
      tpu.yield
    }) : () -> ()
    %mul3A_119 = arith.constant 640 : i32
    %mul3A_120 = arith.muli %arg1, %mul3A_119 : i32
    %add3A_121 = arith.constant 512 : i32
    %add3A_122 = arith.addi %mul3A_120, %add3A_121 : i32
    "tpu.region"() ({
      %run_scoped3A = tpu.sem_alloc : memref<!tpu.dma_semaphore, #tpu.memory_space<semaphore_mem>>
      %dma_start3A = tpu.memref_slice %arg7[%add3A_122] : memref<10240xf32, #tpu.memory_space<vmem_shared>> -> memref<64xf32, #tpu.memory_space<vmem_shared>>
      %dma_start3A_137 = tpu.memref_slice %arg7[%add3A_122] : memref<10240xf32, #tpu.memory_space<vmem_shared>> -> memref<64xf32, #tpu.memory_space<vmem_shared>>
      tpu.enqueue_dma source(%arg6 : memref<64xf32, #tpu.memory_space<vmem>>) target(%dma_start3A_137 : memref<64xf32, #tpu.memory_space<vmem_shared>>) target_semaphore(%run_scoped3A : memref<!tpu.dma_semaphore, #tpu.memory_space<semaphore_mem>>)
      %dma_wait3A = tpu.memref_slice %arg7[%add3A_122] : memref<10240xf32, #tpu.memory_space<vmem_shared>> -> memref<64xf32, #tpu.memory_space<vmem_shared>>
      %dma_wait3A_138 = tpu.memref_slice %arg7[%add3A_122] : memref<10240xf32, #tpu.memory_space<vmem_shared>> -> memref<64xf32, #tpu.memory_space<vmem_shared>>
      tpu.wait_dma2 semaphore(%run_scoped3A : memref<!tpu.dma_semaphore, #tpu.memory_space<semaphore_mem>>) src(%arg6 : memref<64xf32, #tpu.memory_space<vmem>>) dst(%dma_wait3A_138 : memref<64xf32, #tpu.memory_space<vmem_shared>>)
      tpu.yield
    }) : () -> ()
    %mul3A_123 = arith.constant 640 : i32
    %mul3A_124 = arith.muli %arg1, %mul3A_123 : i32
    %add3A_125 = arith.constant 576 : i32
    %add3A_126 = arith.addi %mul3A_124, %add3A_125 : i32
    "tpu.region"() ({
      %run_scoped3A = tpu.sem_alloc : memref<!tpu.dma_semaphore, #tpu.memory_space<semaphore_mem>>
      %dma_start3A = tpu.memref_slice %arg7[%add3A_126] : memref<10240xf32, #tpu.memory_space<vmem_shared>> -> memref<64xf32, #tpu.memory_space<vmem_shared>>
      %dma_start3A_137 = tpu.memref_slice %arg7[%add3A_126] : memref<10240xf32, #tpu.memory_space<vmem_shared>> -> memref<64xf32, #tpu.memory_space<vmem_shared>>
      tpu.enqueue_dma source(%arg6 : memref<64xf32, #tpu.memory_space<vmem>>) target(%dma_start3A_137 : memref<64xf32, #tpu.memory_space<vmem_shared>>) target_semaphore(%run_scoped3A : memref<!tpu.dma_semaphore, #tpu.memory_space<semaphore_mem>>)
      %dma_wait3A = tpu.memref_slice %arg7[%add3A_126] : memref<10240xf32, #tpu.memory_space<vmem_shared>> -> memref<64xf32, #tpu.memory_space<vmem_shared>>
      %dma_wait3A_138 = tpu.memref_slice %arg7[%add3A_126] : memref<10240xf32, #tpu.memory_space<vmem_shared>> -> memref<64xf32, #tpu.memory_space<vmem_shared>>
      tpu.wait_dma2 semaphore(%run_scoped3A : memref<!tpu.dma_semaphore, #tpu.memory_space<semaphore_mem>>) src(%arg6 : memref<64xf32, #tpu.memory_space<vmem>>) dst(%dma_wait3A_138 : memref<64xf32, #tpu.memory_space<vmem_shared>>)
      tpu.yield
    }) : () -> ()
    "tpu.region"() ({
      %run_scoped3A = tpu.sem_alloc : memref<!tpu.dma_semaphore, #tpu.memory_space<semaphore_mem>>
      %dma_start3A = arith.constant 0 : i32
      %dma_start3A_137 = arith.constant 0 : i32
      %dma_start3A_138 = tpu.memref_slice %arg2[%add3A, %dma_start3A, %dma_start3A_137] : memref<32x80x125xi32, #tpu.memory_space<hbm>> -> memref<1x80x125xi32, #tpu.memory_space<hbm>>
      %dma_start3A_139 = tpu.memref_squeeze %dma_start3A_138 : memref<1x80x125xi32, #tpu.memory_space<hbm>> -> memref<80x125xi32, #tpu.memory_space<hbm>>
      %dma_start3A_140 = arith.constant 0 : i32
      %dma_start3A_141 = arith.constant 0 : i32
      %dma_start3A_142 = tpu.memref_slice %arg2[%add3A, %dma_start3A_140, %dma_start3A_141] : memref<32x80x125xi32, #tpu.memory_space<hbm>> -> memref<1x80x125xi32, #tpu.memory_space<hbm>>
      %dma_start3A_143 = tpu.memref_squeeze %dma_start3A_142 : memref<1x80x125xi32, #tpu.memory_space<hbm>> -> memref<80x125xi32, #tpu.memory_space<hbm>>
      tpu.enqueue_dma source(%dma_start3A_143 : memref<80x125xi32, #tpu.memory_space<hbm>>) target(%arg4 : memref<80x125xi32, #tpu.memory_space<vmem>>) target_semaphore(%run_scoped3A : memref<!tpu.dma_semaphore, #tpu.memory_space<semaphore_mem>>)
      %dma_wait3A = arith.constant 0 : i32
      %dma_wait3A_144 = arith.constant 0 : i32
      %dma_wait3A_145 = tpu.memref_slice %arg2[%add3A, %dma_wait3A, %dma_wait3A_144] : memref<32x80x125xi32, #tpu.memory_space<hbm>> -> memref<1x80x125xi32, #tpu.memory_space<hbm>>
      %dma_wait3A_146 = tpu.memref_squeeze %dma_wait3A_145 : memref<1x80x125xi32, #tpu.memory_space<hbm>> -> memref<80x125xi32, #tpu.memory_space<hbm>>
      %dma_wait3A_147 = arith.constant 0 : i32
      %dma_wait3A_148 = arith.constant 0 : i32
      %dma_wait3A_149 = tpu.memref_slice %arg2[%add3A, %dma_wait3A_147, %dma_wait3A_148] : memref<32x80x125xi32, #tpu.memory_space<hbm>> -> memref<1x80x125xi32, #tpu.memory_space<hbm>>
      %dma_wait3A_150 = tpu.memref_squeeze %dma_wait3A_149 : memref<1x80x125xi32, #tpu.memory_space<hbm>> -> memref<80x125xi32, #tpu.memory_space<hbm>>
      tpu.wait_dma2 semaphore(%run_scoped3A : memref<!tpu.dma_semaphore, #tpu.memory_space<semaphore_mem>>) src(%dma_wait3A_150 : memref<80x125xi32, #tpu.memory_space<hbm>>) dst(%arg4 : memref<80x125xi32, #tpu.memory_space<vmem>>)
      tpu.yield
    }) : () -> ()
    %barrier3A = arith.constant 0 : index
    tpu.barrier barrier_id(%barrier3A)
    %scan3A = arith.constant 0 : i32
    %scan3A_127 = arith.constant 0 : i32
    %scan3A_128 = arith.constant 80 : i32
    %scan3A_129 = arith.addi %scan3A_127, %scan3A_128 : i32
    %scan3A_130 = arith.constant 1 : i32
    scf.for %scan3A_137 = %scan3A_127 to %scan3A_129 step %scan3A_130  : i32 {
      %run_scoped3A = arith.constant 0 : i32
      "tpu.region"() ({
        %run_scoped3A_138 = tpu.sem_alloc : memref<!tpu.dma_semaphore, #tpu.memory_space<semaphore_mem>>
        %dma_start3A = arith.constant 0 : i32
        %dma_start3A_139 = tpu.memref_slice %arg5[%run_scoped3A, %dma_start3A] : memref<1x128xf32, #tpu.memory_space<vmem>> -> memref<1x125xf32, #tpu.memory_space<vmem>>
        %dma_start3A_140 = tpu.memref_squeeze %dma_start3A_139 : memref<1x125xf32, #tpu.memory_space<vmem>> -> memref<125xf32, #tpu.memory_space<vmem>>
        %dma_start3A_141 = arith.constant 0 : i32
        %dma_start3A_142 = tpu.memref_slice %arg4[%scan3A_137, %dma_start3A_141] : memref<80x125xi32, #tpu.memory_space<vmem>> -> memref<1x125xi32, #tpu.memory_space<vmem>>
        %dma_start3A_143 = tpu.memref_squeeze %dma_start3A_142 : memref<1x125xi32, #tpu.memory_space<vmem>> -> memref<125xi32, #tpu.memory_space<vmem>>
        %dma_start3A_144 = arith.constant 0 : i32
        %dma_start3A_145 = tpu.memref_slice %arg7[%dma_start3A_144] : memref<10240xf32, #tpu.memory_space<vmem_shared>> -> memref<10240xf32, #tpu.memory_space<vmem_shared>>
        tpu.enqueue_indirect_dma source(%dma_start3A_140 : memref<125xf32, #tpu.memory_space<vmem>>) target(%dma_start3A_145 : memref<10240xf32, #tpu.memory_space<vmem_shared>>) offsets(%dma_start3A_143 : memref<125xi32, #tpu.memory_space<vmem>>) semaphore(%run_scoped3A_138 : memref<!tpu.dma_semaphore, #tpu.memory_space<semaphore_mem>>) {add = true}
        %dma_wait3A = arith.constant 0 : i32
        %dma_wait3A_146 = tpu.memref_slice %arg5[%run_scoped3A, %dma_wait3A] : memref<1x128xf32, #tpu.memory_space<vmem>> -> memref<1x125xf32, #tpu.memory_space<vmem>>
        %dma_wait3A_147 = tpu.memref_squeeze %dma_wait3A_146 : memref<1x125xf32, #tpu.memory_space<vmem>> -> memref<125xf32, #tpu.memory_space<vmem>>
        %dma_wait3A_148 = arith.constant 0 : i32
        %dma_wait3A_149 = tpu.memref_slice %arg4[%scan3A_137, %dma_wait3A_148] : memref<80x125xi32, #tpu.memory_space<vmem>> -> memref<1x125xi32, #tpu.memory_space<vmem>>
        %dma_wait3A_150 = tpu.memref_squeeze %dma_wait3A_149 : memref<1x125xi32, #tpu.memory_space<vmem>> -> memref<125xi32, #tpu.memory_space<vmem>>
        %dma_wait3A_151 = arith.constant 0 : i32
        %dma_wait3A_152 = tpu.memref_slice %arg7[%dma_wait3A_151] : memref<10240xf32, #tpu.memory_space<vmem_shared>> -> memref<10240xf32, #tpu.memory_space<vmem_shared>>
        tpu.wait_indirect_dma semaphore(%run_scoped3A_138 : memref<!tpu.dma_semaphore, #tpu.memory_space<semaphore_mem>>) src(%dma_wait3A_147 : memref<125xf32, #tpu.memory_space<vmem>>) dst(%dma_wait3A_152 : memref<10240xf32, #tpu.memory_space<vmem_shared>>)
        tpu.yield
      }) : () -> ()
    }
    %scan3A_131 = arith.constant 80 : i32
    %barrier3A_132 = arith.constant 0 : index
    tpu.barrier barrier_id(%barrier3A_132)
    %mul3A_133 = arith.constant 640 : i32
    %mul3A_134 = arith.muli %arg1, %mul3A_133 : i32
    %mul3A_135 = arith.constant 640 : i32
    %mul3A_136 = arith.muli %arg1, %mul3A_135 : i32
    "tpu.region"() ({
      %run_scoped3A = tpu.sem_alloc : memref<!tpu.dma_semaphore, #tpu.memory_space<semaphore_mem>>
      %dma_start3A = tpu.memref_slice %arg3[%arg0, %mul3A_136] : memref<2x10240xf32, #tpu.memory_space<hbm>> -> memref<1x640xf32, #tpu.memory_space<hbm>>
      %dma_start3A_137 = tpu.memref_squeeze %dma_start3A : memref<1x640xf32, #tpu.memory_space<hbm>> -> memref<640xf32, #tpu.memory_space<hbm>>
      %dma_start3A_138 = tpu.memref_slice %arg7[%mul3A_134] : memref<10240xf32, #tpu.memory_space<vmem_shared>> -> memref<640xf32, #tpu.memory_space<vmem_shared>>
      tpu.enqueue_dma source(%dma_start3A_138 : memref<640xf32, #tpu.memory_space<vmem_shared>>) target(%dma_start3A_137 : memref<640xf32, #tpu.memory_space<hbm>>) target_semaphore(%run_scoped3A : memref<!tpu.dma_semaphore, #tpu.memory_space<semaphore_mem>>)
      %dma_wait3A = tpu.memref_slice %arg3[%arg0, %mul3A_136] : memref<2x10240xf32, #tpu.memory_space<hbm>> -> memref<1x640xf32, #tpu.memory_space<hbm>>
      %dma_wait3A_139 = tpu.memref_squeeze %dma_wait3A : memref<1x640xf32, #tpu.memory_space<hbm>> -> memref<640xf32, #tpu.memory_space<hbm>>
      %dma_wait3A_140 = tpu.memref_slice %arg7[%mul3A_134] : memref<10240xf32, #tpu.memory_space<vmem_shared>> -> memref<640xf32, #tpu.memory_space<vmem_shared>>
      tpu.wait_dma2 semaphore(%run_scoped3A : memref<!tpu.dma_semaphore, #tpu.memory_space<semaphore_mem>>) src(%dma_wait3A_140 : memref<640xf32, #tpu.memory_space<vmem_shared>>) dst(%dma_wait3A_139 : memref<640xf32, #tpu.memory_space<hbm>>)
      tpu.yield
    }) : () -> ()
    return
  }
}

#map = affine_map<(d0, d1) -> (0, 0)>
#map1 = affine_map<(d0, d1) -> (0, 0, 0)>
module attributes {stable_mosaic.version = 14 : i64} {
  func.func @_spmm_body(%arg0: i32, %arg1: i32, %arg2: memref<10000x64xf32, #tpu.memory_space<hbm>>, %arg3: memref<32x80x125xi32, #tpu.memory_space<hbm>>, %arg4: memref<32x80x125xi32, #tpu.memory_space<hbm>>, %arg5: memref<2x10240x64xf32, #tpu.memory_space<hbm>>, %arg6: memref<80x125xi32, #tpu.memory_space<vmem>>, %arg7: memref<80x125xi32, #tpu.memory_space<vmem>>, %arg8: memref<5x125x64xf32, #tpu.memory_space<vmem>>, %arg9: memref<16x64xf32, #tpu.memory_space<vmem>>, %arg10: memref<10240x64xf32, #tpu.memory_space<vmem_shared>>, %arg11: memref<!tpu.dma_semaphore, #tpu.memory_space<semaphore_mem>>, %arg12: memref<!tpu.dma_semaphore, #tpu.memory_space<semaphore_mem>>, %arg13: memref<!tpu.dma_semaphore, #tpu.memory_space<semaphore_mem>>, %arg14: memref<!tpu.dma_semaphore, #tpu.memory_space<semaphore_mem>>, %arg15: memref<!tpu.dma_semaphore, #tpu.memory_space<semaphore_mem>>, %arg16: memref<!tpu.dma_semaphore, #tpu.memory_space<semaphore_mem>>, %arg17: memref<!tpu.dma_semaphore, #tpu.memory_space<semaphore_mem>>, %arg18: memref<!tpu.dma_semaphore, #tpu.memory_space<semaphore_mem>>, %arg19: memref<!tpu.dma_semaphore, #tpu.memory_space<semaphore_mem>>, %arg20: memref<!tpu.dma_semaphore, #tpu.memory_space<semaphore_mem>>) attributes {dimension_semantics = [#tpu.dimension_semantics<core_parallel>, #tpu.dimension_semantics<subcore_parallel>], iteration_bounds = array<i64: 2, 16>, scalar_prefetch = 0 : i64, scratch_operands = 15 : i64, tpu.core_type = #tpu.core_type<sc_vector_subcore>, window_params = [{transform_indices = #map}, {transform_indices = #map1}, {transform_indices = #map1}, {transform_indices = #map1}]} {
    %mul3A = arith.constant 16 : i32
    %mul3A_0 = arith.muli %arg0, %mul3A : i32
    %add3A = arith.addi %mul3A_0, %arg1 : i32
    %broadcast_in_dim3A = arith.constant 0.000000e+00 : f32
    %broadcast_in_dim3A_1 = vector.broadcast %broadcast_in_dim3A : f32 to vector<16xf32>
    %swap3A = arith.constant 0 : i32
    %swap3A_2 = arith.index_cast %swap3A : i32 to index
    %swap3A_3 = arith.constant 0 : index
    %swap3A_4 = tpu.vector_load %arg9[%swap3A_2, %swap3A_3] {strides = array<i32>} : memref<16x64xf32, #tpu.memory_space<vmem>>, vector<1x16xf32>,
    %swap3A_5 = vector.shape_cast %swap3A_4 : vector<1x16xf32> to vector<16xf32>
    %swap3A_6 = vector.shape_cast %broadcast_in_dim3A_1 : vector<16xf32> to vector<1x16xf32>
    tpu.vector_store %arg9[%swap3A_2, %swap3A_3], %swap3A_6 {strides = array<i32>} : memref<16x64xf32, #tpu.memory_space<vmem>>, vector<1x16xf32>,
    %broadcast_in_dim3A_7 = arith.constant 0.000000e+00 : f32
    %broadcast_in_dim3A_8 = vector.broadcast %broadcast_in_dim3A_7 : f32 to vector<16xf32>
    %swap3A_9 = arith.constant 0 : i32
    %swap3A_10 = arith.index_cast %swap3A_9 : i32 to index
    %swap3A_11 = arith.constant 16 : index
    %swap3A_12 = tpu.vector_load %arg9[%swap3A_10, %swap3A_11] {strides = array<i32>} : memref<16x64xf32, #tpu.memory_space<vmem>>, vector<1x16xf32>,
    %swap3A_13 = vector.shape_cast %swap3A_12 : vector<1x16xf32> to vector<16xf32>
    %swap3A_14 = vector.shape_cast %broadcast_in_dim3A_8 : vector<16xf32> to vector<1x16xf32>
    tpu.vector_store %arg9[%swap3A_10, %swap3A_11], %swap3A_14 {strides = array<i32>} : memref<16x64xf32, #tpu.memory_space<vmem>>, vector<1x16xf32>,
    %broadcast_in_dim3A_15 = arith.constant 0.000000e+00 : f32
    %broadcast_in_dim3A_16 = vector.broadcast %broadcast_in_dim3A_15 : f32 to vector<16xf32>
    %swap3A_17 = arith.constant 0 : i32
    %swap3A_18 = arith.index_cast %swap3A_17 : i32 to index
    %swap3A_19 = arith.constant 32 : index
    %swap3A_20 = tpu.vector_load %arg9[%swap3A_18, %swap3A_19] {strides = array<i32>} : memref<16x64xf32, #tpu.memory_space<vmem>>, vector<1x16xf32>,
    %swap3A_21 = vector.shape_cast %swap3A_20 : vector<1x16xf32> to vector<16xf32>
    %swap3A_22 = vector.shape_cast %broadcast_in_dim3A_16 : vector<16xf32> to vector<1x16xf32>
    tpu.vector_store %arg9[%swap3A_18, %swap3A_19], %swap3A_22 {strides = array<i32>} : memref<16x64xf32, #tpu.memory_space<vmem>>, vector<1x16xf32>,
    %broadcast_in_dim3A_23 = arith.constant 0.000000e+00 : f32
    %broadcast_in_dim3A_24 = vector.broadcast %broadcast_in_dim3A_23 : f32 to vector<16xf32>
    %swap3A_25 = arith.constant 0 : i32
    %swap3A_26 = arith.index_cast %swap3A_25 : i32 to index
    %swap3A_27 = arith.constant 48 : index
    %swap3A_28 = tpu.vector_load %arg9[%swap3A_26, %swap3A_27] {strides = array<i32>} : memref<16x64xf32, #tpu.memory_space<vmem>>, vector<1x16xf32>,
    %swap3A_29 = vector.shape_cast %swap3A_28 : vector<1x16xf32> to vector<16xf32>
    %swap3A_30 = vector.shape_cast %broadcast_in_dim3A_24 : vector<16xf32> to vector<1x16xf32>
    tpu.vector_store %arg9[%swap3A_26, %swap3A_27], %swap3A_30 {strides = array<i32>} : memref<16x64xf32, #tpu.memory_space<vmem>>, vector<1x16xf32>,
    %broadcast_in_dim3A_31 = arith.constant 0.000000e+00 : f32
    %broadcast_in_dim3A_32 = vector.broadcast %broadcast_in_dim3A_31 : f32 to vector<16xf32>
    %swap3A_33 = arith.constant 1 : i32
    %swap3A_34 = arith.index_cast %swap3A_33 : i32 to index
    %swap3A_35 = arith.constant 0 : index
    %swap3A_36 = tpu.vector_load %arg9[%swap3A_34, %swap3A_35] {strides = array<i32>} : memref<16x64xf32, #tpu.memory_space<vmem>>, vector<1x16xf32>,
    %swap3A_37 = vector.shape_cast %swap3A_36 : vector<1x16xf32> to vector<16xf32>
    %swap3A_38 = vector.shape_cast %broadcast_in_dim3A_32 : vector<16xf32> to vector<1x16xf32>
    tpu.vector_store %arg9[%swap3A_34, %swap3A_35], %swap3A_38 {strides = array<i32>} : memref<16x64xf32, #tpu.memory_space<vmem>>, vector<1x16xf32>,
    %broadcast_in_dim3A_39 = arith.constant 0.000000e+00 : f32
    %broadcast_in_dim3A_40 = vector.broadcast %broadcast_in_dim3A_39 : f32 to vector<16xf32>
    %swap3A_41 = arith.constant 1 : i32
    %swap3A_42 = arith.index_cast %swap3A_41 : i32 to index
    %swap3A_43 = arith.constant 16 : index
    %swap3A_44 = tpu.vector_load %arg9[%swap3A_42, %swap3A_43] {strides = array<i32>} : memref<16x64xf32, #tpu.memory_space<vmem>>, vector<1x16xf32>,
    %swap3A_45 = vector.shape_cast %swap3A_44 : vector<1x16xf32> to vector<16xf32>
    %swap3A_46 = vector.shape_cast %broadcast_in_dim3A_40 : vector<16xf32> to vector<1x16xf32>
    tpu.vector_store %arg9[%swap3A_42, %swap3A_43], %swap3A_46 {strides = array<i32>} : memref<16x64xf32, #tpu.memory_space<vmem>>, vector<1x16xf32>,
    %broadcast_in_dim3A_47 = arith.constant 0.000000e+00 : f32
    %broadcast_in_dim3A_48 = vector.broadcast %broadcast_in_dim3A_47 : f32 to vector<16xf32>
    %swap3A_49 = arith.constant 1 : i32
    %swap3A_50 = arith.index_cast %swap3A_49 : i32 to index
    %swap3A_51 = arith.constant 32 : index
    %swap3A_52 = tpu.vector_load %arg9[%swap3A_50, %swap3A_51] {strides = array<i32>} : memref<16x64xf32, #tpu.memory_space<vmem>>, vector<1x16xf32>,
    %swap3A_53 = vector.shape_cast %swap3A_52 : vector<1x16xf32> to vector<16xf32>
    %swap3A_54 = vector.shape_cast %broadcast_in_dim3A_48 : vector<16xf32> to vector<1x16xf32>
    tpu.vector_store %arg9[%swap3A_50, %swap3A_51], %swap3A_54 {strides = array<i32>} : memref<16x64xf32, #tpu.memory_space<vmem>>, vector<1x16xf32>,
    %broadcast_in_dim3A_55 = arith.constant 0.000000e+00 : f32
    %broadcast_in_dim3A_56 = vector.broadcast %broadcast_in_dim3A_55 : f32 to vector<16xf32>
    %swap3A_57 = arith.constant 1 : i32
    %swap3A_58 = arith.index_cast %swap3A_57 : i32 to index
    %swap3A_59 = arith.constant 48 : index
    %swap3A_60 = tpu.vector_load %arg9[%swap3A_58, %swap3A_59] {strides = array<i32>} : memref<16x64xf32, #tpu.memory_space<vmem>>, vector<1x16xf32>,
    %swap3A_61 = vector.shape_cast %swap3A_60 : vector<1x16xf32> to vector<16xf32>
    %swap3A_62 = vector.shape_cast %broadcast_in_dim3A_56 : vector<16xf32> to vector<1x16xf32>
    tpu.vector_store %arg9[%swap3A_58, %swap3A_59], %swap3A_62 {strides = array<i32>} : memref<16x64xf32, #tpu.memory_space<vmem>>, vector<1x16xf32>,
    %broadcast_in_dim3A_63 = arith.constant 0.000000e+00 : f32
    %broadcast_in_dim3A_64 = vector.broadcast %broadcast_in_dim3A_63 : f32 to vector<16xf32>
    %swap3A_65 = arith.constant 2 : i32
    %swap3A_66 = arith.index_cast %swap3A_65 : i32 to index
    %swap3A_67 = arith.constant 0 : index
    %swap3A_68 = tpu.vector_load %arg9[%swap3A_66, %swap3A_67] {strides = array<i32>} : memref<16x64xf32, #tpu.memory_space<vmem>>, vector<1x16xf32>,
    %swap3A_69 = vector.shape_cast %swap3A_68 : vector<1x16xf32> to vector<16xf32>
    %swap3A_70 = vector.shape_cast %broadcast_in_dim3A_64 : vector<16xf32> to vector<1x16xf32>
    tpu.vector_store %arg9[%swap3A_66, %swap3A_67], %swap3A_70 {strides = array<i32>} : memref<16x64xf32, #tpu.memory_space<vmem>>, vector<1x16xf32>,
    %broadcast_in_dim3A_71 = arith.constant 0.000000e+00 : f32
    %broadcast_in_dim3A_72 = vector.broadcast %broadcast_in_dim3A_71 : f32 to vector<16xf32>
    %swap3A_73 = arith.constant 2 : i32
    %swap3A_74 = arith.index_cast %swap3A_73 : i32 to index
    %swap3A_75 = arith.constant 16 : index
    %swap3A_76 = tpu.vector_load %arg9[%swap3A_74, %swap3A_75] {strides = array<i32>} : memref<16x64xf32, #tpu.memory_space<vmem>>, vector<1x16xf32>,
    %swap3A_77 = vector.shape_cast %swap3A_76 : vector<1x16xf32> to vector<16xf32>
    %swap3A_78 = vector.shape_cast %broadcast_in_dim3A_72 : vector<16xf32> to vector<1x16xf32>
    tpu.vector_store %arg9[%swap3A_74, %swap3A_75], %swap3A_78 {strides = array<i32>} : memref<16x64xf32, #tpu.memory_space<vmem>>, vector<1x16xf32>,
    %broadcast_in_dim3A_79 = arith.constant 0.000000e+00 : f32
    %broadcast_in_dim3A_80 = vector.broadcast %broadcast_in_dim3A_79 : f32 to vector<16xf32>
    %swap3A_81 = arith.constant 2 : i32
    %swap3A_82 = arith.index_cast %swap3A_81 : i32 to index
    %swap3A_83 = arith.constant 32 : index
    %swap3A_84 = tpu.vector_load %arg9[%swap3A_82, %swap3A_83] {strides = array<i32>} : memref<16x64xf32, #tpu.memory_space<vmem>>, vector<1x16xf32>,
    %swap3A_85 = vector.shape_cast %swap3A_84 : vector<1x16xf32> to vector<16xf32>
    %swap3A_86 = vector.shape_cast %broadcast_in_dim3A_80 : vector<16xf32> to vector<1x16xf32>
    tpu.vector_store %arg9[%swap3A_82, %swap3A_83], %swap3A_86 {strides = array<i32>} : memref<16x64xf32, #tpu.memory_space<vmem>>, vector<1x16xf32>,
    %broadcast_in_dim3A_87 = arith.constant 0.000000e+00 : f32
    %broadcast_in_dim3A_88 = vector.broadcast %broadcast_in_dim3A_87 : f32 to vector<16xf32>
    %swap3A_89 = arith.constant 2 : i32
    %swap3A_90 = arith.index_cast %swap3A_89 : i32 to index
    %swap3A_91 = arith.constant 48 : index
    %swap3A_92 = tpu.vector_load %arg9[%swap3A_90, %swap3A_91] {strides = array<i32>} : memref<16x64xf32, #tpu.memory_space<vmem>>, vector<1x16xf32>,
    %swap3A_93 = vector.shape_cast %swap3A_92 : vector<1x16xf32> to vector<16xf32>
    %swap3A_94 = vector.shape_cast %broadcast_in_dim3A_88 : vector<16xf32> to vector<1x16xf32>
    tpu.vector_store %arg9[%swap3A_90, %swap3A_91], %swap3A_94 {strides = array<i32>} : memref<16x64xf32, #tpu.memory_space<vmem>>, vector<1x16xf32>,
    %broadcast_in_dim3A_95 = arith.constant 0.000000e+00 : f32
    %broadcast_in_dim3A_96 = vector.broadcast %broadcast_in_dim3A_95 : f32 to vector<16xf32>
    %swap3A_97 = arith.constant 3 : i32
    %swap3A_98 = arith.index_cast %swap3A_97 : i32 to index
    %swap3A_99 = arith.constant 0 : index
    %swap3A_100 = tpu.vector_load %arg9[%swap3A_98, %swap3A_99] {strides = array<i32>} : memref<16x64xf32, #tpu.memory_space<vmem>>, vector<1x16xf32>,
    %swap3A_101 = vector.shape_cast %swap3A_100 : vector<1x16xf32> to vector<16xf32>
    %swap3A_102 = vector.shape_cast %broadcast_in_dim3A_96 : vector<16xf32> to vector<1x16xf32>
    tpu.vector_store %arg9[%swap3A_98, %swap3A_99], %swap3A_102 {strides = array<i32>} : memref<16x64xf32, #tpu.memory_space<vmem>>, vector<1x16xf32>,
    %broadcast_in_dim3A_103 = arith.constant 0.000000e+00 : f32
    %broadcast_in_dim3A_104 = vector.broadcast %broadcast_in_dim3A_103 : f32 to vector<16xf32>
    %swap3A_105 = arith.constant 3 : i32
    %swap3A_106 = arith.index_cast %swap3A_105 : i32 to index
    %swap3A_107 = arith.constant 16 : index
    %swap3A_108 = tpu.vector_load %arg9[%swap3A_106, %swap3A_107] {strides = array<i32>} : memref<16x64xf32, #tpu.memory_space<vmem>>, vector<1x16xf32>,
    %swap3A_109 = vector.shape_cast %swap3A_108 : vector<1x16xf32> to vector<16xf32>
    %swap3A_110 = vector.shape_cast %broadcast_in_dim3A_104 : vector<16xf32> to vector<1x16xf32>
    tpu.vector_store %arg9[%swap3A_106, %swap3A_107], %swap3A_110 {strides = array<i32>} : memref<16x64xf32, #tpu.memory_space<vmem>>, vector<1x16xf32>,
    %broadcast_in_dim3A_111 = arith.constant 0.000000e+00 : f32
    %broadcast_in_dim3A_112 = vector.broadcast %broadcast_in_dim3A_111 : f32 to vector<16xf32>
    %swap3A_113 = arith.constant 3 : i32
    %swap3A_114 = arith.index_cast %swap3A_113 : i32 to index
    %swap3A_115 = arith.constant 32 : index
    %swap3A_116 = tpu.vector_load %arg9[%swap3A_114, %swap3A_115] {strides = array<i32>} : memref<16x64xf32, #tpu.memory_space<vmem>>, vector<1x16xf32>,
    %swap3A_117 = vector.shape_cast %swap3A_116 : vector<1x16xf32> to vector<16xf32>
    %swap3A_118 = vector.shape_cast %broadcast_in_dim3A_112 : vector<16xf32> to vector<1x16xf32>
    tpu.vector_store %arg9[%swap3A_114, %swap3A_115], %swap3A_118 {strides = array<i32>} : memref<16x64xf32, #tpu.memory_space<vmem>>, vector<1x16xf32>,
    %broadcast_in_dim3A_119 = arith.constant 0.000000e+00 : f32
    %broadcast_in_dim3A_120 = vector.broadcast %broadcast_in_dim3A_119 : f32 to vector<16xf32>
    %swap3A_121 = arith.constant 3 : i32
    %swap3A_122 = arith.index_cast %swap3A_121 : i32 to index
    %swap3A_123 = arith.constant 48 : index
    %swap3A_124 = tpu.vector_load %arg9[%swap3A_122, %swap3A_123] {strides = array<i32>} : memref<16x64xf32, #tpu.memory_space<vmem>>, vector<1x16xf32>,
    %swap3A_125 = vector.shape_cast %swap3A_124 : vector<1x16xf32> to vector<16xf32>
    %swap3A_126 = vector.shape_cast %broadcast_in_dim3A_120 : vector<16xf32> to vector<1x16xf32>
    tpu.vector_store %arg9[%swap3A_122, %swap3A_123], %swap3A_126 {strides = array<i32>} : memref<16x64xf32, #tpu.memory_space<vmem>>, vector<1x16xf32>,
    %broadcast_in_dim3A_127 = arith.constant 0.000000e+00 : f32
    %broadcast_in_dim3A_128 = vector.broadcast %broadcast_in_dim3A_127 : f32 to vector<16xf32>
    %swap3A_129 = arith.constant 4 : i32
    %swap3A_130 = arith.index_cast %swap3A_129 : i32 to index
    %swap3A_131 = arith.constant 0 : index
    %swap3A_132 = tpu.vector_load %arg9[%swap3A_130, %swap3A_131] {strides = array<i32>} : memref<16x64xf32, #tpu.memory_space<vmem>>, vector<1x16xf32>,
    %swap3A_133 = vector.shape_cast %swap3A_132 : vector<1x16xf32> to vector<16xf32>
    %swap3A_134 = vector.shape_cast %broadcast_in_dim3A_128 : vector<16xf32> to vector<1x16xf32>
    tpu.vector_store %arg9[%swap3A_130, %swap3A_131], %swap3A_134 {strides = array<i32>} : memref<16x64xf32, #tpu.memory_space<vmem>>, vector<1x16xf32>,
    %broadcast_in_dim3A_135 = arith.constant 0.000000e+00 : f32
    %broadcast_in_dim3A_136 = vector.broadcast %broadcast_in_dim3A_135 : f32 to vector<16xf32>
    %swap3A_137 = arith.constant 4 : i32
    %swap3A_138 = arith.index_cast %swap3A_137 : i32 to index
    %swap3A_139 = arith.constant 16 : index
    %swap3A_140 = tpu.vector_load %arg9[%swap3A_138, %swap3A_139] {strides = array<i32>} : memref<16x64xf32, #tpu.memory_space<vmem>>, vector<1x16xf32>,
    %swap3A_141 = vector.shape_cast %swap3A_140 : vector<1x16xf32> to vector<16xf32>
    %swap3A_142 = vector.shape_cast %broadcast_in_dim3A_136 : vector<16xf32> to vector<1x16xf32>
    tpu.vector_store %arg9[%swap3A_138, %swap3A_139], %swap3A_142 {strides = array<i32>} : memref<16x64xf32, #tpu.memory_space<vmem>>, vector<1x16xf32>,
    %broadcast_in_dim3A_143 = arith.constant 0.000000e+00 : f32
    %broadcast_in_dim3A_144 = vector.broadcast %broadcast_in_dim3A_143 : f32 to vector<16xf32>
    %swap3A_145 = arith.constant 4 : i32
    %swap3A_146 = arith.index_cast %swap3A_145 : i32 to index
    %swap3A_147 = arith.constant 32 : index
    %swap3A_148 = tpu.vector_load %arg9[%swap3A_146, %swap3A_147] {strides = array<i32>} : memref<16x64xf32, #tpu.memory_space<vmem>>, vector<1x16xf32>,
    %swap3A_149 = vector.shape_cast %swap3A_148 : vector<1x16xf32> to vector<16xf32>
    %swap3A_150 = vector.shape_cast %broadcast_in_dim3A_144 : vector<16xf32> to vector<1x16xf32>
    tpu.vector_store %arg9[%swap3A_146, %swap3A_147], %swap3A_150 {strides = array<i32>} : memref<16x64xf32, #tpu.memory_space<vmem>>, vector<1x16xf32>,
    %broadcast_in_dim3A_151 = arith.constant 0.000000e+00 : f32
    %broadcast_in_dim3A_152 = vector.broadcast %broadcast_in_dim3A_151 : f32 to vector<16xf32>
    %swap3A_153 = arith.constant 4 : i32
    %swap3A_154 = arith.index_cast %swap3A_153 : i32 to index
    %swap3A_155 = arith.constant 48 : index
    %swap3A_156 = tpu.vector_load %arg9[%swap3A_154, %swap3A_155] {strides = array<i32>} : memref<16x64xf32, #tpu.memory_space<vmem>>, vector<1x16xf32>,
    %swap3A_157 = vector.shape_cast %swap3A_156 : vector<1x16xf32> to vector<16xf32>
    %swap3A_158 = vector.shape_cast %broadcast_in_dim3A_152 : vector<16xf32> to vector<1x16xf32>
    tpu.vector_store %arg9[%swap3A_154, %swap3A_155], %swap3A_158 {strides = array<i32>} : memref<16x64xf32, #tpu.memory_space<vmem>>, vector<1x16xf32>,
    %broadcast_in_dim3A_159 = arith.constant 0.000000e+00 : f32
    %broadcast_in_dim3A_160 = vector.broadcast %broadcast_in_dim3A_159 : f32 to vector<16xf32>
    %swap3A_161 = arith.constant 5 : i32
    %swap3A_162 = arith.index_cast %swap3A_161 : i32 to index
    %swap3A_163 = arith.constant 0 : index
    %swap3A_164 = tpu.vector_load %arg9[%swap3A_162, %swap3A_163] {strides = array<i32>} : memref<16x64xf32, #tpu.memory_space<vmem>>, vector<1x16xf32>,
    %swap3A_165 = vector.shape_cast %swap3A_164 : vector<1x16xf32> to vector<16xf32>
    %swap3A_166 = vector.shape_cast %broadcast_in_dim3A_160 : vector<16xf32> to vector<1x16xf32>
    tpu.vector_store %arg9[%swap3A_162, %swap3A_163], %swap3A_166 {strides = array<i32>} : memref<16x64xf32, #tpu.memory_space<vmem>>, vector<1x16xf32>,
    %broadcast_in_dim3A_167 = arith.constant 0.000000e+00 : f32
    %broadcast_in_dim3A_168 = vector.broadcast %broadcast_in_dim3A_167 : f32 to vector<16xf32>
    %swap3A_169 = arith.constant 5 : i32
    %swap3A_170 = arith.index_cast %swap3A_169 : i32 to index
    %swap3A_171 = arith.constant 16 : index
    %swap3A_172 = tpu.vector_load %arg9[%swap3A_170, %swap3A_171] {strides = array<i32>} : memref<16x64xf32, #tpu.memory_space<vmem>>, vector<1x16xf32>,
    %swap3A_173 = vector.shape_cast %swap3A_172 : vector<1x16xf32> to vector<16xf32>
    %swap3A_174 = vector.shape_cast %broadcast_in_dim3A_168 : vector<16xf32> to vector<1x16xf32>
    tpu.vector_store %arg9[%swap3A_170, %swap3A_171], %swap3A_174 {strides = array<i32>} : memref<16x64xf32, #tpu.memory_space<vmem>>, vector<1x16xf32>,
    %broadcast_in_dim3A_175 = arith.constant 0.000000e+00 : f32
    %broadcast_in_dim3A_176 = vector.broadcast %broadcast_in_dim3A_175 : f32 to vector<16xf32>
    %swap3A_177 = arith.constant 5 : i32
    %swap3A_178 = arith.index_cast %swap3A_177 : i32 to index
    %swap3A_179 = arith.constant 32 : index
    %swap3A_180 = tpu.vector_load %arg9[%swap3A_178, %swap3A_179] {strides = array<i32>} : memref<16x64xf32, #tpu.memory_space<vmem>>, vector<1x16xf32>,
    %swap3A_181 = vector.shape_cast %swap3A_180 : vector<1x16xf32> to vector<16xf32>
    %swap3A_182 = vector.shape_cast %broadcast_in_dim3A_176 : vector<16xf32> to vector<1x16xf32>
    tpu.vector_store %arg9[%swap3A_178, %swap3A_179], %swap3A_182 {strides = array<i32>} : memref<16x64xf32, #tpu.memory_space<vmem>>, vector<1x16xf32>,
    %broadcast_in_dim3A_183 = arith.constant 0.000000e+00 : f32
    %broadcast_in_dim3A_184 = vector.broadcast %broadcast_in_dim3A_183 : f32 to vector<16xf32>
    %swap3A_185 = arith.constant 5 : i32
    %swap3A_186 = arith.index_cast %swap3A_185 : i32 to index
    %swap3A_187 = arith.constant 48 : index
    %swap3A_188 = tpu.vector_load %arg9[%swap3A_186, %swap3A_187] {strides = array<i32>} : memref<16x64xf32, #tpu.memory_space<vmem>>, vector<1x16xf32>,
    %swap3A_189 = vector.shape_cast %swap3A_188 : vector<1x16xf32> to vector<16xf32>
    %swap3A_190 = vector.shape_cast %broadcast_in_dim3A_184 : vector<16xf32> to vector<1x16xf32>
    tpu.vector_store %arg9[%swap3A_186, %swap3A_187], %swap3A_190 {strides = array<i32>} : memref<16x64xf32, #tpu.memory_space<vmem>>, vector<1x16xf32>,
    %broadcast_in_dim3A_191 = arith.constant 0.000000e+00 : f32
    %broadcast_in_dim3A_192 = vector.broadcast %broadcast_in_dim3A_191 : f32 to vector<16xf32>
    %swap3A_193 = arith.constant 6 : i32
    %swap3A_194 = arith.index_cast %swap3A_193 : i32 to index
    %swap3A_195 = arith.constant 0 : index
    %swap3A_196 = tpu.vector_load %arg9[%swap3A_194, %swap3A_195] {strides = array<i32>} : memref<16x64xf32, #tpu.memory_space<vmem>>, vector<1x16xf32>,
    %swap3A_197 = vector.shape_cast %swap3A_196 : vector<1x16xf32> to vector<16xf32>
    %swap3A_198 = vector.shape_cast %broadcast_in_dim3A_192 : vector<16xf32> to vector<1x16xf32>
    tpu.vector_store %arg9[%swap3A_194, %swap3A_195], %swap3A_198 {strides = array<i32>} : memref<16x64xf32, #tpu.memory_space<vmem>>, vector<1x16xf32>,
    %broadcast_in_dim3A_199 = arith.constant 0.000000e+00 : f32
    %broadcast_in_dim3A_200 = vector.broadcast %broadcast_in_dim3A_199 : f32 to vector<16xf32>
    %swap3A_201 = arith.constant 6 : i32
    %swap3A_202 = arith.index_cast %swap3A_201 : i32 to index
    %swap3A_203 = arith.constant 16 : index
    %swap3A_204 = tpu.vector_load %arg9[%swap3A_202, %swap3A_203] {strides = array<i32>} : memref<16x64xf32, #tpu.memory_space<vmem>>, vector<1x16xf32>,
    %swap3A_205 = vector.shape_cast %swap3A_204 : vector<1x16xf32> to vector<16xf32>
    %swap3A_206 = vector.shape_cast %broadcast_in_dim3A_200 : vector<16xf32> to vector<1x16xf32>
    tpu.vector_store %arg9[%swap3A_202, %swap3A_203], %swap3A_206 {strides = array<i32>} : memref<16x64xf32, #tpu.memory_space<vmem>>, vector<1x16xf32>,
    %broadcast_in_dim3A_207 = arith.constant 0.000000e+00 : f32
    %broadcast_in_dim3A_208 = vector.broadcast %broadcast_in_dim3A_207 : f32 to vector<16xf32>
    %swap3A_209 = arith.constant 6 : i32
    %swap3A_210 = arith.index_cast %swap3A_209 : i32 to index
    %swap3A_211 = arith.constant 32 : index
    %swap3A_212 = tpu.vector_load %arg9[%swap3A_210, %swap3A_211] {strides = array<i32>} : memref<16x64xf32, #tpu.memory_space<vmem>>, vector<1x16xf32>,
    %swap3A_213 = vector.shape_cast %swap3A_212 : vector<1x16xf32> to vector<16xf32>
    %swap3A_214 = vector.shape_cast %broadcast_in_dim3A_208 : vector<16xf32> to vector<1x16xf32>
    tpu.vector_store %arg9[%swap3A_210, %swap3A_211], %swap3A_214 {strides = array<i32>} : memref<16x64xf32, #tpu.memory_space<vmem>>, vector<1x16xf32>,
    %broadcast_in_dim3A_215 = arith.constant 0.000000e+00 : f32
    %broadcast_in_dim3A_216 = vector.broadcast %broadcast_in_dim3A_215 : f32 to vector<16xf32>
    %swap3A_217 = arith.constant 6 : i32
    %swap3A_218 = arith.index_cast %swap3A_217 : i32 to index
    %swap3A_219 = arith.constant 48 : index
    %swap3A_220 = tpu.vector_load %arg9[%swap3A_218, %swap3A_219] {strides = array<i32>} : memref<16x64xf32, #tpu.memory_space<vmem>>, vector<1x16xf32>,
    %swap3A_221 = vector.shape_cast %swap3A_220 : vector<1x16xf32> to vector<16xf32>
    %swap3A_222 = vector.shape_cast %broadcast_in_dim3A_216 : vector<16xf32> to vector<1x16xf32>
    tpu.vector_store %arg9[%swap3A_218, %swap3A_219], %swap3A_222 {strides = array<i32>} : memref<16x64xf32, #tpu.memory_space<vmem>>, vector<1x16xf32>,
    %broadcast_in_dim3A_223 = arith.constant 0.000000e+00 : f32
    %broadcast_in_dim3A_224 = vector.broadcast %broadcast_in_dim3A_223 : f32 to vector<16xf32>
    %swap3A_225 = arith.constant 7 : i32
    %swap3A_226 = arith.index_cast %swap3A_225 : i32 to index
    %swap3A_227 = arith.constant 0 : index
    %swap3A_228 = tpu.vector_load %arg9[%swap3A_226, %swap3A_227] {strides = array<i32>} : memref<16x64xf32, #tpu.memory_space<vmem>>, vector<1x16xf32>,
    %swap3A_229 = vector.shape_cast %swap3A_228 : vector<1x16xf32> to vector<16xf32>
    %swap3A_230 = vector.shape_cast %broadcast_in_dim3A_224 : vector<16xf32> to vector<1x16xf32>
    tpu.vector_store %arg9[%swap3A_226, %swap3A_227], %swap3A_230 {strides = array<i32>} : memref<16x64xf32, #tpu.memory_space<vmem>>, vector<1x16xf32>,
    %broadcast_in_dim3A_231 = arith.constant 0.000000e+00 : f32
    %broadcast_in_dim3A_232 = vector.broadcast %broadcast_in_dim3A_231 : f32 to vector<16xf32>
    %swap3A_233 = arith.constant 7 : i32
    %swap3A_234 = arith.index_cast %swap3A_233 : i32 to index
    %swap3A_235 = arith.constant 16 : index
    %swap3A_236 = tpu.vector_load %arg9[%swap3A_234, %swap3A_235] {strides = array<i32>} : memref<16x64xf32, #tpu.memory_space<vmem>>, vector<1x16xf32>,
    %swap3A_237 = vector.shape_cast %swap3A_236 : vector<1x16xf32> to vector<16xf32>
    %swap3A_238 = vector.shape_cast %broadcast_in_dim3A_232 : vector<16xf32> to vector<1x16xf32>
    tpu.vector_store %arg9[%swap3A_234, %swap3A_235], %swap3A_238 {strides = array<i32>} : memref<16x64xf32, #tpu.memory_space<vmem>>, vector<1x16xf32>,
    %broadcast_in_dim3A_239 = arith.constant 0.000000e+00 : f32
    %broadcast_in_dim3A_240 = vector.broadcast %broadcast_in_dim3A_239 : f32 to vector<16xf32>
    %swap3A_241 = arith.constant 7 : i32
    %swap3A_242 = arith.index_cast %swap3A_241 : i32 to index
    %swap3A_243 = arith.constant 32 : index
    %swap3A_244 = tpu.vector_load %arg9[%swap3A_242, %swap3A_243] {strides = array<i32>} : memref<16x64xf32, #tpu.memory_space<vmem>>, vector<1x16xf32>,
    %swap3A_245 = vector.shape_cast %swap3A_244 : vector<1x16xf32> to vector<16xf32>
    %swap3A_246 = vector.shape_cast %broadcast_in_dim3A_240 : vector<16xf32> to vector<1x16xf32>
    tpu.vector_store %arg9[%swap3A_242, %swap3A_243], %swap3A_246 {strides = array<i32>} : memref<16x64xf32, #tpu.memory_space<vmem>>, vector<1x16xf32>,
    %broadcast_in_dim3A_247 = arith.constant 0.000000e+00 : f32
    %broadcast_in_dim3A_248 = vector.broadcast %broadcast_in_dim3A_247 : f32 to vector<16xf32>
    %swap3A_249 = arith.constant 7 : i32
    %swap3A_250 = arith.index_cast %swap3A_249 : i32 to index
    %swap3A_251 = arith.constant 48 : index
    %swap3A_252 = tpu.vector_load %arg9[%swap3A_250, %swap3A_251] {strides = array<i32>} : memref<16x64xf32, #tpu.memory_space<vmem>>, vector<1x16xf32>,
    %swap3A_253 = vector.shape_cast %swap3A_252 : vector<1x16xf32> to vector<16xf32>
    %swap3A_254 = vector.shape_cast %broadcast_in_dim3A_248 : vector<16xf32> to vector<1x16xf32>
    tpu.vector_store %arg9[%swap3A_250, %swap3A_251], %swap3A_254 {strides = array<i32>} : memref<16x64xf32, #tpu.memory_space<vmem>>, vector<1x16xf32>,
    %broadcast_in_dim3A_255 = arith.constant 0.000000e+00 : f32
    %broadcast_in_dim3A_256 = vector.broadcast %broadcast_in_dim3A_255 : f32 to vector<16xf32>
    %swap3A_257 = arith.constant 8 : i32
    %swap3A_258 = arith.index_cast %swap3A_257 : i32 to index
    %swap3A_259 = arith.constant 0 : index
    %swap3A_260 = tpu.vector_load %arg9[%swap3A_258, %swap3A_259] {strides = array<i32>} : memref<16x64xf32, #tpu.memory_space<vmem>>, vector<1x16xf32>,
    %swap3A_261 = vector.shape_cast %swap3A_260 : vector<1x16xf32> to vector<16xf32>
    %swap3A_262 = vector.shape_cast %broadcast_in_dim3A_256 : vector<16xf32> to vector<1x16xf32>
    tpu.vector_store %arg9[%swap3A_258, %swap3A_259], %swap3A_262 {strides = array<i32>} : memref<16x64xf32, #tpu.memory_space<vmem>>, vector<1x16xf32>,
    %broadcast_in_dim3A_263 = arith.constant 0.000000e+00 : f32
    %broadcast_in_dim3A_264 = vector.broadcast %broadcast_in_dim3A_263 : f32 to vector<16xf32>
    %swap3A_265 = arith.constant 8 : i32
    %swap3A_266 = arith.index_cast %swap3A_265 : i32 to index
    %swap3A_267 = arith.constant 16 : index
    %swap3A_268 = tpu.vector_load %arg9[%swap3A_266, %swap3A_267] {strides = array<i32>} : memref<16x64xf32, #tpu.memory_space<vmem>>, vector<1x16xf32>,
    %swap3A_269 = vector.shape_cast %swap3A_268 : vector<1x16xf32> to vector<16xf32>
    %swap3A_270 = vector.shape_cast %broadcast_in_dim3A_264 : vector<16xf32> to vector<1x16xf32>
    tpu.vector_store %arg9[%swap3A_266, %swap3A_267], %swap3A_270 {strides = array<i32>} : memref<16x64xf32, #tpu.memory_space<vmem>>, vector<1x16xf32>,
    %broadcast_in_dim3A_271 = arith.constant 0.000000e+00 : f32
    %broadcast_in_dim3A_272 = vector.broadcast %broadcast_in_dim3A_271 : f32 to vector<16xf32>
    %swap3A_273 = arith.constant 8 : i32
    %swap3A_274 = arith.index_cast %swap3A_273 : i32 to index
    %swap3A_275 = arith.constant 32 : index
    %swap3A_276 = tpu.vector_load %arg9[%swap3A_274, %swap3A_275] {strides = array<i32>} : memref<16x64xf32, #tpu.memory_space<vmem>>, vector<1x16xf32>,
    %swap3A_277 = vector.shape_cast %swap3A_276 : vector<1x16xf32> to vector<16xf32>
    %swap3A_278 = vector.shape_cast %broadcast_in_dim3A_272 : vector<16xf32> to vector<1x16xf32>
    tpu.vector_store %arg9[%swap3A_274, %swap3A_275], %swap3A_278 {strides = array<i32>} : memref<16x64xf32, #tpu.memory_space<vmem>>, vector<1x16xf32>,
    %broadcast_in_dim3A_279 = arith.constant 0.000000e+00 : f32
    %broadcast_in_dim3A_280 = vector.broadcast %broadcast_in_dim3A_279 : f32 to vector<16xf32>
    %swap3A_281 = arith.constant 8 : i32
    %swap3A_282 = arith.index_cast %swap3A_281 : i32 to index
    %swap3A_283 = arith.constant 48 : index
    %swap3A_284 = tpu.vector_load %arg9[%swap3A_282, %swap3A_283] {strides = array<i32>} : memref<16x64xf32, #tpu.memory_space<vmem>>, vector<1x16xf32>,
    %swap3A_285 = vector.shape_cast %swap3A_284 : vector<1x16xf32> to vector<16xf32>
    %swap3A_286 = vector.shape_cast %broadcast_in_dim3A_280 : vector<16xf32> to vector<1x16xf32>
    tpu.vector_store %arg9[%swap3A_282, %swap3A_283], %swap3A_286 {strides = array<i32>} : memref<16x64xf32, #tpu.memory_space<vmem>>, vector<1x16xf32>,
    %broadcast_in_dim3A_287 = arith.constant 0.000000e+00 : f32
    %broadcast_in_dim3A_288 = vector.broadcast %broadcast_in_dim3A_287 : f32 to vector<16xf32>
    %swap3A_289 = arith.constant 9 : i32
    %swap3A_290 = arith.index_cast %swap3A_289 : i32 to index
    %swap3A_291 = arith.constant 0 : index
    %swap3A_292 = tpu.vector_load %arg9[%swap3A_290, %swap3A_291] {strides = array<i32>} : memref<16x64xf32, #tpu.memory_space<vmem>>, vector<1x16xf32>,
    %swap3A_293 = vector.shape_cast %swap3A_292 : vector<1x16xf32> to vector<16xf32>
    %swap3A_294 = vector.shape_cast %broadcast_in_dim3A_288 : vector<16xf32> to vector<1x16xf32>
    tpu.vector_store %arg9[%swap3A_290, %swap3A_291], %swap3A_294 {strides = array<i32>} : memref<16x64xf32, #tpu.memory_space<vmem>>, vector<1x16xf32>,
    %broadcast_in_dim3A_295 = arith.constant 0.000000e+00 : f32
    %broadcast_in_dim3A_296 = vector.broadcast %broadcast_in_dim3A_295 : f32 to vector<16xf32>
    %swap3A_297 = arith.constant 9 : i32
    %swap3A_298 = arith.index_cast %swap3A_297 : i32 to index
    %swap3A_299 = arith.constant 16 : index
    %swap3A_300 = tpu.vector_load %arg9[%swap3A_298, %swap3A_299] {strides = array<i32>} : memref<16x64xf32, #tpu.memory_space<vmem>>, vector<1x16xf32>,
    %swap3A_301 = vector.shape_cast %swap3A_300 : vector<1x16xf32> to vector<16xf32>
    %swap3A_302 = vector.shape_cast %broadcast_in_dim3A_296 : vector<16xf32> to vector<1x16xf32>
    tpu.vector_store %arg9[%swap3A_298, %swap3A_299], %swap3A_302 {strides = array<i32>} : memref<16x64xf32, #tpu.memory_space<vmem>>, vector<1x16xf32>,
    %broadcast_in_dim3A_303 = arith.constant 0.000000e+00 : f32
    %broadcast_in_dim3A_304 = vector.broadcast %broadcast_in_dim3A_303 : f32 to vector<16xf32>
    %swap3A_305 = arith.constant 9 : i32
    %swap3A_306 = arith.index_cast %swap3A_305 : i32 to index
    %swap3A_307 = arith.constant 32 : index
    %swap3A_308 = tpu.vector_load %arg9[%swap3A_306, %swap3A_307] {strides = array<i32>} : memref<16x64xf32, #tpu.memory_space<vmem>>, vector<1x16xf32>,
    %swap3A_309 = vector.shape_cast %swap3A_308 : vector<1x16xf32> to vector<16xf32>
    %swap3A_310 = vector.shape_cast %broadcast_in_dim3A_304 : vector<16xf32> to vector<1x16xf32>
    tpu.vector_store %arg9[%swap3A_306, %swap3A_307], %swap3A_310 {strides = array<i32>} : memref<16x64xf32, #tpu.memory_space<vmem>>, vector<1x16xf32>,
    %broadcast_in_dim3A_311 = arith.constant 0.000000e+00 : f32
    %broadcast_in_dim3A_312 = vector.broadcast %broadcast_in_dim3A_311 : f32 to vector<16xf32>
    %swap3A_313 = arith.constant 9 : i32
    %swap3A_314 = arith.index_cast %swap3A_313 : i32 to index
    %swap3A_315 = arith.constant 48 : index
    %swap3A_316 = tpu.vector_load %arg9[%swap3A_314, %swap3A_315] {strides = array<i32>} : memref<16x64xf32, #tpu.memory_space<vmem>>, vector<1x16xf32>,
    %swap3A_317 = vector.shape_cast %swap3A_316 : vector<1x16xf32> to vector<16xf32>
    %swap3A_318 = vector.shape_cast %broadcast_in_dim3A_312 : vector<16xf32> to vector<1x16xf32>
    tpu.vector_store %arg9[%swap3A_314, %swap3A_315], %swap3A_318 {strides = array<i32>} : memref<16x64xf32, #tpu.memory_space<vmem>>, vector<1x16xf32>,
    %broadcast_in_dim3A_319 = arith.constant 0.000000e+00 : f32
    %broadcast_in_dim3A_320 = vector.broadcast %broadcast_in_dim3A_319 : f32 to vector<16xf32>
    %swap3A_321 = arith.constant 10 : i32
    %swap3A_322 = arith.index_cast %swap3A_321 : i32 to index
    %swap3A_323 = arith.constant 0 : index
    %swap3A_324 = tpu.vector_load %arg9[%swap3A_322, %swap3A_323] {strides = array<i32>} : memref<16x64xf32, #tpu.memory_space<vmem>>, vector<1x16xf32>,
    %swap3A_325 = vector.shape_cast %swap3A_324 : vector<1x16xf32> to vector<16xf32>
    %swap3A_326 = vector.shape_cast %broadcast_in_dim3A_320 : vector<16xf32> to vector<1x16xf32>
    tpu.vector_store %arg9[%swap3A_322, %swap3A_323], %swap3A_326 {strides = array<i32>} : memref<16x64xf32, #tpu.memory_space<vmem>>, vector<1x16xf32>,
    %broadcast_in_dim3A_327 = arith.constant 0.000000e+00 : f32
    %broadcast_in_dim3A_328 = vector.broadcast %broadcast_in_dim3A_327 : f32 to vector<16xf32>
    %swap3A_329 = arith.constant 10 : i32
    %swap3A_330 = arith.index_cast %swap3A_329 : i32 to index
    %swap3A_331 = arith.constant 16 : index
    %swap3A_332 = tpu.vector_load %arg9[%swap3A_330, %swap3A_331] {strides = array<i32>} : memref<16x64xf32, #tpu.memory_space<vmem>>, vector<1x16xf32>,
    %swap3A_333 = vector.shape_cast %swap3A_332 : vector<1x16xf32> to vector<16xf32>
    %swap3A_334 = vector.shape_cast %broadcast_in_dim3A_328 : vector<16xf32> to vector<1x16xf32>
    tpu.vector_store %arg9[%swap3A_330, %swap3A_331], %swap3A_334 {strides = array<i32>} : memref<16x64xf32, #tpu.memory_space<vmem>>, vector<1x16xf32>,
    %broadcast_in_dim3A_335 = arith.constant 0.000000e+00 : f32
    %broadcast_in_dim3A_336 = vector.broadcast %broadcast_in_dim3A_335 : f32 to vector<16xf32>
    %swap3A_337 = arith.constant 10 : i32
    %swap3A_338 = arith.index_cast %swap3A_337 : i32 to index
    %swap3A_339 = arith.constant 32 : index
    %swap3A_340 = tpu.vector_load %arg9[%swap3A_338, %swap3A_339] {strides = array<i32>} : memref<16x64xf32, #tpu.memory_space<vmem>>, vector<1x16xf32>,
    %swap3A_341 = vector.shape_cast %swap3A_340 : vector<1x16xf32> to vector<16xf32>
    %swap3A_342 = vector.shape_cast %broadcast_in_dim3A_336 : vector<16xf32> to vector<1x16xf32>
    tpu.vector_store %arg9[%swap3A_338, %swap3A_339], %swap3A_342 {strides = array<i32>} : memref<16x64xf32, #tpu.memory_space<vmem>>, vector<1x16xf32>,
    %broadcast_in_dim3A_343 = arith.constant 0.000000e+00 : f32
    %broadcast_in_dim3A_344 = vector.broadcast %broadcast_in_dim3A_343 : f32 to vector<16xf32>
    %swap3A_345 = arith.constant 10 : i32
    %swap3A_346 = arith.index_cast %swap3A_345 : i32 to index
    %swap3A_347 = arith.constant 48 : index
    %swap3A_348 = tpu.vector_load %arg9[%swap3A_346, %swap3A_347] {strides = array<i32>} : memref<16x64xf32, #tpu.memory_space<vmem>>, vector<1x16xf32>,
    %swap3A_349 = vector.shape_cast %swap3A_348 : vector<1x16xf32> to vector<16xf32>
    %swap3A_350 = vector.shape_cast %broadcast_in_dim3A_344 : vector<16xf32> to vector<1x16xf32>
    tpu.vector_store %arg9[%swap3A_346, %swap3A_347], %swap3A_350 {strides = array<i32>} : memref<16x64xf32, #tpu.memory_space<vmem>>, vector<1x16xf32>,
    %broadcast_in_dim3A_351 = arith.constant 0.000000e+00 : f32
    %broadcast_in_dim3A_352 = vector.broadcast %broadcast_in_dim3A_351 : f32 to vector<16xf32>
    %swap3A_353 = arith.constant 11 : i32
    %swap3A_354 = arith.index_cast %swap3A_353 : i32 to index
    %swap3A_355 = arith.constant 0 : index
    %swap3A_356 = tpu.vector_load %arg9[%swap3A_354, %swap3A_355] {strides = array<i32>} : memref<16x64xf32, #tpu.memory_space<vmem>>, vector<1x16xf32>,
    %swap3A_357 = vector.shape_cast %swap3A_356 : vector<1x16xf32> to vector<16xf32>
    %swap3A_358 = vector.shape_cast %broadcast_in_dim3A_352 : vector<16xf32> to vector<1x16xf32>
    tpu.vector_store %arg9[%swap3A_354, %swap3A_355], %swap3A_358 {strides = array<i32>} : memref<16x64xf32, #tpu.memory_space<vmem>>, vector<1x16xf32>,
    %broadcast_in_dim3A_359 = arith.constant 0.000000e+00 : f32
    %broadcast_in_dim3A_360 = vector.broadcast %broadcast_in_dim3A_359 : f32 to vector<16xf32>
    %swap3A_361 = arith.constant 11 : i32
    %swap3A_362 = arith.index_cast %swap3A_361 : i32 to index
    %swap3A_363 = arith.constant 16 : index
    %swap3A_364 = tpu.vector_load %arg9[%swap3A_362, %swap3A_363] {strides = array<i32>} : memref<16x64xf32, #tpu.memory_space<vmem>>, vector<1x16xf32>,
    %swap3A_365 = vector.shape_cast %swap3A_364 : vector<1x16xf32> to vector<16xf32>
    %swap3A_366 = vector.shape_cast %broadcast_in_dim3A_360 : vector<16xf32> to vector<1x16xf32>
    tpu.vector_store %arg9[%swap3A_362, %swap3A_363], %swap3A_366 {strides = array<i32>} : memref<16x64xf32, #tpu.memory_space<vmem>>, vector<1x16xf32>,
    %broadcast_in_dim3A_367 = arith.constant 0.000000e+00 : f32
    %broadcast_in_dim3A_368 = vector.broadcast %broadcast_in_dim3A_367 : f32 to vector<16xf32>
    %swap3A_369 = arith.constant 11 : i32
    %swap3A_370 = arith.index_cast %swap3A_369 : i32 to index
    %swap3A_371 = arith.constant 32 : index
    %swap3A_372 = tpu.vector_load %arg9[%swap3A_370, %swap3A_371] {strides = array<i32>} : memref<16x64xf32, #tpu.memory_space<vmem>>, vector<1x16xf32>,
    %swap3A_373 = vector.shape_cast %swap3A_372 : vector<1x16xf32> to vector<16xf32>
    %swap3A_374 = vector.shape_cast %broadcast_in_dim3A_368 : vector<16xf32> to vector<1x16xf32>
    tpu.vector_store %arg9[%swap3A_370, %swap3A_371], %swap3A_374 {strides = array<i32>} : memref<16x64xf32, #tpu.memory_space<vmem>>, vector<1x16xf32>,
    %broadcast_in_dim3A_375 = arith.constant 0.000000e+00 : f32
    %broadcast_in_dim3A_376 = vector.broadcast %broadcast_in_dim3A_375 : f32 to vector<16xf32>
    %swap3A_377 = arith.constant 11 : i32
    %swap3A_378 = arith.index_cast %swap3A_377 : i32 to index
    %swap3A_379 = arith.constant 48 : index
    %swap3A_380 = tpu.vector_load %arg9[%swap3A_378, %swap3A_379] {strides = array<i32>} : memref<16x64xf32, #tpu.memory_space<vmem>>, vector<1x16xf32>,
    %swap3A_381 = vector.shape_cast %swap3A_380 : vector<1x16xf32> to vector<16xf32>
    %swap3A_382 = vector.shape_cast %broadcast_in_dim3A_376 : vector<16xf32> to vector<1x16xf32>
    tpu.vector_store %arg9[%swap3A_378, %swap3A_379], %swap3A_382 {strides = array<i32>} : memref<16x64xf32, #tpu.memory_space<vmem>>, vector<1x16xf32>,
    %broadcast_in_dim3A_383 = arith.constant 0.000000e+00 : f32
    %broadcast_in_dim3A_384 = vector.broadcast %broadcast_in_dim3A_383 : f32 to vector<16xf32>
    %swap3A_385 = arith.constant 12 : i32
    %swap3A_386 = arith.index_cast %swap3A_385 : i32 to index
    %swap3A_387 = arith.constant 0 : index
    %swap3A_388 = tpu.vector_load %arg9[%swap3A_386, %swap3A_387] {strides = array<i32>} : memref<16x64xf32, #tpu.memory_space<vmem>>, vector<1x16xf32>,
    %swap3A_389 = vector.shape_cast %swap3A_388 : vector<1x16xf32> to vector<16xf32>
    %swap3A_390 = vector.shape_cast %broadcast_in_dim3A_384 : vector<16xf32> to vector<1x16xf32>
    tpu.vector_store %arg9[%swap3A_386, %swap3A_387], %swap3A_390 {strides = array<i32>} : memref<16x64xf32, #tpu.memory_space<vmem>>, vector<1x16xf32>,
    %broadcast_in_dim3A_391 = arith.constant 0.000000e+00 : f32
    %broadcast_in_dim3A_392 = vector.broadcast %broadcast_in_dim3A_391 : f32 to vector<16xf32>
    %swap3A_393 = arith.constant 12 : i32
    %swap3A_394 = arith.index_cast %swap3A_393 : i32 to index
    %swap3A_395 = arith.constant 16 : index
    %swap3A_396 = tpu.vector_load %arg9[%swap3A_394, %swap3A_395] {strides = array<i32>} : memref<16x64xf32, #tpu.memory_space<vmem>>, vector<1x16xf32>,
    %swap3A_397 = vector.shape_cast %swap3A_396 : vector<1x16xf32> to vector<16xf32>
    %swap3A_398 = vector.shape_cast %broadcast_in_dim3A_392 : vector<16xf32> to vector<1x16xf32>
    tpu.vector_store %arg9[%swap3A_394, %swap3A_395], %swap3A_398 {strides = array<i32>} : memref<16x64xf32, #tpu.memory_space<vmem>>, vector<1x16xf32>,
    %broadcast_in_dim3A_399 = arith.constant 0.000000e+00 : f32
    %broadcast_in_dim3A_400 = vector.broadcast %broadcast_in_dim3A_399 : f32 to vector<16xf32>
    %swap3A_401 = arith.constant 12 : i32
    %swap3A_402 = arith.index_cast %swap3A_401 : i32 to index
    %swap3A_403 = arith.constant 32 : index
    %swap3A_404 = tpu.vector_load %arg9[%swap3A_402, %swap3A_403] {strides = array<i32>} : memref<16x64xf32, #tpu.memory_space<vmem>>, vector<1x16xf32>,
    %swap3A_405 = vector.shape_cast %swap3A_404 : vector<1x16xf32> to vector<16xf32>
    %swap3A_406 = vector.shape_cast %broadcast_in_dim3A_400 : vector<16xf32> to vector<1x16xf32>
    tpu.vector_store %arg9[%swap3A_402, %swap3A_403], %swap3A_406 {strides = array<i32>} : memref<16x64xf32, #tpu.memory_space<vmem>>, vector<1x16xf32>,
    %broadcast_in_dim3A_407 = arith.constant 0.000000e+00 : f32
    %broadcast_in_dim3A_408 = vector.broadcast %broadcast_in_dim3A_407 : f32 to vector<16xf32>
    %swap3A_409 = arith.constant 12 : i32
    %swap3A_410 = arith.index_cast %swap3A_409 : i32 to index
    %swap3A_411 = arith.constant 48 : index
    %swap3A_412 = tpu.vector_load %arg9[%swap3A_410, %swap3A_411] {strides = array<i32>} : memref<16x64xf32, #tpu.memory_space<vmem>>, vector<1x16xf32>,
    %swap3A_413 = vector.shape_cast %swap3A_412 : vector<1x16xf32> to vector<16xf32>
    %swap3A_414 = vector.shape_cast %broadcast_in_dim3A_408 : vector<16xf32> to vector<1x16xf32>
    tpu.vector_store %arg9[%swap3A_410, %swap3A_411], %swap3A_414 {strides = array<i32>} : memref<16x64xf32, #tpu.memory_space<vmem>>, vector<1x16xf32>,
    %broadcast_in_dim3A_415 = arith.constant 0.000000e+00 : f32
    %broadcast_in_dim3A_416 = vector.broadcast %broadcast_in_dim3A_415 : f32 to vector<16xf32>
    %swap3A_417 = arith.constant 13 : i32
    %swap3A_418 = arith.index_cast %swap3A_417 : i32 to index
    %swap3A_419 = arith.constant 0 : index
    %swap3A_420 = tpu.vector_load %arg9[%swap3A_418, %swap3A_419] {strides = array<i32>} : memref<16x64xf32, #tpu.memory_space<vmem>>, vector<1x16xf32>,
    %swap3A_421 = vector.shape_cast %swap3A_420 : vector<1x16xf32> to vector<16xf32>
    %swap3A_422 = vector.shape_cast %broadcast_in_dim3A_416 : vector<16xf32> to vector<1x16xf32>
    tpu.vector_store %arg9[%swap3A_418, %swap3A_419], %swap3A_422 {strides = array<i32>} : memref<16x64xf32, #tpu.memory_space<vmem>>, vector<1x16xf32>,
    %broadcast_in_dim3A_423 = arith.constant 0.000000e+00 : f32
    %broadcast_in_dim3A_424 = vector.broadcast %broadcast_in_dim3A_423 : f32 to vector<16xf32>
    %swap3A_425 = arith.constant 13 : i32
    %swap3A_426 = arith.index_cast %swap3A_425 : i32 to index
    %swap3A_427 = arith.constant 16 : index
    %swap3A_428 = tpu.vector_load %arg9[%swap3A_426, %swap3A_427] {strides = array<i32>} : memref<16x64xf32, #tpu.memory_space<vmem>>, vector<1x16xf32>,
    %swap3A_429 = vector.shape_cast %swap3A_428 : vector<1x16xf32> to vector<16xf32>
    %swap3A_430 = vector.shape_cast %broadcast_in_dim3A_424 : vector<16xf32> to vector<1x16xf32>
    tpu.vector_store %arg9[%swap3A_426, %swap3A_427], %swap3A_430 {strides = array<i32>} : memref<16x64xf32, #tpu.memory_space<vmem>>, vector<1x16xf32>,
    %broadcast_in_dim3A_431 = arith.constant 0.000000e+00 : f32
    %broadcast_in_dim3A_432 = vector.broadcast %broadcast_in_dim3A_431 : f32 to vector<16xf32>
    %swap3A_433 = arith.constant 13 : i32
    %swap3A_434 = arith.index_cast %swap3A_433 : i32 to index
    %swap3A_435 = arith.constant 32 : index
    %swap3A_436 = tpu.vector_load %arg9[%swap3A_434, %swap3A_435] {strides = array<i32>} : memref<16x64xf32, #tpu.memory_space<vmem>>, vector<1x16xf32>,
    %swap3A_437 = vector.shape_cast %swap3A_436 : vector<1x16xf32> to vector<16xf32>
    %swap3A_438 = vector.shape_cast %broadcast_in_dim3A_432 : vector<16xf32> to vector<1x16xf32>
    tpu.vector_store %arg9[%swap3A_434, %swap3A_435], %swap3A_438 {strides = array<i32>} : memref<16x64xf32, #tpu.memory_space<vmem>>, vector<1x16xf32>,
    %broadcast_in_dim3A_439 = arith.constant 0.000000e+00 : f32
    %broadcast_in_dim3A_440 = vector.broadcast %broadcast_in_dim3A_439 : f32 to vector<16xf32>
    %swap3A_441 = arith.constant 13 : i32
    %swap3A_442 = arith.index_cast %swap3A_441 : i32 to index
    %swap3A_443 = arith.constant 48 : index
    %swap3A_444 = tpu.vector_load %arg9[%swap3A_442, %swap3A_443] {strides = array<i32>} : memref<16x64xf32, #tpu.memory_space<vmem>>, vector<1x16xf32>,
    %swap3A_445 = vector.shape_cast %swap3A_444 : vector<1x16xf32> to vector<16xf32>
    %swap3A_446 = vector.shape_cast %broadcast_in_dim3A_440 : vector<16xf32> to vector<1x16xf32>
    tpu.vector_store %arg9[%swap3A_442, %swap3A_443], %swap3A_446 {strides = array<i32>} : memref<16x64xf32, #tpu.memory_space<vmem>>, vector<1x16xf32>,
    %broadcast_in_dim3A_447 = arith.constant 0.000000e+00 : f32
    %broadcast_in_dim3A_448 = vector.broadcast %broadcast_in_dim3A_447 : f32 to vector<16xf32>
    %swap3A_449 = arith.constant 14 : i32
    %swap3A_450 = arith.index_cast %swap3A_449 : i32 to index
    %swap3A_451 = arith.constant 0 : index
    %swap3A_452 = tpu.vector_load %arg9[%swap3A_450, %swap3A_451] {strides = array<i32>} : memref<16x64xf32, #tpu.memory_space<vmem>>, vector<1x16xf32>,
    %swap3A_453 = vector.shape_cast %swap3A_452 : vector<1x16xf32> to vector<16xf32>
    %swap3A_454 = vector.shape_cast %broadcast_in_dim3A_448 : vector<16xf32> to vector<1x16xf32>
    tpu.vector_store %arg9[%swap3A_450, %swap3A_451], %swap3A_454 {strides = array<i32>} : memref<16x64xf32, #tpu.memory_space<vmem>>, vector<1x16xf32>,
    %broadcast_in_dim3A_455 = arith.constant 0.000000e+00 : f32
    %broadcast_in_dim3A_456 = vector.broadcast %broadcast_in_dim3A_455 : f32 to vector<16xf32>
    %swap3A_457 = arith.constant 14 : i32
    %swap3A_458 = arith.index_cast %swap3A_457 : i32 to index
    %swap3A_459 = arith.constant 16 : index
    %swap3A_460 = tpu.vector_load %arg9[%swap3A_458, %swap3A_459] {strides = array<i32>} : memref<16x64xf32, #tpu.memory_space<vmem>>, vector<1x16xf32>,
    %swap3A_461 = vector.shape_cast %swap3A_460 : vector<1x16xf32> to vector<16xf32>
    %swap3A_462 = vector.shape_cast %broadcast_in_dim3A_456 : vector<16xf32> to vector<1x16xf32>
    tpu.vector_store %arg9[%swap3A_458, %swap3A_459], %swap3A_462 {strides = array<i32>} : memref<16x64xf32, #tpu.memory_space<vmem>>, vector<1x16xf32>,
    %broadcast_in_dim3A_463 = arith.constant 0.000000e+00 : f32
    %broadcast_in_dim3A_464 = vector.broadcast %broadcast_in_dim3A_463 : f32 to vector<16xf32>
    %swap3A_465 = arith.constant 14 : i32
    %swap3A_466 = arith.index_cast %swap3A_465 : i32 to index
    %swap3A_467 = arith.constant 32 : index
    %swap3A_468 = tpu.vector_load %arg9[%swap3A_466, %swap3A_467] {strides = array<i32>} : memref<16x64xf32, #tpu.memory_space<vmem>>, vector<1x16xf32>,
    %swap3A_469 = vector.shape_cast %swap3A_468 : vector<1x16xf32> to vector<16xf32>
    %swap3A_470 = vector.shape_cast %broadcast_in_dim3A_464 : vector<16xf32> to vector<1x16xf32>
    tpu.vector_store %arg9[%swap3A_466, %swap3A_467], %swap3A_470 {strides = array<i32>} : memref<16x64xf32, #tpu.memory_space<vmem>>, vector<1x16xf32>,
    %broadcast_in_dim3A_471 = arith.constant 0.000000e+00 : f32
    %broadcast_in_dim3A_472 = vector.broadcast %broadcast_in_dim3A_471 : f32 to vector<16xf32>
    %swap3A_473 = arith.constant 14 : i32
    %swap3A_474 = arith.index_cast %swap3A_473 : i32 to index
    %swap3A_475 = arith.constant 48 : index
    %swap3A_476 = tpu.vector_load %arg9[%swap3A_474, %swap3A_475] {strides = array<i32>} : memref<16x64xf32, #tpu.memory_space<vmem>>, vector<1x16xf32>,
    %swap3A_477 = vector.shape_cast %swap3A_476 : vector<1x16xf32> to vector<16xf32>
    %swap3A_478 = vector.shape_cast %broadcast_in_dim3A_472 : vector<16xf32> to vector<1x16xf32>
    tpu.vector_store %arg9[%swap3A_474, %swap3A_475], %swap3A_478 {strides = array<i32>} : memref<16x64xf32, #tpu.memory_space<vmem>>, vector<1x16xf32>,
    %broadcast_in_dim3A_479 = arith.constant 0.000000e+00 : f32
    %broadcast_in_dim3A_480 = vector.broadcast %broadcast_in_dim3A_479 : f32 to vector<16xf32>
    %swap3A_481 = arith.constant 15 : i32
    %swap3A_482 = arith.index_cast %swap3A_481 : i32 to index
    %swap3A_483 = arith.constant 0 : index
    %swap3A_484 = tpu.vector_load %arg9[%swap3A_482, %swap3A_483] {strides = array<i32>} : memref<16x64xf32, #tpu.memory_space<vmem>>, vector<1x16xf32>,
    %swap3A_485 = vector.shape_cast %swap3A_484 : vector<1x16xf32> to vector<16xf32>
    %swap3A_486 = vector.shape_cast %broadcast_in_dim3A_480 : vector<16xf32> to vector<1x16xf32>
    tpu.vector_store %arg9[%swap3A_482, %swap3A_483], %swap3A_486 {strides = array<i32>} : memref<16x64xf32, #tpu.memory_space<vmem>>, vector<1x16xf32>,
    %broadcast_in_dim3A_487 = arith.constant 0.000000e+00 : f32
    %broadcast_in_dim3A_488 = vector.broadcast %broadcast_in_dim3A_487 : f32 to vector<16xf32>
    %swap3A_489 = arith.constant 15 : i32
    %swap3A_490 = arith.index_cast %swap3A_489 : i32 to index
    %swap3A_491 = arith.constant 16 : index
    %swap3A_492 = tpu.vector_load %arg9[%swap3A_490, %swap3A_491] {strides = array<i32>} : memref<16x64xf32, #tpu.memory_space<vmem>>, vector<1x16xf32>,
    %swap3A_493 = vector.shape_cast %swap3A_492 : vector<1x16xf32> to vector<16xf32>
    %swap3A_494 = vector.shape_cast %broadcast_in_dim3A_488 : vector<16xf32> to vector<1x16xf32>
    tpu.vector_store %arg9[%swap3A_490, %swap3A_491], %swap3A_494 {strides = array<i32>} : memref<16x64xf32, #tpu.memory_space<vmem>>, vector<1x16xf32>,
    %broadcast_in_dim3A_495 = arith.constant 0.000000e+00 : f32
    %broadcast_in_dim3A_496 = vector.broadcast %broadcast_in_dim3A_495 : f32 to vector<16xf32>
    %swap3A_497 = arith.constant 15 : i32
    %swap3A_498 = arith.index_cast %swap3A_497 : i32 to index
    %swap3A_499 = arith.constant 32 : index
    %swap3A_500 = tpu.vector_load %arg9[%swap3A_498, %swap3A_499] {strides = array<i32>} : memref<16x64xf32, #tpu.memory_space<vmem>>, vector<1x16xf32>,
    %swap3A_501 = vector.shape_cast %swap3A_500 : vector<1x16xf32> to vector<16xf32>
    %swap3A_502 = vector.shape_cast %broadcast_in_dim3A_496 : vector<16xf32> to vector<1x16xf32>
    tpu.vector_store %arg9[%swap3A_498, %swap3A_499], %swap3A_502 {strides = array<i32>} : memref<16x64xf32, #tpu.memory_space<vmem>>, vector<1x16xf32>,
    %broadcast_in_dim3A_503 = arith.constant 0.000000e+00 : f32
    %broadcast_in_dim3A_504 = vector.broadcast %broadcast_in_dim3A_503 : f32 to vector<16xf32>
    %swap3A_505 = arith.constant 15 : i32
    %swap3A_506 = arith.index_cast %swap3A_505 : i32 to index
    %swap3A_507 = arith.constant 48 : index
    %swap3A_508 = tpu.vector_load %arg9[%swap3A_506, %swap3A_507] {strides = array<i32>} : memref<16x64xf32, #tpu.memory_space<vmem>>, vector<1x16xf32>,
    %swap3A_509 = vector.shape_cast %swap3A_508 : vector<1x16xf32> to vector<16xf32>
    %swap3A_510 = vector.shape_cast %broadcast_in_dim3A_504 : vector<16xf32> to vector<1x16xf32>
    tpu.vector_store %arg9[%swap3A_506, %swap3A_507], %swap3A_510 {strides = array<i32>} : memref<16x64xf32, #tpu.memory_space<vmem>>, vector<1x16xf32>,
    %mul3A_511 = arith.constant 640 : i32
    %mul3A_512 = arith.muli %arg1, %mul3A_511 : i32
    %add3A_513 = arith.constant 0 : i32
    %add3A_514 = arith.addi %mul3A_512, %add3A_513 : i32
    "tpu.region"() ({
      %run_scoped3A = tpu.sem_alloc : memref<!tpu.dma_semaphore, #tpu.memory_space<semaphore_mem>>
      %dma_start3A_740 = arith.constant 0 : i32
      %dma_start3A_741 = tpu.memref_slice %arg10[%add3A_514, %dma_start3A_740] : memref<10240x64xf32, #tpu.memory_space<vmem_shared>> -> memref<16x64xf32, #tpu.memory_space<vmem_shared>>
      %dma_start3A_742 = arith.constant 0 : i32
      %dma_start3A_743 = tpu.memref_slice %arg10[%add3A_514, %dma_start3A_742] : memref<10240x64xf32, #tpu.memory_space<vmem_shared>> -> memref<16x64xf32, #tpu.memory_space<vmem_shared>>
      tpu.enqueue_dma source(%arg9 : memref<16x64xf32, #tpu.memory_space<vmem>>) target(%dma_start3A_743 : memref<16x64xf32, #tpu.memory_space<vmem_shared>>) target_semaphore(%run_scoped3A : memref<!tpu.dma_semaphore, #tpu.memory_space<semaphore_mem>>)
      %dma_wait3A = arith.constant 0 : i32
      %dma_wait3A_744 = tpu.memref_slice %arg10[%add3A_514, %dma_wait3A] : memref<10240x64xf32, #tpu.memory_space<vmem_shared>> -> memref<16x64xf32, #tpu.memory_space<vmem_shared>>
      %dma_wait3A_745 = arith.constant 0 : i32
      %dma_wait3A_746 = tpu.memref_slice %arg10[%add3A_514, %dma_wait3A_745] : memref<10240x64xf32, #tpu.memory_space<vmem_shared>> -> memref<16x64xf32, #tpu.memory_space<vmem_shared>>
      tpu.wait_dma2 semaphore(%run_scoped3A : memref<!tpu.dma_semaphore, #tpu.memory_space<semaphore_mem>>) src(%arg9 : memref<16x64xf32, #tpu.memory_space<vmem>>) dst(%dma_wait3A_746 : memref<16x64xf32, #tpu.memory_space<vmem_shared>>)
      tpu.yield
    }) : () -> ()
    %mul3A_515 = arith.constant 640 : i32
    %mul3A_516 = arith.muli %arg1, %mul3A_515 : i32
    %add3A_517 = arith.constant 16 : i32
    %add3A_518 = arith.addi %mul3A_516, %add3A_517 : i32
    "tpu.region"() ({
      %run_scoped3A = tpu.sem_alloc : memref<!tpu.dma_semaphore, #tpu.memory_space<semaphore_mem>>
      %dma_start3A_740 = arith.constant 0 : i32
      %dma_start3A_741 = tpu.memref_slice %arg10[%add3A_518, %dma_start3A_740] : memref<10240x64xf32, #tpu.memory_space<vmem_shared>> -> memref<16x64xf32, #tpu.memory_space<vmem_shared>>
      %dma_start3A_742 = arith.constant 0 : i32
      %dma_start3A_743 = tpu.memref_slice %arg10[%add3A_518, %dma_start3A_742] : memref<10240x64xf32, #tpu.memory_space<vmem_shared>> -> memref<16x64xf32, #tpu.memory_space<vmem_shared>>
      tpu.enqueue_dma source(%arg9 : memref<16x64xf32, #tpu.memory_space<vmem>>) target(%dma_start3A_743 : memref<16x64xf32, #tpu.memory_space<vmem_shared>>) target_semaphore(%run_scoped3A : memref<!tpu.dma_semaphore, #tpu.memory_space<semaphore_mem>>)
      %dma_wait3A = arith.constant 0 : i32
      %dma_wait3A_744 = tpu.memref_slice %arg10[%add3A_518, %dma_wait3A] : memref<10240x64xf32, #tpu.memory_space<vmem_shared>> -> memref<16x64xf32, #tpu.memory_space<vmem_shared>>
      %dma_wait3A_745 = arith.constant 0 : i32
      %dma_wait3A_746 = tpu.memref_slice %arg10[%add3A_518, %dma_wait3A_745] : memref<10240x64xf32, #tpu.memory_space<vmem_shared>> -> memref<16x64xf32, #tpu.memory_space<vmem_shared>>
      tpu.wait_dma2 semaphore(%run_scoped3A : memref<!tpu.dma_semaphore, #tpu.memory_space<semaphore_mem>>) src(%arg9 : memref<16x64xf32, #tpu.memory_space<vmem>>) dst(%dma_wait3A_746 : memref<16x64xf32, #tpu.memory_space<vmem_shared>>)
      tpu.yield
    }) : () -> ()
    %mul3A_519 = arith.constant 640 : i32
    %mul3A_520 = arith.muli %arg1, %mul3A_519 : i32
    %add3A_521 = arith.constant 32 : i32
    %add3A_522 = arith.addi %mul3A_520, %add3A_521 : i32
    "tpu.region"() ({
      %run_scoped3A = tpu.sem_alloc : memref<!tpu.dma_semaphore, #tpu.memory_space<semaphore_mem>>
      %dma_start3A_740 = arith.constant 0 : i32
      %dma_start3A_741 = tpu.memref_slice %arg10[%add3A_522, %dma_start3A_740] : memref<10240x64xf32, #tpu.memory_space<vmem_shared>> -> memref<16x64xf32, #tpu.memory_space<vmem_shared>>
      %dma_start3A_742 = arith.constant 0 : i32
      %dma_start3A_743 = tpu.memref_slice %arg10[%add3A_522, %dma_start3A_742] : memref<10240x64xf32, #tpu.memory_space<vmem_shared>> -> memref<16x64xf32, #tpu.memory_space<vmem_shared>>
      tpu.enqueue_dma source(%arg9 : memref<16x64xf32, #tpu.memory_space<vmem>>) target(%dma_start3A_743 : memref<16x64xf32, #tpu.memory_space<vmem_shared>>) target_semaphore(%run_scoped3A : memref<!tpu.dma_semaphore, #tpu.memory_space<semaphore_mem>>)
      %dma_wait3A = arith.constant 0 : i32
      %dma_wait3A_744 = tpu.memref_slice %arg10[%add3A_522, %dma_wait3A] : memref<10240x64xf32, #tpu.memory_space<vmem_shared>> -> memref<16x64xf32, #tpu.memory_space<vmem_shared>>
      %dma_wait3A_745 = arith.constant 0 : i32
      %dma_wait3A_746 = tpu.memref_slice %arg10[%add3A_522, %dma_wait3A_745] : memref<10240x64xf32, #tpu.memory_space<vmem_shared>> -> memref<16x64xf32, #tpu.memory_space<vmem_shared>>
      tpu.wait_dma2 semaphore(%run_scoped3A : memref<!tpu.dma_semaphore, #tpu.memory_space<semaphore_mem>>) src(%arg9 : memref<16x64xf32, #tpu.memory_space<vmem>>) dst(%dma_wait3A_746 : memref<16x64xf32, #tpu.memory_space<vmem_shared>>)
      tpu.yield
    }) : () -> ()
    %mul3A_523 = arith.constant 640 : i32
    %mul3A_524 = arith.muli %arg1, %mul3A_523 : i32
    %add3A_525 = arith.constant 48 : i32
    %add3A_526 = arith.addi %mul3A_524, %add3A_525 : i32
    "tpu.region"() ({
      %run_scoped3A = tpu.sem_alloc : memref<!tpu.dma_semaphore, #tpu.memory_space<semaphore_mem>>
      %dma_start3A_740 = arith.constant 0 : i32
      %dma_start3A_741 = tpu.memref_slice %arg10[%add3A_526, %dma_start3A_740] : memref<10240x64xf32, #tpu.memory_space<vmem_shared>> -> memref<16x64xf32, #tpu.memory_space<vmem_shared>>
      %dma_start3A_742 = arith.constant 0 : i32
      %dma_start3A_743 = tpu.memref_slice %arg10[%add3A_526, %dma_start3A_742] : memref<10240x64xf32, #tpu.memory_space<vmem_shared>> -> memref<16x64xf32, #tpu.memory_space<vmem_shared>>
      tpu.enqueue_dma source(%arg9 : memref<16x64xf32, #tpu.memory_space<vmem>>) target(%dma_start3A_743 : memref<16x64xf32, #tpu.memory_space<vmem_shared>>) target_semaphore(%run_scoped3A : memref<!tpu.dma_semaphore, #tpu.memory_space<semaphore_mem>>)
      %dma_wait3A = arith.constant 0 : i32
      %dma_wait3A_744 = tpu.memref_slice %arg10[%add3A_526, %dma_wait3A] : memref<10240x64xf32, #tpu.memory_space<vmem_shared>> -> memref<16x64xf32, #tpu.memory_space<vmem_shared>>
      %dma_wait3A_745 = arith.constant 0 : i32
      %dma_wait3A_746 = tpu.memref_slice %arg10[%add3A_526, %dma_wait3A_745] : memref<10240x64xf32, #tpu.memory_space<vmem_shared>> -> memref<16x64xf32, #tpu.memory_space<vmem_shared>>
      tpu.wait_dma2 semaphore(%run_scoped3A : memref<!tpu.dma_semaphore, #tpu.memory_space<semaphore_mem>>) src(%arg9 : memref<16x64xf32, #tpu.memory_space<vmem>>) dst(%dma_wait3A_746 : memref<16x64xf32, #tpu.memory_space<vmem_shared>>)
      tpu.yield
    }) : () -> ()
    %mul3A_527 = arith.constant 640 : i32
    %mul3A_528 = arith.muli %arg1, %mul3A_527 : i32
    %add3A_529 = arith.constant 64 : i32
    %add3A_530 = arith.addi %mul3A_528, %add3A_529 : i32
    "tpu.region"() ({
      %run_scoped3A = tpu.sem_alloc : memref<!tpu.dma_semaphore, #tpu.memory_space<semaphore_mem>>
      %dma_start3A_740 = arith.constant 0 : i32
      %dma_start3A_741 = tpu.memref_slice %arg10[%add3A_530, %dma_start3A_740] : memref<10240x64xf32, #tpu.memory_space<vmem_shared>> -> memref<16x64xf32, #tpu.memory_space<vmem_shared>>
      %dma_start3A_742 = arith.constant 0 : i32
      %dma_start3A_743 = tpu.memref_slice %arg10[%add3A_530, %dma_start3A_742] : memref<10240x64xf32, #tpu.memory_space<vmem_shared>> -> memref<16x64xf32, #tpu.memory_space<vmem_shared>>
      tpu.enqueue_dma source(%arg9 : memref<16x64xf32, #tpu.memory_space<vmem>>) target(%dma_start3A_743 : memref<16x64xf32, #tpu.memory_space<vmem_shared>>) target_semaphore(%run_scoped3A : memref<!tpu.dma_semaphore, #tpu.memory_space<semaphore_mem>>)
      %dma_wait3A = arith.constant 0 : i32
      %dma_wait3A_744 = tpu.memref_slice %arg10[%add3A_530, %dma_wait3A] : memref<10240x64xf32, #tpu.memory_space<vmem_shared>> -> memref<16x64xf32, #tpu.memory_space<vmem_shared>>
      %dma_wait3A_745 = arith.constant 0 : i32
      %dma_wait3A_746 = tpu.memref_slice %arg10[%add3A_530, %dma_wait3A_745] : memref<10240x64xf32, #tpu.memory_space<vmem_shared>> -> memref<16x64xf32, #tpu.memory_space<vmem_shared>>
      tpu.wait_dma2 semaphore(%run_scoped3A : memref<!tpu.dma_semaphore, #tpu.memory_space<semaphore_mem>>) src(%arg9 : memref<16x64xf32, #tpu.memory_space<vmem>>) dst(%dma_wait3A_746 : memref<16x64xf32, #tpu.memory_space<vmem_shared>>)
      tpu.yield
    }) : () -> ()
    %mul3A_531 = arith.constant 640 : i32
    %mul3A_532 = arith.muli %arg1, %mul3A_531 : i32
    %add3A_533 = arith.constant 80 : i32
    %add3A_534 = arith.addi %mul3A_532, %add3A_533 : i32
    "tpu.region"() ({
      %run_scoped3A = tpu.sem_alloc : memref<!tpu.dma_semaphore, #tpu.memory_space<semaphore_mem>>
      %dma_start3A_740 = arith.constant 0 : i32
      %dma_start3A_741 = tpu.memref_slice %arg10[%add3A_534, %dma_start3A_740] : memref<10240x64xf32, #tpu.memory_space<vmem_shared>> -> memref<16x64xf32, #tpu.memory_space<vmem_shared>>
      %dma_start3A_742 = arith.constant 0 : i32
      %dma_start3A_743 = tpu.memref_slice %arg10[%add3A_534, %dma_start3A_742] : memref<10240x64xf32, #tpu.memory_space<vmem_shared>> -> memref<16x64xf32, #tpu.memory_space<vmem_shared>>
      tpu.enqueue_dma source(%arg9 : memref<16x64xf32, #tpu.memory_space<vmem>>) target(%dma_start3A_743 : memref<16x64xf32, #tpu.memory_space<vmem_shared>>) target_semaphore(%run_scoped3A : memref<!tpu.dma_semaphore, #tpu.memory_space<semaphore_mem>>)
      %dma_wait3A = arith.constant 0 : i32
      %dma_wait3A_744 = tpu.memref_slice %arg10[%add3A_534, %dma_wait3A] : memref<10240x64xf32, #tpu.memory_space<vmem_shared>> -> memref<16x64xf32, #tpu.memory_space<vmem_shared>>
      %dma_wait3A_745 = arith.constant 0 : i32
      %dma_wait3A_746 = tpu.memref_slice %arg10[%add3A_534, %dma_wait3A_745] : memref<10240x64xf32, #tpu.memory_space<vmem_shared>> -> memref<16x64xf32, #tpu.memory_space<vmem_shared>>
      tpu.wait_dma2 semaphore(%run_scoped3A : memref<!tpu.dma_semaphore, #tpu.memory_space<semaphore_mem>>) src(%arg9 : memref<16x64xf32, #tpu.memory_space<vmem>>) dst(%dma_wait3A_746 : memref<16x64xf32, #tpu.memory_space<vmem_shared>>)
      tpu.yield
    }) : () -> ()
    %mul3A_535 = arith.constant 640 : i32
    %mul3A_536 = arith.muli %arg1, %mul3A_535 : i32
    %add3A_537 = arith.constant 96 : i32
    %add3A_538 = arith.addi %mul3A_536, %add3A_537 : i32
    "tpu.region"() ({
      %run_scoped3A = tpu.sem_alloc : memref<!tpu.dma_semaphore, #tpu.memory_space<semaphore_mem>>
      %dma_start3A_740 = arith.constant 0 : i32
      %dma_start3A_741 = tpu.memref_slice %arg10[%add3A_538, %dma_start3A_740] : memref<10240x64xf32, #tpu.memory_space<vmem_shared>> -> memref<16x64xf32, #tpu.memory_space<vmem_shared>>
      %dma_start3A_742 = arith.constant 0 : i32
      %dma_start3A_743 = tpu.memref_slice %arg10[%add3A_538, %dma_start3A_742] : memref<10240x64xf32, #tpu.memory_space<vmem_shared>> -> memref<16x64xf32, #tpu.memory_space<vmem_shared>>
      tpu.enqueue_dma source(%arg9 : memref<16x64xf32, #tpu.memory_space<vmem>>) target(%dma_start3A_743 : memref<16x64xf32, #tpu.memory_space<vmem_shared>>) target_semaphore(%run_scoped3A : memref<!tpu.dma_semaphore, #tpu.memory_space<semaphore_mem>>)
      %dma_wait3A = arith.constant 0 : i32
      %dma_wait3A_744 = tpu.memref_slice %arg10[%add3A_538, %dma_wait3A] : memref<10240x64xf32, #tpu.memory_space<vmem_shared>> -> memref<16x64xf32, #tpu.memory_space<vmem_shared>>
      %dma_wait3A_745 = arith.constant 0 : i32
      %dma_wait3A_746 = tpu.memref_slice %arg10[%add3A_538, %dma_wait3A_745] : memref<10240x64xf32, #tpu.memory_space<vmem_shared>> -> memref<16x64xf32, #tpu.memory_space<vmem_shared>>
      tpu.wait_dma2 semaphore(%run_scoped3A : memref<!tpu.dma_semaphore, #tpu.memory_space<semaphore_mem>>) src(%arg9 : memref<16x64xf32, #tpu.memory_space<vmem>>) dst(%dma_wait3A_746 : memref<16x64xf32, #tpu.memory_space<vmem_shared>>)
      tpu.yield
    }) : () -> ()
    %mul3A_539 = arith.constant 640 : i32
    %mul3A_540 = arith.muli %arg1, %mul3A_539 : i32
    %add3A_541 = arith.constant 112 : i32
    %add3A_542 = arith.addi %mul3A_540, %add3A_541 : i32
    "tpu.region"() ({
      %run_scoped3A = tpu.sem_alloc : memref<!tpu.dma_semaphore, #tpu.memory_space<semaphore_mem>>
      %dma_start3A_740 = arith.constant 0 : i32
      %dma_start3A_741 = tpu.memref_slice %arg10[%add3A_542, %dma_start3A_740] : memref<10240x64xf32, #tpu.memory_space<vmem_shared>> -> memref<16x64xf32, #tpu.memory_space<vmem_shared>>
      %dma_start3A_742 = arith.constant 0 : i32
      %dma_start3A_743 = tpu.memref_slice %arg10[%add3A_542, %dma_start3A_742] : memref<10240x64xf32, #tpu.memory_space<vmem_shared>> -> memref<16x64xf32, #tpu.memory_space<vmem_shared>>
      tpu.enqueue_dma source(%arg9 : memref<16x64xf32, #tpu.memory_space<vmem>>) target(%dma_start3A_743 : memref<16x64xf32, #tpu.memory_space<vmem_shared>>) target_semaphore(%run_scoped3A : memref<!tpu.dma_semaphore, #tpu.memory_space<semaphore_mem>>)
      %dma_wait3A = arith.constant 0 : i32
      %dma_wait3A_744 = tpu.memref_slice %arg10[%add3A_542, %dma_wait3A] : memref<10240x64xf32, #tpu.memory_space<vmem_shared>> -> memref<16x64xf32, #tpu.memory_space<vmem_shared>>
      %dma_wait3A_745 = arith.constant 0 : i32
      %dma_wait3A_746 = tpu.memref_slice %arg10[%add3A_542, %dma_wait3A_745] : memref<10240x64xf32, #tpu.memory_space<vmem_shared>> -> memref<16x64xf32, #tpu.memory_space<vmem_shared>>
      tpu.wait_dma2 semaphore(%run_scoped3A : memref<!tpu.dma_semaphore, #tpu.memory_space<semaphore_mem>>) src(%arg9 : memref<16x64xf32, #tpu.memory_space<vmem>>) dst(%dma_wait3A_746 : memref<16x64xf32, #tpu.memory_space<vmem_shared>>)
      tpu.yield
    }) : () -> ()
    %mul3A_543 = arith.constant 640 : i32
    %mul3A_544 = arith.muli %arg1, %mul3A_543 : i32
    %add3A_545 = arith.constant 128 : i32
    %add3A_546 = arith.addi %mul3A_544, %add3A_545 : i32
    "tpu.region"() ({
      %run_scoped3A = tpu.sem_alloc : memref<!tpu.dma_semaphore, #tpu.memory_space<semaphore_mem>>
      %dma_start3A_740 = arith.constant 0 : i32
      %dma_start3A_741 = tpu.memref_slice %arg10[%add3A_546, %dma_start3A_740] : memref<10240x64xf32, #tpu.memory_space<vmem_shared>> -> memref<16x64xf32, #tpu.memory_space<vmem_shared>>
      %dma_start3A_742 = arith.constant 0 : i32
      %dma_start3A_743 = tpu.memref_slice %arg10[%add3A_546, %dma_start3A_742] : memref<10240x64xf32, #tpu.memory_space<vmem_shared>> -> memref<16x64xf32, #tpu.memory_space<vmem_shared>>
      tpu.enqueue_dma source(%arg9 : memref<16x64xf32, #tpu.memory_space<vmem>>) target(%dma_start3A_743 : memref<16x64xf32, #tpu.memory_space<vmem_shared>>) target_semaphore(%run_scoped3A : memref<!tpu.dma_semaphore, #tpu.memory_space<semaphore_mem>>)
      %dma_wait3A = arith.constant 0 : i32
      %dma_wait3A_744 = tpu.memref_slice %arg10[%add3A_546, %dma_wait3A] : memref<10240x64xf32, #tpu.memory_space<vmem_shared>> -> memref<16x64xf32, #tpu.memory_space<vmem_shared>>
      %dma_wait3A_745 = arith.constant 0 : i32
      %dma_wait3A_746 = tpu.memref_slice %arg10[%add3A_546, %dma_wait3A_745] : memref<10240x64xf32, #tpu.memory_space<vmem_shared>> -> memref<16x64xf32, #tpu.memory_space<vmem_shared>>
      tpu.wait_dma2 semaphore(%run_scoped3A : memref<!tpu.dma_semaphore, #tpu.memory_space<semaphore_mem>>) src(%arg9 : memref<16x64xf32, #tpu.memory_space<vmem>>) dst(%dma_wait3A_746 : memref<16x64xf32, #tpu.memory_space<vmem_shared>>)
      tpu.yield
    }) : () -> ()
    %mul3A_547 = arith.constant 640 : i32
    %mul3A_548 = arith.muli %arg1, %mul3A_547 : i32
    %add3A_549 = arith.constant 144 : i32
    %add3A_550 = arith.addi %mul3A_548, %add3A_549 : i32
    "tpu.region"() ({
      %run_scoped3A = tpu.sem_alloc : memref<!tpu.dma_semaphore, #tpu.memory_space<semaphore_mem>>
      %dma_start3A_740 = arith.constant 0 : i32
      %dma_start3A_741 = tpu.memref_slice %arg10[%add3A_550, %dma_start3A_740] : memref<10240x64xf32, #tpu.memory_space<vmem_shared>> -> memref<16x64xf32, #tpu.memory_space<vmem_shared>>
      %dma_start3A_742 = arith.constant 0 : i32
      %dma_start3A_743 = tpu.memref_slice %arg10[%add3A_550, %dma_start3A_742] : memref<10240x64xf32, #tpu.memory_space<vmem_shared>> -> memref<16x64xf32, #tpu.memory_space<vmem_shared>>
      tpu.enqueue_dma source(%arg9 : memref<16x64xf32, #tpu.memory_space<vmem>>) target(%dma_start3A_743 : memref<16x64xf32, #tpu.memory_space<vmem_shared>>) target_semaphore(%run_scoped3A : memref<!tpu.dma_semaphore, #tpu.memory_space<semaphore_mem>>)
      %dma_wait3A = arith.constant 0 : i32
      %dma_wait3A_744 = tpu.memref_slice %arg10[%add3A_550, %dma_wait3A] : memref<10240x64xf32, #tpu.memory_space<vmem_shared>> -> memref<16x64xf32, #tpu.memory_space<vmem_shared>>
      %dma_wait3A_745 = arith.constant 0 : i32
      %dma_wait3A_746 = tpu.memref_slice %arg10[%add3A_550, %dma_wait3A_745] : memref<10240x64xf32, #tpu.memory_space<vmem_shared>> -> memref<16x64xf32, #tpu.memory_space<vmem_shared>>
      tpu.wait_dma2 semaphore(%run_scoped3A : memref<!tpu.dma_semaphore, #tpu.memory_space<semaphore_mem>>) src(%arg9 : memref<16x64xf32, #tpu.memory_space<vmem>>) dst(%dma_wait3A_746 : memref<16x64xf32, #tpu.memory_space<vmem_shared>>)
      tpu.yield
    }) : () -> ()
    %mul3A_551 = arith.constant 640 : i32
    %mul3A_552 = arith.muli %arg1, %mul3A_551 : i32
    %add3A_553 = arith.constant 160 : i32
    %add3A_554 = arith.addi %mul3A_552, %add3A_553 : i32
    "tpu.region"() ({
      %run_scoped3A = tpu.sem_alloc : memref<!tpu.dma_semaphore, #tpu.memory_space<semaphore_mem>>
      %dma_start3A_740 = arith.constant 0 : i32
      %dma_start3A_741 = tpu.memref_slice %arg10[%add3A_554, %dma_start3A_740] : memref<10240x64xf32, #tpu.memory_space<vmem_shared>> -> memref<16x64xf32, #tpu.memory_space<vmem_shared>>
      %dma_start3A_742 = arith.constant 0 : i32
      %dma_start3A_743 = tpu.memref_slice %arg10[%add3A_554, %dma_start3A_742] : memref<10240x64xf32, #tpu.memory_space<vmem_shared>> -> memref<16x64xf32, #tpu.memory_space<vmem_shared>>
      tpu.enqueue_dma source(%arg9 : memref<16x64xf32, #tpu.memory_space<vmem>>) target(%dma_start3A_743 : memref<16x64xf32, #tpu.memory_space<vmem_shared>>) target_semaphore(%run_scoped3A : memref<!tpu.dma_semaphore, #tpu.memory_space<semaphore_mem>>)
      %dma_wait3A = arith.constant 0 : i32
      %dma_wait3A_744 = tpu.memref_slice %arg10[%add3A_554, %dma_wait3A] : memref<10240x64xf32, #tpu.memory_space<vmem_shared>> -> memref<16x64xf32, #tpu.memory_space<vmem_shared>>
      %dma_wait3A_745 = arith.constant 0 : i32
      %dma_wait3A_746 = tpu.memref_slice %arg10[%add3A_554, %dma_wait3A_745] : memref<10240x64xf32, #tpu.memory_space<vmem_shared>> -> memref<16x64xf32, #tpu.memory_space<vmem_shared>>
      tpu.wait_dma2 semaphore(%run_scoped3A : memref<!tpu.dma_semaphore, #tpu.memory_space<semaphore_mem>>) src(%arg9 : memref<16x64xf32, #tpu.memory_space<vmem>>) dst(%dma_wait3A_746 : memref<16x64xf32, #tpu.memory_space<vmem_shared>>)
      tpu.yield
    }) : () -> ()
    %mul3A_555 = arith.constant 640 : i32
    %mul3A_556 = arith.muli %arg1, %mul3A_555 : i32
    %add3A_557 = arith.constant 176 : i32
    %add3A_558 = arith.addi %mul3A_556, %add3A_557 : i32
    "tpu.region"() ({
      %run_scoped3A = tpu.sem_alloc : memref<!tpu.dma_semaphore, #tpu.memory_space<semaphore_mem>>
      %dma_start3A_740 = arith.constant 0 : i32
      %dma_start3A_741 = tpu.memref_slice %arg10[%add3A_558, %dma_start3A_740] : memref<10240x64xf32, #tpu.memory_space<vmem_shared>> -> memref<16x64xf32, #tpu.memory_space<vmem_shared>>
      %dma_start3A_742 = arith.constant 0 : i32
      %dma_start3A_743 = tpu.memref_slice %arg10[%add3A_558, %dma_start3A_742] : memref<10240x64xf32, #tpu.memory_space<vmem_shared>> -> memref<16x64xf32, #tpu.memory_space<vmem_shared>>
      tpu.enqueue_dma source(%arg9 : memref<16x64xf32, #tpu.memory_space<vmem>>) target(%dma_start3A_743 : memref<16x64xf32, #tpu.memory_space<vmem_shared>>) target_semaphore(%run_scoped3A : memref<!tpu.dma_semaphore, #tpu.memory_space<semaphore_mem>>)
      %dma_wait3A = arith.constant 0 : i32
      %dma_wait3A_744 = tpu.memref_slice %arg10[%add3A_558, %dma_wait3A] : memref<10240x64xf32, #tpu.memory_space<vmem_shared>> -> memref<16x64xf32, #tpu.memory_space<vmem_shared>>
      %dma_wait3A_745 = arith.constant 0 : i32
      %dma_wait3A_746 = tpu.memref_slice %arg10[%add3A_558, %dma_wait3A_745] : memref<10240x64xf32, #tpu.memory_space<vmem_shared>> -> memref<16x64xf32, #tpu.memory_space<vmem_shared>>
      tpu.wait_dma2 semaphore(%run_scoped3A : memref<!tpu.dma_semaphore, #tpu.memory_space<semaphore_mem>>) src(%arg9 : memref<16x64xf32, #tpu.memory_space<vmem>>) dst(%dma_wait3A_746 : memref<16x64xf32, #tpu.memory_space<vmem_shared>>)
      tpu.yield
    }) : () -> ()
    %mul3A_559 = arith.constant 640 : i32
    %mul3A_560 = arith.muli %arg1, %mul3A_559 : i32
    %add3A_561 = arith.constant 192 : i32
    %add3A_562 = arith.addi %mul3A_560, %add3A_561 : i32
    "tpu.region"() ({
      %run_scoped3A = tpu.sem_alloc : memref<!tpu.dma_semaphore, #tpu.memory_space<semaphore_mem>>
      %dma_start3A_740 = arith.constant 0 : i32
      %dma_start3A_741 = tpu.memref_slice %arg10[%add3A_562, %dma_start3A_740] : memref<10240x64xf32, #tpu.memory_space<vmem_shared>> -> memref<16x64xf32, #tpu.memory_space<vmem_shared>>
      %dma_start3A_742 = arith.constant 0 : i32
      %dma_start3A_743 = tpu.memref_slice %arg10[%add3A_562, %dma_start3A_742] : memref<10240x64xf32, #tpu.memory_space<vmem_shared>> -> memref<16x64xf32, #tpu.memory_space<vmem_shared>>
      tpu.enqueue_dma source(%arg9 : memref<16x64xf32, #tpu.memory_space<vmem>>) target(%dma_start3A_743 : memref<16x64xf32, #tpu.memory_space<vmem_shared>>) target_semaphore(%run_scoped3A : memref<!tpu.dma_semaphore, #tpu.memory_space<semaphore_mem>>)
      %dma_wait3A = arith.constant 0 : i32
      %dma_wait3A_744 = tpu.memref_slice %arg10[%add3A_562, %dma_wait3A] : memref<10240x64xf32, #tpu.memory_space<vmem_shared>> -> memref<16x64xf32, #tpu.memory_space<vmem_shared>>
      %dma_wait3A_745 = arith.constant 0 : i32
      %dma_wait3A_746 = tpu.memref_slice %arg10[%add3A_562, %dma_wait3A_745] : memref<10240x64xf32, #tpu.memory_space<vmem_shared>> -> memref<16x64xf32, #tpu.memory_space<vmem_shared>>
      tpu.wait_dma2 semaphore(%run_scoped3A : memref<!tpu.dma_semaphore, #tpu.memory_space<semaphore_mem>>) src(%arg9 : memref<16x64xf32, #tpu.memory_space<vmem>>) dst(%dma_wait3A_746 : memref<16x64xf32, #tpu.memory_space<vmem_shared>>)
      tpu.yield
    }) : () -> ()
    %mul3A_563 = arith.constant 640 : i32
    %mul3A_564 = arith.muli %arg1, %mul3A_563 : i32
    %add3A_565 = arith.constant 208 : i32
    %add3A_566 = arith.addi %mul3A_564, %add3A_565 : i32
    "tpu.region"() ({
      %run_scoped3A = tpu.sem_alloc : memref<!tpu.dma_semaphore, #tpu.memory_space<semaphore_mem>>
      %dma_start3A_740 = arith.constant 0 : i32
      %dma_start3A_741 = tpu.memref_slice %arg10[%add3A_566, %dma_start3A_740] : memref<10240x64xf32, #tpu.memory_space<vmem_shared>> -> memref<16x64xf32, #tpu.memory_space<vmem_shared>>
      %dma_start3A_742 = arith.constant 0 : i32
      %dma_start3A_743 = tpu.memref_slice %arg10[%add3A_566, %dma_start3A_742] : memref<10240x64xf32, #tpu.memory_space<vmem_shared>> -> memref<16x64xf32, #tpu.memory_space<vmem_shared>>
      tpu.enqueue_dma source(%arg9 : memref<16x64xf32, #tpu.memory_space<vmem>>) target(%dma_start3A_743 : memref<16x64xf32, #tpu.memory_space<vmem_shared>>) target_semaphore(%run_scoped3A : memref<!tpu.dma_semaphore, #tpu.memory_space<semaphore_mem>>)
      %dma_wait3A = arith.constant 0 : i32
      %dma_wait3A_744 = tpu.memref_slice %arg10[%add3A_566, %dma_wait3A] : memref<10240x64xf32, #tpu.memory_space<vmem_shared>> -> memref<16x64xf32, #tpu.memory_space<vmem_shared>>
      %dma_wait3A_745 = arith.constant 0 : i32
      %dma_wait3A_746 = tpu.memref_slice %arg10[%add3A_566, %dma_wait3A_745] : memref<10240x64xf32, #tpu.memory_space<vmem_shared>> -> memref<16x64xf32, #tpu.memory_space<vmem_shared>>
      tpu.wait_dma2 semaphore(%run_scoped3A : memref<!tpu.dma_semaphore, #tpu.memory_space<semaphore_mem>>) src(%arg9 : memref<16x64xf32, #tpu.memory_space<vmem>>) dst(%dma_wait3A_746 : memref<16x64xf32, #tpu.memory_space<vmem_shared>>)
      tpu.yield
    }) : () -> ()
    %mul3A_567 = arith.constant 640 : i32
    %mul3A_568 = arith.muli %arg1, %mul3A_567 : i32
    %add3A_569 = arith.constant 224 : i32
    %add3A_570 = arith.addi %mul3A_568, %add3A_569 : i32
    "tpu.region"() ({
      %run_scoped3A = tpu.sem_alloc : memref<!tpu.dma_semaphore, #tpu.memory_space<semaphore_mem>>
      %dma_start3A_740 = arith.constant 0 : i32
      %dma_start3A_741 = tpu.memref_slice %arg10[%add3A_570, %dma_start3A_740] : memref<10240x64xf32, #tpu.memory_space<vmem_shared>> -> memref<16x64xf32, #tpu.memory_space<vmem_shared>>
      %dma_start3A_742 = arith.constant 0 : i32
      %dma_start3A_743 = tpu.memref_slice %arg10[%add3A_570, %dma_start3A_742] : memref<10240x64xf32, #tpu.memory_space<vmem_shared>> -> memref<16x64xf32, #tpu.memory_space<vmem_shared>>
      tpu.enqueue_dma source(%arg9 : memref<16x64xf32, #tpu.memory_space<vmem>>) target(%dma_start3A_743 : memref<16x64xf32, #tpu.memory_space<vmem_shared>>) target_semaphore(%run_scoped3A : memref<!tpu.dma_semaphore, #tpu.memory_space<semaphore_mem>>)
      %dma_wait3A = arith.constant 0 : i32
      %dma_wait3A_744 = tpu.memref_slice %arg10[%add3A_570, %dma_wait3A] : memref<10240x64xf32, #tpu.memory_space<vmem_shared>> -> memref<16x64xf32, #tpu.memory_space<vmem_shared>>
      %dma_wait3A_745 = arith.constant 0 : i32
      %dma_wait3A_746 = tpu.memref_slice %arg10[%add3A_570, %dma_wait3A_745] : memref<10240x64xf32, #tpu.memory_space<vmem_shared>> -> memref<16x64xf32, #tpu.memory_space<vmem_shared>>
      tpu.wait_dma2 semaphore(%run_scoped3A : memref<!tpu.dma_semaphore, #tpu.memory_space<semaphore_mem>>) src(%arg9 : memref<16x64xf32, #tpu.memory_space<vmem>>) dst(%dma_wait3A_746 : memref<16x64xf32, #tpu.memory_space<vmem_shared>>)
      tpu.yield
    }) : () -> ()
    %mul3A_571 = arith.constant 640 : i32
    %mul3A_572 = arith.muli %arg1, %mul3A_571 : i32
    %add3A_573 = arith.constant 240 : i32
    %add3A_574 = arith.addi %mul3A_572, %add3A_573 : i32
    "tpu.region"() ({
      %run_scoped3A = tpu.sem_alloc : memref<!tpu.dma_semaphore, #tpu.memory_space<semaphore_mem>>
      %dma_start3A_740 = arith.constant 0 : i32
      %dma_start3A_741 = tpu.memref_slice %arg10[%add3A_574, %dma_start3A_740] : memref<10240x64xf32, #tpu.memory_space<vmem_shared>> -> memref<16x64xf32, #tpu.memory_space<vmem_shared>>
      %dma_start3A_742 = arith.constant 0 : i32
      %dma_start3A_743 = tpu.memref_slice %arg10[%add3A_574, %dma_start3A_742] : memref<10240x64xf32, #tpu.memory_space<vmem_shared>> -> memref<16x64xf32, #tpu.memory_space<vmem_shared>>
      tpu.enqueue_dma source(%arg9 : memref<16x64xf32, #tpu.memory_space<vmem>>) target(%dma_start3A_743 : memref<16x64xf32, #tpu.memory_space<vmem_shared>>) target_semaphore(%run_scoped3A : memref<!tpu.dma_semaphore, #tpu.memory_space<semaphore_mem>>)
      %dma_wait3A = arith.constant 0 : i32
      %dma_wait3A_744 = tpu.memref_slice %arg10[%add3A_574, %dma_wait3A] : memref<10240x64xf32, #tpu.memory_space<vmem_shared>> -> memref<16x64xf32, #tpu.memory_space<vmem_shared>>
      %dma_wait3A_745 = arith.constant 0 : i32
      %dma_wait3A_746 = tpu.memref_slice %arg10[%add3A_574, %dma_wait3A_745] : memref<10240x64xf32, #tpu.memory_space<vmem_shared>> -> memref<16x64xf32, #tpu.memory_space<vmem_shared>>
      tpu.wait_dma2 semaphore(%run_scoped3A : memref<!tpu.dma_semaphore, #tpu.memory_space<semaphore_mem>>) src(%arg9 : memref<16x64xf32, #tpu.memory_space<vmem>>) dst(%dma_wait3A_746 : memref<16x64xf32, #tpu.memory_space<vmem_shared>>)
      tpu.yield
    }) : () -> ()
    %mul3A_575 = arith.constant 640 : i32
    %mul3A_576 = arith.muli %arg1, %mul3A_575 : i32
    %add3A_577 = arith.constant 256 : i32
    %add3A_578 = arith.addi %mul3A_576, %add3A_577 : i32
    "tpu.region"() ({
      %run_scoped3A = tpu.sem_alloc : memref<!tpu.dma_semaphore, #tpu.memory_space<semaphore_mem>>
      %dma_start3A_740 = arith.constant 0 : i32
      %dma_start3A_741 = tpu.memref_slice %arg10[%add3A_578, %dma_start3A_740] : memref<10240x64xf32, #tpu.memory_space<vmem_shared>> -> memref<16x64xf32, #tpu.memory_space<vmem_shared>>
      %dma_start3A_742 = arith.constant 0 : i32
      %dma_start3A_743 = tpu.memref_slice %arg10[%add3A_578, %dma_start3A_742] : memref<10240x64xf32, #tpu.memory_space<vmem_shared>> -> memref<16x64xf32, #tpu.memory_space<vmem_shared>>
      tpu.enqueue_dma source(%arg9 : memref<16x64xf32, #tpu.memory_space<vmem>>) target(%dma_start3A_743 : memref<16x64xf32, #tpu.memory_space<vmem_shared>>) target_semaphore(%run_scoped3A : memref<!tpu.dma_semaphore, #tpu.memory_space<semaphore_mem>>)
      %dma_wait3A = arith.constant 0 : i32
      %dma_wait3A_744 = tpu.memref_slice %arg10[%add3A_578, %dma_wait3A] : memref<10240x64xf32, #tpu.memory_space<vmem_shared>> -> memref<16x64xf32, #tpu.memory_space<vmem_shared>>
      %dma_wait3A_745 = arith.constant 0 : i32
      %dma_wait3A_746 = tpu.memref_slice %arg10[%add3A_578, %dma_wait3A_745] : memref<10240x64xf32, #tpu.memory_space<vmem_shared>> -> memref<16x64xf32, #tpu.memory_space<vmem_shared>>
      tpu.wait_dma2 semaphore(%run_scoped3A : memref<!tpu.dma_semaphore, #tpu.memory_space<semaphore_mem>>) src(%arg9 : memref<16x64xf32, #tpu.memory_space<vmem>>) dst(%dma_wait3A_746 : memref<16x64xf32, #tpu.memory_space<vmem_shared>>)
      tpu.yield
    }) : () -> ()
    %mul3A_579 = arith.constant 640 : i32
    %mul3A_580 = arith.muli %arg1, %mul3A_579 : i32
    %add3A_581 = arith.constant 272 : i32
    %add3A_582 = arith.addi %mul3A_580, %add3A_581 : i32
    "tpu.region"() ({
      %run_scoped3A = tpu.sem_alloc : memref<!tpu.dma_semaphore, #tpu.memory_space<semaphore_mem>>
      %dma_start3A_740 = arith.constant 0 : i32
      %dma_start3A_741 = tpu.memref_slice %arg10[%add3A_582, %dma_start3A_740] : memref<10240x64xf32, #tpu.memory_space<vmem_shared>> -> memref<16x64xf32, #tpu.memory_space<vmem_shared>>
      %dma_start3A_742 = arith.constant 0 : i32
      %dma_start3A_743 = tpu.memref_slice %arg10[%add3A_582, %dma_start3A_742] : memref<10240x64xf32, #tpu.memory_space<vmem_shared>> -> memref<16x64xf32, #tpu.memory_space<vmem_shared>>
      tpu.enqueue_dma source(%arg9 : memref<16x64xf32, #tpu.memory_space<vmem>>) target(%dma_start3A_743 : memref<16x64xf32, #tpu.memory_space<vmem_shared>>) target_semaphore(%run_scoped3A : memref<!tpu.dma_semaphore, #tpu.memory_space<semaphore_mem>>)
      %dma_wait3A = arith.constant 0 : i32
      %dma_wait3A_744 = tpu.memref_slice %arg10[%add3A_582, %dma_wait3A] : memref<10240x64xf32, #tpu.memory_space<vmem_shared>> -> memref<16x64xf32, #tpu.memory_space<vmem_shared>>
      %dma_wait3A_745 = arith.constant 0 : i32
      %dma_wait3A_746 = tpu.memref_slice %arg10[%add3A_582, %dma_wait3A_745] : memref<10240x64xf32, #tpu.memory_space<vmem_shared>> -> memref<16x64xf32, #tpu.memory_space<vmem_shared>>
      tpu.wait_dma2 semaphore(%run_scoped3A : memref<!tpu.dma_semaphore, #tpu.memory_space<semaphore_mem>>) src(%arg9 : memref<16x64xf32, #tpu.memory_space<vmem>>) dst(%dma_wait3A_746 : memref<16x64xf32, #tpu.memory_space<vmem_shared>>)
      tpu.yield
    }) : () -> ()
    %mul3A_583 = arith.constant 640 : i32
    %mul3A_584 = arith.muli %arg1, %mul3A_583 : i32
    %add3A_585 = arith.constant 288 : i32
    %add3A_586 = arith.addi %mul3A_584, %add3A_585 : i32
    "tpu.region"() ({
      %run_scoped3A = tpu.sem_alloc : memref<!tpu.dma_semaphore, #tpu.memory_space<semaphore_mem>>
      %dma_start3A_740 = arith.constant 0 : i32
      %dma_start3A_741 = tpu.memref_slice %arg10[%add3A_586, %dma_start3A_740] : memref<10240x64xf32, #tpu.memory_space<vmem_shared>> -> memref<16x64xf32, #tpu.memory_space<vmem_shared>>
      %dma_start3A_742 = arith.constant 0 : i32
      %dma_start3A_743 = tpu.memref_slice %arg10[%add3A_586, %dma_start3A_742] : memref<10240x64xf32, #tpu.memory_space<vmem_shared>> -> memref<16x64xf32, #tpu.memory_space<vmem_shared>>
      tpu.enqueue_dma source(%arg9 : memref<16x64xf32, #tpu.memory_space<vmem>>) target(%dma_start3A_743 : memref<16x64xf32, #tpu.memory_space<vmem_shared>>) target_semaphore(%run_scoped3A : memref<!tpu.dma_semaphore, #tpu.memory_space<semaphore_mem>>)
      %dma_wait3A = arith.constant 0 : i32
      %dma_wait3A_744 = tpu.memref_slice %arg10[%add3A_586, %dma_wait3A] : memref<10240x64xf32, #tpu.memory_space<vmem_shared>> -> memref<16x64xf32, #tpu.memory_space<vmem_shared>>
      %dma_wait3A_745 = arith.constant 0 : i32
      %dma_wait3A_746 = tpu.memref_slice %arg10[%add3A_586, %dma_wait3A_745] : memref<10240x64xf32, #tpu.memory_space<vmem_shared>> -> memref<16x64xf32, #tpu.memory_space<vmem_shared>>
      tpu.wait_dma2 semaphore(%run_scoped3A : memref<!tpu.dma_semaphore, #tpu.memory_space<semaphore_mem>>) src(%arg9 : memref<16x64xf32, #tpu.memory_space<vmem>>) dst(%dma_wait3A_746 : memref<16x64xf32, #tpu.memory_space<vmem_shared>>)
      tpu.yield
    }) : () -> ()
    %mul3A_587 = arith.constant 640 : i32
    %mul3A_588 = arith.muli %arg1, %mul3A_587 : i32
    %add3A_589 = arith.constant 304 : i32
    %add3A_590 = arith.addi %mul3A_588, %add3A_589 : i32
    "tpu.region"() ({
      %run_scoped3A = tpu.sem_alloc : memref<!tpu.dma_semaphore, #tpu.memory_space<semaphore_mem>>
      %dma_start3A_740 = arith.constant 0 : i32
      %dma_start3A_741 = tpu.memref_slice %arg10[%add3A_590, %dma_start3A_740] : memref<10240x64xf32, #tpu.memory_space<vmem_shared>> -> memref<16x64xf32, #tpu.memory_space<vmem_shared>>
      %dma_start3A_742 = arith.constant 0 : i32
      %dma_start3A_743 = tpu.memref_slice %arg10[%add3A_590, %dma_start3A_742] : memref<10240x64xf32, #tpu.memory_space<vmem_shared>> -> memref<16x64xf32, #tpu.memory_space<vmem_shared>>
      tpu.enqueue_dma source(%arg9 : memref<16x64xf32, #tpu.memory_space<vmem>>) target(%dma_start3A_743 : memref<16x64xf32, #tpu.memory_space<vmem_shared>>) target_semaphore(%run_scoped3A : memref<!tpu.dma_semaphore, #tpu.memory_space<semaphore_mem>>)
      %dma_wait3A = arith.constant 0 : i32
      %dma_wait3A_744 = tpu.memref_slice %arg10[%add3A_590, %dma_wait3A] : memref<10240x64xf32, #tpu.memory_space<vmem_shared>> -> memref<16x64xf32, #tpu.memory_space<vmem_shared>>
      %dma_wait3A_745 = arith.constant 0 : i32
      %dma_wait3A_746 = tpu.memref_slice %arg10[%add3A_590, %dma_wait3A_745] : memref<10240x64xf32, #tpu.memory_space<vmem_shared>> -> memref<16x64xf32, #tpu.memory_space<vmem_shared>>
      tpu.wait_dma2 semaphore(%run_scoped3A : memref<!tpu.dma_semaphore, #tpu.memory_space<semaphore_mem>>) src(%arg9 : memref<16x64xf32, #tpu.memory_space<vmem>>) dst(%dma_wait3A_746 : memref<16x64xf32, #tpu.memory_space<vmem_shared>>)
      tpu.yield
    }) : () -> ()
    %mul3A_591 = arith.constant 640 : i32
    %mul3A_592 = arith.muli %arg1, %mul3A_591 : i32
    %add3A_593 = arith.constant 320 : i32
    %add3A_594 = arith.addi %mul3A_592, %add3A_593 : i32
    "tpu.region"() ({
      %run_scoped3A = tpu.sem_alloc : memref<!tpu.dma_semaphore, #tpu.memory_space<semaphore_mem>>
      %dma_start3A_740 = arith.constant 0 : i32
      %dma_start3A_741 = tpu.memref_slice %arg10[%add3A_594, %dma_start3A_740] : memref<10240x64xf32, #tpu.memory_space<vmem_shared>> -> memref<16x64xf32, #tpu.memory_space<vmem_shared>>
      %dma_start3A_742 = arith.constant 0 : i32
      %dma_start3A_743 = tpu.memref_slice %arg10[%add3A_594, %dma_start3A_742] : memref<10240x64xf32, #tpu.memory_space<vmem_shared>> -> memref<16x64xf32, #tpu.memory_space<vmem_shared>>
      tpu.enqueue_dma source(%arg9 : memref<16x64xf32, #tpu.memory_space<vmem>>) target(%dma_start3A_743 : memref<16x64xf32, #tpu.memory_space<vmem_shared>>) target_semaphore(%run_scoped3A : memref<!tpu.dma_semaphore, #tpu.memory_space<semaphore_mem>>)
      %dma_wait3A = arith.constant 0 : i32
      %dma_wait3A_744 = tpu.memref_slice %arg10[%add3A_594, %dma_wait3A] : memref<10240x64xf32, #tpu.memory_space<vmem_shared>> -> memref<16x64xf32, #tpu.memory_space<vmem_shared>>
      %dma_wait3A_745 = arith.constant 0 : i32
      %dma_wait3A_746 = tpu.memref_slice %arg10[%add3A_594, %dma_wait3A_745] : memref<10240x64xf32, #tpu.memory_space<vmem_shared>> -> memref<16x64xf32, #tpu.memory_space<vmem_shared>>
      tpu.wait_dma2 semaphore(%run_scoped3A : memref<!tpu.dma_semaphore, #tpu.memory_space<semaphore_mem>>) src(%arg9 : memref<16x64xf32, #tpu.memory_space<vmem>>) dst(%dma_wait3A_746 : memref<16x64xf32, #tpu.memory_space<vmem_shared>>)
      tpu.yield
    }) : () -> ()
    %mul3A_595 = arith.constant 640 : i32
    %mul3A_596 = arith.muli %arg1, %mul3A_595 : i32
    %add3A_597 = arith.constant 336 : i32
    %add3A_598 = arith.addi %mul3A_596, %add3A_597 : i32
    "tpu.region"() ({
      %run_scoped3A = tpu.sem_alloc : memref<!tpu.dma_semaphore, #tpu.memory_space<semaphore_mem>>
      %dma_start3A_740 = arith.constant 0 : i32
      %dma_start3A_741 = tpu.memref_slice %arg10[%add3A_598, %dma_start3A_740] : memref<10240x64xf32, #tpu.memory_space<vmem_shared>> -> memref<16x64xf32, #tpu.memory_space<vmem_shared>>
      %dma_start3A_742 = arith.constant 0 : i32
      %dma_start3A_743 = tpu.memref_slice %arg10[%add3A_598, %dma_start3A_742] : memref<10240x64xf32, #tpu.memory_space<vmem_shared>> -> memref<16x64xf32, #tpu.memory_space<vmem_shared>>
      tpu.enqueue_dma source(%arg9 : memref<16x64xf32, #tpu.memory_space<vmem>>) target(%dma_start3A_743 : memref<16x64xf32, #tpu.memory_space<vmem_shared>>) target_semaphore(%run_scoped3A : memref<!tpu.dma_semaphore, #tpu.memory_space<semaphore_mem>>)
      %dma_wait3A = arith.constant 0 : i32
      %dma_wait3A_744 = tpu.memref_slice %arg10[%add3A_598, %dma_wait3A] : memref<10240x64xf32, #tpu.memory_space<vmem_shared>> -> memref<16x64xf32, #tpu.memory_space<vmem_shared>>
      %dma_wait3A_745 = arith.constant 0 : i32
      %dma_wait3A_746 = tpu.memref_slice %arg10[%add3A_598, %dma_wait3A_745] : memref<10240x64xf32, #tpu.memory_space<vmem_shared>> -> memref<16x64xf32, #tpu.memory_space<vmem_shared>>
      tpu.wait_dma2 semaphore(%run_scoped3A : memref<!tpu.dma_semaphore, #tpu.memory_space<semaphore_mem>>) src(%arg9 : memref<16x64xf32, #tpu.memory_space<vmem>>) dst(%dma_wait3A_746 : memref<16x64xf32, #tpu.memory_space<vmem_shared>>)
      tpu.yield
    }) : () -> ()
    %mul3A_599 = arith.constant 640 : i32
    %mul3A_600 = arith.muli %arg1, %mul3A_599 : i32
    %add3A_601 = arith.constant 352 : i32
    %add3A_602 = arith.addi %mul3A_600, %add3A_601 : i32
    "tpu.region"() ({
      %run_scoped3A = tpu.sem_alloc : memref<!tpu.dma_semaphore, #tpu.memory_space<semaphore_mem>>
      %dma_start3A_740 = arith.constant 0 : i32
      %dma_start3A_741 = tpu.memref_slice %arg10[%add3A_602, %dma_start3A_740] : memref<10240x64xf32, #tpu.memory_space<vmem_shared>> -> memref<16x64xf32, #tpu.memory_space<vmem_shared>>
      %dma_start3A_742 = arith.constant 0 : i32
      %dma_start3A_743 = tpu.memref_slice %arg10[%add3A_602, %dma_start3A_742] : memref<10240x64xf32, #tpu.memory_space<vmem_shared>> -> memref<16x64xf32, #tpu.memory_space<vmem_shared>>
      tpu.enqueue_dma source(%arg9 : memref<16x64xf32, #tpu.memory_space<vmem>>) target(%dma_start3A_743 : memref<16x64xf32, #tpu.memory_space<vmem_shared>>) target_semaphore(%run_scoped3A : memref<!tpu.dma_semaphore, #tpu.memory_space<semaphore_mem>>)
      %dma_wait3A = arith.constant 0 : i32
      %dma_wait3A_744 = tpu.memref_slice %arg10[%add3A_602, %dma_wait3A] : memref<10240x64xf32, #tpu.memory_space<vmem_shared>> -> memref<16x64xf32, #tpu.memory_space<vmem_shared>>
      %dma_wait3A_745 = arith.constant 0 : i32
      %dma_wait3A_746 = tpu.memref_slice %arg10[%add3A_602, %dma_wait3A_745] : memref<10240x64xf32, #tpu.memory_space<vmem_shared>> -> memref<16x64xf32, #tpu.memory_space<vmem_shared>>
      tpu.wait_dma2 semaphore(%run_scoped3A : memref<!tpu.dma_semaphore, #tpu.memory_space<semaphore_mem>>) src(%arg9 : memref<16x64xf32, #tpu.memory_space<vmem>>) dst(%dma_wait3A_746 : memref<16x64xf32, #tpu.memory_space<vmem_shared>>)
      tpu.yield
    }) : () -> ()
    %mul3A_603 = arith.constant 640 : i32
    %mul3A_604 = arith.muli %arg1, %mul3A_603 : i32
    %add3A_605 = arith.constant 368 : i32
    %add3A_606 = arith.addi %mul3A_604, %add3A_605 : i32
    "tpu.region"() ({
      %run_scoped3A = tpu.sem_alloc : memref<!tpu.dma_semaphore, #tpu.memory_space<semaphore_mem>>
      %dma_start3A_740 = arith.constant 0 : i32
      %dma_start3A_741 = tpu.memref_slice %arg10[%add3A_606, %dma_start3A_740] : memref<10240x64xf32, #tpu.memory_space<vmem_shared>> -> memref<16x64xf32, #tpu.memory_space<vmem_shared>>
      %dma_start3A_742 = arith.constant 0 : i32
      %dma_start3A_743 = tpu.memref_slice %arg10[%add3A_606, %dma_start3A_742] : memref<10240x64xf32, #tpu.memory_space<vmem_shared>> -> memref<16x64xf32, #tpu.memory_space<vmem_shared>>
      tpu.enqueue_dma source(%arg9 : memref<16x64xf32, #tpu.memory_space<vmem>>) target(%dma_start3A_743 : memref<16x64xf32, #tpu.memory_space<vmem_shared>>) target_semaphore(%run_scoped3A : memref<!tpu.dma_semaphore, #tpu.memory_space<semaphore_mem>>)
      %dma_wait3A = arith.constant 0 : i32
      %dma_wait3A_744 = tpu.memref_slice %arg10[%add3A_606, %dma_wait3A] : memref<10240x64xf32, #tpu.memory_space<vmem_shared>> -> memref<16x64xf32, #tpu.memory_space<vmem_shared>>
      %dma_wait3A_745 = arith.constant 0 : i32
      %dma_wait3A_746 = tpu.memref_slice %arg10[%add3A_606, %dma_wait3A_745] : memref<10240x64xf32, #tpu.memory_space<vmem_shared>> -> memref<16x64xf32, #tpu.memory_space<vmem_shared>>
      tpu.wait_dma2 semaphore(%run_scoped3A : memref<!tpu.dma_semaphore, #tpu.memory_space<semaphore_mem>>) src(%arg9 : memref<16x64xf32, #tpu.memory_space<vmem>>) dst(%dma_wait3A_746 : memref<16x64xf32, #tpu.memory_space<vmem_shared>>)
      tpu.yield
    }) : () -> ()
    %mul3A_607 = arith.constant 640 : i32
    %mul3A_608 = arith.muli %arg1, %mul3A_607 : i32
    %add3A_609 = arith.constant 384 : i32
    %add3A_610 = arith.addi %mul3A_608, %add3A_609 : i32
    "tpu.region"() ({
      %run_scoped3A = tpu.sem_alloc : memref<!tpu.dma_semaphore, #tpu.memory_space<semaphore_mem>>
      %dma_start3A_740 = arith.constant 0 : i32
      %dma_start3A_741 = tpu.memref_slice %arg10[%add3A_610, %dma_start3A_740] : memref<10240x64xf32, #tpu.memory_space<vmem_shared>> -> memref<16x64xf32, #tpu.memory_space<vmem_shared>>
      %dma_start3A_742 = arith.constant 0 : i32
      %dma_start3A_743 = tpu.memref_slice %arg10[%add3A_610, %dma_start3A_742] : memref<10240x64xf32, #tpu.memory_space<vmem_shared>> -> memref<16x64xf32, #tpu.memory_space<vmem_shared>>
      tpu.enqueue_dma source(%arg9 : memref<16x64xf32, #tpu.memory_space<vmem>>) target(%dma_start3A_743 : memref<16x64xf32, #tpu.memory_space<vmem_shared>>) target_semaphore(%run_scoped3A : memref<!tpu.dma_semaphore, #tpu.memory_space<semaphore_mem>>)
      %dma_wait3A = arith.constant 0 : i32
      %dma_wait3A_744 = tpu.memref_slice %arg10[%add3A_610, %dma_wait3A] : memref<10240x64xf32, #tpu.memory_space<vmem_shared>> -> memref<16x64xf32, #tpu.memory_space<vmem_shared>>
      %dma_wait3A_745 = arith.constant 0 : i32
      %dma_wait3A_746 = tpu.memref_slice %arg10[%add3A_610, %dma_wait3A_745] : memref<10240x64xf32, #tpu.memory_space<vmem_shared>> -> memref<16x64xf32, #tpu.memory_space<vmem_shared>>
      tpu.wait_dma2 semaphore(%run_scoped3A : memref<!tpu.dma_semaphore, #tpu.memory_space<semaphore_mem>>) src(%arg9 : memref<16x64xf32, #tpu.memory_space<vmem>>) dst(%dma_wait3A_746 : memref<16x64xf32, #tpu.memory_space<vmem_shared>>)
      tpu.yield
    }) : () -> ()
    %mul3A_611 = arith.constant 640 : i32
    %mul3A_612 = arith.muli %arg1, %mul3A_611 : i32
    %add3A_613 = arith.constant 400 : i32
    %add3A_614 = arith.addi %mul3A_612, %add3A_613 : i32
    "tpu.region"() ({
      %run_scoped3A = tpu.sem_alloc : memref<!tpu.dma_semaphore, #tpu.memory_space<semaphore_mem>>
      %dma_start3A_740 = arith.constant 0 : i32
      %dma_start3A_741 = tpu.memref_slice %arg10[%add3A_614, %dma_start3A_740] : memref<10240x64xf32, #tpu.memory_space<vmem_shared>> -> memref<16x64xf32, #tpu.memory_space<vmem_shared>>
      %dma_start3A_742 = arith.constant 0 : i32
      %dma_start3A_743 = tpu.memref_slice %arg10[%add3A_614, %dma_start3A_742] : memref<10240x64xf32, #tpu.memory_space<vmem_shared>> -> memref<16x64xf32, #tpu.memory_space<vmem_shared>>
      tpu.enqueue_dma source(%arg9 : memref<16x64xf32, #tpu.memory_space<vmem>>) target(%dma_start3A_743 : memref<16x64xf32, #tpu.memory_space<vmem_shared>>) target_semaphore(%run_scoped3A : memref<!tpu.dma_semaphore, #tpu.memory_space<semaphore_mem>>)
      %dma_wait3A = arith.constant 0 : i32
      %dma_wait3A_744 = tpu.memref_slice %arg10[%add3A_614, %dma_wait3A] : memref<10240x64xf32, #tpu.memory_space<vmem_shared>> -> memref<16x64xf32, #tpu.memory_space<vmem_shared>>
      %dma_wait3A_745 = arith.constant 0 : i32
      %dma_wait3A_746 = tpu.memref_slice %arg10[%add3A_614, %dma_wait3A_745] : memref<10240x64xf32, #tpu.memory_space<vmem_shared>> -> memref<16x64xf32, #tpu.memory_space<vmem_shared>>
      tpu.wait_dma2 semaphore(%run_scoped3A : memref<!tpu.dma_semaphore, #tpu.memory_space<semaphore_mem>>) src(%arg9 : memref<16x64xf32, #tpu.memory_space<vmem>>) dst(%dma_wait3A_746 : memref<16x64xf32, #tpu.memory_space<vmem_shared>>)
      tpu.yield
    }) : () -> ()
    %mul3A_615 = arith.constant 640 : i32
    %mul3A_616 = arith.muli %arg1, %mul3A_615 : i32
    %add3A_617 = arith.constant 416 : i32
    %add3A_618 = arith.addi %mul3A_616, %add3A_617 : i32
    "tpu.region"() ({
      %run_scoped3A = tpu.sem_alloc : memref<!tpu.dma_semaphore, #tpu.memory_space<semaphore_mem>>
      %dma_start3A_740 = arith.constant 0 : i32
      %dma_start3A_741 = tpu.memref_slice %arg10[%add3A_618, %dma_start3A_740] : memref<10240x64xf32, #tpu.memory_space<vmem_shared>> -> memref<16x64xf32, #tpu.memory_space<vmem_shared>>
      %dma_start3A_742 = arith.constant 0 : i32
      %dma_start3A_743 = tpu.memref_slice %arg10[%add3A_618, %dma_start3A_742] : memref<10240x64xf32, #tpu.memory_space<vmem_shared>> -> memref<16x64xf32, #tpu.memory_space<vmem_shared>>
      tpu.enqueue_dma source(%arg9 : memref<16x64xf32, #tpu.memory_space<vmem>>) target(%dma_start3A_743 : memref<16x64xf32, #tpu.memory_space<vmem_shared>>) target_semaphore(%run_scoped3A : memref<!tpu.dma_semaphore, #tpu.memory_space<semaphore_mem>>)
      %dma_wait3A = arith.constant 0 : i32
      %dma_wait3A_744 = tpu.memref_slice %arg10[%add3A_618, %dma_wait3A] : memref<10240x64xf32, #tpu.memory_space<vmem_shared>> -> memref<16x64xf32, #tpu.memory_space<vmem_shared>>
      %dma_wait3A_745 = arith.constant 0 : i32
      %dma_wait3A_746 = tpu.memref_slice %arg10[%add3A_618, %dma_wait3A_745] : memref<10240x64xf32, #tpu.memory_space<vmem_shared>> -> memref<16x64xf32, #tpu.memory_space<vmem_shared>>
      tpu.wait_dma2 semaphore(%run_scoped3A : memref<!tpu.dma_semaphore, #tpu.memory_space<semaphore_mem>>) src(%arg9 : memref<16x64xf32, #tpu.memory_space<vmem>>) dst(%dma_wait3A_746 : memref<16x64xf32, #tpu.memory_space<vmem_shared>>)
      tpu.yield
    }) : () -> ()
    %mul3A_619 = arith.constant 640 : i32
    %mul3A_620 = arith.muli %arg1, %mul3A_619 : i32
    %add3A_621 = arith.constant 432 : i32
    %add3A_622 = arith.addi %mul3A_620, %add3A_621 : i32
    "tpu.region"() ({
      %run_scoped3A = tpu.sem_alloc : memref<!tpu.dma_semaphore, #tpu.memory_space<semaphore_mem>>
      %dma_start3A_740 = arith.constant 0 : i32
      %dma_start3A_741 = tpu.memref_slice %arg10[%add3A_622, %dma_start3A_740] : memref<10240x64xf32, #tpu.memory_space<vmem_shared>> -> memref<16x64xf32, #tpu.memory_space<vmem_shared>>
      %dma_start3A_742 = arith.constant 0 : i32
      %dma_start3A_743 = tpu.memref_slice %arg10[%add3A_622, %dma_start3A_742] : memref<10240x64xf32, #tpu.memory_space<vmem_shared>> -> memref<16x64xf32, #tpu.memory_space<vmem_shared>>
      tpu.enqueue_dma source(%arg9 : memref<16x64xf32, #tpu.memory_space<vmem>>) target(%dma_start3A_743 : memref<16x64xf32, #tpu.memory_space<vmem_shared>>) target_semaphore(%run_scoped3A : memref<!tpu.dma_semaphore, #tpu.memory_space<semaphore_mem>>)
      %dma_wait3A = arith.constant 0 : i32
      %dma_wait3A_744 = tpu.memref_slice %arg10[%add3A_622, %dma_wait3A] : memref<10240x64xf32, #tpu.memory_space<vmem_shared>> -> memref<16x64xf32, #tpu.memory_space<vmem_shared>>
      %dma_wait3A_745 = arith.constant 0 : i32
      %dma_wait3A_746 = tpu.memref_slice %arg10[%add3A_622, %dma_wait3A_745] : memref<10240x64xf32, #tpu.memory_space<vmem_shared>> -> memref<16x64xf32, #tpu.memory_space<vmem_shared>>
      tpu.wait_dma2 semaphore(%run_scoped3A : memref<!tpu.dma_semaphore, #tpu.memory_space<semaphore_mem>>) src(%arg9 : memref<16x64xf32, #tpu.memory_space<vmem>>) dst(%dma_wait3A_746 : memref<16x64xf32, #tpu.memory_space<vmem_shared>>)
      tpu.yield
    }) : () -> ()
    %mul3A_623 = arith.constant 640 : i32
    %mul3A_624 = arith.muli %arg1, %mul3A_623 : i32
    %add3A_625 = arith.constant 448 : i32
    %add3A_626 = arith.addi %mul3A_624, %add3A_625 : i32
    "tpu.region"() ({
      %run_scoped3A = tpu.sem_alloc : memref<!tpu.dma_semaphore, #tpu.memory_space<semaphore_mem>>
      %dma_start3A_740 = arith.constant 0 : i32
      %dma_start3A_741 = tpu.memref_slice %arg10[%add3A_626, %dma_start3A_740] : memref<10240x64xf32, #tpu.memory_space<vmem_shared>> -> memref<16x64xf32, #tpu.memory_space<vmem_shared>>
      %dma_start3A_742 = arith.constant 0 : i32
      %dma_start3A_743 = tpu.memref_slice %arg10[%add3A_626, %dma_start3A_742] : memref<10240x64xf32, #tpu.memory_space<vmem_shared>> -> memref<16x64xf32, #tpu.memory_space<vmem_shared>>
      tpu.enqueue_dma source(%arg9 : memref<16x64xf32, #tpu.memory_space<vmem>>) target(%dma_start3A_743 : memref<16x64xf32, #tpu.memory_space<vmem_shared>>) target_semaphore(%run_scoped3A : memref<!tpu.dma_semaphore, #tpu.memory_space<semaphore_mem>>)
      %dma_wait3A = arith.constant 0 : i32
      %dma_wait3A_744 = tpu.memref_slice %arg10[%add3A_626, %dma_wait3A] : memref<10240x64xf32, #tpu.memory_space<vmem_shared>> -> memref<16x64xf32, #tpu.memory_space<vmem_shared>>
      %dma_wait3A_745 = arith.constant 0 : i32
      %dma_wait3A_746 = tpu.memref_slice %arg10[%add3A_626, %dma_wait3A_745] : memref<10240x64xf32, #tpu.memory_space<vmem_shared>> -> memref<16x64xf32, #tpu.memory_space<vmem_shared>>
      tpu.wait_dma2 semaphore(%run_scoped3A : memref<!tpu.dma_semaphore, #tpu.memory_space<semaphore_mem>>) src(%arg9 : memref<16x64xf32, #tpu.memory_space<vmem>>) dst(%dma_wait3A_746 : memref<16x64xf32, #tpu.memory_space<vmem_shared>>)
      tpu.yield
    }) : () -> ()
    %mul3A_627 = arith.constant 640 : i32
    %mul3A_628 = arith.muli %arg1, %mul3A_627 : i32
    %add3A_629 = arith.constant 464 : i32
    %add3A_630 = arith.addi %mul3A_628, %add3A_629 : i32
    "tpu.region"() ({
      %run_scoped3A = tpu.sem_alloc : memref<!tpu.dma_semaphore, #tpu.memory_space<semaphore_mem>>
      %dma_start3A_740 = arith.constant 0 : i32
      %dma_start3A_741 = tpu.memref_slice %arg10[%add3A_630, %dma_start3A_740] : memref<10240x64xf32, #tpu.memory_space<vmem_shared>> -> memref<16x64xf32, #tpu.memory_space<vmem_shared>>
      %dma_start3A_742 = arith.constant 0 : i32
      %dma_start3A_743 = tpu.memref_slice %arg10[%add3A_630, %dma_start3A_742] : memref<10240x64xf32, #tpu.memory_space<vmem_shared>> -> memref<16x64xf32, #tpu.memory_space<vmem_shared>>
      tpu.enqueue_dma source(%arg9 : memref<16x64xf32, #tpu.memory_space<vmem>>) target(%dma_start3A_743 : memref<16x64xf32, #tpu.memory_space<vmem_shared>>) target_semaphore(%run_scoped3A : memref<!tpu.dma_semaphore, #tpu.memory_space<semaphore_mem>>)
      %dma_wait3A = arith.constant 0 : i32
      %dma_wait3A_744 = tpu.memref_slice %arg10[%add3A_630, %dma_wait3A] : memref<10240x64xf32, #tpu.memory_space<vmem_shared>> -> memref<16x64xf32, #tpu.memory_space<vmem_shared>>
      %dma_wait3A_745 = arith.constant 0 : i32
      %dma_wait3A_746 = tpu.memref_slice %arg10[%add3A_630, %dma_wait3A_745] : memref<10240x64xf32, #tpu.memory_space<vmem_shared>> -> memref<16x64xf32, #tpu.memory_space<vmem_shared>>
      tpu.wait_dma2 semaphore(%run_scoped3A : memref<!tpu.dma_semaphore, #tpu.memory_space<semaphore_mem>>) src(%arg9 : memref<16x64xf32, #tpu.memory_space<vmem>>) dst(%dma_wait3A_746 : memref<16x64xf32, #tpu.memory_space<vmem_shared>>)
      tpu.yield
    }) : () -> ()
    %mul3A_631 = arith.constant 640 : i32
    %mul3A_632 = arith.muli %arg1, %mul3A_631 : i32
    %add3A_633 = arith.constant 480 : i32
    %add3A_634 = arith.addi %mul3A_632, %add3A_633 : i32
    "tpu.region"() ({
      %run_scoped3A = tpu.sem_alloc : memref<!tpu.dma_semaphore, #tpu.memory_space<semaphore_mem>>
      %dma_start3A_740 = arith.constant 0 : i32
      %dma_start3A_741 = tpu.memref_slice %arg10[%add3A_634, %dma_start3A_740] : memref<10240x64xf32, #tpu.memory_space<vmem_shared>> -> memref<16x64xf32, #tpu.memory_space<vmem_shared>>
      %dma_start3A_742 = arith.constant 0 : i32
      %dma_start3A_743 = tpu.memref_slice %arg10[%add3A_634, %dma_start3A_742] : memref<10240x64xf32, #tpu.memory_space<vmem_shared>> -> memref<16x64xf32, #tpu.memory_space<vmem_shared>>
      tpu.enqueue_dma source(%arg9 : memref<16x64xf32, #tpu.memory_space<vmem>>) target(%dma_start3A_743 : memref<16x64xf32, #tpu.memory_space<vmem_shared>>) target_semaphore(%run_scoped3A : memref<!tpu.dma_semaphore, #tpu.memory_space<semaphore_mem>>)
      %dma_wait3A = arith.constant 0 : i32
      %dma_wait3A_744 = tpu.memref_slice %arg10[%add3A_634, %dma_wait3A] : memref<10240x64xf32, #tpu.memory_space<vmem_shared>> -> memref<16x64xf32, #tpu.memory_space<vmem_shared>>
      %dma_wait3A_745 = arith.constant 0 : i32
      %dma_wait3A_746 = tpu.memref_slice %arg10[%add3A_634, %dma_wait3A_745] : memref<10240x64xf32, #tpu.memory_space<vmem_shared>> -> memref<16x64xf32, #tpu.memory_space<vmem_shared>>
      tpu.wait_dma2 semaphore(%run_scoped3A : memref<!tpu.dma_semaphore, #tpu.memory_space<semaphore_mem>>) src(%arg9 : memref<16x64xf32, #tpu.memory_space<vmem>>) dst(%dma_wait3A_746 : memref<16x64xf32, #tpu.memory_space<vmem_shared>>)
      tpu.yield
    }) : () -> ()
    %mul3A_635 = arith.constant 640 : i32
    %mul3A_636 = arith.muli %arg1, %mul3A_635 : i32
    %add3A_637 = arith.constant 496 : i32
    %add3A_638 = arith.addi %mul3A_636, %add3A_637 : i32
    "tpu.region"() ({
      %run_scoped3A = tpu.sem_alloc : memref<!tpu.dma_semaphore, #tpu.memory_space<semaphore_mem>>
      %dma_start3A_740 = arith.constant 0 : i32
      %dma_start3A_741 = tpu.memref_slice %arg10[%add3A_638, %dma_start3A_740] : memref<10240x64xf32, #tpu.memory_space<vmem_shared>> -> memref<16x64xf32, #tpu.memory_space<vmem_shared>>
      %dma_start3A_742 = arith.constant 0 : i32
      %dma_start3A_743 = tpu.memref_slice %arg10[%add3A_638, %dma_start3A_742] : memref<10240x64xf32, #tpu.memory_space<vmem_shared>> -> memref<16x64xf32, #tpu.memory_space<vmem_shared>>
      tpu.enqueue_dma source(%arg9 : memref<16x64xf32, #tpu.memory_space<vmem>>) target(%dma_start3A_743 : memref<16x64xf32, #tpu.memory_space<vmem_shared>>) target_semaphore(%run_scoped3A : memref<!tpu.dma_semaphore, #tpu.memory_space<semaphore_mem>>)
      %dma_wait3A = arith.constant 0 : i32
      %dma_wait3A_744 = tpu.memref_slice %arg10[%add3A_638, %dma_wait3A] : memref<10240x64xf32, #tpu.memory_space<vmem_shared>> -> memref<16x64xf32, #tpu.memory_space<vmem_shared>>
      %dma_wait3A_745 = arith.constant 0 : i32
      %dma_wait3A_746 = tpu.memref_slice %arg10[%add3A_638, %dma_wait3A_745] : memref<10240x64xf32, #tpu.memory_space<vmem_shared>> -> memref<16x64xf32, #tpu.memory_space<vmem_shared>>
      tpu.wait_dma2 semaphore(%run_scoped3A : memref<!tpu.dma_semaphore, #tpu.memory_space<semaphore_mem>>) src(%arg9 : memref<16x64xf32, #tpu.memory_space<vmem>>) dst(%dma_wait3A_746 : memref<16x64xf32, #tpu.memory_space<vmem_shared>>)
      tpu.yield
    }) : () -> ()
    %mul3A_639 = arith.constant 640 : i32
    %mul3A_640 = arith.muli %arg1, %mul3A_639 : i32
    %add3A_641 = arith.constant 512 : i32
    %add3A_642 = arith.addi %mul3A_640, %add3A_641 : i32
    "tpu.region"() ({
      %run_scoped3A = tpu.sem_alloc : memref<!tpu.dma_semaphore, #tpu.memory_space<semaphore_mem>>
      %dma_start3A_740 = arith.constant 0 : i32
      %dma_start3A_741 = tpu.memref_slice %arg10[%add3A_642, %dma_start3A_740] : memref<10240x64xf32, #tpu.memory_space<vmem_shared>> -> memref<16x64xf32, #tpu.memory_space<vmem_shared>>
      %dma_start3A_742 = arith.constant 0 : i32
      %dma_start3A_743 = tpu.memref_slice %arg10[%add3A_642, %dma_start3A_742] : memref<10240x64xf32, #tpu.memory_space<vmem_shared>> -> memref<16x64xf32, #tpu.memory_space<vmem_shared>>
      tpu.enqueue_dma source(%arg9 : memref<16x64xf32, #tpu.memory_space<vmem>>) target(%dma_start3A_743 : memref<16x64xf32, #tpu.memory_space<vmem_shared>>) target_semaphore(%run_scoped3A : memref<!tpu.dma_semaphore, #tpu.memory_space<semaphore_mem>>)
      %dma_wait3A = arith.constant 0 : i32
      %dma_wait3A_744 = tpu.memref_slice %arg10[%add3A_642, %dma_wait3A] : memref<10240x64xf32, #tpu.memory_space<vmem_shared>> -> memref<16x64xf32, #tpu.memory_space<vmem_shared>>
      %dma_wait3A_745 = arith.constant 0 : i32
      %dma_wait3A_746 = tpu.memref_slice %arg10[%add3A_642, %dma_wait3A_745] : memref<10240x64xf32, #tpu.memory_space<vmem_shared>> -> memref<16x64xf32, #tpu.memory_space<vmem_shared>>
      tpu.wait_dma2 semaphore(%run_scoped3A : memref<!tpu.dma_semaphore, #tpu.memory_space<semaphore_mem>>) src(%arg9 : memref<16x64xf32, #tpu.memory_space<vmem>>) dst(%dma_wait3A_746 : memref<16x64xf32, #tpu.memory_space<vmem_shared>>)
      tpu.yield
    }) : () -> ()
    %mul3A_643 = arith.constant 640 : i32
    %mul3A_644 = arith.muli %arg1, %mul3A_643 : i32
    %add3A_645 = arith.constant 528 : i32
    %add3A_646 = arith.addi %mul3A_644, %add3A_645 : i32
    "tpu.region"() ({
      %run_scoped3A = tpu.sem_alloc : memref<!tpu.dma_semaphore, #tpu.memory_space<semaphore_mem>>
      %dma_start3A_740 = arith.constant 0 : i32
      %dma_start3A_741 = tpu.memref_slice %arg10[%add3A_646, %dma_start3A_740] : memref<10240x64xf32, #tpu.memory_space<vmem_shared>> -> memref<16x64xf32, #tpu.memory_space<vmem_shared>>
      %dma_start3A_742 = arith.constant 0 : i32
      %dma_start3A_743 = tpu.memref_slice %arg10[%add3A_646, %dma_start3A_742] : memref<10240x64xf32, #tpu.memory_space<vmem_shared>> -> memref<16x64xf32, #tpu.memory_space<vmem_shared>>
      tpu.enqueue_dma source(%arg9 : memref<16x64xf32, #tpu.memory_space<vmem>>) target(%dma_start3A_743 : memref<16x64xf32, #tpu.memory_space<vmem_shared>>) target_semaphore(%run_scoped3A : memref<!tpu.dma_semaphore, #tpu.memory_space<semaphore_mem>>)
      %dma_wait3A = arith.constant 0 : i32
      %dma_wait3A_744 = tpu.memref_slice %arg10[%add3A_646, %dma_wait3A] : memref<10240x64xf32, #tpu.memory_space<vmem_shared>> -> memref<16x64xf32, #tpu.memory_space<vmem_shared>>
      %dma_wait3A_745 = arith.constant 0 : i32
      %dma_wait3A_746 = tpu.memref_slice %arg10[%add3A_646, %dma_wait3A_745] : memref<10240x64xf32, #tpu.memory_space<vmem_shared>> -> memref<16x64xf32, #tpu.memory_space<vmem_shared>>
      tpu.wait_dma2 semaphore(%run_scoped3A : memref<!tpu.dma_semaphore, #tpu.memory_space<semaphore_mem>>) src(%arg9 : memref<16x64xf32, #tpu.memory_space<vmem>>) dst(%dma_wait3A_746 : memref<16x64xf32, #tpu.memory_space<vmem_shared>>)
      tpu.yield
    }) : () -> ()
    %mul3A_647 = arith.constant 640 : i32
    %mul3A_648 = arith.muli %arg1, %mul3A_647 : i32
    %add3A_649 = arith.constant 544 : i32
    %add3A_650 = arith.addi %mul3A_648, %add3A_649 : i32
    "tpu.region"() ({
      %run_scoped3A = tpu.sem_alloc : memref<!tpu.dma_semaphore, #tpu.memory_space<semaphore_mem>>
      %dma_start3A_740 = arith.constant 0 : i32
      %dma_start3A_741 = tpu.memref_slice %arg10[%add3A_650, %dma_start3A_740] : memref<10240x64xf32, #tpu.memory_space<vmem_shared>> -> memref<16x64xf32, #tpu.memory_space<vmem_shared>>
      %dma_start3A_742 = arith.constant 0 : i32
      %dma_start3A_743 = tpu.memref_slice %arg10[%add3A_650, %dma_start3A_742] : memref<10240x64xf32, #tpu.memory_space<vmem_shared>> -> memref<16x64xf32, #tpu.memory_space<vmem_shared>>
      tpu.enqueue_dma source(%arg9 : memref<16x64xf32, #tpu.memory_space<vmem>>) target(%dma_start3A_743 : memref<16x64xf32, #tpu.memory_space<vmem_shared>>) target_semaphore(%run_scoped3A : memref<!tpu.dma_semaphore, #tpu.memory_space<semaphore_mem>>)
      %dma_wait3A = arith.constant 0 : i32
      %dma_wait3A_744 = tpu.memref_slice %arg10[%add3A_650, %dma_wait3A] : memref<10240x64xf32, #tpu.memory_space<vmem_shared>> -> memref<16x64xf32, #tpu.memory_space<vmem_shared>>
      %dma_wait3A_745 = arith.constant 0 : i32
      %dma_wait3A_746 = tpu.memref_slice %arg10[%add3A_650, %dma_wait3A_745] : memref<10240x64xf32, #tpu.memory_space<vmem_shared>> -> memref<16x64xf32, #tpu.memory_space<vmem_shared>>
      tpu.wait_dma2 semaphore(%run_scoped3A : memref<!tpu.dma_semaphore, #tpu.memory_space<semaphore_mem>>) src(%arg9 : memref<16x64xf32, #tpu.memory_space<vmem>>) dst(%dma_wait3A_746 : memref<16x64xf32, #tpu.memory_space<vmem_shared>>)
      tpu.yield
    }) : () -> ()
    %mul3A_651 = arith.constant 640 : i32
    %mul3A_652 = arith.muli %arg1, %mul3A_651 : i32
    %add3A_653 = arith.constant 560 : i32
    %add3A_654 = arith.addi %mul3A_652, %add3A_653 : i32
    "tpu.region"() ({
      %run_scoped3A = tpu.sem_alloc : memref<!tpu.dma_semaphore, #tpu.memory_space<semaphore_mem>>
      %dma_start3A_740 = arith.constant 0 : i32
      %dma_start3A_741 = tpu.memref_slice %arg10[%add3A_654, %dma_start3A_740] : memref<10240x64xf32, #tpu.memory_space<vmem_shared>> -> memref<16x64xf32, #tpu.memory_space<vmem_shared>>
      %dma_start3A_742 = arith.constant 0 : i32
      %dma_start3A_743 = tpu.memref_slice %arg10[%add3A_654, %dma_start3A_742] : memref<10240x64xf32, #tpu.memory_space<vmem_shared>> -> memref<16x64xf32, #tpu.memory_space<vmem_shared>>
      tpu.enqueue_dma source(%arg9 : memref<16x64xf32, #tpu.memory_space<vmem>>) target(%dma_start3A_743 : memref<16x64xf32, #tpu.memory_space<vmem_shared>>) target_semaphore(%run_scoped3A : memref<!tpu.dma_semaphore, #tpu.memory_space<semaphore_mem>>)
      %dma_wait3A = arith.constant 0 : i32
      %dma_wait3A_744 = tpu.memref_slice %arg10[%add3A_654, %dma_wait3A] : memref<10240x64xf32, #tpu.memory_space<vmem_shared>> -> memref<16x64xf32, #tpu.memory_space<vmem_shared>>
      %dma_wait3A_745 = arith.constant 0 : i32
      %dma_wait3A_746 = tpu.memref_slice %arg10[%add3A_654, %dma_wait3A_745] : memref<10240x64xf32, #tpu.memory_space<vmem_shared>> -> memref<16x64xf32, #tpu.memory_space<vmem_shared>>
      tpu.wait_dma2 semaphore(%run_scoped3A : memref<!tpu.dma_semaphore, #tpu.memory_space<semaphore_mem>>) src(%arg9 : memref<16x64xf32, #tpu.memory_space<vmem>>) dst(%dma_wait3A_746 : memref<16x64xf32, #tpu.memory_space<vmem_shared>>)
      tpu.yield
    }) : () -> ()
    %mul3A_655 = arith.constant 640 : i32
    %mul3A_656 = arith.muli %arg1, %mul3A_655 : i32
    %add3A_657 = arith.constant 576 : i32
    %add3A_658 = arith.addi %mul3A_656, %add3A_657 : i32
    "tpu.region"() ({
      %run_scoped3A = tpu.sem_alloc : memref<!tpu.dma_semaphore, #tpu.memory_space<semaphore_mem>>
      %dma_start3A_740 = arith.constant 0 : i32
      %dma_start3A_741 = tpu.memref_slice %arg10[%add3A_658, %dma_start3A_740] : memref<10240x64xf32, #tpu.memory_space<vmem_shared>> -> memref<16x64xf32, #tpu.memory_space<vmem_shared>>
      %dma_start3A_742 = arith.constant 0 : i32
      %dma_start3A_743 = tpu.memref_slice %arg10[%add3A_658, %dma_start3A_742] : memref<10240x64xf32, #tpu.memory_space<vmem_shared>> -> memref<16x64xf32, #tpu.memory_space<vmem_shared>>
      tpu.enqueue_dma source(%arg9 : memref<16x64xf32, #tpu.memory_space<vmem>>) target(%dma_start3A_743 : memref<16x64xf32, #tpu.memory_space<vmem_shared>>) target_semaphore(%run_scoped3A : memref<!tpu.dma_semaphore, #tpu.memory_space<semaphore_mem>>)
      %dma_wait3A = arith.constant 0 : i32
      %dma_wait3A_744 = tpu.memref_slice %arg10[%add3A_658, %dma_wait3A] : memref<10240x64xf32, #tpu.memory_space<vmem_shared>> -> memref<16x64xf32, #tpu.memory_space<vmem_shared>>
      %dma_wait3A_745 = arith.constant 0 : i32
      %dma_wait3A_746 = tpu.memref_slice %arg10[%add3A_658, %dma_wait3A_745] : memref<10240x64xf32, #tpu.memory_space<vmem_shared>> -> memref<16x64xf32, #tpu.memory_space<vmem_shared>>
      tpu.wait_dma2 semaphore(%run_scoped3A : memref<!tpu.dma_semaphore, #tpu.memory_space<semaphore_mem>>) src(%arg9 : memref<16x64xf32, #tpu.memory_space<vmem>>) dst(%dma_wait3A_746 : memref<16x64xf32, #tpu.memory_space<vmem_shared>>)
      tpu.yield
    }) : () -> ()
    %mul3A_659 = arith.constant 640 : i32
    %mul3A_660 = arith.muli %arg1, %mul3A_659 : i32
    %add3A_661 = arith.constant 592 : i32
    %add3A_662 = arith.addi %mul3A_660, %add3A_661 : i32
    "tpu.region"() ({
      %run_scoped3A = tpu.sem_alloc : memref<!tpu.dma_semaphore, #tpu.memory_space<semaphore_mem>>
      %dma_start3A_740 = arith.constant 0 : i32
      %dma_start3A_741 = tpu.memref_slice %arg10[%add3A_662, %dma_start3A_740] : memref<10240x64xf32, #tpu.memory_space<vmem_shared>> -> memref<16x64xf32, #tpu.memory_space<vmem_shared>>
      %dma_start3A_742 = arith.constant 0 : i32
      %dma_start3A_743 = tpu.memref_slice %arg10[%add3A_662, %dma_start3A_742] : memref<10240x64xf32, #tpu.memory_space<vmem_shared>> -> memref<16x64xf32, #tpu.memory_space<vmem_shared>>
      tpu.enqueue_dma source(%arg9 : memref<16x64xf32, #tpu.memory_space<vmem>>) target(%dma_start3A_743 : memref<16x64xf32, #tpu.memory_space<vmem_shared>>) target_semaphore(%run_scoped3A : memref<!tpu.dma_semaphore, #tpu.memory_space<semaphore_mem>>)
      %dma_wait3A = arith.constant 0 : i32
      %dma_wait3A_744 = tpu.memref_slice %arg10[%add3A_662, %dma_wait3A] : memref<10240x64xf32, #tpu.memory_space<vmem_shared>> -> memref<16x64xf32, #tpu.memory_space<vmem_shared>>
      %dma_wait3A_745 = arith.constant 0 : i32
      %dma_wait3A_746 = tpu.memref_slice %arg10[%add3A_662, %dma_wait3A_745] : memref<10240x64xf32, #tpu.memory_space<vmem_shared>> -> memref<16x64xf32, #tpu.memory_space<vmem_shared>>
      tpu.wait_dma2 semaphore(%run_scoped3A : memref<!tpu.dma_semaphore, #tpu.memory_space<semaphore_mem>>) src(%arg9 : memref<16x64xf32, #tpu.memory_space<vmem>>) dst(%dma_wait3A_746 : memref<16x64xf32, #tpu.memory_space<vmem_shared>>)
      tpu.yield
    }) : () -> ()
    %mul3A_663 = arith.constant 640 : i32
    %mul3A_664 = arith.muli %arg1, %mul3A_663 : i32
    %add3A_665 = arith.constant 608 : i32
    %add3A_666 = arith.addi %mul3A_664, %add3A_665 : i32
    "tpu.region"() ({
      %run_scoped3A = tpu.sem_alloc : memref<!tpu.dma_semaphore, #tpu.memory_space<semaphore_mem>>
      %dma_start3A_740 = arith.constant 0 : i32
      %dma_start3A_741 = tpu.memref_slice %arg10[%add3A_666, %dma_start3A_740] : memref<10240x64xf32, #tpu.memory_space<vmem_shared>> -> memref<16x64xf32, #tpu.memory_space<vmem_shared>>
      %dma_start3A_742 = arith.constant 0 : i32
      %dma_start3A_743 = tpu.memref_slice %arg10[%add3A_666, %dma_start3A_742] : memref<10240x64xf32, #tpu.memory_space<vmem_shared>> -> memref<16x64xf32, #tpu.memory_space<vmem_shared>>
      tpu.enqueue_dma source(%arg9 : memref<16x64xf32, #tpu.memory_space<vmem>>) target(%dma_start3A_743 : memref<16x64xf32, #tpu.memory_space<vmem_shared>>) target_semaphore(%run_scoped3A : memref<!tpu.dma_semaphore, #tpu.memory_space<semaphore_mem>>)
      %dma_wait3A = arith.constant 0 : i32
      %dma_wait3A_744 = tpu.memref_slice %arg10[%add3A_666, %dma_wait3A] : memref<10240x64xf32, #tpu.memory_space<vmem_shared>> -> memref<16x64xf32, #tpu.memory_space<vmem_shared>>
      %dma_wait3A_745 = arith.constant 0 : i32
      %dma_wait3A_746 = tpu.memref_slice %arg10[%add3A_666, %dma_wait3A_745] : memref<10240x64xf32, #tpu.memory_space<vmem_shared>> -> memref<16x64xf32, #tpu.memory_space<vmem_shared>>
      tpu.wait_dma2 semaphore(%run_scoped3A : memref<!tpu.dma_semaphore, #tpu.memory_space<semaphore_mem>>) src(%arg9 : memref<16x64xf32, #tpu.memory_space<vmem>>) dst(%dma_wait3A_746 : memref<16x64xf32, #tpu.memory_space<vmem_shared>>)
      tpu.yield
    }) : () -> ()
    %mul3A_667 = arith.constant 640 : i32
    %mul3A_668 = arith.muli %arg1, %mul3A_667 : i32
    %add3A_669 = arith.constant 624 : i32
    %add3A_670 = arith.addi %mul3A_668, %add3A_669 : i32
    "tpu.region"() ({
      %run_scoped3A = tpu.sem_alloc : memref<!tpu.dma_semaphore, #tpu.memory_space<semaphore_mem>>
      %dma_start3A_740 = arith.constant 0 : i32
      %dma_start3A_741 = tpu.memref_slice %arg10[%add3A_670, %dma_start3A_740] : memref<10240x64xf32, #tpu.memory_space<vmem_shared>> -> memref<16x64xf32, #tpu.memory_space<vmem_shared>>
      %dma_start3A_742 = arith.constant 0 : i32
      %dma_start3A_743 = tpu.memref_slice %arg10[%add3A_670, %dma_start3A_742] : memref<10240x64xf32, #tpu.memory_space<vmem_shared>> -> memref<16x64xf32, #tpu.memory_space<vmem_shared>>
      tpu.enqueue_dma source(%arg9 : memref<16x64xf32, #tpu.memory_space<vmem>>) target(%dma_start3A_743 : memref<16x64xf32, #tpu.memory_space<vmem_shared>>) target_semaphore(%run_scoped3A : memref<!tpu.dma_semaphore, #tpu.memory_space<semaphore_mem>>)
      %dma_wait3A = arith.constant 0 : i32
      %dma_wait3A_744 = tpu.memref_slice %arg10[%add3A_670, %dma_wait3A] : memref<10240x64xf32, #tpu.memory_space<vmem_shared>> -> memref<16x64xf32, #tpu.memory_space<vmem_shared>>
      %dma_wait3A_745 = arith.constant 0 : i32
      %dma_wait3A_746 = tpu.memref_slice %arg10[%add3A_670, %dma_wait3A_745] : memref<10240x64xf32, #tpu.memory_space<vmem_shared>> -> memref<16x64xf32, #tpu.memory_space<vmem_shared>>
      tpu.wait_dma2 semaphore(%run_scoped3A : memref<!tpu.dma_semaphore, #tpu.memory_space<semaphore_mem>>) src(%arg9 : memref<16x64xf32, #tpu.memory_space<vmem>>) dst(%dma_wait3A_746 : memref<16x64xf32, #tpu.memory_space<vmem_shared>>)
      tpu.yield
    }) : () -> ()
    "tpu.region"() ({
      %run_scoped3A = tpu.sem_alloc : memref<!tpu.dma_semaphore, #tpu.memory_space<semaphore_mem>>
      %dma_start3A_740 = arith.constant 0 : i32
      %dma_start3A_741 = arith.constant 0 : i32
      %dma_start3A_742 = tpu.memref_slice %arg3[%add3A, %dma_start3A_740, %dma_start3A_741] : memref<32x80x125xi32, #tpu.memory_space<hbm>> -> memref<1x80x125xi32, #tpu.memory_space<hbm>>
      %dma_start3A_743 = tpu.memref_squeeze %dma_start3A_742 : memref<1x80x125xi32, #tpu.memory_space<hbm>> -> memref<80x125xi32, #tpu.memory_space<hbm>>
      %dma_start3A_744 = arith.constant 0 : i32
      %dma_start3A_745 = arith.constant 0 : i32
      %dma_start3A_746 = tpu.memref_slice %arg3[%add3A, %dma_start3A_744, %dma_start3A_745] : memref<32x80x125xi32, #tpu.memory_space<hbm>> -> memref<1x80x125xi32, #tpu.memory_space<hbm>>
      %dma_start3A_747 = tpu.memref_squeeze %dma_start3A_746 : memref<1x80x125xi32, #tpu.memory_space<hbm>> -> memref<80x125xi32, #tpu.memory_space<hbm>>
      tpu.enqueue_dma source(%dma_start3A_747 : memref<80x125xi32, #tpu.memory_space<hbm>>) target(%arg6 : memref<80x125xi32, #tpu.memory_space<vmem>>) target_semaphore(%run_scoped3A : memref<!tpu.dma_semaphore, #tpu.memory_space<semaphore_mem>>)
      %dma_wait3A = arith.constant 0 : i32
      %dma_wait3A_748 = arith.constant 0 : i32
      %dma_wait3A_749 = tpu.memref_slice %arg3[%add3A, %dma_wait3A, %dma_wait3A_748] : memref<32x80x125xi32, #tpu.memory_space<hbm>> -> memref<1x80x125xi32, #tpu.memory_space<hbm>>
      %dma_wait3A_750 = tpu.memref_squeeze %dma_wait3A_749 : memref<1x80x125xi32, #tpu.memory_space<hbm>> -> memref<80x125xi32, #tpu.memory_space<hbm>>
      %dma_wait3A_751 = arith.constant 0 : i32
      %dma_wait3A_752 = arith.constant 0 : i32
      %dma_wait3A_753 = tpu.memref_slice %arg3[%add3A, %dma_wait3A_751, %dma_wait3A_752] : memref<32x80x125xi32, #tpu.memory_space<hbm>> -> memref<1x80x125xi32, #tpu.memory_space<hbm>>
      %dma_wait3A_754 = tpu.memref_squeeze %dma_wait3A_753 : memref<1x80x125xi32, #tpu.memory_space<hbm>> -> memref<80x125xi32, #tpu.memory_space<hbm>>
      tpu.wait_dma2 semaphore(%run_scoped3A : memref<!tpu.dma_semaphore, #tpu.memory_space<semaphore_mem>>) src(%dma_wait3A_754 : memref<80x125xi32, #tpu.memory_space<hbm>>) dst(%arg6 : memref<80x125xi32, #tpu.memory_space<vmem>>)
      tpu.yield
    }) : () -> ()
    "tpu.region"() ({
      %run_scoped3A = tpu.sem_alloc : memref<!tpu.dma_semaphore, #tpu.memory_space<semaphore_mem>>
      %dma_start3A_740 = arith.constant 0 : i32
      %dma_start3A_741 = arith.constant 0 : i32
      %dma_start3A_742 = tpu.memref_slice %arg4[%add3A, %dma_start3A_740, %dma_start3A_741] : memref<32x80x125xi32, #tpu.memory_space<hbm>> -> memref<1x80x125xi32, #tpu.memory_space<hbm>>
      %dma_start3A_743 = tpu.memref_squeeze %dma_start3A_742 : memref<1x80x125xi32, #tpu.memory_space<hbm>> -> memref<80x125xi32, #tpu.memory_space<hbm>>
      %dma_start3A_744 = arith.constant 0 : i32
      %dma_start3A_745 = arith.constant 0 : i32
      %dma_start3A_746 = tpu.memref_slice %arg4[%add3A, %dma_start3A_744, %dma_start3A_745] : memref<32x80x125xi32, #tpu.memory_space<hbm>> -> memref<1x80x125xi32, #tpu.memory_space<hbm>>
      %dma_start3A_747 = tpu.memref_squeeze %dma_start3A_746 : memref<1x80x125xi32, #tpu.memory_space<hbm>> -> memref<80x125xi32, #tpu.memory_space<hbm>>
      tpu.enqueue_dma source(%dma_start3A_747 : memref<80x125xi32, #tpu.memory_space<hbm>>) target(%arg7 : memref<80x125xi32, #tpu.memory_space<vmem>>) target_semaphore(%run_scoped3A : memref<!tpu.dma_semaphore, #tpu.memory_space<semaphore_mem>>)
      %dma_wait3A = arith.constant 0 : i32
      %dma_wait3A_748 = arith.constant 0 : i32
      %dma_wait3A_749 = tpu.memref_slice %arg4[%add3A, %dma_wait3A, %dma_wait3A_748] : memref<32x80x125xi32, #tpu.memory_space<hbm>> -> memref<1x80x125xi32, #tpu.memory_space<hbm>>
      %dma_wait3A_750 = tpu.memref_squeeze %dma_wait3A_749 : memref<1x80x125xi32, #tpu.memory_space<hbm>> -> memref<80x125xi32, #tpu.memory_space<hbm>>
      %dma_wait3A_751 = arith.constant 0 : i32
      %dma_wait3A_752 = arith.constant 0 : i32
      %dma_wait3A_753 = tpu.memref_slice %arg4[%add3A, %dma_wait3A_751, %dma_wait3A_752] : memref<32x80x125xi32, #tpu.memory_space<hbm>> -> memref<1x80x125xi32, #tpu.memory_space<hbm>>
      %dma_wait3A_754 = tpu.memref_squeeze %dma_wait3A_753 : memref<1x80x125xi32, #tpu.memory_space<hbm>> -> memref<80x125xi32, #tpu.memory_space<hbm>>
      tpu.wait_dma2 semaphore(%run_scoped3A : memref<!tpu.dma_semaphore, #tpu.memory_space<semaphore_mem>>) src(%dma_wait3A_754 : memref<80x125xi32, #tpu.memory_space<hbm>>) dst(%arg7 : memref<80x125xi32, #tpu.memory_space<vmem>>)
      tpu.yield
    }) : () -> ()
    %barrier3A = arith.constant 0 : index
    tpu.barrier barrier_id(%barrier3A)
    %dma_start3A = arith.constant 0 : i32
    %dma_start3A_671 = arith.constant 0 : i32
    %dma_start3A_672 = arith.constant 0 : i32
    %dma_start3A_673 = arith.constant 0 : i32
    %dma_start3A_674 = tpu.memref_slice %arg8[%dma_start3A_671, %dma_start3A_672, %dma_start3A_673] : memref<5x125x64xf32, #tpu.memory_space<vmem>> -> memref<1x125x64xf32, #tpu.memory_space<vmem>>
    %dma_start3A_675 = tpu.memref_squeeze %dma_start3A_674 : memref<1x125x64xf32, #tpu.memory_space<vmem>> -> memref<125x64xf32, #tpu.memory_space<vmem>>
    %dma_start3A_676 = arith.constant 0 : i32
    %dma_start3A_677 = tpu.memref_slice %arg6[%dma_start3A, %dma_start3A_676] : memref<80x125xi32, #tpu.memory_space<vmem>> -> memref<1x125xi32, #tpu.memory_space<vmem>>
    %dma_start3A_678 = tpu.memref_squeeze %dma_start3A_677 : memref<1x125xi32, #tpu.memory_space<vmem>> -> memref<125xi32, #tpu.memory_space<vmem>>
    %dma_start3A_679 = arith.constant 0 : i32
    %dma_start3A_680 = arith.constant 0 : i32
    %dma_start3A_681 = tpu.memref_slice %arg2[%dma_start3A_679, %dma_start3A_680] : memref<10000x64xf32, #tpu.memory_space<hbm>> -> memref<10000x64xf32, #tpu.memory_space<hbm>>
    tpu.enqueue_indirect_dma source(%dma_start3A_681 : memref<10000x64xf32, #tpu.memory_space<hbm>>) target(%dma_start3A_675 : memref<125x64xf32, #tpu.memory_space<vmem>>) offsets(%dma_start3A_678 : memref<125xi32, #tpu.memory_space<vmem>>) semaphore(%arg11 : memref<!tpu.dma_semaphore, #tpu.memory_space<semaphore_mem>>)
    %dma_start3A_682 = arith.constant 1 : i32
    %dma_start3A_683 = arith.constant 1 : i32
    %dma_start3A_684 = arith.constant 0 : i32
    %dma_start3A_685 = arith.constant 0 : i32
    %dma_start3A_686 = tpu.memref_slice %arg8[%dma_start3A_683, %dma_start3A_684, %dma_start3A_685] : memref<5x125x64xf32, #tpu.memory_space<vmem>> -> memref<1x125x64xf32, #tpu.memory_space<vmem>>
    %dma_start3A_687 = tpu.memref_squeeze %dma_start3A_686 : memref<1x125x64xf32, #tpu.memory_space<vmem>> -> memref<125x64xf32, #tpu.memory_space<vmem>>
    %dma_start3A_688 = arith.constant 0 : i32
    %dma_start3A_689 = tpu.memref_slice %arg6[%dma_start3A_682, %dma_start3A_688] : memref<80x125xi32, #tpu.memory_space<vmem>> -> memref<1x125xi32, #tpu.memory_space<vmem>>
    %dma_start3A_690 = tpu.memref_squeeze %dma_start3A_689 : memref<1x125xi32, #tpu.memory_space<vmem>> -> memref<125xi32, #tpu.memory_space<vmem>>
    %dma_start3A_691 = arith.constant 0 : i32
    %dma_start3A_692 = arith.constant 0 : i32
    %dma_start3A_693 = tpu.memref_slice %arg2[%dma_start3A_691, %dma_start3A_692] : memref<10000x64xf32, #tpu.memory_space<hbm>> -> memref<10000x64xf32, #tpu.memory_space<hbm>>
    tpu.enqueue_indirect_dma source(%dma_start3A_693 : memref<10000x64xf32, #tpu.memory_space<hbm>>) target(%dma_start3A_687 : memref<125x64xf32, #tpu.memory_space<vmem>>) offsets(%dma_start3A_690 : memref<125xi32, #tpu.memory_space<vmem>>) semaphore(%arg12 : memref<!tpu.dma_semaphore, #tpu.memory_space<semaphore_mem>>)
    %dma_start3A_694 = arith.constant 2 : i32
    %dma_start3A_695 = arith.constant 2 : i32
    %dma_start3A_696 = arith.constant 0 : i32
    %dma_start3A_697 = arith.constant 0 : i32
    %dma_start3A_698 = tpu.memref_slice %arg8[%dma_start3A_695, %dma_start3A_696, %dma_start3A_697] : memref<5x125x64xf32, #tpu.memory_space<vmem>> -> memref<1x125x64xf32, #tpu.memory_space<vmem>>
    %dma_start3A_699 = tpu.memref_squeeze %dma_start3A_698 : memref<1x125x64xf32, #tpu.memory_space<vmem>> -> memref<125x64xf32, #tpu.memory_space<vmem>>
    %dma_start3A_700 = arith.constant 0 : i32
    %dma_start3A_701 = tpu.memref_slice %arg6[%dma_start3A_694, %dma_start3A_700] : memref<80x125xi32, #tpu.memory_space<vmem>> -> memref<1x125xi32, #tpu.memory_space<vmem>>
    %dma_start3A_702 = tpu.memref_squeeze %dma_start3A_701 : memref<1x125xi32, #tpu.memory_space<vmem>> -> memref<125xi32, #tpu.memory_space<vmem>>
    %dma_start3A_703 = arith.constant 0 : i32
    %dma_start3A_704 = arith.constant 0 : i32
    %dma_start3A_705 = tpu.memref_slice %arg2[%dma_start3A_703, %dma_start3A_704] : memref<10000x64xf32, #tpu.memory_space<hbm>> -> memref<10000x64xf32, #tpu.memory_space<hbm>>
    tpu.enqueue_indirect_dma source(%dma_start3A_705 : memref<10000x64xf32, #tpu.memory_space<hbm>>) target(%dma_start3A_699 : memref<125x64xf32, #tpu.memory_space<vmem>>) offsets(%dma_start3A_702 : memref<125xi32, #tpu.memory_space<vmem>>) semaphore(%arg13 : memref<!tpu.dma_semaphore, #tpu.memory_space<semaphore_mem>>)
    %dma_start3A_706 = arith.constant 3 : i32
    %dma_start3A_707 = arith.constant 3 : i32
    %dma_start3A_708 = arith.constant 0 : i32
    %dma_start3A_709 = arith.constant 0 : i32
    %dma_start3A_710 = tpu.memref_slice %arg8[%dma_start3A_707, %dma_start3A_708, %dma_start3A_709] : memref<5x125x64xf32, #tpu.memory_space<vmem>> -> memref<1x125x64xf32, #tpu.memory_space<vmem>>
    %dma_start3A_711 = tpu.memref_squeeze %dma_start3A_710 : memref<1x125x64xf32, #tpu.memory_space<vmem>> -> memref<125x64xf32, #tpu.memory_space<vmem>>
    %dma_start3A_712 = arith.constant 0 : i32
    %dma_start3A_713 = tpu.memref_slice %arg6[%dma_start3A_706, %dma_start3A_712] : memref<80x125xi32, #tpu.memory_space<vmem>> -> memref<1x125xi32, #tpu.memory_space<vmem>>
    %dma_start3A_714 = tpu.memref_squeeze %dma_start3A_713 : memref<1x125xi32, #tpu.memory_space<vmem>> -> memref<125xi32, #tpu.memory_space<vmem>>
    %dma_start3A_715 = arith.constant 0 : i32
    %dma_start3A_716 = arith.constant 0 : i32
    %dma_start3A_717 = tpu.memref_slice %arg2[%dma_start3A_715, %dma_start3A_716] : memref<10000x64xf32, #tpu.memory_space<hbm>> -> memref<10000x64xf32, #tpu.memory_space<hbm>>
    tpu.enqueue_indirect_dma source(%dma_start3A_717 : memref<10000x64xf32, #tpu.memory_space<hbm>>) target(%dma_start3A_711 : memref<125x64xf32, #tpu.memory_space<vmem>>) offsets(%dma_start3A_714 : memref<125xi32, #tpu.memory_space<vmem>>) semaphore(%arg14 : memref<!tpu.dma_semaphore, #tpu.memory_space<semaphore_mem>>)
    %dma_start3A_718 = arith.constant 4 : i32
    %dma_start3A_719 = arith.constant 4 : i32
    %dma_start3A_720 = arith.constant 0 : i32
    %dma_start3A_721 = arith.constant 0 : i32
    %dma_start3A_722 = tpu.memref_slice %arg8[%dma_start3A_719, %dma_start3A_720, %dma_start3A_721] : memref<5x125x64xf32, #tpu.memory_space<vmem>> -> memref<1x125x64xf32, #tpu.memory_space<vmem>>
    %dma_start3A_723 = tpu.memref_squeeze %dma_start3A_722 : memref<1x125x64xf32, #tpu.memory_space<vmem>> -> memref<125x64xf32, #tpu.memory_space<vmem>>
    %dma_start3A_724 = arith.constant 0 : i32
    %dma_start3A_725 = tpu.memref_slice %arg6[%dma_start3A_718, %dma_start3A_724] : memref<80x125xi32, #tpu.memory_space<vmem>> -> memref<1x125xi32, #tpu.memory_space<vmem>>
    %dma_start3A_726 = tpu.memref_squeeze %dma_start3A_725 : memref<1x125xi32, #tpu.memory_space<vmem>> -> memref<125xi32, #tpu.memory_space<vmem>>
    %dma_start3A_727 = arith.constant 0 : i32
    %dma_start3A_728 = arith.constant 0 : i32
    %dma_start3A_729 = tpu.memref_slice %arg2[%dma_start3A_727, %dma_start3A_728] : memref<10000x64xf32, #tpu.memory_space<hbm>> -> memref<10000x64xf32, #tpu.memory_space<hbm>>
    tpu.enqueue_indirect_dma source(%dma_start3A_729 : memref<10000x64xf32, #tpu.memory_space<hbm>>) target(%dma_start3A_723 : memref<125x64xf32, #tpu.memory_space<vmem>>) offsets(%dma_start3A_726 : memref<125xi32, #tpu.memory_space<vmem>>) semaphore(%arg15 : memref<!tpu.dma_semaphore, #tpu.memory_space<semaphore_mem>>)
    %scan3A = arith.constant 0 : i32
    %scan3A_730 = arith.constant 0 : i32
    %scan3A_731 = arith.constant 16 : i32
    %scan3A_732 = arith.addi %scan3A_730, %scan3A_731 : i32
    %scan3A_733 = arith.constant 1 : i32
    scf.for %scan3A_740 = %scan3A_730 to %scan3A_732 step %scan3A_733  : i32 {
      %mul3A_741 = arith.constant 5 : i32
      %mul3A_742 = arith.muli %scan3A_740, %mul3A_741 : i32
      %add3A_743 = arith.constant 0 : i32
      %add3A_744 = arith.addi %mul3A_742, %add3A_743 : i32
      %dma_wait3A = arith.constant 0 : i32
      %dma_wait3A_745 = arith.constant 0 : i32
      %dma_wait3A_746 = arith.constant 0 : i32
      %dma_wait3A_747 = tpu.memref_slice %arg8[%dma_wait3A, %dma_wait3A_745, %dma_wait3A_746] : memref<5x125x64xf32, #tpu.memory_space<vmem>> -> memref<1x125x64xf32, #tpu.memory_space<vmem>>
      %dma_wait3A_748 = tpu.memref_squeeze %dma_wait3A_747 : memref<1x125x64xf32, #tpu.memory_space<vmem>> -> memref<125x64xf32, #tpu.memory_space<vmem>>
      %dma_wait3A_749 = arith.constant 0 : i32
      %dma_wait3A_750 = tpu.memref_slice %arg6[%add3A_744, %dma_wait3A_749] : memref<80x125xi32, #tpu.memory_space<vmem>> -> memref<1x125xi32, #tpu.memory_space<vmem>>
      %dma_wait3A_751 = tpu.memref_squeeze %dma_wait3A_750 : memref<1x125xi32, #tpu.memory_space<vmem>> -> memref<125xi32, #tpu.memory_space<vmem>>
      %dma_wait3A_752 = arith.constant 0 : i32
      %dma_wait3A_753 = arith.constant 0 : i32
      %dma_wait3A_754 = tpu.memref_slice %arg2[%dma_wait3A_752, %dma_wait3A_753] : memref<10000x64xf32, #tpu.memory_space<hbm>> -> memref<10000x64xf32, #tpu.memory_space<hbm>>
      tpu.wait_indirect_dma semaphore(%arg11 : memref<!tpu.dma_semaphore, #tpu.memory_space<semaphore_mem>>) src(%dma_wait3A_754 : memref<10000x64xf32, #tpu.memory_space<hbm>>) dst(%dma_wait3A_748 : memref<125x64xf32, #tpu.memory_space<vmem>>)
      %dma_start3A_755 = arith.constant 0 : i32
      %dma_start3A_756 = arith.constant 0 : i32
      %dma_start3A_757 = arith.constant 0 : i32
      %dma_start3A_758 = tpu.memref_slice %arg8[%dma_start3A_755, %dma_start3A_756, %dma_start3A_757] : memref<5x125x64xf32, #tpu.memory_space<vmem>> -> memref<1x125x64xf32, #tpu.memory_space<vmem>>
      %dma_start3A_759 = tpu.memref_squeeze %dma_start3A_758 : memref<1x125x64xf32, #tpu.memory_space<vmem>> -> memref<125x64xf32, #tpu.memory_space<vmem>>
      %dma_start3A_760 = arith.constant 0 : i32
      %dma_start3A_761 = tpu.memref_slice %arg7[%add3A_744, %dma_start3A_760] : memref<80x125xi32, #tpu.memory_space<vmem>> -> memref<1x125xi32, #tpu.memory_space<vmem>>
      %dma_start3A_762 = tpu.memref_squeeze %dma_start3A_761 : memref<1x125xi32, #tpu.memory_space<vmem>> -> memref<125xi32, #tpu.memory_space<vmem>>
      %dma_start3A_763 = arith.constant 0 : i32
      %dma_start3A_764 = arith.constant 0 : i32
      %dma_start3A_765 = tpu.memref_slice %arg10[%dma_start3A_763, %dma_start3A_764] : memref<10240x64xf32, #tpu.memory_space<vmem_shared>> -> memref<10240x64xf32, #tpu.memory_space<vmem_shared>>
      tpu.enqueue_indirect_dma source(%dma_start3A_759 : memref<125x64xf32, #tpu.memory_space<vmem>>) target(%dma_start3A_765 : memref<10240x64xf32, #tpu.memory_space<vmem_shared>>) offsets(%dma_start3A_762 : memref<125xi32, #tpu.memory_space<vmem>>) semaphore(%arg16 : memref<!tpu.dma_semaphore, #tpu.memory_space<semaphore_mem>>) {add = true}
      %dma_wait3A_766 = arith.constant 0 : i32
      %dma_wait3A_767 = arith.constant 0 : i32
      %dma_wait3A_768 = arith.constant 0 : i32
      %dma_wait3A_769 = tpu.memref_slice %arg8[%dma_wait3A_766, %dma_wait3A_767, %dma_wait3A_768] : memref<5x125x64xf32, #tpu.memory_space<vmem>> -> memref<1x125x64xf32, #tpu.memory_space<vmem>>
      %dma_wait3A_770 = tpu.memref_squeeze %dma_wait3A_769 : memref<1x125x64xf32, #tpu.memory_space<vmem>> -> memref<125x64xf32, #tpu.memory_space<vmem>>
      %dma_wait3A_771 = arith.constant 0 : i32
      %dma_wait3A_772 = tpu.memref_slice %arg7[%add3A_744, %dma_wait3A_771] : memref<80x125xi32, #tpu.memory_space<vmem>> -> memref<1x125xi32, #tpu.memory_space<vmem>>
      %dma_wait3A_773 = tpu.memref_squeeze %dma_wait3A_772 : memref<1x125xi32, #tpu.memory_space<vmem>> -> memref<125xi32, #tpu.memory_space<vmem>>
      %dma_wait3A_774 = arith.constant 0 : i32
      %dma_wait3A_775 = arith.constant 0 : i32
      %dma_wait3A_776 = tpu.memref_slice %arg10[%dma_wait3A_774, %dma_wait3A_775] : memref<10240x64xf32, #tpu.memory_space<vmem_shared>> -> memref<10240x64xf32, #tpu.memory_space<vmem_shared>>
      tpu.wait_indirect_dma semaphore(%arg16 : memref<!tpu.dma_semaphore, #tpu.memory_space<semaphore_mem>>) src(%dma_wait3A_770 : memref<125x64xf32, #tpu.memory_space<vmem>>) dst(%dma_wait3A_776 : memref<10240x64xf32, #tpu.memory_space<vmem_shared>>)
      %lt3A = arith.constant 15 : i32
      %lt3A_777 = arith.cmpi slt, %scan3A_740, %lt3A : i32
      %convert_element_type3A = arith.extui %lt3A_777 : i1 to i32
      %cond3A = arith.constant 0 : i32
      %cond3A_778 = arith.cmpi ne, %convert_element_type3A, %cond3A : i32
      scf.if %cond3A_778 {
        %add3A_947 = arith.constant 5 : i32
        %add3A_948 = arith.addi %add3A_744, %add3A_947 : i32
        %dma_start3A_949 = arith.constant 0 : i32
        %dma_start3A_950 = arith.constant 0 : i32
        %dma_start3A_951 = arith.constant 0 : i32
        %dma_start3A_952 = tpu.memref_slice %arg8[%dma_start3A_949, %dma_start3A_950, %dma_start3A_951] : memref<5x125x64xf32, #tpu.memory_space<vmem>> -> memref<1x125x64xf32, #tpu.memory_space<vmem>>
        %dma_start3A_953 = tpu.memref_squeeze %dma_start3A_952 : memref<1x125x64xf32, #tpu.memory_space<vmem>> -> memref<125x64xf32, #tpu.memory_space<vmem>>
        %dma_start3A_954 = arith.constant 0 : i32
        %dma_start3A_955 = tpu.memref_slice %arg6[%add3A_948, %dma_start3A_954] : memref<80x125xi32, #tpu.memory_space<vmem>> -> memref<1x125xi32, #tpu.memory_space<vmem>>
        %dma_start3A_956 = tpu.memref_squeeze %dma_start3A_955 : memref<1x125xi32, #tpu.memory_space<vmem>> -> memref<125xi32, #tpu.memory_space<vmem>>
        %dma_start3A_957 = arith.constant 0 : i32
        %dma_start3A_958 = arith.constant 0 : i32
        %dma_start3A_959 = tpu.memref_slice %arg2[%dma_start3A_957, %dma_start3A_958] : memref<10000x64xf32, #tpu.memory_space<hbm>> -> memref<10000x64xf32, #tpu.memory_space<hbm>>
        tpu.enqueue_indirect_dma source(%dma_start3A_959 : memref<10000x64xf32, #tpu.memory_space<hbm>>) target(%dma_start3A_953 : memref<125x64xf32, #tpu.memory_space<vmem>>) offsets(%dma_start3A_956 : memref<125xi32, #tpu.memory_space<vmem>>) semaphore(%arg11 : memref<!tpu.dma_semaphore, #tpu.memory_space<semaphore_mem>>)
      } else {
      }
      %mul3A_779 = arith.constant 5 : i32
      %mul3A_780 = arith.muli %scan3A_740, %mul3A_779 : i32
      %add3A_781 = arith.constant 1 : i32
      %add3A_782 = arith.addi %mul3A_780, %add3A_781 : i32
      %dma_wait3A_783 = arith.constant 1 : i32
      %dma_wait3A_784 = arith.constant 0 : i32
      %dma_wait3A_785 = arith.constant 0 : i32
      %dma_wait3A_786 = tpu.memref_slice %arg8[%dma_wait3A_783, %dma_wait3A_784, %dma_wait3A_785] : memref<5x125x64xf32, #tpu.memory_space<vmem>> -> memref<1x125x64xf32, #tpu.memory_space<vmem>>
      %dma_wait3A_787 = tpu.memref_squeeze %dma_wait3A_786 : memref<1x125x64xf32, #tpu.memory_space<vmem>> -> memref<125x64xf32, #tpu.memory_space<vmem>>
      %dma_wait3A_788 = arith.constant 0 : i32
      %dma_wait3A_789 = tpu.memref_slice %arg6[%add3A_782, %dma_wait3A_788] : memref<80x125xi32, #tpu.memory_space<vmem>> -> memref<1x125xi32, #tpu.memory_space<vmem>>
      %dma_wait3A_790 = tpu.memref_squeeze %dma_wait3A_789 : memref<1x125xi32, #tpu.memory_space<vmem>> -> memref<125xi32, #tpu.memory_space<vmem>>
      %dma_wait3A_791 = arith.constant 0 : i32
      %dma_wait3A_792 = arith.constant 0 : i32
      %dma_wait3A_793 = tpu.memref_slice %arg2[%dma_wait3A_791, %dma_wait3A_792] : memref<10000x64xf32, #tpu.memory_space<hbm>> -> memref<10000x64xf32, #tpu.memory_space<hbm>>
      tpu.wait_indirect_dma semaphore(%arg12 : memref<!tpu.dma_semaphore, #tpu.memory_space<semaphore_mem>>) src(%dma_wait3A_793 : memref<10000x64xf32, #tpu.memory_space<hbm>>) dst(%dma_wait3A_787 : memref<125x64xf32, #tpu.memory_space<vmem>>)
      %dma_start3A_794 = arith.constant 1 : i32
      %dma_start3A_795 = arith.constant 0 : i32
      %dma_start3A_796 = arith.constant 0 : i32
      %dma_start3A_797 = tpu.memref_slice %arg8[%dma_start3A_794, %dma_start3A_795, %dma_start3A_796] : memref<5x125x64xf32, #tpu.memory_space<vmem>> -> memref<1x125x64xf32, #tpu.memory_space<vmem>>
      %dma_start3A_798 = tpu.memref_squeeze %dma_start3A_797 : memref<1x125x64xf32, #tpu.memory_space<vmem>> -> memref<125x64xf32, #tpu.memory_space<vmem>>
      %dma_start3A_799 = arith.constant 0 : i32
      %dma_start3A_800 = tpu.memref_slice %arg7[%add3A_782, %dma_start3A_799] : memref<80x125xi32, #tpu.memory_space<vmem>> -> memref<1x125xi32, #tpu.memory_space<vmem>>
      %dma_start3A_801 = tpu.memref_squeeze %dma_start3A_800 : memref<1x125xi32, #tpu.memory_space<vmem>> -> memref<125xi32, #tpu.memory_space<vmem>>
      %dma_start3A_802 = arith.constant 0 : i32
      %dma_start3A_803 = arith.constant 0 : i32
      %dma_start3A_804 = tpu.memref_slice %arg10[%dma_start3A_802, %dma_start3A_803] : memref<10240x64xf32, #tpu.memory_space<vmem_shared>> -> memref<10240x64xf32, #tpu.memory_space<vmem_shared>>
      tpu.enqueue_indirect_dma source(%dma_start3A_798 : memref<125x64xf32, #tpu.memory_space<vmem>>) target(%dma_start3A_804 : memref<10240x64xf32, #tpu.memory_space<vmem_shared>>) offsets(%dma_start3A_801 : memref<125xi32, #tpu.memory_space<vmem>>) semaphore(%arg17 : memref<!tpu.dma_semaphore, #tpu.memory_space<semaphore_mem>>) {add = true}
      %dma_wait3A_805 = arith.constant 1 : i32
      %dma_wait3A_806 = arith.constant 0 : i32
      %dma_wait3A_807 = arith.constant 0 : i32
      %dma_wait3A_808 = tpu.memref_slice %arg8[%dma_wait3A_805, %dma_wait3A_806, %dma_wait3A_807] : memref<5x125x64xf32, #tpu.memory_space<vmem>> -> memref<1x125x64xf32, #tpu.memory_space<vmem>>
      %dma_wait3A_809 = tpu.memref_squeeze %dma_wait3A_808 : memref<1x125x64xf32, #tpu.memory_space<vmem>> -> memref<125x64xf32, #tpu.memory_space<vmem>>
      %dma_wait3A_810 = arith.constant 0 : i32
      %dma_wait3A_811 = tpu.memref_slice %arg7[%add3A_782, %dma_wait3A_810] : memref<80x125xi32, #tpu.memory_space<vmem>> -> memref<1x125xi32, #tpu.memory_space<vmem>>
      %dma_wait3A_812 = tpu.memref_squeeze %dma_wait3A_811 : memref<1x125xi32, #tpu.memory_space<vmem>> -> memref<125xi32, #tpu.memory_space<vmem>>
      %dma_wait3A_813 = arith.constant 0 : i32
      %dma_wait3A_814 = arith.constant 0 : i32
      %dma_wait3A_815 = tpu.memref_slice %arg10[%dma_wait3A_813, %dma_wait3A_814] : memref<10240x64xf32, #tpu.memory_space<vmem_shared>> -> memref<10240x64xf32, #tpu.memory_space<vmem_shared>>
      tpu.wait_indirect_dma semaphore(%arg17 : memref<!tpu.dma_semaphore, #tpu.memory_space<semaphore_mem>>) src(%dma_wait3A_809 : memref<125x64xf32, #tpu.memory_space<vmem>>) dst(%dma_wait3A_815 : memref<10240x64xf32, #tpu.memory_space<vmem_shared>>)
      %lt3A_816 = arith.constant 15 : i32
      %lt3A_817 = arith.cmpi slt, %scan3A_740, %lt3A_816 : i32
      %convert_element_type3A_818 = arith.extui %lt3A_817 : i1 to i32
      %cond3A_819 = arith.constant 0 : i32
      %cond3A_820 = arith.cmpi ne, %convert_element_type3A_818, %cond3A_819 : i32
      scf.if %cond3A_820 {
        %add3A_947 = arith.constant 5 : i32
        %add3A_948 = arith.addi %add3A_782, %add3A_947 : i32
        %dma_start3A_949 = arith.constant 1 : i32
        %dma_start3A_950 = arith.constant 0 : i32
        %dma_start3A_951 = arith.constant 0 : i32
        %dma_start3A_952 = tpu.memref_slice %arg8[%dma_start3A_949, %dma_start3A_950, %dma_start3A_951] : memref<5x125x64xf32, #tpu.memory_space<vmem>> -> memref<1x125x64xf32, #tpu.memory_space<vmem>>
        %dma_start3A_953 = tpu.memref_squeeze %dma_start3A_952 : memref<1x125x64xf32, #tpu.memory_space<vmem>> -> memref<125x64xf32, #tpu.memory_space<vmem>>
        %dma_start3A_954 = arith.constant 0 : i32
        %dma_start3A_955 = tpu.memref_slice %arg6[%add3A_948, %dma_start3A_954] : memref<80x125xi32, #tpu.memory_space<vmem>> -> memref<1x125xi32, #tpu.memory_space<vmem>>
        %dma_start3A_956 = tpu.memref_squeeze %dma_start3A_955 : memref<1x125xi32, #tpu.memory_space<vmem>> -> memref<125xi32, #tpu.memory_space<vmem>>
        %dma_start3A_957 = arith.constant 0 : i32
        %dma_start3A_958 = arith.constant 0 : i32
        %dma_start3A_959 = tpu.memref_slice %arg2[%dma_start3A_957, %dma_start3A_958] : memref<10000x64xf32, #tpu.memory_space<hbm>> -> memref<10000x64xf32, #tpu.memory_space<hbm>>
        tpu.enqueue_indirect_dma source(%dma_start3A_959 : memref<10000x64xf32, #tpu.memory_space<hbm>>) target(%dma_start3A_953 : memref<125x64xf32, #tpu.memory_space<vmem>>) offsets(%dma_start3A_956 : memref<125xi32, #tpu.memory_space<vmem>>) semaphore(%arg12 : memref<!tpu.dma_semaphore, #tpu.memory_space<semaphore_mem>>)
      } else {
      }
      %mul3A_821 = arith.constant 5 : i32
      %mul3A_822 = arith.muli %scan3A_740, %mul3A_821 : i32
      %add3A_823 = arith.constant 2 : i32
      %add3A_824 = arith.addi %mul3A_822, %add3A_823 : i32
      %dma_wait3A_825 = arith.constant 2 : i32
      %dma_wait3A_826 = arith.constant 0 : i32
      %dma_wait3A_827 = arith.constant 0 : i32
      %dma_wait3A_828 = tpu.memref_slice %arg8[%dma_wait3A_825, %dma_wait3A_826, %dma_wait3A_827] : memref<5x125x64xf32, #tpu.memory_space<vmem>> -> memref<1x125x64xf32, #tpu.memory_space<vmem>>
      %dma_wait3A_829 = tpu.memref_squeeze %dma_wait3A_828 : memref<1x125x64xf32, #tpu.memory_space<vmem>> -> memref<125x64xf32, #tpu.memory_space<vmem>>
      %dma_wait3A_830 = arith.constant 0 : i32
      %dma_wait3A_831 = tpu.memref_slice %arg6[%add3A_824, %dma_wait3A_830] : memref<80x125xi32, #tpu.memory_space<vmem>> -> memref<1x125xi32, #tpu.memory_space<vmem>>
      %dma_wait3A_832 = tpu.memref_squeeze %dma_wait3A_831 : memref<1x125xi32, #tpu.memory_space<vmem>> -> memref<125xi32, #tpu.memory_space<vmem>>
      %dma_wait3A_833 = arith.constant 0 : i32
      %dma_wait3A_834 = arith.constant 0 : i32
      %dma_wait3A_835 = tpu.memref_slice %arg2[%dma_wait3A_833, %dma_wait3A_834] : memref<10000x64xf32, #tpu.memory_space<hbm>> -> memref<10000x64xf32, #tpu.memory_space<hbm>>
      tpu.wait_indirect_dma semaphore(%arg13 : memref<!tpu.dma_semaphore, #tpu.memory_space<semaphore_mem>>) src(%dma_wait3A_835 : memref<10000x64xf32, #tpu.memory_space<hbm>>) dst(%dma_wait3A_829 : memref<125x64xf32, #tpu.memory_space<vmem>>)
      %dma_start3A_836 = arith.constant 2 : i32
      %dma_start3A_837 = arith.constant 0 : i32
      %dma_start3A_838 = arith.constant 0 : i32
      %dma_start3A_839 = tpu.memref_slice %arg8[%dma_start3A_836, %dma_start3A_837, %dma_start3A_838] : memref<5x125x64xf32, #tpu.memory_space<vmem>> -> memref<1x125x64xf32, #tpu.memory_space<vmem>>
      %dma_start3A_840 = tpu.memref_squeeze %dma_start3A_839 : memref<1x125x64xf32, #tpu.memory_space<vmem>> -> memref<125x64xf32, #tpu.memory_space<vmem>>
      %dma_start3A_841 = arith.constant 0 : i32
      %dma_start3A_842 = tpu.memref_slice %arg7[%add3A_824, %dma_start3A_841] : memref<80x125xi32, #tpu.memory_space<vmem>> -> memref<1x125xi32, #tpu.memory_space<vmem>>
      %dma_start3A_843 = tpu.memref_squeeze %dma_start3A_842 : memref<1x125xi32, #tpu.memory_space<vmem>> -> memref<125xi32, #tpu.memory_space<vmem>>
      %dma_start3A_844 = arith.constant 0 : i32
      %dma_start3A_845 = arith.constant 0 : i32
      %dma_start3A_846 = tpu.memref_slice %arg10[%dma_start3A_844, %dma_start3A_845] : memref<10240x64xf32, #tpu.memory_space<vmem_shared>> -> memref<10240x64xf32, #tpu.memory_space<vmem_shared>>
      tpu.enqueue_indirect_dma source(%dma_start3A_840 : memref<125x64xf32, #tpu.memory_space<vmem>>) target(%dma_start3A_846 : memref<10240x64xf32, #tpu.memory_space<vmem_shared>>) offsets(%dma_start3A_843 : memref<125xi32, #tpu.memory_space<vmem>>) semaphore(%arg18 : memref<!tpu.dma_semaphore, #tpu.memory_space<semaphore_mem>>) {add = true}
      %dma_wait3A_847 = arith.constant 2 : i32
      %dma_wait3A_848 = arith.constant 0 : i32
      %dma_wait3A_849 = arith.constant 0 : i32
      %dma_wait3A_850 = tpu.memref_slice %arg8[%dma_wait3A_847, %dma_wait3A_848, %dma_wait3A_849] : memref<5x125x64xf32, #tpu.memory_space<vmem>> -> memref<1x125x64xf32, #tpu.memory_space<vmem>>
      %dma_wait3A_851 = tpu.memref_squeeze %dma_wait3A_850 : memref<1x125x64xf32, #tpu.memory_space<vmem>> -> memref<125x64xf32, #tpu.memory_space<vmem>>
      %dma_wait3A_852 = arith.constant 0 : i32
      %dma_wait3A_853 = tpu.memref_slice %arg7[%add3A_824, %dma_wait3A_852] : memref<80x125xi32, #tpu.memory_space<vmem>> -> memref<1x125xi32, #tpu.memory_space<vmem>>
      %dma_wait3A_854 = tpu.memref_squeeze %dma_wait3A_853 : memref<1x125xi32, #tpu.memory_space<vmem>> -> memref<125xi32, #tpu.memory_space<vmem>>
      %dma_wait3A_855 = arith.constant 0 : i32
      %dma_wait3A_856 = arith.constant 0 : i32
      %dma_wait3A_857 = tpu.memref_slice %arg10[%dma_wait3A_855, %dma_wait3A_856] : memref<10240x64xf32, #tpu.memory_space<vmem_shared>> -> memref<10240x64xf32, #tpu.memory_space<vmem_shared>>
      tpu.wait_indirect_dma semaphore(%arg18 : memref<!tpu.dma_semaphore, #tpu.memory_space<semaphore_mem>>) src(%dma_wait3A_851 : memref<125x64xf32, #tpu.memory_space<vmem>>) dst(%dma_wait3A_857 : memref<10240x64xf32, #tpu.memory_space<vmem_shared>>)
      %lt3A_858 = arith.constant 15 : i32
      %lt3A_859 = arith.cmpi slt, %scan3A_740, %lt3A_858 : i32
      %convert_element_type3A_860 = arith.extui %lt3A_859 : i1 to i32
      %cond3A_861 = arith.constant 0 : i32
      %cond3A_862 = arith.cmpi ne, %convert_element_type3A_860, %cond3A_861 : i32
      scf.if %cond3A_862 {
        %add3A_947 = arith.constant 5 : i32
        %add3A_948 = arith.addi %add3A_824, %add3A_947 : i32
        %dma_start3A_949 = arith.constant 2 : i32
        %dma_start3A_950 = arith.constant 0 : i32
        %dma_start3A_951 = arith.constant 0 : i32
        %dma_start3A_952 = tpu.memref_slice %arg8[%dma_start3A_949, %dma_start3A_950, %dma_start3A_951] : memref<5x125x64xf32, #tpu.memory_space<vmem>> -> memref<1x125x64xf32, #tpu.memory_space<vmem>>
        %dma_start3A_953 = tpu.memref_squeeze %dma_start3A_952 : memref<1x125x64xf32, #tpu.memory_space<vmem>> -> memref<125x64xf32, #tpu.memory_space<vmem>>
        %dma_start3A_954 = arith.constant 0 : i32
        %dma_start3A_955 = tpu.memref_slice %arg6[%add3A_948, %dma_start3A_954] : memref<80x125xi32, #tpu.memory_space<vmem>> -> memref<1x125xi32, #tpu.memory_space<vmem>>
        %dma_start3A_956 = tpu.memref_squeeze %dma_start3A_955 : memref<1x125xi32, #tpu.memory_space<vmem>> -> memref<125xi32, #tpu.memory_space<vmem>>
        %dma_start3A_957 = arith.constant 0 : i32
        %dma_start3A_958 = arith.constant 0 : i32
        %dma_start3A_959 = tpu.memref_slice %arg2[%dma_start3A_957, %dma_start3A_958] : memref<10000x64xf32, #tpu.memory_space<hbm>> -> memref<10000x64xf32, #tpu.memory_space<hbm>>
        tpu.enqueue_indirect_dma source(%dma_start3A_959 : memref<10000x64xf32, #tpu.memory_space<hbm>>) target(%dma_start3A_953 : memref<125x64xf32, #tpu.memory_space<vmem>>) offsets(%dma_start3A_956 : memref<125xi32, #tpu.memory_space<vmem>>) semaphore(%arg13 : memref<!tpu.dma_semaphore, #tpu.memory_space<semaphore_mem>>)
      } else {
      }
      %mul3A_863 = arith.constant 5 : i32
      %mul3A_864 = arith.muli %scan3A_740, %mul3A_863 : i32
      %add3A_865 = arith.constant 3 : i32
      %add3A_866 = arith.addi %mul3A_864, %add3A_865 : i32
      %dma_wait3A_867 = arith.constant 3 : i32
      %dma_wait3A_868 = arith.constant 0 : i32
      %dma_wait3A_869 = arith.constant 0 : i32
      %dma_wait3A_870 = tpu.memref_slice %arg8[%dma_wait3A_867, %dma_wait3A_868, %dma_wait3A_869] : memref<5x125x64xf32, #tpu.memory_space<vmem>> -> memref<1x125x64xf32, #tpu.memory_space<vmem>>
      %dma_wait3A_871 = tpu.memref_squeeze %dma_wait3A_870 : memref<1x125x64xf32, #tpu.memory_space<vmem>> -> memref<125x64xf32, #tpu.memory_space<vmem>>
      %dma_wait3A_872 = arith.constant 0 : i32
      %dma_wait3A_873 = tpu.memref_slice %arg6[%add3A_866, %dma_wait3A_872] : memref<80x125xi32, #tpu.memory_space<vmem>> -> memref<1x125xi32, #tpu.memory_space<vmem>>
      %dma_wait3A_874 = tpu.memref_squeeze %dma_wait3A_873 : memref<1x125xi32, #tpu.memory_space<vmem>> -> memref<125xi32, #tpu.memory_space<vmem>>
      %dma_wait3A_875 = arith.constant 0 : i32
      %dma_wait3A_876 = arith.constant 0 : i32
      %dma_wait3A_877 = tpu.memref_slice %arg2[%dma_wait3A_875, %dma_wait3A_876] : memref<10000x64xf32, #tpu.memory_space<hbm>> -> memref<10000x64xf32, #tpu.memory_space<hbm>>
      tpu.wait_indirect_dma semaphore(%arg14 : memref<!tpu.dma_semaphore, #tpu.memory_space<semaphore_mem>>) src(%dma_wait3A_877 : memref<10000x64xf32, #tpu.memory_space<hbm>>) dst(%dma_wait3A_871 : memref<125x64xf32, #tpu.memory_space<vmem>>)
      %dma_start3A_878 = arith.constant 3 : i32
      %dma_start3A_879 = arith.constant 0 : i32
      %dma_start3A_880 = arith.constant 0 : i32
      %dma_start3A_881 = tpu.memref_slice %arg8[%dma_start3A_878, %dma_start3A_879, %dma_start3A_880] : memref<5x125x64xf32, #tpu.memory_space<vmem>> -> memref<1x125x64xf32, #tpu.memory_space<vmem>>
      %dma_start3A_882 = tpu.memref_squeeze %dma_start3A_881 : memref<1x125x64xf32, #tpu.memory_space<vmem>> -> memref<125x64xf32, #tpu.memory_space<vmem>>
      %dma_start3A_883 = arith.constant 0 : i32
      %dma_start3A_884 = tpu.memref_slice %arg7[%add3A_866, %dma_start3A_883] : memref<80x125xi32, #tpu.memory_space<vmem>> -> memref<1x125xi32, #tpu.memory_space<vmem>>
      %dma_start3A_885 = tpu.memref_squeeze %dma_start3A_884 : memref<1x125xi32, #tpu.memory_space<vmem>> -> memref<125xi32, #tpu.memory_space<vmem>>
      %dma_start3A_886 = arith.constant 0 : i32
      %dma_start3A_887 = arith.constant 0 : i32
      %dma_start3A_888 = tpu.memref_slice %arg10[%dma_start3A_886, %dma_start3A_887] : memref<10240x64xf32, #tpu.memory_space<vmem_shared>> -> memref<10240x64xf32, #tpu.memory_space<vmem_shared>>
      tpu.enqueue_indirect_dma source(%dma_start3A_882 : memref<125x64xf32, #tpu.memory_space<vmem>>) target(%dma_start3A_888 : memref<10240x64xf32, #tpu.memory_space<vmem_shared>>) offsets(%dma_start3A_885 : memref<125xi32, #tpu.memory_space<vmem>>) semaphore(%arg19 : memref<!tpu.dma_semaphore, #tpu.memory_space<semaphore_mem>>) {add = true}
      %dma_wait3A_889 = arith.constant 3 : i32
      %dma_wait3A_890 = arith.constant 0 : i32
      %dma_wait3A_891 = arith.constant 0 : i32
      %dma_wait3A_892 = tpu.memref_slice %arg8[%dma_wait3A_889, %dma_wait3A_890, %dma_wait3A_891] : memref<5x125x64xf32, #tpu.memory_space<vmem>> -> memref<1x125x64xf32, #tpu.memory_space<vmem>>
      %dma_wait3A_893 = tpu.memref_squeeze %dma_wait3A_892 : memref<1x125x64xf32, #tpu.memory_space<vmem>> -> memref<125x64xf32, #tpu.memory_space<vmem>>
      %dma_wait3A_894 = arith.constant 0 : i32
      %dma_wait3A_895 = tpu.memref_slice %arg7[%add3A_866, %dma_wait3A_894] : memref<80x125xi32, #tpu.memory_space<vmem>> -> memref<1x125xi32, #tpu.memory_space<vmem>>
      %dma_wait3A_896 = tpu.memref_squeeze %dma_wait3A_895 : memref<1x125xi32, #tpu.memory_space<vmem>> -> memref<125xi32, #tpu.memory_space<vmem>>
      %dma_wait3A_897 = arith.constant 0 : i32
      %dma_wait3A_898 = arith.constant 0 : i32
      %dma_wait3A_899 = tpu.memref_slice %arg10[%dma_wait3A_897, %dma_wait3A_898] : memref<10240x64xf32, #tpu.memory_space<vmem_shared>> -> memref<10240x64xf32, #tpu.memory_space<vmem_shared>>
      tpu.wait_indirect_dma semaphore(%arg19 : memref<!tpu.dma_semaphore, #tpu.memory_space<semaphore_mem>>) src(%dma_wait3A_893 : memref<125x64xf32, #tpu.memory_space<vmem>>) dst(%dma_wait3A_899 : memref<10240x64xf32, #tpu.memory_space<vmem_shared>>)
      %lt3A_900 = arith.constant 15 : i32
      %lt3A_901 = arith.cmpi slt, %scan3A_740, %lt3A_900 : i32
      %convert_element_type3A_902 = arith.extui %lt3A_901 : i1 to i32
      %cond3A_903 = arith.constant 0 : i32
      %cond3A_904 = arith.cmpi ne, %convert_element_type3A_902, %cond3A_903 : i32
      scf.if %cond3A_904 {
        %add3A_947 = arith.constant 5 : i32
        %add3A_948 = arith.addi %add3A_866, %add3A_947 : i32
        %dma_start3A_949 = arith.constant 3 : i32
        %dma_start3A_950 = arith.constant 0 : i32
        %dma_start3A_951 = arith.constant 0 : i32
        %dma_start3A_952 = tpu.memref_slice %arg8[%dma_start3A_949, %dma_start3A_950, %dma_start3A_951] : memref<5x125x64xf32, #tpu.memory_space<vmem>> -> memref<1x125x64xf32, #tpu.memory_space<vmem>>
        %dma_start3A_953 = tpu.memref_squeeze %dma_start3A_952 : memref<1x125x64xf32, #tpu.memory_space<vmem>> -> memref<125x64xf32, #tpu.memory_space<vmem>>
        %dma_start3A_954 = arith.constant 0 : i32
        %dma_start3A_955 = tpu.memref_slice %arg6[%add3A_948, %dma_start3A_954] : memref<80x125xi32, #tpu.memory_space<vmem>> -> memref<1x125xi32, #tpu.memory_space<vmem>>
        %dma_start3A_956 = tpu.memref_squeeze %dma_start3A_955 : memref<1x125xi32, #tpu.memory_space<vmem>> -> memref<125xi32, #tpu.memory_space<vmem>>
        %dma_start3A_957 = arith.constant 0 : i32
        %dma_start3A_958 = arith.constant 0 : i32
        %dma_start3A_959 = tpu.memref_slice %arg2[%dma_start3A_957, %dma_start3A_958] : memref<10000x64xf32, #tpu.memory_space<hbm>> -> memref<10000x64xf32, #tpu.memory_space<hbm>>
        tpu.enqueue_indirect_dma source(%dma_start3A_959 : memref<10000x64xf32, #tpu.memory_space<hbm>>) target(%dma_start3A_953 : memref<125x64xf32, #tpu.memory_space<vmem>>) offsets(%dma_start3A_956 : memref<125xi32, #tpu.memory_space<vmem>>) semaphore(%arg14 : memref<!tpu.dma_semaphore, #tpu.memory_space<semaphore_mem>>)
      } else {
      }
      %mul3A_905 = arith.constant 5 : i32
      %mul3A_906 = arith.muli %scan3A_740, %mul3A_905 : i32
      %add3A_907 = arith.constant 4 : i32
      %add3A_908 = arith.addi %mul3A_906, %add3A_907 : i32
      %dma_wait3A_909 = arith.constant 4 : i32
      %dma_wait3A_910 = arith.constant 0 : i32
      %dma_wait3A_911 = arith.constant 0 : i32
      %dma_wait3A_912 = tpu.memref_slice %arg8[%dma_wait3A_909, %dma_wait3A_910, %dma_wait3A_911] : memref<5x125x64xf32, #tpu.memory_space<vmem>> -> memref<1x125x64xf32, #tpu.memory_space<vmem>>
      %dma_wait3A_913 = tpu.memref_squeeze %dma_wait3A_912 : memref<1x125x64xf32, #tpu.memory_space<vmem>> -> memref<125x64xf32, #tpu.memory_space<vmem>>
      %dma_wait3A_914 = arith.constant 0 : i32
      %dma_wait3A_915 = tpu.memref_slice %arg6[%add3A_908, %dma_wait3A_914] : memref<80x125xi32, #tpu.memory_space<vmem>> -> memref<1x125xi32, #tpu.memory_space<vmem>>
      %dma_wait3A_916 = tpu.memref_squeeze %dma_wait3A_915 : memref<1x125xi32, #tpu.memory_space<vmem>> -> memref<125xi32, #tpu.memory_space<vmem>>
      %dma_wait3A_917 = arith.constant 0 : i32
      %dma_wait3A_918 = arith.constant 0 : i32
      %dma_wait3A_919 = tpu.memref_slice %arg2[%dma_wait3A_917, %dma_wait3A_918] : memref<10000x64xf32, #tpu.memory_space<hbm>> -> memref<10000x64xf32, #tpu.memory_space<hbm>>
      tpu.wait_indirect_dma semaphore(%arg15 : memref<!tpu.dma_semaphore, #tpu.memory_space<semaphore_mem>>) src(%dma_wait3A_919 : memref<10000x64xf32, #tpu.memory_space<hbm>>) dst(%dma_wait3A_913 : memref<125x64xf32, #tpu.memory_space<vmem>>)
      %dma_start3A_920 = arith.constant 4 : i32
      %dma_start3A_921 = arith.constant 0 : i32
      %dma_start3A_922 = arith.constant 0 : i32
      %dma_start3A_923 = tpu.memref_slice %arg8[%dma_start3A_920, %dma_start3A_921, %dma_start3A_922] : memref<5x125x64xf32, #tpu.memory_space<vmem>> -> memref<1x125x64xf32, #tpu.memory_space<vmem>>
      %dma_start3A_924 = tpu.memref_squeeze %dma_start3A_923 : memref<1x125x64xf32, #tpu.memory_space<vmem>> -> memref<125x64xf32, #tpu.memory_space<vmem>>
      %dma_start3A_925 = arith.constant 0 : i32
      %dma_start3A_926 = tpu.memref_slice %arg7[%add3A_908, %dma_start3A_925] : memref<80x125xi32, #tpu.memory_space<vmem>> -> memref<1x125xi32, #tpu.memory_space<vmem>>
      %dma_start3A_927 = tpu.memref_squeeze %dma_start3A_926 : memref<1x125xi32, #tpu.memory_space<vmem>> -> memref<125xi32, #tpu.memory_space<vmem>>
      %dma_start3A_928 = arith.constant 0 : i32
      %dma_start3A_929 = arith.constant 0 : i32
      %dma_start3A_930 = tpu.memref_slice %arg10[%dma_start3A_928, %dma_start3A_929] : memref<10240x64xf32, #tpu.memory_space<vmem_shared>> -> memref<10240x64xf32, #tpu.memory_space<vmem_shared>>
      tpu.enqueue_indirect_dma source(%dma_start3A_924 : memref<125x64xf32, #tpu.memory_space<vmem>>) target(%dma_start3A_930 : memref<10240x64xf32, #tpu.memory_space<vmem_shared>>) offsets(%dma_start3A_927 : memref<125xi32, #tpu.memory_space<vmem>>) semaphore(%arg20 : memref<!tpu.dma_semaphore, #tpu.memory_space<semaphore_mem>>) {add = true}
      %dma_wait3A_931 = arith.constant 4 : i32
      %dma_wait3A_932 = arith.constant 0 : i32
      %dma_wait3A_933 = arith.constant 0 : i32
      %dma_wait3A_934 = tpu.memref_slice %arg8[%dma_wait3A_931, %dma_wait3A_932, %dma_wait3A_933] : memref<5x125x64xf32, #tpu.memory_space<vmem>> -> memref<1x125x64xf32, #tpu.memory_space<vmem>>
      %dma_wait3A_935 = tpu.memref_squeeze %dma_wait3A_934 : memref<1x125x64xf32, #tpu.memory_space<vmem>> -> memref<125x64xf32, #tpu.memory_space<vmem>>
      %dma_wait3A_936 = arith.constant 0 : i32
      %dma_wait3A_937 = tpu.memref_slice %arg7[%add3A_908, %dma_wait3A_936] : memref<80x125xi32, #tpu.memory_space<vmem>> -> memref<1x125xi32, #tpu.memory_space<vmem>>
      %dma_wait3A_938 = tpu.memref_squeeze %dma_wait3A_937 : memref<1x125xi32, #tpu.memory_space<vmem>> -> memref<125xi32, #tpu.memory_space<vmem>>
      %dma_wait3A_939 = arith.constant 0 : i32
      %dma_wait3A_940 = arith.constant 0 : i32
      %dma_wait3A_941 = tpu.memref_slice %arg10[%dma_wait3A_939, %dma_wait3A_940] : memref<10240x64xf32, #tpu.memory_space<vmem_shared>> -> memref<10240x64xf32, #tpu.memory_space<vmem_shared>>
      tpu.wait_indirect_dma semaphore(%arg20 : memref<!tpu.dma_semaphore, #tpu.memory_space<semaphore_mem>>) src(%dma_wait3A_935 : memref<125x64xf32, #tpu.memory_space<vmem>>) dst(%dma_wait3A_941 : memref<10240x64xf32, #tpu.memory_space<vmem_shared>>)
      %lt3A_942 = arith.constant 15 : i32
      %lt3A_943 = arith.cmpi slt, %scan3A_740, %lt3A_942 : i32
      %convert_element_type3A_944 = arith.extui %lt3A_943 : i1 to i32
      %cond3A_945 = arith.constant 0 : i32
      %cond3A_946 = arith.cmpi ne, %convert_element_type3A_944, %cond3A_945 : i32
      scf.if %cond3A_946 {
        %add3A_947 = arith.constant 5 : i32
        %add3A_948 = arith.addi %add3A_908, %add3A_947 : i32
        %dma_start3A_949 = arith.constant 4 : i32
        %dma_start3A_950 = arith.constant 0 : i32
        %dma_start3A_951 = arith.constant 0 : i32
        %dma_start3A_952 = tpu.memref_slice %arg8[%dma_start3A_949, %dma_start3A_950, %dma_start3A_951] : memref<5x125x64xf32, #tpu.memory_space<vmem>> -> memref<1x125x64xf32, #tpu.memory_space<vmem>>
        %dma_start3A_953 = tpu.memref_squeeze %dma_start3A_952 : memref<1x125x64xf32, #tpu.memory_space<vmem>> -> memref<125x64xf32, #tpu.memory_space<vmem>>
        %dma_start3A_954 = arith.constant 0 : i32
        %dma_start3A_955 = tpu.memref_slice %arg6[%add3A_948, %dma_start3A_954] : memref<80x125xi32, #tpu.memory_space<vmem>> -> memref<1x125xi32, #tpu.memory_space<vmem>>
        %dma_start3A_956 = tpu.memref_squeeze %dma_start3A_955 : memref<1x125xi32, #tpu.memory_space<vmem>> -> memref<125xi32, #tpu.memory_space<vmem>>
        %dma_start3A_957 = arith.constant 0 : i32
        %dma_start3A_958 = arith.constant 0 : i32
        %dma_start3A_959 = tpu.memref_slice %arg2[%dma_start3A_957, %dma_start3A_958] : memref<10000x64xf32, #tpu.memory_space<hbm>> -> memref<10000x64xf32, #tpu.memory_space<hbm>>
        tpu.enqueue_indirect_dma source(%dma_start3A_959 : memref<10000x64xf32, #tpu.memory_space<hbm>>) target(%dma_start3A_953 : memref<125x64xf32, #tpu.memory_space<vmem>>) offsets(%dma_start3A_956 : memref<125xi32, #tpu.memory_space<vmem>>) semaphore(%arg15 : memref<!tpu.dma_semaphore, #tpu.memory_space<semaphore_mem>>)
      } else {
      }
    }
    %scan3A_734 = arith.constant 16 : i32
    %barrier3A_735 = arith.constant 0 : index
    tpu.barrier barrier_id(%barrier3A_735)
    %mul3A_736 = arith.constant 640 : i32
    %mul3A_737 = arith.muli %arg1, %mul3A_736 : i32
    %mul3A_738 = arith.constant 640 : i32
    %mul3A_739 = arith.muli %arg1, %mul3A_738 : i32
    "tpu.region"() ({
      %run_scoped3A = tpu.sem_alloc : memref<!tpu.dma_semaphore, #tpu.memory_space<semaphore_mem>>
      %dma_start3A_740 = arith.constant 0 : i32
      %dma_start3A_741 = tpu.memref_slice %arg5[%arg0, %mul3A_739, %dma_start3A_740] : memref<2x10240x64xf32, #tpu.memory_space<hbm>> -> memref<1x640x64xf32, #tpu.memory_space<hbm>>
      %dma_start3A_742 = tpu.memref_squeeze %dma_start3A_741 : memref<1x640x64xf32, #tpu.memory_space<hbm>> -> memref<640x64xf32, #tpu.memory_space<hbm>>
      %dma_start3A_743 = arith.constant 0 : i32
      %dma_start3A_744 = tpu.memref_slice %arg10[%mul3A_737, %dma_start3A_743] : memref<10240x64xf32, #tpu.memory_space<vmem_shared>> -> memref<640x64xf32, #tpu.memory_space<vmem_shared>>
      tpu.enqueue_dma source(%dma_start3A_744 : memref<640x64xf32, #tpu.memory_space<vmem_shared>>) target(%dma_start3A_742 : memref<640x64xf32, #tpu.memory_space<hbm>>) target_semaphore(%run_scoped3A : memref<!tpu.dma_semaphore, #tpu.memory_space<semaphore_mem>>)
      %dma_wait3A = arith.constant 0 : i32
      %dma_wait3A_745 = tpu.memref_slice %arg5[%arg0, %mul3A_739, %dma_wait3A] : memref<2x10240x64xf32, #tpu.memory_space<hbm>> -> memref<1x640x64xf32, #tpu.memory_space<hbm>>
      %dma_wait3A_746 = tpu.memref_squeeze %dma_wait3A_745 : memref<1x640x64xf32, #tpu.memory_space<hbm>> -> memref<640x64xf32, #tpu.memory_space<hbm>>
      %dma_wait3A_747 = arith.constant 0 : i32
      %dma_wait3A_748 = tpu.memref_slice %arg10[%mul3A_737, %dma_wait3A_747] : memref<10240x64xf32, #tpu.memory_space<vmem_shared>> -> memref<640x64xf32, #tpu.memory_space<vmem_shared>>
      tpu.wait_dma2 semaphore(%run_scoped3A : memref<!tpu.dma_semaphore, #tpu.memory_space<semaphore_mem>>) src(%dma_wait3A_748 : memref<640x64xf32, #tpu.memory_space<vmem_shared>>) dst(%dma_wait3A_746 : memref<640x64xf32, #tpu.memory_space<hbm>>)
      tpu.yield
    }) : () -> ()
    return
  }
}

#map = affine_map<(d0, d1) -> (0, 0)>
#map1 = affine_map<(d0, d1) -> (0, 0, 0)>
module attributes {stable_mosaic.version = 14 : i64} {
  func.func @_spmm_body(%arg0: i32, %arg1: i32, %arg2: memref<10000x64xf32, #tpu.memory_space<hbm>>, %arg3: memref<32x80x125xi32, #tpu.memory_space<hbm>>, %arg4: memref<32x80x125xi32, #tpu.memory_space<hbm>>, %arg5: memref<2x10240x64xf32, #tpu.memory_space<hbm>>, %arg6: memref<80x125xi32, #tpu.memory_space<vmem>>, %arg7: memref<80x125xi32, #tpu.memory_space<vmem>>, %arg8: memref<5x125x64xf32, #tpu.memory_space<vmem>>, %arg9: memref<16x64xf32, #tpu.memory_space<vmem>>, %arg10: memref<10240x64xf32, #tpu.memory_space<vmem_shared>>, %arg11: memref<!tpu.dma_semaphore, #tpu.memory_space<semaphore_mem>>, %arg12: memref<!tpu.dma_semaphore, #tpu.memory_space<semaphore_mem>>, %arg13: memref<!tpu.dma_semaphore, #tpu.memory_space<semaphore_mem>>, %arg14: memref<!tpu.dma_semaphore, #tpu.memory_space<semaphore_mem>>, %arg15: memref<!tpu.dma_semaphore, #tpu.memory_space<semaphore_mem>>, %arg16: memref<!tpu.dma_semaphore, #tpu.memory_space<semaphore_mem>>, %arg17: memref<!tpu.dma_semaphore, #tpu.memory_space<semaphore_mem>>, %arg18: memref<!tpu.dma_semaphore, #tpu.memory_space<semaphore_mem>>, %arg19: memref<!tpu.dma_semaphore, #tpu.memory_space<semaphore_mem>>, %arg20: memref<!tpu.dma_semaphore, #tpu.memory_space<semaphore_mem>>) attributes {dimension_semantics = [#tpu.dimension_semantics<core_parallel>, #tpu.dimension_semantics<subcore_parallel>], iteration_bounds = array<i64: 2, 16>, scalar_prefetch = 0 : i64, scratch_operands = 15 : i64, tpu.core_type = #tpu.core_type<sc_vector_subcore>, window_params = [{transform_indices = #map}, {transform_indices = #map1}, {transform_indices = #map1}, {transform_indices = #map1}]} {
    %mul3A = arith.constant 16 : i32
    %mul3A_0 = arith.muli %arg0, %mul3A : i32
    %add3A = arith.addi %mul3A_0, %arg1 : i32
    %broadcast_in_dim3A = arith.constant 0.000000e+00 : f32
    %broadcast_in_dim3A_1 = vector.broadcast %broadcast_in_dim3A : f32 to vector<16xf32>
    %swap3A = arith.constant 0 : i32
    %swap3A_2 = arith.index_cast %swap3A : i32 to index
    %swap3A_3 = arith.constant 0 : index
    %swap3A_4 = tpu.vector_load %arg9[%swap3A_2, %swap3A_3] {strides = array<i32>} : memref<16x64xf32, #tpu.memory_space<vmem>>, vector<1x16xf32>,
    %swap3A_5 = vector.shape_cast %swap3A_4 : vector<1x16xf32> to vector<16xf32>
    %swap3A_6 = vector.shape_cast %broadcast_in_dim3A_1 : vector<16xf32> to vector<1x16xf32>
    tpu.vector_store %arg9[%swap3A_2, %swap3A_3], %swap3A_6 {strides = array<i32>} : memref<16x64xf32, #tpu.memory_space<vmem>>, vector<1x16xf32>,
    %broadcast_in_dim3A_7 = arith.constant 0.000000e+00 : f32
    %broadcast_in_dim3A_8 = vector.broadcast %broadcast_in_dim3A_7 : f32 to vector<16xf32>
    %swap3A_9 = arith.constant 0 : i32
    %swap3A_10 = arith.index_cast %swap3A_9 : i32 to index
    %swap3A_11 = arith.constant 16 : index
    %swap3A_12 = tpu.vector_load %arg9[%swap3A_10, %swap3A_11] {strides = array<i32>} : memref<16x64xf32, #tpu.memory_space<vmem>>, vector<1x16xf32>,
    %swap3A_13 = vector.shape_cast %swap3A_12 : vector<1x16xf32> to vector<16xf32>
    %swap3A_14 = vector.shape_cast %broadcast_in_dim3A_8 : vector<16xf32> to vector<1x16xf32>
    tpu.vector_store %arg9[%swap3A_10, %swap3A_11], %swap3A_14 {strides = array<i32>} : memref<16x64xf32, #tpu.memory_space<vmem>>, vector<1x16xf32>,
    %broadcast_in_dim3A_15 = arith.constant 0.000000e+00 : f32
    %broadcast_in_dim3A_16 = vector.broadcast %broadcast_in_dim3A_15 : f32 to vector<16xf32>
    %swap3A_17 = arith.constant 0 : i32
    %swap3A_18 = arith.index_cast %swap3A_17 : i32 to index
    %swap3A_19 = arith.constant 32 : index
    %swap3A_20 = tpu.vector_load %arg9[%swap3A_18, %swap3A_19] {strides = array<i32>} : memref<16x64xf32, #tpu.memory_space<vmem>>, vector<1x16xf32>,
    %swap3A_21 = vector.shape_cast %swap3A_20 : vector<1x16xf32> to vector<16xf32>
    %swap3A_22 = vector.shape_cast %broadcast_in_dim3A_16 : vector<16xf32> to vector<1x16xf32>
    tpu.vector_store %arg9[%swap3A_18, %swap3A_19], %swap3A_22 {strides = array<i32>} : memref<16x64xf32, #tpu.memory_space<vmem>>, vector<1x16xf32>,
    %broadcast_in_dim3A_23 = arith.constant 0.000000e+00 : f32
    %broadcast_in_dim3A_24 = vector.broadcast %broadcast_in_dim3A_23 : f32 to vector<16xf32>
    %swap3A_25 = arith.constant 0 : i32
    %swap3A_26 = arith.index_cast %swap3A_25 : i32 to index
    %swap3A_27 = arith.constant 48 : index
    %swap3A_28 = tpu.vector_load %arg9[%swap3A_26, %swap3A_27] {strides = array<i32>} : memref<16x64xf32, #tpu.memory_space<vmem>>, vector<1x16xf32>,
    %swap3A_29 = vector.shape_cast %swap3A_28 : vector<1x16xf32> to vector<16xf32>
    %swap3A_30 = vector.shape_cast %broadcast_in_dim3A_24 : vector<16xf32> to vector<1x16xf32>
    tpu.vector_store %arg9[%swap3A_26, %swap3A_27], %swap3A_30 {strides = array<i32>} : memref<16x64xf32, #tpu.memory_space<vmem>>, vector<1x16xf32>,
    %broadcast_in_dim3A_31 = arith.constant 0.000000e+00 : f32
    %broadcast_in_dim3A_32 = vector.broadcast %broadcast_in_dim3A_31 : f32 to vector<16xf32>
    %swap3A_33 = arith.constant 1 : i32
    %swap3A_34 = arith.index_cast %swap3A_33 : i32 to index
    %swap3A_35 = arith.constant 0 : index
    %swap3A_36 = tpu.vector_load %arg9[%swap3A_34, %swap3A_35] {strides = array<i32>} : memref<16x64xf32, #tpu.memory_space<vmem>>, vector<1x16xf32>,
    %swap3A_37 = vector.shape_cast %swap3A_36 : vector<1x16xf32> to vector<16xf32>
    %swap3A_38 = vector.shape_cast %broadcast_in_dim3A_32 : vector<16xf32> to vector<1x16xf32>
    tpu.vector_store %arg9[%swap3A_34, %swap3A_35], %swap3A_38 {strides = array<i32>} : memref<16x64xf32, #tpu.memory_space<vmem>>, vector<1x16xf32>,
    %broadcast_in_dim3A_39 = arith.constant 0.000000e+00 : f32
    %broadcast_in_dim3A_40 = vector.broadcast %broadcast_in_dim3A_39 : f32 to vector<16xf32>
    %swap3A_41 = arith.constant 1 : i32
    %swap3A_42 = arith.index_cast %swap3A_41 : i32 to index
    %swap3A_43 = arith.constant 16 : index
    %swap3A_44 = tpu.vector_load %arg9[%swap3A_42, %swap3A_43] {strides = array<i32>} : memref<16x64xf32, #tpu.memory_space<vmem>>, vector<1x16xf32>,
    %swap3A_45 = vector.shape_cast %swap3A_44 : vector<1x16xf32> to vector<16xf32>
    %swap3A_46 = vector.shape_cast %broadcast_in_dim3A_40 : vector<16xf32> to vector<1x16xf32>
    tpu.vector_store %arg9[%swap3A_42, %swap3A_43], %swap3A_46 {strides = array<i32>} : memref<16x64xf32, #tpu.memory_space<vmem>>, vector<1x16xf32>,
    %broadcast_in_dim3A_47 = arith.constant 0.000000e+00 : f32
    %broadcast_in_dim3A_48 = vector.broadcast %broadcast_in_dim3A_47 : f32 to vector<16xf32>
    %swap3A_49 = arith.constant 1 : i32
    %swap3A_50 = arith.index_cast %swap3A_49 : i32 to index
    %swap3A_51 = arith.constant 32 : index
    %swap3A_52 = tpu.vector_load %arg9[%swap3A_50, %swap3A_51] {strides = array<i32>} : memref<16x64xf32, #tpu.memory_space<vmem>>, vector<1x16xf32>,
    %swap3A_53 = vector.shape_cast %swap3A_52 : vector<1x16xf32> to vector<16xf32>
    %swap3A_54 = vector.shape_cast %broadcast_in_dim3A_48 : vector<16xf32> to vector<1x16xf32>
    tpu.vector_store %arg9[%swap3A_50, %swap3A_51], %swap3A_54 {strides = array<i32>} : memref<16x64xf32, #tpu.memory_space<vmem>>, vector<1x16xf32>,
    %broadcast_in_dim3A_55 = arith.constant 0.000000e+00 : f32
    %broadcast_in_dim3A_56 = vector.broadcast %broadcast_in_dim3A_55 : f32 to vector<16xf32>
    %swap3A_57 = arith.constant 1 : i32
    %swap3A_58 = arith.index_cast %swap3A_57 : i32 to index
    %swap3A_59 = arith.constant 48 : index
    %swap3A_60 = tpu.vector_load %arg9[%swap3A_58, %swap3A_59] {strides = array<i32>} : memref<16x64xf32, #tpu.memory_space<vmem>>, vector<1x16xf32>,
    %swap3A_61 = vector.shape_cast %swap3A_60 : vector<1x16xf32> to vector<16xf32>
    %swap3A_62 = vector.shape_cast %broadcast_in_dim3A_56 : vector<16xf32> to vector<1x16xf32>
    tpu.vector_store %arg9[%swap3A_58, %swap3A_59], %swap3A_62 {strides = array<i32>} : memref<16x64xf32, #tpu.memory_space<vmem>>, vector<1x16xf32>,
    %broadcast_in_dim3A_63 = arith.constant 0.000000e+00 : f32
    %broadcast_in_dim3A_64 = vector.broadcast %broadcast_in_dim3A_63 : f32 to vector<16xf32>
    %swap3A_65 = arith.constant 2 : i32
    %swap3A_66 = arith.index_cast %swap3A_65 : i32 to index
    %swap3A_67 = arith.constant 0 : index
    %swap3A_68 = tpu.vector_load %arg9[%swap3A_66, %swap3A_67] {strides = array<i32>} : memref<16x64xf32, #tpu.memory_space<vmem>>, vector<1x16xf32>,
    %swap3A_69 = vector.shape_cast %swap3A_68 : vector<1x16xf32> to vector<16xf32>
    %swap3A_70 = vector.shape_cast %broadcast_in_dim3A_64 : vector<16xf32> to vector<1x16xf32>
    tpu.vector_store %arg9[%swap3A_66, %swap3A_67], %swap3A_70 {strides = array<i32>} : memref<16x64xf32, #tpu.memory_space<vmem>>, vector<1x16xf32>,
    %broadcast_in_dim3A_71 = arith.constant 0.000000e+00 : f32
    %broadcast_in_dim3A_72 = vector.broadcast %broadcast_in_dim3A_71 : f32 to vector<16xf32>
    %swap3A_73 = arith.constant 2 : i32
    %swap3A_74 = arith.index_cast %swap3A_73 : i32 to index
    %swap3A_75 = arith.constant 16 : index
    %swap3A_76 = tpu.vector_load %arg9[%swap3A_74, %swap3A_75] {strides = array<i32>} : memref<16x64xf32, #tpu.memory_space<vmem>>, vector<1x16xf32>,
    %swap3A_77 = vector.shape_cast %swap3A_76 : vector<1x16xf32> to vector<16xf32>
    %swap3A_78 = vector.shape_cast %broadcast_in_dim3A_72 : vector<16xf32> to vector<1x16xf32>
    tpu.vector_store %arg9[%swap3A_74, %swap3A_75], %swap3A_78 {strides = array<i32>} : memref<16x64xf32, #tpu.memory_space<vmem>>, vector<1x16xf32>,
    %broadcast_in_dim3A_79 = arith.constant 0.000000e+00 : f32
    %broadcast_in_dim3A_80 = vector.broadcast %broadcast_in_dim3A_79 : f32 to vector<16xf32>
    %swap3A_81 = arith.constant 2 : i32
    %swap3A_82 = arith.index_cast %swap3A_81 : i32 to index
    %swap3A_83 = arith.constant 32 : index
    %swap3A_84 = tpu.vector_load %arg9[%swap3A_82, %swap3A_83] {strides = array<i32>} : memref<16x64xf32, #tpu.memory_space<vmem>>, vector<1x16xf32>,
    %swap3A_85 = vector.shape_cast %swap3A_84 : vector<1x16xf32> to vector<16xf32>
    %swap3A_86 = vector.shape_cast %broadcast_in_dim3A_80 : vector<16xf32> to vector<1x16xf32>
    tpu.vector_store %arg9[%swap3A_82, %swap3A_83], %swap3A_86 {strides = array<i32>} : memref<16x64xf32, #tpu.memory_space<vmem>>, vector<1x16xf32>,
    %broadcast_in_dim3A_87 = arith.constant 0.000000e+00 : f32
    %broadcast_in_dim3A_88 = vector.broadcast %broadcast_in_dim3A_87 : f32 to vector<16xf32>
    %swap3A_89 = arith.constant 2 : i32
    %swap3A_90 = arith.index_cast %swap3A_89 : i32 to index
    %swap3A_91 = arith.constant 48 : index
    %swap3A_92 = tpu.vector_load %arg9[%swap3A_90, %swap3A_91] {strides = array<i32>} : memref<16x64xf32, #tpu.memory_space<vmem>>, vector<1x16xf32>,
    %swap3A_93 = vector.shape_cast %swap3A_92 : vector<1x16xf32> to vector<16xf32>
    %swap3A_94 = vector.shape_cast %broadcast_in_dim3A_88 : vector<16xf32> to vector<1x16xf32>
    tpu.vector_store %arg9[%swap3A_90, %swap3A_91], %swap3A_94 {strides = array<i32>} : memref<16x64xf32, #tpu.memory_space<vmem>>, vector<1x16xf32>,
    %broadcast_in_dim3A_95 = arith.constant 0.000000e+00 : f32
    %broadcast_in_dim3A_96 = vector.broadcast %broadcast_in_dim3A_95 : f32 to vector<16xf32>
    %swap3A_97 = arith.constant 3 : i32
    %swap3A_98 = arith.index_cast %swap3A_97 : i32 to index
    %swap3A_99 = arith.constant 0 : index
    %swap3A_100 = tpu.vector_load %arg9[%swap3A_98, %swap3A_99] {strides = array<i32>} : memref<16x64xf32, #tpu.memory_space<vmem>>, vector<1x16xf32>,
    %swap3A_101 = vector.shape_cast %swap3A_100 : vector<1x16xf32> to vector<16xf32>
    %swap3A_102 = vector.shape_cast %broadcast_in_dim3A_96 : vector<16xf32> to vector<1x16xf32>
    tpu.vector_store %arg9[%swap3A_98, %swap3A_99], %swap3A_102 {strides = array<i32>} : memref<16x64xf32, #tpu.memory_space<vmem>>, vector<1x16xf32>,
    %broadcast_in_dim3A_103 = arith.constant 0.000000e+00 : f32
    %broadcast_in_dim3A_104 = vector.broadcast %broadcast_in_dim3A_103 : f32 to vector<16xf32>
    %swap3A_105 = arith.constant 3 : i32
    %swap3A_106 = arith.index_cast %swap3A_105 : i32 to index
    %swap3A_107 = arith.constant 16 : index
    %swap3A_108 = tpu.vector_load %arg9[%swap3A_106, %swap3A_107] {strides = array<i32>} : memref<16x64xf32, #tpu.memory_space<vmem>>, vector<1x16xf32>,
    %swap3A_109 = vector.shape_cast %swap3A_108 : vector<1x16xf32> to vector<16xf32>
    %swap3A_110 = vector.shape_cast %broadcast_in_dim3A_104 : vector<16xf32> to vector<1x16xf32>
    tpu.vector_store %arg9[%swap3A_106, %swap3A_107], %swap3A_110 {strides = array<i32>} : memref<16x64xf32, #tpu.memory_space<vmem>>, vector<1x16xf32>,
    %broadcast_in_dim3A_111 = arith.constant 0.000000e+00 : f32
    %broadcast_in_dim3A_112 = vector.broadcast %broadcast_in_dim3A_111 : f32 to vector<16xf32>
    %swap3A_113 = arith.constant 3 : i32
    %swap3A_114 = arith.index_cast %swap3A_113 : i32 to index
    %swap3A_115 = arith.constant 32 : index
    %swap3A_116 = tpu.vector_load %arg9[%swap3A_114, %swap3A_115] {strides = array<i32>} : memref<16x64xf32, #tpu.memory_space<vmem>>, vector<1x16xf32>,
    %swap3A_117 = vector.shape_cast %swap3A_116 : vector<1x16xf32> to vector<16xf32>
    %swap3A_118 = vector.shape_cast %broadcast_in_dim3A_112 : vector<16xf32> to vector<1x16xf32>
    tpu.vector_store %arg9[%swap3A_114, %swap3A_115], %swap3A_118 {strides = array<i32>} : memref<16x64xf32, #tpu.memory_space<vmem>>, vector<1x16xf32>,
    %broadcast_in_dim3A_119 = arith.constant 0.000000e+00 : f32
    %broadcast_in_dim3A_120 = vector.broadcast %broadcast_in_dim3A_119 : f32 to vector<16xf32>
    %swap3A_121 = arith.constant 3 : i32
    %swap3A_122 = arith.index_cast %swap3A_121 : i32 to index
    %swap3A_123 = arith.constant 48 : index
    %swap3A_124 = tpu.vector_load %arg9[%swap3A_122, %swap3A_123] {strides = array<i32>} : memref<16x64xf32, #tpu.memory_space<vmem>>, vector<1x16xf32>,
    %swap3A_125 = vector.shape_cast %swap3A_124 : vector<1x16xf32> to vector<16xf32>
    %swap3A_126 = vector.shape_cast %broadcast_in_dim3A_120 : vector<16xf32> to vector<1x16xf32>
    tpu.vector_store %arg9[%swap3A_122, %swap3A_123], %swap3A_126 {strides = array<i32>} : memref<16x64xf32, #tpu.memory_space<vmem>>, vector<1x16xf32>,
    %broadcast_in_dim3A_127 = arith.constant 0.000000e+00 : f32
    %broadcast_in_dim3A_128 = vector.broadcast %broadcast_in_dim3A_127 : f32 to vector<16xf32>
    %swap3A_129 = arith.constant 4 : i32
    %swap3A_130 = arith.index_cast %swap3A_129 : i32 to index
    %swap3A_131 = arith.constant 0 : index
    %swap3A_132 = tpu.vector_load %arg9[%swap3A_130, %swap3A_131] {strides = array<i32>} : memref<16x64xf32, #tpu.memory_space<vmem>>, vector<1x16xf32>,
    %swap3A_133 = vector.shape_cast %swap3A_132 : vector<1x16xf32> to vector<16xf32>
    %swap3A_134 = vector.shape_cast %broadcast_in_dim3A_128 : vector<16xf32> to vector<1x16xf32>
    tpu.vector_store %arg9[%swap3A_130, %swap3A_131], %swap3A_134 {strides = array<i32>} : memref<16x64xf32, #tpu.memory_space<vmem>>, vector<1x16xf32>,
    %broadcast_in_dim3A_135 = arith.constant 0.000000e+00 : f32
    %broadcast_in_dim3A_136 = vector.broadcast %broadcast_in_dim3A_135 : f32 to vector<16xf32>
    %swap3A_137 = arith.constant 4 : i32
    %swap3A_138 = arith.index_cast %swap3A_137 : i32 to index
    %swap3A_139 = arith.constant 16 : index
    %swap3A_140 = tpu.vector_load %arg9[%swap3A_138, %swap3A_139] {strides = array<i32>} : memref<16x64xf32, #tpu.memory_space<vmem>>, vector<1x16xf32>,
    %swap3A_141 = vector.shape_cast %swap3A_140 : vector<1x16xf32> to vector<16xf32>
    %swap3A_142 = vector.shape_cast %broadcast_in_dim3A_136 : vector<16xf32> to vector<1x16xf32>
    tpu.vector_store %arg9[%swap3A_138, %swap3A_139], %swap3A_142 {strides = array<i32>} : memref<16x64xf32, #tpu.memory_space<vmem>>, vector<1x16xf32>,
    %broadcast_in_dim3A_143 = arith.constant 0.000000e+00 : f32
    %broadcast_in_dim3A_144 = vector.broadcast %broadcast_in_dim3A_143 : f32 to vector<16xf32>
    %swap3A_145 = arith.constant 4 : i32
    %swap3A_146 = arith.index_cast %swap3A_145 : i32 to index
    %swap3A_147 = arith.constant 32 : index
    %swap3A_148 = tpu.vector_load %arg9[%swap3A_146, %swap3A_147] {strides = array<i32>} : memref<16x64xf32, #tpu.memory_space<vmem>>, vector<1x16xf32>,
    %swap3A_149 = vector.shape_cast %swap3A_148 : vector<1x16xf32> to vector<16xf32>
    %swap3A_150 = vector.shape_cast %broadcast_in_dim3A_144 : vector<16xf32> to vector<1x16xf32>
    tpu.vector_store %arg9[%swap3A_146, %swap3A_147], %swap3A_150 {strides = array<i32>} : memref<16x64xf32, #tpu.memory_space<vmem>>, vector<1x16xf32>,
    %broadcast_in_dim3A_151 = arith.constant 0.000000e+00 : f32
    %broadcast_in_dim3A_152 = vector.broadcast %broadcast_in_dim3A_151 : f32 to vector<16xf32>
    %swap3A_153 = arith.constant 4 : i32
    %swap3A_154 = arith.index_cast %swap3A_153 : i32 to index
    %swap3A_155 = arith.constant 48 : index
    %swap3A_156 = tpu.vector_load %arg9[%swap3A_154, %swap3A_155] {strides = array<i32>} : memref<16x64xf32, #tpu.memory_space<vmem>>, vector<1x16xf32>,
    %swap3A_157 = vector.shape_cast %swap3A_156 : vector<1x16xf32> to vector<16xf32>
    %swap3A_158 = vector.shape_cast %broadcast_in_dim3A_152 : vector<16xf32> to vector<1x16xf32>
    tpu.vector_store %arg9[%swap3A_154, %swap3A_155], %swap3A_158 {strides = array<i32>} : memref<16x64xf32, #tpu.memory_space<vmem>>, vector<1x16xf32>,
    %broadcast_in_dim3A_159 = arith.constant 0.000000e+00 : f32
    %broadcast_in_dim3A_160 = vector.broadcast %broadcast_in_dim3A_159 : f32 to vector<16xf32>
    %swap3A_161 = arith.constant 5 : i32
    %swap3A_162 = arith.index_cast %swap3A_161 : i32 to index
    %swap3A_163 = arith.constant 0 : index
    %swap3A_164 = tpu.vector_load %arg9[%swap3A_162, %swap3A_163] {strides = array<i32>} : memref<16x64xf32, #tpu.memory_space<vmem>>, vector<1x16xf32>,
    %swap3A_165 = vector.shape_cast %swap3A_164 : vector<1x16xf32> to vector<16xf32>
    %swap3A_166 = vector.shape_cast %broadcast_in_dim3A_160 : vector<16xf32> to vector<1x16xf32>
    tpu.vector_store %arg9[%swap3A_162, %swap3A_163], %swap3A_166 {strides = array<i32>} : memref<16x64xf32, #tpu.memory_space<vmem>>, vector<1x16xf32>,
    %broadcast_in_dim3A_167 = arith.constant 0.000000e+00 : f32
    %broadcast_in_dim3A_168 = vector.broadcast %broadcast_in_dim3A_167 : f32 to vector<16xf32>
    %swap3A_169 = arith.constant 5 : i32
    %swap3A_170 = arith.index_cast %swap3A_169 : i32 to index
    %swap3A_171 = arith.constant 16 : index
    %swap3A_172 = tpu.vector_load %arg9[%swap3A_170, %swap3A_171] {strides = array<i32>} : memref<16x64xf32, #tpu.memory_space<vmem>>, vector<1x16xf32>,
    %swap3A_173 = vector.shape_cast %swap3A_172 : vector<1x16xf32> to vector<16xf32>
    %swap3A_174 = vector.shape_cast %broadcast_in_dim3A_168 : vector<16xf32> to vector<1x16xf32>
    tpu.vector_store %arg9[%swap3A_170, %swap3A_171], %swap3A_174 {strides = array<i32>} : memref<16x64xf32, #tpu.memory_space<vmem>>, vector<1x16xf32>,
    %broadcast_in_dim3A_175 = arith.constant 0.000000e+00 : f32
    %broadcast_in_dim3A_176 = vector.broadcast %broadcast_in_dim3A_175 : f32 to vector<16xf32>
    %swap3A_177 = arith.constant 5 : i32
    %swap3A_178 = arith.index_cast %swap3A_177 : i32 to index
    %swap3A_179 = arith.constant 32 : index
    %swap3A_180 = tpu.vector_load %arg9[%swap3A_178, %swap3A_179] {strides = array<i32>} : memref<16x64xf32, #tpu.memory_space<vmem>>, vector<1x16xf32>,
    %swap3A_181 = vector.shape_cast %swap3A_180 : vector<1x16xf32> to vector<16xf32>
    %swap3A_182 = vector.shape_cast %broadcast_in_dim3A_176 : vector<16xf32> to vector<1x16xf32>
    tpu.vector_store %arg9[%swap3A_178, %swap3A_179], %swap3A_182 {strides = array<i32>} : memref<16x64xf32, #tpu.memory_space<vmem>>, vector<1x16xf32>,
    %broadcast_in_dim3A_183 = arith.constant 0.000000e+00 : f32
    %broadcast_in_dim3A_184 = vector.broadcast %broadcast_in_dim3A_183 : f32 to vector<16xf32>
    %swap3A_185 = arith.constant 5 : i32
    %swap3A_186 = arith.index_cast %swap3A_185 : i32 to index
    %swap3A_187 = arith.constant 48 : index
    %swap3A_188 = tpu.vector_load %arg9[%swap3A_186, %swap3A_187] {strides = array<i32>} : memref<16x64xf32, #tpu.memory_space<vmem>>, vector<1x16xf32>,
    %swap3A_189 = vector.shape_cast %swap3A_188 : vector<1x16xf32> to vector<16xf32>
    %swap3A_190 = vector.shape_cast %broadcast_in_dim3A_184 : vector<16xf32> to vector<1x16xf32>
    tpu.vector_store %arg9[%swap3A_186, %swap3A_187], %swap3A_190 {strides = array<i32>} : memref<16x64xf32, #tpu.memory_space<vmem>>, vector<1x16xf32>,
    %broadcast_in_dim3A_191 = arith.constant 0.000000e+00 : f32
    %broadcast_in_dim3A_192 = vector.broadcast %broadcast_in_dim3A_191 : f32 to vector<16xf32>
    %swap3A_193 = arith.constant 6 : i32
    %swap3A_194 = arith.index_cast %swap3A_193 : i32 to index
    %swap3A_195 = arith.constant 0 : index
    %swap3A_196 = tpu.vector_load %arg9[%swap3A_194, %swap3A_195] {strides = array<i32>} : memref<16x64xf32, #tpu.memory_space<vmem>>, vector<1x16xf32>,
    %swap3A_197 = vector.shape_cast %swap3A_196 : vector<1x16xf32> to vector<16xf32>
    %swap3A_198 = vector.shape_cast %broadcast_in_dim3A_192 : vector<16xf32> to vector<1x16xf32>
    tpu.vector_store %arg9[%swap3A_194, %swap3A_195], %swap3A_198 {strides = array<i32>} : memref<16x64xf32, #tpu.memory_space<vmem>>, vector<1x16xf32>,
    %broadcast_in_dim3A_199 = arith.constant 0.000000e+00 : f32
    %broadcast_in_dim3A_200 = vector.broadcast %broadcast_in_dim3A_199 : f32 to vector<16xf32>
    %swap3A_201 = arith.constant 6 : i32
    %swap3A_202 = arith.index_cast %swap3A_201 : i32 to index
    %swap3A_203 = arith.constant 16 : index
    %swap3A_204 = tpu.vector_load %arg9[%swap3A_202, %swap3A_203] {strides = array<i32>} : memref<16x64xf32, #tpu.memory_space<vmem>>, vector<1x16xf32>,
    %swap3A_205 = vector.shape_cast %swap3A_204 : vector<1x16xf32> to vector<16xf32>
    %swap3A_206 = vector.shape_cast %broadcast_in_dim3A_200 : vector<16xf32> to vector<1x16xf32>
    tpu.vector_store %arg9[%swap3A_202, %swap3A_203], %swap3A_206 {strides = array<i32>} : memref<16x64xf32, #tpu.memory_space<vmem>>, vector<1x16xf32>,
    %broadcast_in_dim3A_207 = arith.constant 0.000000e+00 : f32
    %broadcast_in_dim3A_208 = vector.broadcast %broadcast_in_dim3A_207 : f32 to vector<16xf32>
    %swap3A_209 = arith.constant 6 : i32
    %swap3A_210 = arith.index_cast %swap3A_209 : i32 to index
    %swap3A_211 = arith.constant 32 : index
    %swap3A_212 = tpu.vector_load %arg9[%swap3A_210, %swap3A_211] {strides = array<i32>} : memref<16x64xf32, #tpu.memory_space<vmem>>, vector<1x16xf32>,
    %swap3A_213 = vector.shape_cast %swap3A_212 : vector<1x16xf32> to vector<16xf32>
    %swap3A_214 = vector.shape_cast %broadcast_in_dim3A_208 : vector<16xf32> to vector<1x16xf32>
    tpu.vector_store %arg9[%swap3A_210, %swap3A_211], %swap3A_214 {strides = array<i32>} : memref<16x64xf32, #tpu.memory_space<vmem>>, vector<1x16xf32>,
    %broadcast_in_dim3A_215 = arith.constant 0.000000e+00 : f32
    %broadcast_in_dim3A_216 = vector.broadcast %broadcast_in_dim3A_215 : f32 to vector<16xf32>
    %swap3A_217 = arith.constant 6 : i32
    %swap3A_218 = arith.index_cast %swap3A_217 : i32 to index
    %swap3A_219 = arith.constant 48 : index
    %swap3A_220 = tpu.vector_load %arg9[%swap3A_218, %swap3A_219] {strides = array<i32>} : memref<16x64xf32, #tpu.memory_space<vmem>>, vector<1x16xf32>,
    %swap3A_221 = vector.shape_cast %swap3A_220 : vector<1x16xf32> to vector<16xf32>
    %swap3A_222 = vector.shape_cast %broadcast_in_dim3A_216 : vector<16xf32> to vector<1x16xf32>
    tpu.vector_store %arg9[%swap3A_218, %swap3A_219], %swap3A_222 {strides = array<i32>} : memref<16x64xf32, #tpu.memory_space<vmem>>, vector<1x16xf32>,
    %broadcast_in_dim3A_223 = arith.constant 0.000000e+00 : f32
    %broadcast_in_dim3A_224 = vector.broadcast %broadcast_in_dim3A_223 : f32 to vector<16xf32>
    %swap3A_225 = arith.constant 7 : i32
    %swap3A_226 = arith.index_cast %swap3A_225 : i32 to index
    %swap3A_227 = arith.constant 0 : index
    %swap3A_228 = tpu.vector_load %arg9[%swap3A_226, %swap3A_227] {strides = array<i32>} : memref<16x64xf32, #tpu.memory_space<vmem>>, vector<1x16xf32>,
    %swap3A_229 = vector.shape_cast %swap3A_228 : vector<1x16xf32> to vector<16xf32>
    %swap3A_230 = vector.shape_cast %broadcast_in_dim3A_224 : vector<16xf32> to vector<1x16xf32>
    tpu.vector_store %arg9[%swap3A_226, %swap3A_227], %swap3A_230 {strides = array<i32>} : memref<16x64xf32, #tpu.memory_space<vmem>>, vector<1x16xf32>,
    %broadcast_in_dim3A_231 = arith.constant 0.000000e+00 : f32
    %broadcast_in_dim3A_232 = vector.broadcast %broadcast_in_dim3A_231 : f32 to vector<16xf32>
    %swap3A_233 = arith.constant 7 : i32
    %swap3A_234 = arith.index_cast %swap3A_233 : i32 to index
    %swap3A_235 = arith.constant 16 : index
    %swap3A_236 = tpu.vector_load %arg9[%swap3A_234, %swap3A_235] {strides = array<i32>} : memref<16x64xf32, #tpu.memory_space<vmem>>, vector<1x16xf32>,
    %swap3A_237 = vector.shape_cast %swap3A_236 : vector<1x16xf32> to vector<16xf32>
    %swap3A_238 = vector.shape_cast %broadcast_in_dim3A_232 : vector<16xf32> to vector<1x16xf32>
    tpu.vector_store %arg9[%swap3A_234, %swap3A_235], %swap3A_238 {strides = array<i32>} : memref<16x64xf32, #tpu.memory_space<vmem>>, vector<1x16xf32>,
    %broadcast_in_dim3A_239 = arith.constant 0.000000e+00 : f32
    %broadcast_in_dim3A_240 = vector.broadcast %broadcast_in_dim3A_239 : f32 to vector<16xf32>
    %swap3A_241 = arith.constant 7 : i32
    %swap3A_242 = arith.index_cast %swap3A_241 : i32 to index
    %swap3A_243 = arith.constant 32 : index
    %swap3A_244 = tpu.vector_load %arg9[%swap3A_242, %swap3A_243] {strides = array<i32>} : memref<16x64xf32, #tpu.memory_space<vmem>>, vector<1x16xf32>,
    %swap3A_245 = vector.shape_cast %swap3A_244 : vector<1x16xf32> to vector<16xf32>
    %swap3A_246 = vector.shape_cast %broadcast_in_dim3A_240 : vector<16xf32> to vector<1x16xf32>
    tpu.vector_store %arg9[%swap3A_242, %swap3A_243], %swap3A_246 {strides = array<i32>} : memref<16x64xf32, #tpu.memory_space<vmem>>, vector<1x16xf32>,
    %broadcast_in_dim3A_247 = arith.constant 0.000000e+00 : f32
    %broadcast_in_dim3A_248 = vector.broadcast %broadcast_in_dim3A_247 : f32 to vector<16xf32>
    %swap3A_249 = arith.constant 7 : i32
    %swap3A_250 = arith.index_cast %swap3A_249 : i32 to index
    %swap3A_251 = arith.constant 48 : index
    %swap3A_252 = tpu.vector_load %arg9[%swap3A_250, %swap3A_251] {strides = array<i32>} : memref<16x64xf32, #tpu.memory_space<vmem>>, vector<1x16xf32>,
    %swap3A_253 = vector.shape_cast %swap3A_252 : vector<1x16xf32> to vector<16xf32>
    %swap3A_254 = vector.shape_cast %broadcast_in_dim3A_248 : vector<16xf32> to vector<1x16xf32>
    tpu.vector_store %arg9[%swap3A_250, %swap3A_251], %swap3A_254 {strides = array<i32>} : memref<16x64xf32, #tpu.memory_space<vmem>>, vector<1x16xf32>,
    %broadcast_in_dim3A_255 = arith.constant 0.000000e+00 : f32
    %broadcast_in_dim3A_256 = vector.broadcast %broadcast_in_dim3A_255 : f32 to vector<16xf32>
    %swap3A_257 = arith.constant 8 : i32
    %swap3A_258 = arith.index_cast %swap3A_257 : i32 to index
    %swap3A_259 = arith.constant 0 : index
    %swap3A_260 = tpu.vector_load %arg9[%swap3A_258, %swap3A_259] {strides = array<i32>} : memref<16x64xf32, #tpu.memory_space<vmem>>, vector<1x16xf32>,
    %swap3A_261 = vector.shape_cast %swap3A_260 : vector<1x16xf32> to vector<16xf32>
    %swap3A_262 = vector.shape_cast %broadcast_in_dim3A_256 : vector<16xf32> to vector<1x16xf32>
    tpu.vector_store %arg9[%swap3A_258, %swap3A_259], %swap3A_262 {strides = array<i32>} : memref<16x64xf32, #tpu.memory_space<vmem>>, vector<1x16xf32>,
    %broadcast_in_dim3A_263 = arith.constant 0.000000e+00 : f32
    %broadcast_in_dim3A_264 = vector.broadcast %broadcast_in_dim3A_263 : f32 to vector<16xf32>
    %swap3A_265 = arith.constant 8 : i32
    %swap3A_266 = arith.index_cast %swap3A_265 : i32 to index
    %swap3A_267 = arith.constant 16 : index
    %swap3A_268 = tpu.vector_load %arg9[%swap3A_266, %swap3A_267] {strides = array<i32>} : memref<16x64xf32, #tpu.memory_space<vmem>>, vector<1x16xf32>,
    %swap3A_269 = vector.shape_cast %swap3A_268 : vector<1x16xf32> to vector<16xf32>
    %swap3A_270 = vector.shape_cast %broadcast_in_dim3A_264 : vector<16xf32> to vector<1x16xf32>
    tpu.vector_store %arg9[%swap3A_266, %swap3A_267], %swap3A_270 {strides = array<i32>} : memref<16x64xf32, #tpu.memory_space<vmem>>, vector<1x16xf32>,
    %broadcast_in_dim3A_271 = arith.constant 0.000000e+00 : f32
    %broadcast_in_dim3A_272 = vector.broadcast %broadcast_in_dim3A_271 : f32 to vector<16xf32>
    %swap3A_273 = arith.constant 8 : i32
    %swap3A_274 = arith.index_cast %swap3A_273 : i32 to index
    %swap3A_275 = arith.constant 32 : index
    %swap3A_276 = tpu.vector_load %arg9[%swap3A_274, %swap3A_275] {strides = array<i32>} : memref<16x64xf32, #tpu.memory_space<vmem>>, vector<1x16xf32>,
    %swap3A_277 = vector.shape_cast %swap3A_276 : vector<1x16xf32> to vector<16xf32>
    %swap3A_278 = vector.shape_cast %broadcast_in_dim3A_272 : vector<16xf32> to vector<1x16xf32>
    tpu.vector_store %arg9[%swap3A_274, %swap3A_275], %swap3A_278 {strides = array<i32>} : memref<16x64xf32, #tpu.memory_space<vmem>>, vector<1x16xf32>,
    %broadcast_in_dim3A_279 = arith.constant 0.000000e+00 : f32
    %broadcast_in_dim3A_280 = vector.broadcast %broadcast_in_dim3A_279 : f32 to vector<16xf32>
    %swap3A_281 = arith.constant 8 : i32
    %swap3A_282 = arith.index_cast %swap3A_281 : i32 to index
    %swap3A_283 = arith.constant 48 : index
    %swap3A_284 = tpu.vector_load %arg9[%swap3A_282, %swap3A_283] {strides = array<i32>} : memref<16x64xf32, #tpu.memory_space<vmem>>, vector<1x16xf32>,
    %swap3A_285 = vector.shape_cast %swap3A_284 : vector<1x16xf32> to vector<16xf32>
    %swap3A_286 = vector.shape_cast %broadcast_in_dim3A_280 : vector<16xf32> to vector<1x16xf32>
    tpu.vector_store %arg9[%swap3A_282, %swap3A_283], %swap3A_286 {strides = array<i32>} : memref<16x64xf32, #tpu.memory_space<vmem>>, vector<1x16xf32>,
    %broadcast_in_dim3A_287 = arith.constant 0.000000e+00 : f32
    %broadcast_in_dim3A_288 = vector.broadcast %broadcast_in_dim3A_287 : f32 to vector<16xf32>
    %swap3A_289 = arith.constant 9 : i32
    %swap3A_290 = arith.index_cast %swap3A_289 : i32 to index
    %swap3A_291 = arith.constant 0 : index
    %swap3A_292 = tpu.vector_load %arg9[%swap3A_290, %swap3A_291] {strides = array<i32>} : memref<16x64xf32, #tpu.memory_space<vmem>>, vector<1x16xf32>,
    %swap3A_293 = vector.shape_cast %swap3A_292 : vector<1x16xf32> to vector<16xf32>
    %swap3A_294 = vector.shape_cast %broadcast_in_dim3A_288 : vector<16xf32> to vector<1x16xf32>
    tpu.vector_store %arg9[%swap3A_290, %swap3A_291], %swap3A_294 {strides = array<i32>} : memref<16x64xf32, #tpu.memory_space<vmem>>, vector<1x16xf32>,
    %broadcast_in_dim3A_295 = arith.constant 0.000000e+00 : f32
    %broadcast_in_dim3A_296 = vector.broadcast %broadcast_in_dim3A_295 : f32 to vector<16xf32>
    %swap3A_297 = arith.constant 9 : i32
    %swap3A_298 = arith.index_cast %swap3A_297 : i32 to index
    %swap3A_299 = arith.constant 16 : index
    %swap3A_300 = tpu.vector_load %arg9[%swap3A_298, %swap3A_299] {strides = array<i32>} : memref<16x64xf32, #tpu.memory_space<vmem>>, vector<1x16xf32>,
    %swap3A_301 = vector.shape_cast %swap3A_300 : vector<1x16xf32> to vector<16xf32>
    %swap3A_302 = vector.shape_cast %broadcast_in_dim3A_296 : vector<16xf32> to vector<1x16xf32>
    tpu.vector_store %arg9[%swap3A_298, %swap3A_299], %swap3A_302 {strides = array<i32>} : memref<16x64xf32, #tpu.memory_space<vmem>>, vector<1x16xf32>,
    %broadcast_in_dim3A_303 = arith.constant 0.000000e+00 : f32
    %broadcast_in_dim3A_304 = vector.broadcast %broadcast_in_dim3A_303 : f32 to vector<16xf32>
    %swap3A_305 = arith.constant 9 : i32
    %swap3A_306 = arith.index_cast %swap3A_305 : i32 to index
    %swap3A_307 = arith.constant 32 : index
    %swap3A_308 = tpu.vector_load %arg9[%swap3A_306, %swap3A_307] {strides = array<i32>} : memref<16x64xf32, #tpu.memory_space<vmem>>, vector<1x16xf32>,
    %swap3A_309 = vector.shape_cast %swap3A_308 : vector<1x16xf32> to vector<16xf32>
    %swap3A_310 = vector.shape_cast %broadcast_in_dim3A_304 : vector<16xf32> to vector<1x16xf32>
    tpu.vector_store %arg9[%swap3A_306, %swap3A_307], %swap3A_310 {strides = array<i32>} : memref<16x64xf32, #tpu.memory_space<vmem>>, vector<1x16xf32>,
    %broadcast_in_dim3A_311 = arith.constant 0.000000e+00 : f32
    %broadcast_in_dim3A_312 = vector.broadcast %broadcast_in_dim3A_311 : f32 to vector<16xf32>
    %swap3A_313 = arith.constant 9 : i32
    %swap3A_314 = arith.index_cast %swap3A_313 : i32 to index
    %swap3A_315 = arith.constant 48 : index
    %swap3A_316 = tpu.vector_load %arg9[%swap3A_314, %swap3A_315] {strides = array<i32>} : memref<16x64xf32, #tpu.memory_space<vmem>>, vector<1x16xf32>,
    %swap3A_317 = vector.shape_cast %swap3A_316 : vector<1x16xf32> to vector<16xf32>
    %swap3A_318 = vector.shape_cast %broadcast_in_dim3A_312 : vector<16xf32> to vector<1x16xf32>
    tpu.vector_store %arg9[%swap3A_314, %swap3A_315], %swap3A_318 {strides = array<i32>} : memref<16x64xf32, #tpu.memory_space<vmem>>, vector<1x16xf32>,
    %broadcast_in_dim3A_319 = arith.constant 0.000000e+00 : f32
    %broadcast_in_dim3A_320 = vector.broadcast %broadcast_in_dim3A_319 : f32 to vector<16xf32>
    %swap3A_321 = arith.constant 10 : i32
    %swap3A_322 = arith.index_cast %swap3A_321 : i32 to index
    %swap3A_323 = arith.constant 0 : index
    %swap3A_324 = tpu.vector_load %arg9[%swap3A_322, %swap3A_323] {strides = array<i32>} : memref<16x64xf32, #tpu.memory_space<vmem>>, vector<1x16xf32>,
    %swap3A_325 = vector.shape_cast %swap3A_324 : vector<1x16xf32> to vector<16xf32>
    %swap3A_326 = vector.shape_cast %broadcast_in_dim3A_320 : vector<16xf32> to vector<1x16xf32>
    tpu.vector_store %arg9[%swap3A_322, %swap3A_323], %swap3A_326 {strides = array<i32>} : memref<16x64xf32, #tpu.memory_space<vmem>>, vector<1x16xf32>,
    %broadcast_in_dim3A_327 = arith.constant 0.000000e+00 : f32
    %broadcast_in_dim3A_328 = vector.broadcast %broadcast_in_dim3A_327 : f32 to vector<16xf32>
    %swap3A_329 = arith.constant 10 : i32
    %swap3A_330 = arith.index_cast %swap3A_329 : i32 to index
    %swap3A_331 = arith.constant 16 : index
    %swap3A_332 = tpu.vector_load %arg9[%swap3A_330, %swap3A_331] {strides = array<i32>} : memref<16x64xf32, #tpu.memory_space<vmem>>, vector<1x16xf32>,
    %swap3A_333 = vector.shape_cast %swap3A_332 : vector<1x16xf32> to vector<16xf32>
    %swap3A_334 = vector.shape_cast %broadcast_in_dim3A_328 : vector<16xf32> to vector<1x16xf32>
    tpu.vector_store %arg9[%swap3A_330, %swap3A_331], %swap3A_334 {strides = array<i32>} : memref<16x64xf32, #tpu.memory_space<vmem>>, vector<1x16xf32>,
    %broadcast_in_dim3A_335 = arith.constant 0.000000e+00 : f32
    %broadcast_in_dim3A_336 = vector.broadcast %broadcast_in_dim3A_335 : f32 to vector<16xf32>
    %swap3A_337 = arith.constant 10 : i32
    %swap3A_338 = arith.index_cast %swap3A_337 : i32 to index
    %swap3A_339 = arith.constant 32 : index
    %swap3A_340 = tpu.vector_load %arg9[%swap3A_338, %swap3A_339] {strides = array<i32>} : memref<16x64xf32, #tpu.memory_space<vmem>>, vector<1x16xf32>,
    %swap3A_341 = vector.shape_cast %swap3A_340 : vector<1x16xf32> to vector<16xf32>
    %swap3A_342 = vector.shape_cast %broadcast_in_dim3A_336 : vector<16xf32> to vector<1x16xf32>
    tpu.vector_store %arg9[%swap3A_338, %swap3A_339], %swap3A_342 {strides = array<i32>} : memref<16x64xf32, #tpu.memory_space<vmem>>, vector<1x16xf32>,
    %broadcast_in_dim3A_343 = arith.constant 0.000000e+00 : f32
    %broadcast_in_dim3A_344 = vector.broadcast %broadcast_in_dim3A_343 : f32 to vector<16xf32>
    %swap3A_345 = arith.constant 10 : i32
    %swap3A_346 = arith.index_cast %swap3A_345 : i32 to index
    %swap3A_347 = arith.constant 48 : index
    %swap3A_348 = tpu.vector_load %arg9[%swap3A_346, %swap3A_347] {strides = array<i32>} : memref<16x64xf32, #tpu.memory_space<vmem>>, vector<1x16xf32>,
    %swap3A_349 = vector.shape_cast %swap3A_348 : vector<1x16xf32> to vector<16xf32>
    %swap3A_350 = vector.shape_cast %broadcast_in_dim3A_344 : vector<16xf32> to vector<1x16xf32>
    tpu.vector_store %arg9[%swap3A_346, %swap3A_347], %swap3A_350 {strides = array<i32>} : memref<16x64xf32, #tpu.memory_space<vmem>>, vector<1x16xf32>,
    %broadcast_in_dim3A_351 = arith.constant 0.000000e+00 : f32
    %broadcast_in_dim3A_352 = vector.broadcast %broadcast_in_dim3A_351 : f32 to vector<16xf32>
    %swap3A_353 = arith.constant 11 : i32
    %swap3A_354 = arith.index_cast %swap3A_353 : i32 to index
    %swap3A_355 = arith.constant 0 : index
    %swap3A_356 = tpu.vector_load %arg9[%swap3A_354, %swap3A_355] {strides = array<i32>} : memref<16x64xf32, #tpu.memory_space<vmem>>, vector<1x16xf32>,
    %swap3A_357 = vector.shape_cast %swap3A_356 : vector<1x16xf32> to vector<16xf32>
    %swap3A_358 = vector.shape_cast %broadcast_in_dim3A_352 : vector<16xf32> to vector<1x16xf32>
    tpu.vector_store %arg9[%swap3A_354, %swap3A_355], %swap3A_358 {strides = array<i32>} : memref<16x64xf32, #tpu.memory_space<vmem>>, vector<1x16xf32>,
    %broadcast_in_dim3A_359 = arith.constant 0.000000e+00 : f32
    %broadcast_in_dim3A_360 = vector.broadcast %broadcast_in_dim3A_359 : f32 to vector<16xf32>
    %swap3A_361 = arith.constant 11 : i32
    %swap3A_362 = arith.index_cast %swap3A_361 : i32 to index
    %swap3A_363 = arith.constant 16 : index
    %swap3A_364 = tpu.vector_load %arg9[%swap3A_362, %swap3A_363] {strides = array<i32>} : memref<16x64xf32, #tpu.memory_space<vmem>>, vector<1x16xf32>,
    %swap3A_365 = vector.shape_cast %swap3A_364 : vector<1x16xf32> to vector<16xf32>
    %swap3A_366 = vector.shape_cast %broadcast_in_dim3A_360 : vector<16xf32> to vector<1x16xf32>
    tpu.vector_store %arg9[%swap3A_362, %swap3A_363], %swap3A_366 {strides = array<i32>} : memref<16x64xf32, #tpu.memory_space<vmem>>, vector<1x16xf32>,
    %broadcast_in_dim3A_367 = arith.constant 0.000000e+00 : f32
    %broadcast_in_dim3A_368 = vector.broadcast %broadcast_in_dim3A_367 : f32 to vector<16xf32>
    %swap3A_369 = arith.constant 11 : i32
    %swap3A_370 = arith.index_cast %swap3A_369 : i32 to index
    %swap3A_371 = arith.constant 32 : index
    %swap3A_372 = tpu.vector_load %arg9[%swap3A_370, %swap3A_371] {strides = array<i32>} : memref<16x64xf32, #tpu.memory_space<vmem>>, vector<1x16xf32>,
    %swap3A_373 = vector.shape_cast %swap3A_372 : vector<1x16xf32> to vector<16xf32>
    %swap3A_374 = vector.shape_cast %broadcast_in_dim3A_368 : vector<16xf32> to vector<1x16xf32>
    tpu.vector_store %arg9[%swap3A_370, %swap3A_371], %swap3A_374 {strides = array<i32>} : memref<16x64xf32, #tpu.memory_space<vmem>>, vector<1x16xf32>,
    %broadcast_in_dim3A_375 = arith.constant 0.000000e+00 : f32
    %broadcast_in_dim3A_376 = vector.broadcast %broadcast_in_dim3A_375 : f32 to vector<16xf32>
    %swap3A_377 = arith.constant 11 : i32
    %swap3A_378 = arith.index_cast %swap3A_377 : i32 to index
    %swap3A_379 = arith.constant 48 : index
    %swap3A_380 = tpu.vector_load %arg9[%swap3A_378, %swap3A_379] {strides = array<i32>} : memref<16x64xf32, #tpu.memory_space<vmem>>, vector<1x16xf32>,
    %swap3A_381 = vector.shape_cast %swap3A_380 : vector<1x16xf32> to vector<16xf32>
    %swap3A_382 = vector.shape_cast %broadcast_in_dim3A_376 : vector<16xf32> to vector<1x16xf32>
    tpu.vector_store %arg9[%swap3A_378, %swap3A_379], %swap3A_382 {strides = array<i32>} : memref<16x64xf32, #tpu.memory_space<vmem>>, vector<1x16xf32>,
    %broadcast_in_dim3A_383 = arith.constant 0.000000e+00 : f32
    %broadcast_in_dim3A_384 = vector.broadcast %broadcast_in_dim3A_383 : f32 to vector<16xf32>
    %swap3A_385 = arith.constant 12 : i32
    %swap3A_386 = arith.index_cast %swap3A_385 : i32 to index
    %swap3A_387 = arith.constant 0 : index
    %swap3A_388 = tpu.vector_load %arg9[%swap3A_386, %swap3A_387] {strides = array<i32>} : memref<16x64xf32, #tpu.memory_space<vmem>>, vector<1x16xf32>,
    %swap3A_389 = vector.shape_cast %swap3A_388 : vector<1x16xf32> to vector<16xf32>
    %swap3A_390 = vector.shape_cast %broadcast_in_dim3A_384 : vector<16xf32> to vector<1x16xf32>
    tpu.vector_store %arg9[%swap3A_386, %swap3A_387], %swap3A_390 {strides = array<i32>} : memref<16x64xf32, #tpu.memory_space<vmem>>, vector<1x16xf32>,
    %broadcast_in_dim3A_391 = arith.constant 0.000000e+00 : f32
    %broadcast_in_dim3A_392 = vector.broadcast %broadcast_in_dim3A_391 : f32 to vector<16xf32>
    %swap3A_393 = arith.constant 12 : i32
    %swap3A_394 = arith.index_cast %swap3A_393 : i32 to index
    %swap3A_395 = arith.constant 16 : index
    %swap3A_396 = tpu.vector_load %arg9[%swap3A_394, %swap3A_395] {strides = array<i32>} : memref<16x64xf32, #tpu.memory_space<vmem>>, vector<1x16xf32>,
    %swap3A_397 = vector.shape_cast %swap3A_396 : vector<1x16xf32> to vector<16xf32>
    %swap3A_398 = vector.shape_cast %broadcast_in_dim3A_392 : vector<16xf32> to vector<1x16xf32>
    tpu.vector_store %arg9[%swap3A_394, %swap3A_395], %swap3A_398 {strides = array<i32>} : memref<16x64xf32, #tpu.memory_space<vmem>>, vector<1x16xf32>,
    %broadcast_in_dim3A_399 = arith.constant 0.000000e+00 : f32
    %broadcast_in_dim3A_400 = vector.broadcast %broadcast_in_dim3A_399 : f32 to vector<16xf32>
    %swap3A_401 = arith.constant 12 : i32
    %swap3A_402 = arith.index_cast %swap3A_401 : i32 to index
    %swap3A_403 = arith.constant 32 : index
    %swap3A_404 = tpu.vector_load %arg9[%swap3A_402, %swap3A_403] {strides = array<i32>} : memref<16x64xf32, #tpu.memory_space<vmem>>, vector<1x16xf32>,
    %swap3A_405 = vector.shape_cast %swap3A_404 : vector<1x16xf32> to vector<16xf32>
    %swap3A_406 = vector.shape_cast %broadcast_in_dim3A_400 : vector<16xf32> to vector<1x16xf32>
    tpu.vector_store %arg9[%swap3A_402, %swap3A_403], %swap3A_406 {strides = array<i32>} : memref<16x64xf32, #tpu.memory_space<vmem>>, vector<1x16xf32>,
    %broadcast_in_dim3A_407 = arith.constant 0.000000e+00 : f32
    %broadcast_in_dim3A_408 = vector.broadcast %broadcast_in_dim3A_407 : f32 to vector<16xf32>
    %swap3A_409 = arith.constant 12 : i32
    %swap3A_410 = arith.index_cast %swap3A_409 : i32 to index
    %swap3A_411 = arith.constant 48 : index
    %swap3A_412 = tpu.vector_load %arg9[%swap3A_410, %swap3A_411] {strides = array<i32>} : memref<16x64xf32, #tpu.memory_space<vmem>>, vector<1x16xf32>,
    %swap3A_413 = vector.shape_cast %swap3A_412 : vector<1x16xf32> to vector<16xf32>
    %swap3A_414 = vector.shape_cast %broadcast_in_dim3A_408 : vector<16xf32> to vector<1x16xf32>
    tpu.vector_store %arg9[%swap3A_410, %swap3A_411], %swap3A_414 {strides = array<i32>} : memref<16x64xf32, #tpu.memory_space<vmem>>, vector<1x16xf32>,
    %broadcast_in_dim3A_415 = arith.constant 0.000000e+00 : f32
    %broadcast_in_dim3A_416 = vector.broadcast %broadcast_in_dim3A_415 : f32 to vector<16xf32>
    %swap3A_417 = arith.constant 13 : i32
    %swap3A_418 = arith.index_cast %swap3A_417 : i32 to index
    %swap3A_419 = arith.constant 0 : index
    %swap3A_420 = tpu.vector_load %arg9[%swap3A_418, %swap3A_419] {strides = array<i32>} : memref<16x64xf32, #tpu.memory_space<vmem>>, vector<1x16xf32>,
    %swap3A_421 = vector.shape_cast %swap3A_420 : vector<1x16xf32> to vector<16xf32>
    %swap3A_422 = vector.shape_cast %broadcast_in_dim3A_416 : vector<16xf32> to vector<1x16xf32>
    tpu.vector_store %arg9[%swap3A_418, %swap3A_419], %swap3A_422 {strides = array<i32>} : memref<16x64xf32, #tpu.memory_space<vmem>>, vector<1x16xf32>,
    %broadcast_in_dim3A_423 = arith.constant 0.000000e+00 : f32
    %broadcast_in_dim3A_424 = vector.broadcast %broadcast_in_dim3A_423 : f32 to vector<16xf32>
    %swap3A_425 = arith.constant 13 : i32
    %swap3A_426 = arith.index_cast %swap3A_425 : i32 to index
    %swap3A_427 = arith.constant 16 : index
    %swap3A_428 = tpu.vector_load %arg9[%swap3A_426, %swap3A_427] {strides = array<i32>} : memref<16x64xf32, #tpu.memory_space<vmem>>, vector<1x16xf32>,
    %swap3A_429 = vector.shape_cast %swap3A_428 : vector<1x16xf32> to vector<16xf32>
    %swap3A_430 = vector.shape_cast %broadcast_in_dim3A_424 : vector<16xf32> to vector<1x16xf32>
    tpu.vector_store %arg9[%swap3A_426, %swap3A_427], %swap3A_430 {strides = array<i32>} : memref<16x64xf32, #tpu.memory_space<vmem>>, vector<1x16xf32>,
    %broadcast_in_dim3A_431 = arith.constant 0.000000e+00 : f32
    %broadcast_in_dim3A_432 = vector.broadcast %broadcast_in_dim3A_431 : f32 to vector<16xf32>
    %swap3A_433 = arith.constant 13 : i32
    %swap3A_434 = arith.index_cast %swap3A_433 : i32 to index
    %swap3A_435 = arith.constant 32 : index
    %swap3A_436 = tpu.vector_load %arg9[%swap3A_434, %swap3A_435] {strides = array<i32>} : memref<16x64xf32, #tpu.memory_space<vmem>>, vector<1x16xf32>,
    %swap3A_437 = vector.shape_cast %swap3A_436 : vector<1x16xf32> to vector<16xf32>
    %swap3A_438 = vector.shape_cast %broadcast_in_dim3A_432 : vector<16xf32> to vector<1x16xf32>
    tpu.vector_store %arg9[%swap3A_434, %swap3A_435], %swap3A_438 {strides = array<i32>} : memref<16x64xf32, #tpu.memory_space<vmem>>, vector<1x16xf32>,
    %broadcast_in_dim3A_439 = arith.constant 0.000000e+00 : f32
    %broadcast_in_dim3A_440 = vector.broadcast %broadcast_in_dim3A_439 : f32 to vector<16xf32>
    %swap3A_441 = arith.constant 13 : i32
    %swap3A_442 = arith.index_cast %swap3A_441 : i32 to index
    %swap3A_443 = arith.constant 48 : index
    %swap3A_444 = tpu.vector_load %arg9[%swap3A_442, %swap3A_443] {strides = array<i32>} : memref<16x64xf32, #tpu.memory_space<vmem>>, vector<1x16xf32>,
    %swap3A_445 = vector.shape_cast %swap3A_444 : vector<1x16xf32> to vector<16xf32>
    %swap3A_446 = vector.shape_cast %broadcast_in_dim3A_440 : vector<16xf32> to vector<1x16xf32>
    tpu.vector_store %arg9[%swap3A_442, %swap3A_443], %swap3A_446 {strides = array<i32>} : memref<16x64xf32, #tpu.memory_space<vmem>>, vector<1x16xf32>,
    %broadcast_in_dim3A_447 = arith.constant 0.000000e+00 : f32
    %broadcast_in_dim3A_448 = vector.broadcast %broadcast_in_dim3A_447 : f32 to vector<16xf32>
    %swap3A_449 = arith.constant 14 : i32
    %swap3A_450 = arith.index_cast %swap3A_449 : i32 to index
    %swap3A_451 = arith.constant 0 : index
    %swap3A_452 = tpu.vector_load %arg9[%swap3A_450, %swap3A_451] {strides = array<i32>} : memref<16x64xf32, #tpu.memory_space<vmem>>, vector<1x16xf32>,
    %swap3A_453 = vector.shape_cast %swap3A_452 : vector<1x16xf32> to vector<16xf32>
    %swap3A_454 = vector.shape_cast %broadcast_in_dim3A_448 : vector<16xf32> to vector<1x16xf32>
    tpu.vector_store %arg9[%swap3A_450, %swap3A_451], %swap3A_454 {strides = array<i32>} : memref<16x64xf32, #tpu.memory_space<vmem>>, vector<1x16xf32>,
    %broadcast_in_dim3A_455 = arith.constant 0.000000e+00 : f32
    %broadcast_in_dim3A_456 = vector.broadcast %broadcast_in_dim3A_455 : f32 to vector<16xf32>
    %swap3A_457 = arith.constant 14 : i32
    %swap3A_458 = arith.index_cast %swap3A_457 : i32 to index
    %swap3A_459 = arith.constant 16 : index
    %swap3A_460 = tpu.vector_load %arg9[%swap3A_458, %swap3A_459] {strides = array<i32>} : memref<16x64xf32, #tpu.memory_space<vmem>>, vector<1x16xf32>,
    %swap3A_461 = vector.shape_cast %swap3A_460 : vector<1x16xf32> to vector<16xf32>
    %swap3A_462 = vector.shape_cast %broadcast_in_dim3A_456 : vector<16xf32> to vector<1x16xf32>
    tpu.vector_store %arg9[%swap3A_458, %swap3A_459], %swap3A_462 {strides = array<i32>} : memref<16x64xf32, #tpu.memory_space<vmem>>, vector<1x16xf32>,
    %broadcast_in_dim3A_463 = arith.constant 0.000000e+00 : f32
    %broadcast_in_dim3A_464 = vector.broadcast %broadcast_in_dim3A_463 : f32 to vector<16xf32>
    %swap3A_465 = arith.constant 14 : i32
    %swap3A_466 = arith.index_cast %swap3A_465 : i32 to index
    %swap3A_467 = arith.constant 32 : index
    %swap3A_468 = tpu.vector_load %arg9[%swap3A_466, %swap3A_467] {strides = array<i32>} : memref<16x64xf32, #tpu.memory_space<vmem>>, vector<1x16xf32>,
    %swap3A_469 = vector.shape_cast %swap3A_468 : vector<1x16xf32> to vector<16xf32>
    %swap3A_470 = vector.shape_cast %broadcast_in_dim3A_464 : vector<16xf32> to vector<1x16xf32>
    tpu.vector_store %arg9[%swap3A_466, %swap3A_467], %swap3A_470 {strides = array<i32>} : memref<16x64xf32, #tpu.memory_space<vmem>>, vector<1x16xf32>,
    %broadcast_in_dim3A_471 = arith.constant 0.000000e+00 : f32
    %broadcast_in_dim3A_472 = vector.broadcast %broadcast_in_dim3A_471 : f32 to vector<16xf32>
    %swap3A_473 = arith.constant 14 : i32
    %swap3A_474 = arith.index_cast %swap3A_473 : i32 to index
    %swap3A_475 = arith.constant 48 : index
    %swap3A_476 = tpu.vector_load %arg9[%swap3A_474, %swap3A_475] {strides = array<i32>} : memref<16x64xf32, #tpu.memory_space<vmem>>, vector<1x16xf32>,
    %swap3A_477 = vector.shape_cast %swap3A_476 : vector<1x16xf32> to vector<16xf32>
    %swap3A_478 = vector.shape_cast %broadcast_in_dim3A_472 : vector<16xf32> to vector<1x16xf32>
    tpu.vector_store %arg9[%swap3A_474, %swap3A_475], %swap3A_478 {strides = array<i32>} : memref<16x64xf32, #tpu.memory_space<vmem>>, vector<1x16xf32>,
    %broadcast_in_dim3A_479 = arith.constant 0.000000e+00 : f32
    %broadcast_in_dim3A_480 = vector.broadcast %broadcast_in_dim3A_479 : f32 to vector<16xf32>
    %swap3A_481 = arith.constant 15 : i32
    %swap3A_482 = arith.index_cast %swap3A_481 : i32 to index
    %swap3A_483 = arith.constant 0 : index
    %swap3A_484 = tpu.vector_load %arg9[%swap3A_482, %swap3A_483] {strides = array<i32>} : memref<16x64xf32, #tpu.memory_space<vmem>>, vector<1x16xf32>,
    %swap3A_485 = vector.shape_cast %swap3A_484 : vector<1x16xf32> to vector<16xf32>
    %swap3A_486 = vector.shape_cast %broadcast_in_dim3A_480 : vector<16xf32> to vector<1x16xf32>
    tpu.vector_store %arg9[%swap3A_482, %swap3A_483], %swap3A_486 {strides = array<i32>} : memref<16x64xf32, #tpu.memory_space<vmem>>, vector<1x16xf32>,
    %broadcast_in_dim3A_487 = arith.constant 0.000000e+00 : f32
    %broadcast_in_dim3A_488 = vector.broadcast %broadcast_in_dim3A_487 : f32 to vector<16xf32>
    %swap3A_489 = arith.constant 15 : i32
    %swap3A_490 = arith.index_cast %swap3A_489 : i32 to index
    %swap3A_491 = arith.constant 16 : index
    %swap3A_492 = tpu.vector_load %arg9[%swap3A_490, %swap3A_491] {strides = array<i32>} : memref<16x64xf32, #tpu.memory_space<vmem>>, vector<1x16xf32>,
    %swap3A_493 = vector.shape_cast %swap3A_492 : vector<1x16xf32> to vector<16xf32>
    %swap3A_494 = vector.shape_cast %broadcast_in_dim3A_488 : vector<16xf32> to vector<1x16xf32>
    tpu.vector_store %arg9[%swap3A_490, %swap3A_491], %swap3A_494 {strides = array<i32>} : memref<16x64xf32, #tpu.memory_space<vmem>>, vector<1x16xf32>,
    %broadcast_in_dim3A_495 = arith.constant 0.000000e+00 : f32
    %broadcast_in_dim3A_496 = vector.broadcast %broadcast_in_dim3A_495 : f32 to vector<16xf32>
    %swap3A_497 = arith.constant 15 : i32
    %swap3A_498 = arith.index_cast %swap3A_497 : i32 to index
    %swap3A_499 = arith.constant 32 : index
    %swap3A_500 = tpu.vector_load %arg9[%swap3A_498, %swap3A_499] {strides = array<i32>} : memref<16x64xf32, #tpu.memory_space<vmem>>, vector<1x16xf32>,
    %swap3A_501 = vector.shape_cast %swap3A_500 : vector<1x16xf32> to vector<16xf32>
    %swap3A_502 = vector.shape_cast %broadcast_in_dim3A_496 : vector<16xf32> to vector<1x16xf32>
    tpu.vector_store %arg9[%swap3A_498, %swap3A_499], %swap3A_502 {strides = array<i32>} : memref<16x64xf32, #tpu.memory_space<vmem>>, vector<1x16xf32>,
    %broadcast_in_dim3A_503 = arith.constant 0.000000e+00 : f32
    %broadcast_in_dim3A_504 = vector.broadcast %broadcast_in_dim3A_503 : f32 to vector<16xf32>
    %swap3A_505 = arith.constant 15 : i32
    %swap3A_506 = arith.index_cast %swap3A_505 : i32 to index
    %swap3A_507 = arith.constant 48 : index
    %swap3A_508 = tpu.vector_load %arg9[%swap3A_506, %swap3A_507] {strides = array<i32>} : memref<16x64xf32, #tpu.memory_space<vmem>>, vector<1x16xf32>,
    %swap3A_509 = vector.shape_cast %swap3A_508 : vector<1x16xf32> to vector<16xf32>
    %swap3A_510 = vector.shape_cast %broadcast_in_dim3A_504 : vector<16xf32> to vector<1x16xf32>
    tpu.vector_store %arg9[%swap3A_506, %swap3A_507], %swap3A_510 {strides = array<i32>} : memref<16x64xf32, #tpu.memory_space<vmem>>, vector<1x16xf32>,
    %mul3A_511 = arith.constant 640 : i32
    %mul3A_512 = arith.muli %arg1, %mul3A_511 : i32
    %add3A_513 = arith.constant 0 : i32
    %add3A_514 = arith.addi %mul3A_512, %add3A_513 : i32
    "tpu.region"() ({
      %run_scoped3A = tpu.sem_alloc : memref<!tpu.dma_semaphore, #tpu.memory_space<semaphore_mem>>
      %dma_start3A_740 = arith.constant 0 : i32
      %dma_start3A_741 = tpu.memref_slice %arg10[%add3A_514, %dma_start3A_740] : memref<10240x64xf32, #tpu.memory_space<vmem_shared>> -> memref<16x64xf32, #tpu.memory_space<vmem_shared>>
      %dma_start3A_742 = arith.constant 0 : i32
      %dma_start3A_743 = tpu.memref_slice %arg10[%add3A_514, %dma_start3A_742] : memref<10240x64xf32, #tpu.memory_space<vmem_shared>> -> memref<16x64xf32, #tpu.memory_space<vmem_shared>>
      tpu.enqueue_dma source(%arg9 : memref<16x64xf32, #tpu.memory_space<vmem>>) target(%dma_start3A_743 : memref<16x64xf32, #tpu.memory_space<vmem_shared>>) target_semaphore(%run_scoped3A : memref<!tpu.dma_semaphore, #tpu.memory_space<semaphore_mem>>)
      %dma_wait3A = arith.constant 0 : i32
      %dma_wait3A_744 = tpu.memref_slice %arg10[%add3A_514, %dma_wait3A] : memref<10240x64xf32, #tpu.memory_space<vmem_shared>> -> memref<16x64xf32, #tpu.memory_space<vmem_shared>>
      %dma_wait3A_745 = arith.constant 0 : i32
      %dma_wait3A_746 = tpu.memref_slice %arg10[%add3A_514, %dma_wait3A_745] : memref<10240x64xf32, #tpu.memory_space<vmem_shared>> -> memref<16x64xf32, #tpu.memory_space<vmem_shared>>
      tpu.wait_dma2 semaphore(%run_scoped3A : memref<!tpu.dma_semaphore, #tpu.memory_space<semaphore_mem>>) src(%arg9 : memref<16x64xf32, #tpu.memory_space<vmem>>) dst(%dma_wait3A_746 : memref<16x64xf32, #tpu.memory_space<vmem_shared>>)
      tpu.yield
    }) : () -> ()
    %mul3A_515 = arith.constant 640 : i32
    %mul3A_516 = arith.muli %arg1, %mul3A_515 : i32
    %add3A_517 = arith.constant 16 : i32
    %add3A_518 = arith.addi %mul3A_516, %add3A_517 : i32
    "tpu.region"() ({
      %run_scoped3A = tpu.sem_alloc : memref<!tpu.dma_semaphore, #tpu.memory_space<semaphore_mem>>
      %dma_start3A_740 = arith.constant 0 : i32
      %dma_start3A_741 = tpu.memref_slice %arg10[%add3A_518, %dma_start3A_740] : memref<10240x64xf32, #tpu.memory_space<vmem_shared>> -> memref<16x64xf32, #tpu.memory_space<vmem_shared>>
      %dma_start3A_742 = arith.constant 0 : i32
      %dma_start3A_743 = tpu.memref_slice %arg10[%add3A_518, %dma_start3A_742] : memref<10240x64xf32, #tpu.memory_space<vmem_shared>> -> memref<16x64xf32, #tpu.memory_space<vmem_shared>>
      tpu.enqueue_dma source(%arg9 : memref<16x64xf32, #tpu.memory_space<vmem>>) target(%dma_start3A_743 : memref<16x64xf32, #tpu.memory_space<vmem_shared>>) target_semaphore(%run_scoped3A : memref<!tpu.dma_semaphore, #tpu.memory_space<semaphore_mem>>)
      %dma_wait3A = arith.constant 0 : i32
      %dma_wait3A_744 = tpu.memref_slice %arg10[%add3A_518, %dma_wait3A] : memref<10240x64xf32, #tpu.memory_space<vmem_shared>> -> memref<16x64xf32, #tpu.memory_space<vmem_shared>>
      %dma_wait3A_745 = arith.constant 0 : i32
      %dma_wait3A_746 = tpu.memref_slice %arg10[%add3A_518, %dma_wait3A_745] : memref<10240x64xf32, #tpu.memory_space<vmem_shared>> -> memref<16x64xf32, #tpu.memory_space<vmem_shared>>
      tpu.wait_dma2 semaphore(%run_scoped3A : memref<!tpu.dma_semaphore, #tpu.memory_space<semaphore_mem>>) src(%arg9 : memref<16x64xf32, #tpu.memory_space<vmem>>) dst(%dma_wait3A_746 : memref<16x64xf32, #tpu.memory_space<vmem_shared>>)
      tpu.yield
    }) : () -> ()
    %mul3A_519 = arith.constant 640 : i32
    %mul3A_520 = arith.muli %arg1, %mul3A_519 : i32
    %add3A_521 = arith.constant 32 : i32
    %add3A_522 = arith.addi %mul3A_520, %add3A_521 : i32
    "tpu.region"() ({
      %run_scoped3A = tpu.sem_alloc : memref<!tpu.dma_semaphore, #tpu.memory_space<semaphore_mem>>
      %dma_start3A_740 = arith.constant 0 : i32
      %dma_start3A_741 = tpu.memref_slice %arg10[%add3A_522, %dma_start3A_740] : memref<10240x64xf32, #tpu.memory_space<vmem_shared>> -> memref<16x64xf32, #tpu.memory_space<vmem_shared>>
      %dma_start3A_742 = arith.constant 0 : i32
      %dma_start3A_743 = tpu.memref_slice %arg10[%add3A_522, %dma_start3A_742] : memref<10240x64xf32, #tpu.memory_space<vmem_shared>> -> memref<16x64xf32, #tpu.memory_space<vmem_shared>>
      tpu.enqueue_dma source(%arg9 : memref<16x64xf32, #tpu.memory_space<vmem>>) target(%dma_start3A_743 : memref<16x64xf32, #tpu.memory_space<vmem_shared>>) target_semaphore(%run_scoped3A : memref<!tpu.dma_semaphore, #tpu.memory_space<semaphore_mem>>)
      %dma_wait3A = arith.constant 0 : i32
      %dma_wait3A_744 = tpu.memref_slice %arg10[%add3A_522, %dma_wait3A] : memref<10240x64xf32, #tpu.memory_space<vmem_shared>> -> memref<16x64xf32, #tpu.memory_space<vmem_shared>>
      %dma_wait3A_745 = arith.constant 0 : i32
      %dma_wait3A_746 = tpu.memref_slice %arg10[%add3A_522, %dma_wait3A_745] : memref<10240x64xf32, #tpu.memory_space<vmem_shared>> -> memref<16x64xf32, #tpu.memory_space<vmem_shared>>
      tpu.wait_dma2 semaphore(%run_scoped3A : memref<!tpu.dma_semaphore, #tpu.memory_space<semaphore_mem>>) src(%arg9 : memref<16x64xf32, #tpu.memory_space<vmem>>) dst(%dma_wait3A_746 : memref<16x64xf32, #tpu.memory_space<vmem_shared>>)
      tpu.yield
    }) : () -> ()
    %mul3A_523 = arith.constant 640 : i32
    %mul3A_524 = arith.muli %arg1, %mul3A_523 : i32
    %add3A_525 = arith.constant 48 : i32
    %add3A_526 = arith.addi %mul3A_524, %add3A_525 : i32
    "tpu.region"() ({
      %run_scoped3A = tpu.sem_alloc : memref<!tpu.dma_semaphore, #tpu.memory_space<semaphore_mem>>
      %dma_start3A_740 = arith.constant 0 : i32
      %dma_start3A_741 = tpu.memref_slice %arg10[%add3A_526, %dma_start3A_740] : memref<10240x64xf32, #tpu.memory_space<vmem_shared>> -> memref<16x64xf32, #tpu.memory_space<vmem_shared>>
      %dma_start3A_742 = arith.constant 0 : i32
      %dma_start3A_743 = tpu.memref_slice %arg10[%add3A_526, %dma_start3A_742] : memref<10240x64xf32, #tpu.memory_space<vmem_shared>> -> memref<16x64xf32, #tpu.memory_space<vmem_shared>>
      tpu.enqueue_dma source(%arg9 : memref<16x64xf32, #tpu.memory_space<vmem>>) target(%dma_start3A_743 : memref<16x64xf32, #tpu.memory_space<vmem_shared>>) target_semaphore(%run_scoped3A : memref<!tpu.dma_semaphore, #tpu.memory_space<semaphore_mem>>)
      %dma_wait3A = arith.constant 0 : i32
      %dma_wait3A_744 = tpu.memref_slice %arg10[%add3A_526, %dma_wait3A] : memref<10240x64xf32, #tpu.memory_space<vmem_shared>> -> memref<16x64xf32, #tpu.memory_space<vmem_shared>>
      %dma_wait3A_745 = arith.constant 0 : i32
      %dma_wait3A_746 = tpu.memref_slice %arg10[%add3A_526, %dma_wait3A_745] : memref<10240x64xf32, #tpu.memory_space<vmem_shared>> -> memref<16x64xf32, #tpu.memory_space<vmem_shared>>
      tpu.wait_dma2 semaphore(%run_scoped3A : memref<!tpu.dma_semaphore, #tpu.memory_space<semaphore_mem>>) src(%arg9 : memref<16x64xf32, #tpu.memory_space<vmem>>) dst(%dma_wait3A_746 : memref<16x64xf32, #tpu.memory_space<vmem_shared>>)
      tpu.yield
    }) : () -> ()
    %mul3A_527 = arith.constant 640 : i32
    %mul3A_528 = arith.muli %arg1, %mul3A_527 : i32
    %add3A_529 = arith.constant 64 : i32
    %add3A_530 = arith.addi %mul3A_528, %add3A_529 : i32
    "tpu.region"() ({
      %run_scoped3A = tpu.sem_alloc : memref<!tpu.dma_semaphore, #tpu.memory_space<semaphore_mem>>
      %dma_start3A_740 = arith.constant 0 : i32
      %dma_start3A_741 = tpu.memref_slice %arg10[%add3A_530, %dma_start3A_740] : memref<10240x64xf32, #tpu.memory_space<vmem_shared>> -> memref<16x64xf32, #tpu.memory_space<vmem_shared>>
      %dma_start3A_742 = arith.constant 0 : i32
      %dma_start3A_743 = tpu.memref_slice %arg10[%add3A_530, %dma_start3A_742] : memref<10240x64xf32, #tpu.memory_space<vmem_shared>> -> memref<16x64xf32, #tpu.memory_space<vmem_shared>>
      tpu.enqueue_dma source(%arg9 : memref<16x64xf32, #tpu.memory_space<vmem>>) target(%dma_start3A_743 : memref<16x64xf32, #tpu.memory_space<vmem_shared>>) target_semaphore(%run_scoped3A : memref<!tpu.dma_semaphore, #tpu.memory_space<semaphore_mem>>)
      %dma_wait3A = arith.constant 0 : i32
      %dma_wait3A_744 = tpu.memref_slice %arg10[%add3A_530, %dma_wait3A] : memref<10240x64xf32, #tpu.memory_space<vmem_shared>> -> memref<16x64xf32, #tpu.memory_space<vmem_shared>>
      %dma_wait3A_745 = arith.constant 0 : i32
      %dma_wait3A_746 = tpu.memref_slice %arg10[%add3A_530, %dma_wait3A_745] : memref<10240x64xf32, #tpu.memory_space<vmem_shared>> -> memref<16x64xf32, #tpu.memory_space<vmem_shared>>
      tpu.wait_dma2 semaphore(%run_scoped3A : memref<!tpu.dma_semaphore, #tpu.memory_space<semaphore_mem>>) src(%arg9 : memref<16x64xf32, #tpu.memory_space<vmem>>) dst(%dma_wait3A_746 : memref<16x64xf32, #tpu.memory_space<vmem_shared>>)
      tpu.yield
    }) : () -> ()
    %mul3A_531 = arith.constant 640 : i32
    %mul3A_532 = arith.muli %arg1, %mul3A_531 : i32
    %add3A_533 = arith.constant 80 : i32
    %add3A_534 = arith.addi %mul3A_532, %add3A_533 : i32
    "tpu.region"() ({
      %run_scoped3A = tpu.sem_alloc : memref<!tpu.dma_semaphore, #tpu.memory_space<semaphore_mem>>
      %dma_start3A_740 = arith.constant 0 : i32
      %dma_start3A_741 = tpu.memref_slice %arg10[%add3A_534, %dma_start3A_740] : memref<10240x64xf32, #tpu.memory_space<vmem_shared>> -> memref<16x64xf32, #tpu.memory_space<vmem_shared>>
      %dma_start3A_742 = arith.constant 0 : i32
      %dma_start3A_743 = tpu.memref_slice %arg10[%add3A_534, %dma_start3A_742] : memref<10240x64xf32, #tpu.memory_space<vmem_shared>> -> memref<16x64xf32, #tpu.memory_space<vmem_shared>>
      tpu.enqueue_dma source(%arg9 : memref<16x64xf32, #tpu.memory_space<vmem>>) target(%dma_start3A_743 : memref<16x64xf32, #tpu.memory_space<vmem_shared>>) target_semaphore(%run_scoped3A : memref<!tpu.dma_semaphore, #tpu.memory_space<semaphore_mem>>)
      %dma_wait3A = arith.constant 0 : i32
      %dma_wait3A_744 = tpu.memref_slice %arg10[%add3A_534, %dma_wait3A] : memref<10240x64xf32, #tpu.memory_space<vmem_shared>> -> memref<16x64xf32, #tpu.memory_space<vmem_shared>>
      %dma_wait3A_745 = arith.constant 0 : i32
      %dma_wait3A_746 = tpu.memref_slice %arg10[%add3A_534, %dma_wait3A_745] : memref<10240x64xf32, #tpu.memory_space<vmem_shared>> -> memref<16x64xf32, #tpu.memory_space<vmem_shared>>
      tpu.wait_dma2 semaphore(%run_scoped3A : memref<!tpu.dma_semaphore, #tpu.memory_space<semaphore_mem>>) src(%arg9 : memref<16x64xf32, #tpu.memory_space<vmem>>) dst(%dma_wait3A_746 : memref<16x64xf32, #tpu.memory_space<vmem_shared>>)
      tpu.yield
    }) : () -> ()
    %mul3A_535 = arith.constant 640 : i32
    %mul3A_536 = arith.muli %arg1, %mul3A_535 : i32
    %add3A_537 = arith.constant 96 : i32
    %add3A_538 = arith.addi %mul3A_536, %add3A_537 : i32
    "tpu.region"() ({
      %run_scoped3A = tpu.sem_alloc : memref<!tpu.dma_semaphore, #tpu.memory_space<semaphore_mem>>
      %dma_start3A_740 = arith.constant 0 : i32
      %dma_start3A_741 = tpu.memref_slice %arg10[%add3A_538, %dma_start3A_740] : memref<10240x64xf32, #tpu.memory_space<vmem_shared>> -> memref<16x64xf32, #tpu.memory_space<vmem_shared>>
      %dma_start3A_742 = arith.constant 0 : i32
      %dma_start3A_743 = tpu.memref_slice %arg10[%add3A_538, %dma_start3A_742] : memref<10240x64xf32, #tpu.memory_space<vmem_shared>> -> memref<16x64xf32, #tpu.memory_space<vmem_shared>>
      tpu.enqueue_dma source(%arg9 : memref<16x64xf32, #tpu.memory_space<vmem>>) target(%dma_start3A_743 : memref<16x64xf32, #tpu.memory_space<vmem_shared>>) target_semaphore(%run_scoped3A : memref<!tpu.dma_semaphore, #tpu.memory_space<semaphore_mem>>)
      %dma_wait3A = arith.constant 0 : i32
      %dma_wait3A_744 = tpu.memref_slice %arg10[%add3A_538, %dma_wait3A] : memref<10240x64xf32, #tpu.memory_space<vmem_shared>> -> memref<16x64xf32, #tpu.memory_space<vmem_shared>>
      %dma_wait3A_745 = arith.constant 0 : i32
      %dma_wait3A_746 = tpu.memref_slice %arg10[%add3A_538, %dma_wait3A_745] : memref<10240x64xf32, #tpu.memory_space<vmem_shared>> -> memref<16x64xf32, #tpu.memory_space<vmem_shared>>
      tpu.wait_dma2 semaphore(%run_scoped3A : memref<!tpu.dma_semaphore, #tpu.memory_space<semaphore_mem>>) src(%arg9 : memref<16x64xf32, #tpu.memory_space<vmem>>) dst(%dma_wait3A_746 : memref<16x64xf32, #tpu.memory_space<vmem_shared>>)
      tpu.yield
    }) : () -> ()
    %mul3A_539 = arith.constant 640 : i32
    %mul3A_540 = arith.muli %arg1, %mul3A_539 : i32
    %add3A_541 = arith.constant 112 : i32
    %add3A_542 = arith.addi %mul3A_540, %add3A_541 : i32
    "tpu.region"() ({
      %run_scoped3A = tpu.sem_alloc : memref<!tpu.dma_semaphore, #tpu.memory_space<semaphore_mem>>
      %dma_start3A_740 = arith.constant 0 : i32
      %dma_start3A_741 = tpu.memref_slice %arg10[%add3A_542, %dma_start3A_740] : memref<10240x64xf32, #tpu.memory_space<vmem_shared>> -> memref<16x64xf32, #tpu.memory_space<vmem_shared>>
      %dma_start3A_742 = arith.constant 0 : i32
      %dma_start3A_743 = tpu.memref_slice %arg10[%add3A_542, %dma_start3A_742] : memref<10240x64xf32, #tpu.memory_space<vmem_shared>> -> memref<16x64xf32, #tpu.memory_space<vmem_shared>>
      tpu.enqueue_dma source(%arg9 : memref<16x64xf32, #tpu.memory_space<vmem>>) target(%dma_start3A_743 : memref<16x64xf32, #tpu.memory_space<vmem_shared>>) target_semaphore(%run_scoped3A : memref<!tpu.dma_semaphore, #tpu.memory_space<semaphore_mem>>)
      %dma_wait3A = arith.constant 0 : i32
      %dma_wait3A_744 = tpu.memref_slice %arg10[%add3A_542, %dma_wait3A] : memref<10240x64xf32, #tpu.memory_space<vmem_shared>> -> memref<16x64xf32, #tpu.memory_space<vmem_shared>>
      %dma_wait3A_745 = arith.constant 0 : i32
      %dma_wait3A_746 = tpu.memref_slice %arg10[%add3A_542, %dma_wait3A_745] : memref<10240x64xf32, #tpu.memory_space<vmem_shared>> -> memref<16x64xf32, #tpu.memory_space<vmem_shared>>
      tpu.wait_dma2 semaphore(%run_scoped3A : memref<!tpu.dma_semaphore, #tpu.memory_space<semaphore_mem>>) src(%arg9 : memref<16x64xf32, #tpu.memory_space<vmem>>) dst(%dma_wait3A_746 : memref<16x64xf32, #tpu.memory_space<vmem_shared>>)
      tpu.yield
    }) : () -> ()
    %mul3A_543 = arith.constant 640 : i32
    %mul3A_544 = arith.muli %arg1, %mul3A_543 : i32
    %add3A_545 = arith.constant 128 : i32
    %add3A_546 = arith.addi %mul3A_544, %add3A_545 : i32
    "tpu.region"() ({
      %run_scoped3A = tpu.sem_alloc : memref<!tpu.dma_semaphore, #tpu.memory_space<semaphore_mem>>
      %dma_start3A_740 = arith.constant 0 : i32
      %dma_start3A_741 = tpu.memref_slice %arg10[%add3A_546, %dma_start3A_740] : memref<10240x64xf32, #tpu.memory_space<vmem_shared>> -> memref<16x64xf32, #tpu.memory_space<vmem_shared>>
      %dma_start3A_742 = arith.constant 0 : i32
      %dma_start3A_743 = tpu.memref_slice %arg10[%add3A_546, %dma_start3A_742] : memref<10240x64xf32, #tpu.memory_space<vmem_shared>> -> memref<16x64xf32, #tpu.memory_space<vmem_shared>>
      tpu.enqueue_dma source(%arg9 : memref<16x64xf32, #tpu.memory_space<vmem>>) target(%dma_start3A_743 : memref<16x64xf32, #tpu.memory_space<vmem_shared>>) target_semaphore(%run_scoped3A : memref<!tpu.dma_semaphore, #tpu.memory_space<semaphore_mem>>)
      %dma_wait3A = arith.constant 0 : i32
      %dma_wait3A_744 = tpu.memref_slice %arg10[%add3A_546, %dma_wait3A] : memref<10240x64xf32, #tpu.memory_space<vmem_shared>> -> memref<16x64xf32, #tpu.memory_space<vmem_shared>>
      %dma_wait3A_745 = arith.constant 0 : i32
      %dma_wait3A_746 = tpu.memref_slice %arg10[%add3A_546, %dma_wait3A_745] : memref<10240x64xf32, #tpu.memory_space<vmem_shared>> -> memref<16x64xf32, #tpu.memory_space<vmem_shared>>
      tpu.wait_dma2 semaphore(%run_scoped3A : memref<!tpu.dma_semaphore, #tpu.memory_space<semaphore_mem>>) src(%arg9 : memref<16x64xf32, #tpu.memory_space<vmem>>) dst(%dma_wait3A_746 : memref<16x64xf32, #tpu.memory_space<vmem_shared>>)
      tpu.yield
    }) : () -> ()
    %mul3A_547 = arith.constant 640 : i32
    %mul3A_548 = arith.muli %arg1, %mul3A_547 : i32
    %add3A_549 = arith.constant 144 : i32
    %add3A_550 = arith.addi %mul3A_548, %add3A_549 : i32
    "tpu.region"() ({
      %run_scoped3A = tpu.sem_alloc : memref<!tpu.dma_semaphore, #tpu.memory_space<semaphore_mem>>
      %dma_start3A_740 = arith.constant 0 : i32
      %dma_start3A_741 = tpu.memref_slice %arg10[%add3A_550, %dma_start3A_740] : memref<10240x64xf32, #tpu.memory_space<vmem_shared>> -> memref<16x64xf32, #tpu.memory_space<vmem_shared>>
      %dma_start3A_742 = arith.constant 0 : i32
      %dma_start3A_743 = tpu.memref_slice %arg10[%add3A_550, %dma_start3A_742] : memref<10240x64xf32, #tpu.memory_space<vmem_shared>> -> memref<16x64xf32, #tpu.memory_space<vmem_shared>>
      tpu.enqueue_dma source(%arg9 : memref<16x64xf32, #tpu.memory_space<vmem>>) target(%dma_start3A_743 : memref<16x64xf32, #tpu.memory_space<vmem_shared>>) target_semaphore(%run_scoped3A : memref<!tpu.dma_semaphore, #tpu.memory_space<semaphore_mem>>)
      %dma_wait3A = arith.constant 0 : i32
      %dma_wait3A_744 = tpu.memref_slice %arg10[%add3A_550, %dma_wait3A] : memref<10240x64xf32, #tpu.memory_space<vmem_shared>> -> memref<16x64xf32, #tpu.memory_space<vmem_shared>>
      %dma_wait3A_745 = arith.constant 0 : i32
      %dma_wait3A_746 = tpu.memref_slice %arg10[%add3A_550, %dma_wait3A_745] : memref<10240x64xf32, #tpu.memory_space<vmem_shared>> -> memref<16x64xf32, #tpu.memory_space<vmem_shared>>
      tpu.wait_dma2 semaphore(%run_scoped3A : memref<!tpu.dma_semaphore, #tpu.memory_space<semaphore_mem>>) src(%arg9 : memref<16x64xf32, #tpu.memory_space<vmem>>) dst(%dma_wait3A_746 : memref<16x64xf32, #tpu.memory_space<vmem_shared>>)
      tpu.yield
    }) : () -> ()
    %mul3A_551 = arith.constant 640 : i32
    %mul3A_552 = arith.muli %arg1, %mul3A_551 : i32
    %add3A_553 = arith.constant 160 : i32
    %add3A_554 = arith.addi %mul3A_552, %add3A_553 : i32
    "tpu.region"() ({
      %run_scoped3A = tpu.sem_alloc : memref<!tpu.dma_semaphore, #tpu.memory_space<semaphore_mem>>
      %dma_start3A_740 = arith.constant 0 : i32
      %dma_start3A_741 = tpu.memref_slice %arg10[%add3A_554, %dma_start3A_740] : memref<10240x64xf32, #tpu.memory_space<vmem_shared>> -> memref<16x64xf32, #tpu.memory_space<vmem_shared>>
      %dma_start3A_742 = arith.constant 0 : i32
      %dma_start3A_743 = tpu.memref_slice %arg10[%add3A_554, %dma_start3A_742] : memref<10240x64xf32, #tpu.memory_space<vmem_shared>> -> memref<16x64xf32, #tpu.memory_space<vmem_shared>>
      tpu.enqueue_dma source(%arg9 : memref<16x64xf32, #tpu.memory_space<vmem>>) target(%dma_start3A_743 : memref<16x64xf32, #tpu.memory_space<vmem_shared>>) target_semaphore(%run_scoped3A : memref<!tpu.dma_semaphore, #tpu.memory_space<semaphore_mem>>)
      %dma_wait3A = arith.constant 0 : i32
      %dma_wait3A_744 = tpu.memref_slice %arg10[%add3A_554, %dma_wait3A] : memref<10240x64xf32, #tpu.memory_space<vmem_shared>> -> memref<16x64xf32, #tpu.memory_space<vmem_shared>>
      %dma_wait3A_745 = arith.constant 0 : i32
      %dma_wait3A_746 = tpu.memref_slice %arg10[%add3A_554, %dma_wait3A_745] : memref<10240x64xf32, #tpu.memory_space<vmem_shared>> -> memref<16x64xf32, #tpu.memory_space<vmem_shared>>
      tpu.wait_dma2 semaphore(%run_scoped3A : memref<!tpu.dma_semaphore, #tpu.memory_space<semaphore_mem>>) src(%arg9 : memref<16x64xf32, #tpu.memory_space<vmem>>) dst(%dma_wait3A_746 : memref<16x64xf32, #tpu.memory_space<vmem_shared>>)
      tpu.yield
    }) : () -> ()
    %mul3A_555 = arith.constant 640 : i32
    %mul3A_556 = arith.muli %arg1, %mul3A_555 : i32
    %add3A_557 = arith.constant 176 : i32
    %add3A_558 = arith.addi %mul3A_556, %add3A_557 : i32
    "tpu.region"() ({
      %run_scoped3A = tpu.sem_alloc : memref<!tpu.dma_semaphore, #tpu.memory_space<semaphore_mem>>
      %dma_start3A_740 = arith.constant 0 : i32
      %dma_start3A_741 = tpu.memref_slice %arg10[%add3A_558, %dma_start3A_740] : memref<10240x64xf32, #tpu.memory_space<vmem_shared>> -> memref<16x64xf32, #tpu.memory_space<vmem_shared>>
      %dma_start3A_742 = arith.constant 0 : i32
      %dma_start3A_743 = tpu.memref_slice %arg10[%add3A_558, %dma_start3A_742] : memref<10240x64xf32, #tpu.memory_space<vmem_shared>> -> memref<16x64xf32, #tpu.memory_space<vmem_shared>>
      tpu.enqueue_dma source(%arg9 : memref<16x64xf32, #tpu.memory_space<vmem>>) target(%dma_start3A_743 : memref<16x64xf32, #tpu.memory_space<vmem_shared>>) target_semaphore(%run_scoped3A : memref<!tpu.dma_semaphore, #tpu.memory_space<semaphore_mem>>)
      %dma_wait3A = arith.constant 0 : i32
      %dma_wait3A_744 = tpu.memref_slice %arg10[%add3A_558, %dma_wait3A] : memref<10240x64xf32, #tpu.memory_space<vmem_shared>> -> memref<16x64xf32, #tpu.memory_space<vmem_shared>>
      %dma_wait3A_745 = arith.constant 0 : i32
      %dma_wait3A_746 = tpu.memref_slice %arg10[%add3A_558, %dma_wait3A_745] : memref<10240x64xf32, #tpu.memory_space<vmem_shared>> -> memref<16x64xf32, #tpu.memory_space<vmem_shared>>
      tpu.wait_dma2 semaphore(%run_scoped3A : memref<!tpu.dma_semaphore, #tpu.memory_space<semaphore_mem>>) src(%arg9 : memref<16x64xf32, #tpu.memory_space<vmem>>) dst(%dma_wait3A_746 : memref<16x64xf32, #tpu.memory_space<vmem_shared>>)
      tpu.yield
    }) : () -> ()
    %mul3A_559 = arith.constant 640 : i32
    %mul3A_560 = arith.muli %arg1, %mul3A_559 : i32
    %add3A_561 = arith.constant 192 : i32
    %add3A_562 = arith.addi %mul3A_560, %add3A_561 : i32
    "tpu.region"() ({
      %run_scoped3A = tpu.sem_alloc : memref<!tpu.dma_semaphore, #tpu.memory_space<semaphore_mem>>
      %dma_start3A_740 = arith.constant 0 : i32
      %dma_start3A_741 = tpu.memref_slice %arg10[%add3A_562, %dma_start3A_740] : memref<10240x64xf32, #tpu.memory_space<vmem_shared>> -> memref<16x64xf32, #tpu.memory_space<vmem_shared>>
      %dma_start3A_742 = arith.constant 0 : i32
      %dma_start3A_743 = tpu.memref_slice %arg10[%add3A_562, %dma_start3A_742] : memref<10240x64xf32, #tpu.memory_space<vmem_shared>> -> memref<16x64xf32, #tpu.memory_space<vmem_shared>>
      tpu.enqueue_dma source(%arg9 : memref<16x64xf32, #tpu.memory_space<vmem>>) target(%dma_start3A_743 : memref<16x64xf32, #tpu.memory_space<vmem_shared>>) target_semaphore(%run_scoped3A : memref<!tpu.dma_semaphore, #tpu.memory_space<semaphore_mem>>)
      %dma_wait3A = arith.constant 0 : i32
      %dma_wait3A_744 = tpu.memref_slice %arg10[%add3A_562, %dma_wait3A] : memref<10240x64xf32, #tpu.memory_space<vmem_shared>> -> memref<16x64xf32, #tpu.memory_space<vmem_shared>>
      %dma_wait3A_745 = arith.constant 0 : i32
      %dma_wait3A_746 = tpu.memref_slice %arg10[%add3A_562, %dma_wait3A_745] : memref<10240x64xf32, #tpu.memory_space<vmem_shared>> -> memref<16x64xf32, #tpu.memory_space<vmem_shared>>
      tpu.wait_dma2 semaphore(%run_scoped3A : memref<!tpu.dma_semaphore, #tpu.memory_space<semaphore_mem>>) src(%arg9 : memref<16x64xf32, #tpu.memory_space<vmem>>) dst(%dma_wait3A_746 : memref<16x64xf32, #tpu.memory_space<vmem_shared>>)
      tpu.yield
    }) : () -> ()
    %mul3A_563 = arith.constant 640 : i32
    %mul3A_564 = arith.muli %arg1, %mul3A_563 : i32
    %add3A_565 = arith.constant 208 : i32
    %add3A_566 = arith.addi %mul3A_564, %add3A_565 : i32
    "tpu.region"() ({
      %run_scoped3A = tpu.sem_alloc : memref<!tpu.dma_semaphore, #tpu.memory_space<semaphore_mem>>
      %dma_start3A_740 = arith.constant 0 : i32
      %dma_start3A_741 = tpu.memref_slice %arg10[%add3A_566, %dma_start3A_740] : memref<10240x64xf32, #tpu.memory_space<vmem_shared>> -> memref<16x64xf32, #tpu.memory_space<vmem_shared>>
      %dma_start3A_742 = arith.constant 0 : i32
      %dma_start3A_743 = tpu.memref_slice %arg10[%add3A_566, %dma_start3A_742] : memref<10240x64xf32, #tpu.memory_space<vmem_shared>> -> memref<16x64xf32, #tpu.memory_space<vmem_shared>>
      tpu.enqueue_dma source(%arg9 : memref<16x64xf32, #tpu.memory_space<vmem>>) target(%dma_start3A_743 : memref<16x64xf32, #tpu.memory_space<vmem_shared>>) target_semaphore(%run_scoped3A : memref<!tpu.dma_semaphore, #tpu.memory_space<semaphore_mem>>)
      %dma_wait3A = arith.constant 0 : i32
      %dma_wait3A_744 = tpu.memref_slice %arg10[%add3A_566, %dma_wait3A] : memref<10240x64xf32, #tpu.memory_space<vmem_shared>> -> memref<16x64xf32, #tpu.memory_space<vmem_shared>>
      %dma_wait3A_745 = arith.constant 0 : i32
      %dma_wait3A_746 = tpu.memref_slice %arg10[%add3A_566, %dma_wait3A_745] : memref<10240x64xf32, #tpu.memory_space<vmem_shared>> -> memref<16x64xf32, #tpu.memory_space<vmem_shared>>
      tpu.wait_dma2 semaphore(%run_scoped3A : memref<!tpu.dma_semaphore, #tpu.memory_space<semaphore_mem>>) src(%arg9 : memref<16x64xf32, #tpu.memory_space<vmem>>) dst(%dma_wait3A_746 : memref<16x64xf32, #tpu.memory_space<vmem_shared>>)
      tpu.yield
    }) : () -> ()
    %mul3A_567 = arith.constant 640 : i32
    %mul3A_568 = arith.muli %arg1, %mul3A_567 : i32
    %add3A_569 = arith.constant 224 : i32
    %add3A_570 = arith.addi %mul3A_568, %add3A_569 : i32
    "tpu.region"() ({
      %run_scoped3A = tpu.sem_alloc : memref<!tpu.dma_semaphore, #tpu.memory_space<semaphore_mem>>
      %dma_start3A_740 = arith.constant 0 : i32
      %dma_start3A_741 = tpu.memref_slice %arg10[%add3A_570, %dma_start3A_740] : memref<10240x64xf32, #tpu.memory_space<vmem_shared>> -> memref<16x64xf32, #tpu.memory_space<vmem_shared>>
      %dma_start3A_742 = arith.constant 0 : i32
      %dma_start3A_743 = tpu.memref_slice %arg10[%add3A_570, %dma_start3A_742] : memref<10240x64xf32, #tpu.memory_space<vmem_shared>> -> memref<16x64xf32, #tpu.memory_space<vmem_shared>>
      tpu.enqueue_dma source(%arg9 : memref<16x64xf32, #tpu.memory_space<vmem>>) target(%dma_start3A_743 : memref<16x64xf32, #tpu.memory_space<vmem_shared>>) target_semaphore(%run_scoped3A : memref<!tpu.dma_semaphore, #tpu.memory_space<semaphore_mem>>)
      %dma_wait3A = arith.constant 0 : i32
      %dma_wait3A_744 = tpu.memref_slice %arg10[%add3A_570, %dma_wait3A] : memref<10240x64xf32, #tpu.memory_space<vmem_shared>> -> memref<16x64xf32, #tpu.memory_space<vmem_shared>>
      %dma_wait3A_745 = arith.constant 0 : i32
      %dma_wait3A_746 = tpu.memref_slice %arg10[%add3A_570, %dma_wait3A_745] : memref<10240x64xf32, #tpu.memory_space<vmem_shared>> -> memref<16x64xf32, #tpu.memory_space<vmem_shared>>
      tpu.wait_dma2 semaphore(%run_scoped3A : memref<!tpu.dma_semaphore, #tpu.memory_space<semaphore_mem>>) src(%arg9 : memref<16x64xf32, #tpu.memory_space<vmem>>) dst(%dma_wait3A_746 : memref<16x64xf32, #tpu.memory_space<vmem_shared>>)
      tpu.yield
    }) : () -> ()
    %mul3A_571 = arith.constant 640 : i32
    %mul3A_572 = arith.muli %arg1, %mul3A_571 : i32
    %add3A_573 = arith.constant 240 : i32
    %add3A_574 = arith.addi %mul3A_572, %add3A_573 : i32
    "tpu.region"() ({
      %run_scoped3A = tpu.sem_alloc : memref<!tpu.dma_semaphore, #tpu.memory_space<semaphore_mem>>
      %dma_start3A_740 = arith.constant 0 : i32
      %dma_start3A_741 = tpu.memref_slice %arg10[%add3A_574, %dma_start3A_740] : memref<10240x64xf32, #tpu.memory_space<vmem_shared>> -> memref<16x64xf32, #tpu.memory_space<vmem_shared>>
      %dma_start3A_742 = arith.constant 0 : i32
      %dma_start3A_743 = tpu.memref_slice %arg10[%add3A_574, %dma_start3A_742] : memref<10240x64xf32, #tpu.memory_space<vmem_shared>> -> memref<16x64xf32, #tpu.memory_space<vmem_shared>>
      tpu.enqueue_dma source(%arg9 : memref<16x64xf32, #tpu.memory_space<vmem>>) target(%dma_start3A_743 : memref<16x64xf32, #tpu.memory_space<vmem_shared>>) target_semaphore(%run_scoped3A : memref<!tpu.dma_semaphore, #tpu.memory_space<semaphore_mem>>)
      %dma_wait3A = arith.constant 0 : i32
      %dma_wait3A_744 = tpu.memref_slice %arg10[%add3A_574, %dma_wait3A] : memref<10240x64xf32, #tpu.memory_space<vmem_shared>> -> memref<16x64xf32, #tpu.memory_space<vmem_shared>>
      %dma_wait3A_745 = arith.constant 0 : i32
      %dma_wait3A_746 = tpu.memref_slice %arg10[%add3A_574, %dma_wait3A_745] : memref<10240x64xf32, #tpu.memory_space<vmem_shared>> -> memref<16x64xf32, #tpu.memory_space<vmem_shared>>
      tpu.wait_dma2 semaphore(%run_scoped3A : memref<!tpu.dma_semaphore, #tpu.memory_space<semaphore_mem>>) src(%arg9 : memref<16x64xf32, #tpu.memory_space<vmem>>) dst(%dma_wait3A_746 : memref<16x64xf32, #tpu.memory_space<vmem_shared>>)
      tpu.yield
    }) : () -> ()
    %mul3A_575 = arith.constant 640 : i32
    %mul3A_576 = arith.muli %arg1, %mul3A_575 : i32
    %add3A_577 = arith.constant 256 : i32
    %add3A_578 = arith.addi %mul3A_576, %add3A_577 : i32
    "tpu.region"() ({
      %run_scoped3A = tpu.sem_alloc : memref<!tpu.dma_semaphore, #tpu.memory_space<semaphore_mem>>
      %dma_start3A_740 = arith.constant 0 : i32
      %dma_start3A_741 = tpu.memref_slice %arg10[%add3A_578, %dma_start3A_740] : memref<10240x64xf32, #tpu.memory_space<vmem_shared>> -> memref<16x64xf32, #tpu.memory_space<vmem_shared>>
      %dma_start3A_742 = arith.constant 0 : i32
      %dma_start3A_743 = tpu.memref_slice %arg10[%add3A_578, %dma_start3A_742] : memref<10240x64xf32, #tpu.memory_space<vmem_shared>> -> memref<16x64xf32, #tpu.memory_space<vmem_shared>>
      tpu.enqueue_dma source(%arg9 : memref<16x64xf32, #tpu.memory_space<vmem>>) target(%dma_start3A_743 : memref<16x64xf32, #tpu.memory_space<vmem_shared>>) target_semaphore(%run_scoped3A : memref<!tpu.dma_semaphore, #tpu.memory_space<semaphore_mem>>)
      %dma_wait3A = arith.constant 0 : i32
      %dma_wait3A_744 = tpu.memref_slice %arg10[%add3A_578, %dma_wait3A] : memref<10240x64xf32, #tpu.memory_space<vmem_shared>> -> memref<16x64xf32, #tpu.memory_space<vmem_shared>>
      %dma_wait3A_745 = arith.constant 0 : i32
      %dma_wait3A_746 = tpu.memref_slice %arg10[%add3A_578, %dma_wait3A_745] : memref<10240x64xf32, #tpu.memory_space<vmem_shared>> -> memref<16x64xf32, #tpu.memory_space<vmem_shared>>
      tpu.wait_dma2 semaphore(%run_scoped3A : memref<!tpu.dma_semaphore, #tpu.memory_space<semaphore_mem>>) src(%arg9 : memref<16x64xf32, #tpu.memory_space<vmem>>) dst(%dma_wait3A_746 : memref<16x64xf32, #tpu.memory_space<vmem_shared>>)
      tpu.yield
    }) : () -> ()
    %mul3A_579 = arith.constant 640 : i32
    %mul3A_580 = arith.muli %arg1, %mul3A_579 : i32
    %add3A_581 = arith.constant 272 : i32
    %add3A_582 = arith.addi %mul3A_580, %add3A_581 : i32
    "tpu.region"() ({
      %run_scoped3A = tpu.sem_alloc : memref<!tpu.dma_semaphore, #tpu.memory_space<semaphore_mem>>
      %dma_start3A_740 = arith.constant 0 : i32
      %dma_start3A_741 = tpu.memref_slice %arg10[%add3A_582, %dma_start3A_740] : memref<10240x64xf32, #tpu.memory_space<vmem_shared>> -> memref<16x64xf32, #tpu.memory_space<vmem_shared>>
      %dma_start3A_742 = arith.constant 0 : i32
      %dma_start3A_743 = tpu.memref_slice %arg10[%add3A_582, %dma_start3A_742] : memref<10240x64xf32, #tpu.memory_space<vmem_shared>> -> memref<16x64xf32, #tpu.memory_space<vmem_shared>>
      tpu.enqueue_dma source(%arg9 : memref<16x64xf32, #tpu.memory_space<vmem>>) target(%dma_start3A_743 : memref<16x64xf32, #tpu.memory_space<vmem_shared>>) target_semaphore(%run_scoped3A : memref<!tpu.dma_semaphore, #tpu.memory_space<semaphore_mem>>)
      %dma_wait3A = arith.constant 0 : i32
      %dma_wait3A_744 = tpu.memref_slice %arg10[%add3A_582, %dma_wait3A] : memref<10240x64xf32, #tpu.memory_space<vmem_shared>> -> memref<16x64xf32, #tpu.memory_space<vmem_shared>>
      %dma_wait3A_745 = arith.constant 0 : i32
      %dma_wait3A_746 = tpu.memref_slice %arg10[%add3A_582, %dma_wait3A_745] : memref<10240x64xf32, #tpu.memory_space<vmem_shared>> -> memref<16x64xf32, #tpu.memory_space<vmem_shared>>
      tpu.wait_dma2 semaphore(%run_scoped3A : memref<!tpu.dma_semaphore, #tpu.memory_space<semaphore_mem>>) src(%arg9 : memref<16x64xf32, #tpu.memory_space<vmem>>) dst(%dma_wait3A_746 : memref<16x64xf32, #tpu.memory_space<vmem_shared>>)
      tpu.yield
    }) : () -> ()
    %mul3A_583 = arith.constant 640 : i32
    %mul3A_584 = arith.muli %arg1, %mul3A_583 : i32
    %add3A_585 = arith.constant 288 : i32
    %add3A_586 = arith.addi %mul3A_584, %add3A_585 : i32
    "tpu.region"() ({
      %run_scoped3A = tpu.sem_alloc : memref<!tpu.dma_semaphore, #tpu.memory_space<semaphore_mem>>
      %dma_start3A_740 = arith.constant 0 : i32
      %dma_start3A_741 = tpu.memref_slice %arg10[%add3A_586, %dma_start3A_740] : memref<10240x64xf32, #tpu.memory_space<vmem_shared>> -> memref<16x64xf32, #tpu.memory_space<vmem_shared>>
      %dma_start3A_742 = arith.constant 0 : i32
      %dma_start3A_743 = tpu.memref_slice %arg10[%add3A_586, %dma_start3A_742] : memref<10240x64xf32, #tpu.memory_space<vmem_shared>> -> memref<16x64xf32, #tpu.memory_space<vmem_shared>>
      tpu.enqueue_dma source(%arg9 : memref<16x64xf32, #tpu.memory_space<vmem>>) target(%dma_start3A_743 : memref<16x64xf32, #tpu.memory_space<vmem_shared>>) target_semaphore(%run_scoped3A : memref<!tpu.dma_semaphore, #tpu.memory_space<semaphore_mem>>)
      %dma_wait3A = arith.constant 0 : i32
      %dma_wait3A_744 = tpu.memref_slice %arg10[%add3A_586, %dma_wait3A] : memref<10240x64xf32, #tpu.memory_space<vmem_shared>> -> memref<16x64xf32, #tpu.memory_space<vmem_shared>>
      %dma_wait3A_745 = arith.constant 0 : i32
      %dma_wait3A_746 = tpu.memref_slice %arg10[%add3A_586, %dma_wait3A_745] : memref<10240x64xf32, #tpu.memory_space<vmem_shared>> -> memref<16x64xf32, #tpu.memory_space<vmem_shared>>
      tpu.wait_dma2 semaphore(%run_scoped3A : memref<!tpu.dma_semaphore, #tpu.memory_space<semaphore_mem>>) src(%arg9 : memref<16x64xf32, #tpu.memory_space<vmem>>) dst(%dma_wait3A_746 : memref<16x64xf32, #tpu.memory_space<vmem_shared>>)
      tpu.yield
    }) : () -> ()
    %mul3A_587 = arith.constant 640 : i32
    %mul3A_588 = arith.muli %arg1, %mul3A_587 : i32
    %add3A_589 = arith.constant 304 : i32
    %add3A_590 = arith.addi %mul3A_588, %add3A_589 : i32
    "tpu.region"() ({
      %run_scoped3A = tpu.sem_alloc : memref<!tpu.dma_semaphore, #tpu.memory_space<semaphore_mem>>
      %dma_start3A_740 = arith.constant 0 : i32
      %dma_start3A_741 = tpu.memref_slice %arg10[%add3A_590, %dma_start3A_740] : memref<10240x64xf32, #tpu.memory_space<vmem_shared>> -> memref<16x64xf32, #tpu.memory_space<vmem_shared>>
      %dma_start3A_742 = arith.constant 0 : i32
      %dma_start3A_743 = tpu.memref_slice %arg10[%add3A_590, %dma_start3A_742] : memref<10240x64xf32, #tpu.memory_space<vmem_shared>> -> memref<16x64xf32, #tpu.memory_space<vmem_shared>>
      tpu.enqueue_dma source(%arg9 : memref<16x64xf32, #tpu.memory_space<vmem>>) target(%dma_start3A_743 : memref<16x64xf32, #tpu.memory_space<vmem_shared>>) target_semaphore(%run_scoped3A : memref<!tpu.dma_semaphore, #tpu.memory_space<semaphore_mem>>)
      %dma_wait3A = arith.constant 0 : i32
      %dma_wait3A_744 = tpu.memref_slice %arg10[%add3A_590, %dma_wait3A] : memref<10240x64xf32, #tpu.memory_space<vmem_shared>> -> memref<16x64xf32, #tpu.memory_space<vmem_shared>>
      %dma_wait3A_745 = arith.constant 0 : i32
      %dma_wait3A_746 = tpu.memref_slice %arg10[%add3A_590, %dma_wait3A_745] : memref<10240x64xf32, #tpu.memory_space<vmem_shared>> -> memref<16x64xf32, #tpu.memory_space<vmem_shared>>
      tpu.wait_dma2 semaphore(%run_scoped3A : memref<!tpu.dma_semaphore, #tpu.memory_space<semaphore_mem>>) src(%arg9 : memref<16x64xf32, #tpu.memory_space<vmem>>) dst(%dma_wait3A_746 : memref<16x64xf32, #tpu.memory_space<vmem_shared>>)
      tpu.yield
    }) : () -> ()
    %mul3A_591 = arith.constant 640 : i32
    %mul3A_592 = arith.muli %arg1, %mul3A_591 : i32
    %add3A_593 = arith.constant 320 : i32
    %add3A_594 = arith.addi %mul3A_592, %add3A_593 : i32
    "tpu.region"() ({
      %run_scoped3A = tpu.sem_alloc : memref<!tpu.dma_semaphore, #tpu.memory_space<semaphore_mem>>
      %dma_start3A_740 = arith.constant 0 : i32
      %dma_start3A_741 = tpu.memref_slice %arg10[%add3A_594, %dma_start3A_740] : memref<10240x64xf32, #tpu.memory_space<vmem_shared>> -> memref<16x64xf32, #tpu.memory_space<vmem_shared>>
      %dma_start3A_742 = arith.constant 0 : i32
      %dma_start3A_743 = tpu.memref_slice %arg10[%add3A_594, %dma_start3A_742] : memref<10240x64xf32, #tpu.memory_space<vmem_shared>> -> memref<16x64xf32, #tpu.memory_space<vmem_shared>>
      tpu.enqueue_dma source(%arg9 : memref<16x64xf32, #tpu.memory_space<vmem>>) target(%dma_start3A_743 : memref<16x64xf32, #tpu.memory_space<vmem_shared>>) target_semaphore(%run_scoped3A : memref<!tpu.dma_semaphore, #tpu.memory_space<semaphore_mem>>)
      %dma_wait3A = arith.constant 0 : i32
      %dma_wait3A_744 = tpu.memref_slice %arg10[%add3A_594, %dma_wait3A] : memref<10240x64xf32, #tpu.memory_space<vmem_shared>> -> memref<16x64xf32, #tpu.memory_space<vmem_shared>>
      %dma_wait3A_745 = arith.constant 0 : i32
      %dma_wait3A_746 = tpu.memref_slice %arg10[%add3A_594, %dma_wait3A_745] : memref<10240x64xf32, #tpu.memory_space<vmem_shared>> -> memref<16x64xf32, #tpu.memory_space<vmem_shared>>
      tpu.wait_dma2 semaphore(%run_scoped3A : memref<!tpu.dma_semaphore, #tpu.memory_space<semaphore_mem>>) src(%arg9 : memref<16x64xf32, #tpu.memory_space<vmem>>) dst(%dma_wait3A_746 : memref<16x64xf32, #tpu.memory_space<vmem_shared>>)
      tpu.yield
    }) : () -> ()
    %mul3A_595 = arith.constant 640 : i32
    %mul3A_596 = arith.muli %arg1, %mul3A_595 : i32
    %add3A_597 = arith.constant 336 : i32
    %add3A_598 = arith.addi %mul3A_596, %add3A_597 : i32
    "tpu.region"() ({
      %run_scoped3A = tpu.sem_alloc : memref<!tpu.dma_semaphore, #tpu.memory_space<semaphore_mem>>
      %dma_start3A_740 = arith.constant 0 : i32
      %dma_start3A_741 = tpu.memref_slice %arg10[%add3A_598, %dma_start3A_740] : memref<10240x64xf32, #tpu.memory_space<vmem_shared>> -> memref<16x64xf32, #tpu.memory_space<vmem_shared>>
      %dma_start3A_742 = arith.constant 0 : i32
      %dma_start3A_743 = tpu.memref_slice %arg10[%add3A_598, %dma_start3A_742] : memref<10240x64xf32, #tpu.memory_space<vmem_shared>> -> memref<16x64xf32, #tpu.memory_space<vmem_shared>>
      tpu.enqueue_dma source(%arg9 : memref<16x64xf32, #tpu.memory_space<vmem>>) target(%dma_start3A_743 : memref<16x64xf32, #tpu.memory_space<vmem_shared>>) target_semaphore(%run_scoped3A : memref<!tpu.dma_semaphore, #tpu.memory_space<semaphore_mem>>)
      %dma_wait3A = arith.constant 0 : i32
      %dma_wait3A_744 = tpu.memref_slice %arg10[%add3A_598, %dma_wait3A] : memref<10240x64xf32, #tpu.memory_space<vmem_shared>> -> memref<16x64xf32, #tpu.memory_space<vmem_shared>>
      %dma_wait3A_745 = arith.constant 0 : i32
      %dma_wait3A_746 = tpu.memref_slice %arg10[%add3A_598, %dma_wait3A_745] : memref<10240x64xf32, #tpu.memory_space<vmem_shared>> -> memref<16x64xf32, #tpu.memory_space<vmem_shared>>
      tpu.wait_dma2 semaphore(%run_scoped3A : memref<!tpu.dma_semaphore, #tpu.memory_space<semaphore_mem>>) src(%arg9 : memref<16x64xf32, #tpu.memory_space<vmem>>) dst(%dma_wait3A_746 : memref<16x64xf32, #tpu.memory_space<vmem_shared>>)
      tpu.yield
    }) : () -> ()
    %mul3A_599 = arith.constant 640 : i32
    %mul3A_600 = arith.muli %arg1, %mul3A_599 : i32
    %add3A_601 = arith.constant 352 : i32
    %add3A_602 = arith.addi %mul3A_600, %add3A_601 : i32
    "tpu.region"() ({
      %run_scoped3A = tpu.sem_alloc : memref<!tpu.dma_semaphore, #tpu.memory_space<semaphore_mem>>
      %dma_start3A_740 = arith.constant 0 : i32
      %dma_start3A_741 = tpu.memref_slice %arg10[%add3A_602, %dma_start3A_740] : memref<10240x64xf32, #tpu.memory_space<vmem_shared>> -> memref<16x64xf32, #tpu.memory_space<vmem_shared>>
      %dma_start3A_742 = arith.constant 0 : i32
      %dma_start3A_743 = tpu.memref_slice %arg10[%add3A_602, %dma_start3A_742] : memref<10240x64xf32, #tpu.memory_space<vmem_shared>> -> memref<16x64xf32, #tpu.memory_space<vmem_shared>>
      tpu.enqueue_dma source(%arg9 : memref<16x64xf32, #tpu.memory_space<vmem>>) target(%dma_start3A_743 : memref<16x64xf32, #tpu.memory_space<vmem_shared>>) target_semaphore(%run_scoped3A : memref<!tpu.dma_semaphore, #tpu.memory_space<semaphore_mem>>)
      %dma_wait3A = arith.constant 0 : i32
      %dma_wait3A_744 = tpu.memref_slice %arg10[%add3A_602, %dma_wait3A] : memref<10240x64xf32, #tpu.memory_space<vmem_shared>> -> memref<16x64xf32, #tpu.memory_space<vmem_shared>>
      %dma_wait3A_745 = arith.constant 0 : i32
      %dma_wait3A_746 = tpu.memref_slice %arg10[%add3A_602, %dma_wait3A_745] : memref<10240x64xf32, #tpu.memory_space<vmem_shared>> -> memref<16x64xf32, #tpu.memory_space<vmem_shared>>
      tpu.wait_dma2 semaphore(%run_scoped3A : memref<!tpu.dma_semaphore, #tpu.memory_space<semaphore_mem>>) src(%arg9 : memref<16x64xf32, #tpu.memory_space<vmem>>) dst(%dma_wait3A_746 : memref<16x64xf32, #tpu.memory_space<vmem_shared>>)
      tpu.yield
    }) : () -> ()
    %mul3A_603 = arith.constant 640 : i32
    %mul3A_604 = arith.muli %arg1, %mul3A_603 : i32
    %add3A_605 = arith.constant 368 : i32
    %add3A_606 = arith.addi %mul3A_604, %add3A_605 : i32
    "tpu.region"() ({
      %run_scoped3A = tpu.sem_alloc : memref<!tpu.dma_semaphore, #tpu.memory_space<semaphore_mem>>
      %dma_start3A_740 = arith.constant 0 : i32
      %dma_start3A_741 = tpu.memref_slice %arg10[%add3A_606, %dma_start3A_740] : memref<10240x64xf32, #tpu.memory_space<vmem_shared>> -> memref<16x64xf32, #tpu.memory_space<vmem_shared>>
      %dma_start3A_742 = arith.constant 0 : i32
      %dma_start3A_743 = tpu.memref_slice %arg10[%add3A_606, %dma_start3A_742] : memref<10240x64xf32, #tpu.memory_space<vmem_shared>> -> memref<16x64xf32, #tpu.memory_space<vmem_shared>>
      tpu.enqueue_dma source(%arg9 : memref<16x64xf32, #tpu.memory_space<vmem>>) target(%dma_start3A_743 : memref<16x64xf32, #tpu.memory_space<vmem_shared>>) target_semaphore(%run_scoped3A : memref<!tpu.dma_semaphore, #tpu.memory_space<semaphore_mem>>)
      %dma_wait3A = arith.constant 0 : i32
      %dma_wait3A_744 = tpu.memref_slice %arg10[%add3A_606, %dma_wait3A] : memref<10240x64xf32, #tpu.memory_space<vmem_shared>> -> memref<16x64xf32, #tpu.memory_space<vmem_shared>>
      %dma_wait3A_745 = arith.constant 0 : i32
      %dma_wait3A_746 = tpu.memref_slice %arg10[%add3A_606, %dma_wait3A_745] : memref<10240x64xf32, #tpu.memory_space<vmem_shared>> -> memref<16x64xf32, #tpu.memory_space<vmem_shared>>
      tpu.wait_dma2 semaphore(%run_scoped3A : memref<!tpu.dma_semaphore, #tpu.memory_space<semaphore_mem>>) src(%arg9 : memref<16x64xf32, #tpu.memory_space<vmem>>) dst(%dma_wait3A_746 : memref<16x64xf32, #tpu.memory_space<vmem_shared>>)
      tpu.yield
    }) : () -> ()
    %mul3A_607 = arith.constant 640 : i32
    %mul3A_608 = arith.muli %arg1, %mul3A_607 : i32
    %add3A_609 = arith.constant 384 : i32
    %add3A_610 = arith.addi %mul3A_608, %add3A_609 : i32
    "tpu.region"() ({
      %run_scoped3A = tpu.sem_alloc : memref<!tpu.dma_semaphore, #tpu.memory_space<semaphore_mem>>
      %dma_start3A_740 = arith.constant 0 : i32
      %dma_start3A_741 = tpu.memref_slice %arg10[%add3A_610, %dma_start3A_740] : memref<10240x64xf32, #tpu.memory_space<vmem_shared>> -> memref<16x64xf32, #tpu.memory_space<vmem_shared>>
      %dma_start3A_742 = arith.constant 0 : i32
      %dma_start3A_743 = tpu.memref_slice %arg10[%add3A_610, %dma_start3A_742] : memref<10240x64xf32, #tpu.memory_space<vmem_shared>> -> memref<16x64xf32, #tpu.memory_space<vmem_shared>>
      tpu.enqueue_dma source(%arg9 : memref<16x64xf32, #tpu.memory_space<vmem>>) target(%dma_start3A_743 : memref<16x64xf32, #tpu.memory_space<vmem_shared>>) target_semaphore(%run_scoped3A : memref<!tpu.dma_semaphore, #tpu.memory_space<semaphore_mem>>)
      %dma_wait3A = arith.constant 0 : i32
      %dma_wait3A_744 = tpu.memref_slice %arg10[%add3A_610, %dma_wait3A] : memref<10240x64xf32, #tpu.memory_space<vmem_shared>> -> memref<16x64xf32, #tpu.memory_space<vmem_shared>>
      %dma_wait3A_745 = arith.constant 0 : i32
      %dma_wait3A_746 = tpu.memref_slice %arg10[%add3A_610, %dma_wait3A_745] : memref<10240x64xf32, #tpu.memory_space<vmem_shared>> -> memref<16x64xf32, #tpu.memory_space<vmem_shared>>
      tpu.wait_dma2 semaphore(%run_scoped3A : memref<!tpu.dma_semaphore, #tpu.memory_space<semaphore_mem>>) src(%arg9 : memref<16x64xf32, #tpu.memory_space<vmem>>) dst(%dma_wait3A_746 : memref<16x64xf32, #tpu.memory_space<vmem_shared>>)
      tpu.yield
    }) : () -> ()
    %mul3A_611 = arith.constant 640 : i32
    %mul3A_612 = arith.muli %arg1, %mul3A_611 : i32
    %add3A_613 = arith.constant 400 : i32
    %add3A_614 = arith.addi %mul3A_612, %add3A_613 : i32
    "tpu.region"() ({
      %run_scoped3A = tpu.sem_alloc : memref<!tpu.dma_semaphore, #tpu.memory_space<semaphore_mem>>
      %dma_start3A_740 = arith.constant 0 : i32
      %dma_start3A_741 = tpu.memref_slice %arg10[%add3A_614, %dma_start3A_740] : memref<10240x64xf32, #tpu.memory_space<vmem_shared>> -> memref<16x64xf32, #tpu.memory_space<vmem_shared>>
      %dma_start3A_742 = arith.constant 0 : i32
      %dma_start3A_743 = tpu.memref_slice %arg10[%add3A_614, %dma_start3A_742] : memref<10240x64xf32, #tpu.memory_space<vmem_shared>> -> memref<16x64xf32, #tpu.memory_space<vmem_shared>>
      tpu.enqueue_dma source(%arg9 : memref<16x64xf32, #tpu.memory_space<vmem>>) target(%dma_start3A_743 : memref<16x64xf32, #tpu.memory_space<vmem_shared>>) target_semaphore(%run_scoped3A : memref<!tpu.dma_semaphore, #tpu.memory_space<semaphore_mem>>)
      %dma_wait3A = arith.constant 0 : i32
      %dma_wait3A_744 = tpu.memref_slice %arg10[%add3A_614, %dma_wait3A] : memref<10240x64xf32, #tpu.memory_space<vmem_shared>> -> memref<16x64xf32, #tpu.memory_space<vmem_shared>>
      %dma_wait3A_745 = arith.constant 0 : i32
      %dma_wait3A_746 = tpu.memref_slice %arg10[%add3A_614, %dma_wait3A_745] : memref<10240x64xf32, #tpu.memory_space<vmem_shared>> -> memref<16x64xf32, #tpu.memory_space<vmem_shared>>
      tpu.wait_dma2 semaphore(%run_scoped3A : memref<!tpu.dma_semaphore, #tpu.memory_space<semaphore_mem>>) src(%arg9 : memref<16x64xf32, #tpu.memory_space<vmem>>) dst(%dma_wait3A_746 : memref<16x64xf32, #tpu.memory_space<vmem_shared>>)
      tpu.yield
    }) : () -> ()
    %mul3A_615 = arith.constant 640 : i32
    %mul3A_616 = arith.muli %arg1, %mul3A_615 : i32
    %add3A_617 = arith.constant 416 : i32
    %add3A_618 = arith.addi %mul3A_616, %add3A_617 : i32
    "tpu.region"() ({
      %run_scoped3A = tpu.sem_alloc : memref<!tpu.dma_semaphore, #tpu.memory_space<semaphore_mem>>
      %dma_start3A_740 = arith.constant 0 : i32
      %dma_start3A_741 = tpu.memref_slice %arg10[%add3A_618, %dma_start3A_740] : memref<10240x64xf32, #tpu.memory_space<vmem_shared>> -> memref<16x64xf32, #tpu.memory_space<vmem_shared>>
      %dma_start3A_742 = arith.constant 0 : i32
      %dma_start3A_743 = tpu.memref_slice %arg10[%add3A_618, %dma_start3A_742] : memref<10240x64xf32, #tpu.memory_space<vmem_shared>> -> memref<16x64xf32, #tpu.memory_space<vmem_shared>>
      tpu.enqueue_dma source(%arg9 : memref<16x64xf32, #tpu.memory_space<vmem>>) target(%dma_start3A_743 : memref<16x64xf32, #tpu.memory_space<vmem_shared>>) target_semaphore(%run_scoped3A : memref<!tpu.dma_semaphore, #tpu.memory_space<semaphore_mem>>)
      %dma_wait3A = arith.constant 0 : i32
      %dma_wait3A_744 = tpu.memref_slice %arg10[%add3A_618, %dma_wait3A] : memref<10240x64xf32, #tpu.memory_space<vmem_shared>> -> memref<16x64xf32, #tpu.memory_space<vmem_shared>>
      %dma_wait3A_745 = arith.constant 0 : i32
      %dma_wait3A_746 = tpu.memref_slice %arg10[%add3A_618, %dma_wait3A_745] : memref<10240x64xf32, #tpu.memory_space<vmem_shared>> -> memref<16x64xf32, #tpu.memory_space<vmem_shared>>
      tpu.wait_dma2 semaphore(%run_scoped3A : memref<!tpu.dma_semaphore, #tpu.memory_space<semaphore_mem>>) src(%arg9 : memref<16x64xf32, #tpu.memory_space<vmem>>) dst(%dma_wait3A_746 : memref<16x64xf32, #tpu.memory_space<vmem_shared>>)
      tpu.yield
    }) : () -> ()
    %mul3A_619 = arith.constant 640 : i32
    %mul3A_620 = arith.muli %arg1, %mul3A_619 : i32
    %add3A_621 = arith.constant 432 : i32
    %add3A_622 = arith.addi %mul3A_620, %add3A_621 : i32
    "tpu.region"() ({
      %run_scoped3A = tpu.sem_alloc : memref<!tpu.dma_semaphore, #tpu.memory_space<semaphore_mem>>
      %dma_start3A_740 = arith.constant 0 : i32
      %dma_start3A_741 = tpu.memref_slice %arg10[%add3A_622, %dma_start3A_740] : memref<10240x64xf32, #tpu.memory_space<vmem_shared>> -> memref<16x64xf32, #tpu.memory_space<vmem_shared>>
      %dma_start3A_742 = arith.constant 0 : i32
      %dma_start3A_743 = tpu.memref_slice %arg10[%add3A_622, %dma_start3A_742] : memref<10240x64xf32, #tpu.memory_space<vmem_shared>> -> memref<16x64xf32, #tpu.memory_space<vmem_shared>>
      tpu.enqueue_dma source(%arg9 : memref<16x64xf32, #tpu.memory_space<vmem>>) target(%dma_start3A_743 : memref<16x64xf32, #tpu.memory_space<vmem_shared>>) target_semaphore(%run_scoped3A : memref<!tpu.dma_semaphore, #tpu.memory_space<semaphore_mem>>)
      %dma_wait3A = arith.constant 0 : i32
      %dma_wait3A_744 = tpu.memref_slice %arg10[%add3A_622, %dma_wait3A] : memref<10240x64xf32, #tpu.memory_space<vmem_shared>> -> memref<16x64xf32, #tpu.memory_space<vmem_shared>>
      %dma_wait3A_745 = arith.constant 0 : i32
      %dma_wait3A_746 = tpu.memref_slice %arg10[%add3A_622, %dma_wait3A_745] : memref<10240x64xf32, #tpu.memory_space<vmem_shared>> -> memref<16x64xf32, #tpu.memory_space<vmem_shared>>
      tpu.wait_dma2 semaphore(%run_scoped3A : memref<!tpu.dma_semaphore, #tpu.memory_space<semaphore_mem>>) src(%arg9 : memref<16x64xf32, #tpu.memory_space<vmem>>) dst(%dma_wait3A_746 : memref<16x64xf32, #tpu.memory_space<vmem_shared>>)
      tpu.yield
    }) : () -> ()
    %mul3A_623 = arith.constant 640 : i32
    %mul3A_624 = arith.muli %arg1, %mul3A_623 : i32
    %add3A_625 = arith.constant 448 : i32
    %add3A_626 = arith.addi %mul3A_624, %add3A_625 : i32
    "tpu.region"() ({
      %run_scoped3A = tpu.sem_alloc : memref<!tpu.dma_semaphore, #tpu.memory_space<semaphore_mem>>
      %dma_start3A_740 = arith.constant 0 : i32
      %dma_start3A_741 = tpu.memref_slice %arg10[%add3A_626, %dma_start3A_740] : memref<10240x64xf32, #tpu.memory_space<vmem_shared>> -> memref<16x64xf32, #tpu.memory_space<vmem_shared>>
      %dma_start3A_742 = arith.constant 0 : i32
      %dma_start3A_743 = tpu.memref_slice %arg10[%add3A_626, %dma_start3A_742] : memref<10240x64xf32, #tpu.memory_space<vmem_shared>> -> memref<16x64xf32, #tpu.memory_space<vmem_shared>>
      tpu.enqueue_dma source(%arg9 : memref<16x64xf32, #tpu.memory_space<vmem>>) target(%dma_start3A_743 : memref<16x64xf32, #tpu.memory_space<vmem_shared>>) target_semaphore(%run_scoped3A : memref<!tpu.dma_semaphore, #tpu.memory_space<semaphore_mem>>)
      %dma_wait3A = arith.constant 0 : i32
      %dma_wait3A_744 = tpu.memref_slice %arg10[%add3A_626, %dma_wait3A] : memref<10240x64xf32, #tpu.memory_space<vmem_shared>> -> memref<16x64xf32, #tpu.memory_space<vmem_shared>>
      %dma_wait3A_745 = arith.constant 0 : i32
      %dma_wait3A_746 = tpu.memref_slice %arg10[%add3A_626, %dma_wait3A_745] : memref<10240x64xf32, #tpu.memory_space<vmem_shared>> -> memref<16x64xf32, #tpu.memory_space<vmem_shared>>
      tpu.wait_dma2 semaphore(%run_scoped3A : memref<!tpu.dma_semaphore, #tpu.memory_space<semaphore_mem>>) src(%arg9 : memref<16x64xf32, #tpu.memory_space<vmem>>) dst(%dma_wait3A_746 : memref<16x64xf32, #tpu.memory_space<vmem_shared>>)
      tpu.yield
    }) : () -> ()
    %mul3A_627 = arith.constant 640 : i32
    %mul3A_628 = arith.muli %arg1, %mul3A_627 : i32
    %add3A_629 = arith.constant 464 : i32
    %add3A_630 = arith.addi %mul3A_628, %add3A_629 : i32
    "tpu.region"() ({
      %run_scoped3A = tpu.sem_alloc : memref<!tpu.dma_semaphore, #tpu.memory_space<semaphore_mem>>
      %dma_start3A_740 = arith.constant 0 : i32
      %dma_start3A_741 = tpu.memref_slice %arg10[%add3A_630, %dma_start3A_740] : memref<10240x64xf32, #tpu.memory_space<vmem_shared>> -> memref<16x64xf32, #tpu.memory_space<vmem_shared>>
      %dma_start3A_742 = arith.constant 0 : i32
      %dma_start3A_743 = tpu.memref_slice %arg10[%add3A_630, %dma_start3A_742] : memref<10240x64xf32, #tpu.memory_space<vmem_shared>> -> memref<16x64xf32, #tpu.memory_space<vmem_shared>>
      tpu.enqueue_dma source(%arg9 : memref<16x64xf32, #tpu.memory_space<vmem>>) target(%dma_start3A_743 : memref<16x64xf32, #tpu.memory_space<vmem_shared>>) target_semaphore(%run_scoped3A : memref<!tpu.dma_semaphore, #tpu.memory_space<semaphore_mem>>)
      %dma_wait3A = arith.constant 0 : i32
      %dma_wait3A_744 = tpu.memref_slice %arg10[%add3A_630, %dma_wait3A] : memref<10240x64xf32, #tpu.memory_space<vmem_shared>> -> memref<16x64xf32, #tpu.memory_space<vmem_shared>>
      %dma_wait3A_745 = arith.constant 0 : i32
      %dma_wait3A_746 = tpu.memref_slice %arg10[%add3A_630, %dma_wait3A_745] : memref<10240x64xf32, #tpu.memory_space<vmem_shared>> -> memref<16x64xf32, #tpu.memory_space<vmem_shared>>
      tpu.wait_dma2 semaphore(%run_scoped3A : memref<!tpu.dma_semaphore, #tpu.memory_space<semaphore_mem>>) src(%arg9 : memref<16x64xf32, #tpu.memory_space<vmem>>) dst(%dma_wait3A_746 : memref<16x64xf32, #tpu.memory_space<vmem_shared>>)
      tpu.yield
    }) : () -> ()
    %mul3A_631 = arith.constant 640 : i32
    %mul3A_632 = arith.muli %arg1, %mul3A_631 : i32
    %add3A_633 = arith.constant 480 : i32
    %add3A_634 = arith.addi %mul3A_632, %add3A_633 : i32
    "tpu.region"() ({
      %run_scoped3A = tpu.sem_alloc : memref<!tpu.dma_semaphore, #tpu.memory_space<semaphore_mem>>
      %dma_start3A_740 = arith.constant 0 : i32
      %dma_start3A_741 = tpu.memref_slice %arg10[%add3A_634, %dma_start3A_740] : memref<10240x64xf32, #tpu.memory_space<vmem_shared>> -> memref<16x64xf32, #tpu.memory_space<vmem_shared>>
      %dma_start3A_742 = arith.constant 0 : i32
      %dma_start3A_743 = tpu.memref_slice %arg10[%add3A_634, %dma_start3A_742] : memref<10240x64xf32, #tpu.memory_space<vmem_shared>> -> memref<16x64xf32, #tpu.memory_space<vmem_shared>>
      tpu.enqueue_dma source(%arg9 : memref<16x64xf32, #tpu.memory_space<vmem>>) target(%dma_start3A_743 : memref<16x64xf32, #tpu.memory_space<vmem_shared>>) target_semaphore(%run_scoped3A : memref<!tpu.dma_semaphore, #tpu.memory_space<semaphore_mem>>)
      %dma_wait3A = arith.constant 0 : i32
      %dma_wait3A_744 = tpu.memref_slice %arg10[%add3A_634, %dma_wait3A] : memref<10240x64xf32, #tpu.memory_space<vmem_shared>> -> memref<16x64xf32, #tpu.memory_space<vmem_shared>>
      %dma_wait3A_745 = arith.constant 0 : i32
      %dma_wait3A_746 = tpu.memref_slice %arg10[%add3A_634, %dma_wait3A_745] : memref<10240x64xf32, #tpu.memory_space<vmem_shared>> -> memref<16x64xf32, #tpu.memory_space<vmem_shared>>
      tpu.wait_dma2 semaphore(%run_scoped3A : memref<!tpu.dma_semaphore, #tpu.memory_space<semaphore_mem>>) src(%arg9 : memref<16x64xf32, #tpu.memory_space<vmem>>) dst(%dma_wait3A_746 : memref<16x64xf32, #tpu.memory_space<vmem_shared>>)
      tpu.yield
    }) : () -> ()
    %mul3A_635 = arith.constant 640 : i32
    %mul3A_636 = arith.muli %arg1, %mul3A_635 : i32
    %add3A_637 = arith.constant 496 : i32
    %add3A_638 = arith.addi %mul3A_636, %add3A_637 : i32
    "tpu.region"() ({
      %run_scoped3A = tpu.sem_alloc : memref<!tpu.dma_semaphore, #tpu.memory_space<semaphore_mem>>
      %dma_start3A_740 = arith.constant 0 : i32
      %dma_start3A_741 = tpu.memref_slice %arg10[%add3A_638, %dma_start3A_740] : memref<10240x64xf32, #tpu.memory_space<vmem_shared>> -> memref<16x64xf32, #tpu.memory_space<vmem_shared>>
      %dma_start3A_742 = arith.constant 0 : i32
      %dma_start3A_743 = tpu.memref_slice %arg10[%add3A_638, %dma_start3A_742] : memref<10240x64xf32, #tpu.memory_space<vmem_shared>> -> memref<16x64xf32, #tpu.memory_space<vmem_shared>>
      tpu.enqueue_dma source(%arg9 : memref<16x64xf32, #tpu.memory_space<vmem>>) target(%dma_start3A_743 : memref<16x64xf32, #tpu.memory_space<vmem_shared>>) target_semaphore(%run_scoped3A : memref<!tpu.dma_semaphore, #tpu.memory_space<semaphore_mem>>)
      %dma_wait3A = arith.constant 0 : i32
      %dma_wait3A_744 = tpu.memref_slice %arg10[%add3A_638, %dma_wait3A] : memref<10240x64xf32, #tpu.memory_space<vmem_shared>> -> memref<16x64xf32, #tpu.memory_space<vmem_shared>>
      %dma_wait3A_745 = arith.constant 0 : i32
      %dma_wait3A_746 = tpu.memref_slice %arg10[%add3A_638, %dma_wait3A_745] : memref<10240x64xf32, #tpu.memory_space<vmem_shared>> -> memref<16x64xf32, #tpu.memory_space<vmem_shared>>
      tpu.wait_dma2 semaphore(%run_scoped3A : memref<!tpu.dma_semaphore, #tpu.memory_space<semaphore_mem>>) src(%arg9 : memref<16x64xf32, #tpu.memory_space<vmem>>) dst(%dma_wait3A_746 : memref<16x64xf32, #tpu.memory_space<vmem_shared>>)
      tpu.yield
    }) : () -> ()
    %mul3A_639 = arith.constant 640 : i32
    %mul3A_640 = arith.muli %arg1, %mul3A_639 : i32
    %add3A_641 = arith.constant 512 : i32
    %add3A_642 = arith.addi %mul3A_640, %add3A_641 : i32
    "tpu.region"() ({
      %run_scoped3A = tpu.sem_alloc : memref<!tpu.dma_semaphore, #tpu.memory_space<semaphore_mem>>
      %dma_start3A_740 = arith.constant 0 : i32
      %dma_start3A_741 = tpu.memref_slice %arg10[%add3A_642, %dma_start3A_740] : memref<10240x64xf32, #tpu.memory_space<vmem_shared>> -> memref<16x64xf32, #tpu.memory_space<vmem_shared>>
      %dma_start3A_742 = arith.constant 0 : i32
      %dma_start3A_743 = tpu.memref_slice %arg10[%add3A_642, %dma_start3A_742] : memref<10240x64xf32, #tpu.memory_space<vmem_shared>> -> memref<16x64xf32, #tpu.memory_space<vmem_shared>>
      tpu.enqueue_dma source(%arg9 : memref<16x64xf32, #tpu.memory_space<vmem>>) target(%dma_start3A_743 : memref<16x64xf32, #tpu.memory_space<vmem_shared>>) target_semaphore(%run_scoped3A : memref<!tpu.dma_semaphore, #tpu.memory_space<semaphore_mem>>)
      %dma_wait3A = arith.constant 0 : i32
      %dma_wait3A_744 = tpu.memref_slice %arg10[%add3A_642, %dma_wait3A] : memref<10240x64xf32, #tpu.memory_space<vmem_shared>> -> memref<16x64xf32, #tpu.memory_space<vmem_shared>>
      %dma_wait3A_745 = arith.constant 0 : i32
      %dma_wait3A_746 = tpu.memref_slice %arg10[%add3A_642, %dma_wait3A_745] : memref<10240x64xf32, #tpu.memory_space<vmem_shared>> -> memref<16x64xf32, #tpu.memory_space<vmem_shared>>
      tpu.wait_dma2 semaphore(%run_scoped3A : memref<!tpu.dma_semaphore, #tpu.memory_space<semaphore_mem>>) src(%arg9 : memref<16x64xf32, #tpu.memory_space<vmem>>) dst(%dma_wait3A_746 : memref<16x64xf32, #tpu.memory_space<vmem_shared>>)
      tpu.yield
    }) : () -> ()
    %mul3A_643 = arith.constant 640 : i32
    %mul3A_644 = arith.muli %arg1, %mul3A_643 : i32
    %add3A_645 = arith.constant 528 : i32
    %add3A_646 = arith.addi %mul3A_644, %add3A_645 : i32
    "tpu.region"() ({
      %run_scoped3A = tpu.sem_alloc : memref<!tpu.dma_semaphore, #tpu.memory_space<semaphore_mem>>
      %dma_start3A_740 = arith.constant 0 : i32
      %dma_start3A_741 = tpu.memref_slice %arg10[%add3A_646, %dma_start3A_740] : memref<10240x64xf32, #tpu.memory_space<vmem_shared>> -> memref<16x64xf32, #tpu.memory_space<vmem_shared>>
      %dma_start3A_742 = arith.constant 0 : i32
      %dma_start3A_743 = tpu.memref_slice %arg10[%add3A_646, %dma_start3A_742] : memref<10240x64xf32, #tpu.memory_space<vmem_shared>> -> memref<16x64xf32, #tpu.memory_space<vmem_shared>>
      tpu.enqueue_dma source(%arg9 : memref<16x64xf32, #tpu.memory_space<vmem>>) target(%dma_start3A_743 : memref<16x64xf32, #tpu.memory_space<vmem_shared>>) target_semaphore(%run_scoped3A : memref<!tpu.dma_semaphore, #tpu.memory_space<semaphore_mem>>)
      %dma_wait3A = arith.constant 0 : i32
      %dma_wait3A_744 = tpu.memref_slice %arg10[%add3A_646, %dma_wait3A] : memref<10240x64xf32, #tpu.memory_space<vmem_shared>> -> memref<16x64xf32, #tpu.memory_space<vmem_shared>>
      %dma_wait3A_745 = arith.constant 0 : i32
      %dma_wait3A_746 = tpu.memref_slice %arg10[%add3A_646, %dma_wait3A_745] : memref<10240x64xf32, #tpu.memory_space<vmem_shared>> -> memref<16x64xf32, #tpu.memory_space<vmem_shared>>
      tpu.wait_dma2 semaphore(%run_scoped3A : memref<!tpu.dma_semaphore, #tpu.memory_space<semaphore_mem>>) src(%arg9 : memref<16x64xf32, #tpu.memory_space<vmem>>) dst(%dma_wait3A_746 : memref<16x64xf32, #tpu.memory_space<vmem_shared>>)
      tpu.yield
    }) : () -> ()
    %mul3A_647 = arith.constant 640 : i32
    %mul3A_648 = arith.muli %arg1, %mul3A_647 : i32
    %add3A_649 = arith.constant 544 : i32
    %add3A_650 = arith.addi %mul3A_648, %add3A_649 : i32
    "tpu.region"() ({
      %run_scoped3A = tpu.sem_alloc : memref<!tpu.dma_semaphore, #tpu.memory_space<semaphore_mem>>
      %dma_start3A_740 = arith.constant 0 : i32
      %dma_start3A_741 = tpu.memref_slice %arg10[%add3A_650, %dma_start3A_740] : memref<10240x64xf32, #tpu.memory_space<vmem_shared>> -> memref<16x64xf32, #tpu.memory_space<vmem_shared>>
      %dma_start3A_742 = arith.constant 0 : i32
      %dma_start3A_743 = tpu.memref_slice %arg10[%add3A_650, %dma_start3A_742] : memref<10240x64xf32, #tpu.memory_space<vmem_shared>> -> memref<16x64xf32, #tpu.memory_space<vmem_shared>>
      tpu.enqueue_dma source(%arg9 : memref<16x64xf32, #tpu.memory_space<vmem>>) target(%dma_start3A_743 : memref<16x64xf32, #tpu.memory_space<vmem_shared>>) target_semaphore(%run_scoped3A : memref<!tpu.dma_semaphore, #tpu.memory_space<semaphore_mem>>)
      %dma_wait3A = arith.constant 0 : i32
      %dma_wait3A_744 = tpu.memref_slice %arg10[%add3A_650, %dma_wait3A] : memref<10240x64xf32, #tpu.memory_space<vmem_shared>> -> memref<16x64xf32, #tpu.memory_space<vmem_shared>>
      %dma_wait3A_745 = arith.constant 0 : i32
      %dma_wait3A_746 = tpu.memref_slice %arg10[%add3A_650, %dma_wait3A_745] : memref<10240x64xf32, #tpu.memory_space<vmem_shared>> -> memref<16x64xf32, #tpu.memory_space<vmem_shared>>
      tpu.wait_dma2 semaphore(%run_scoped3A : memref<!tpu.dma_semaphore, #tpu.memory_space<semaphore_mem>>) src(%arg9 : memref<16x64xf32, #tpu.memory_space<vmem>>) dst(%dma_wait3A_746 : memref<16x64xf32, #tpu.memory_space<vmem_shared>>)
      tpu.yield
    }) : () -> ()
    %mul3A_651 = arith.constant 640 : i32
    %mul3A_652 = arith.muli %arg1, %mul3A_651 : i32
    %add3A_653 = arith.constant 560 : i32
    %add3A_654 = arith.addi %mul3A_652, %add3A_653 : i32
    "tpu.region"() ({
      %run_scoped3A = tpu.sem_alloc : memref<!tpu.dma_semaphore, #tpu.memory_space<semaphore_mem>>
      %dma_start3A_740 = arith.constant 0 : i32
      %dma_start3A_741 = tpu.memref_slice %arg10[%add3A_654, %dma_start3A_740] : memref<10240x64xf32, #tpu.memory_space<vmem_shared>> -> memref<16x64xf32, #tpu.memory_space<vmem_shared>>
      %dma_start3A_742 = arith.constant 0 : i32
      %dma_start3A_743 = tpu.memref_slice %arg10[%add3A_654, %dma_start3A_742] : memref<10240x64xf32, #tpu.memory_space<vmem_shared>> -> memref<16x64xf32, #tpu.memory_space<vmem_shared>>
      tpu.enqueue_dma source(%arg9 : memref<16x64xf32, #tpu.memory_space<vmem>>) target(%dma_start3A_743 : memref<16x64xf32, #tpu.memory_space<vmem_shared>>) target_semaphore(%run_scoped3A : memref<!tpu.dma_semaphore, #tpu.memory_space<semaphore_mem>>)
      %dma_wait3A = arith.constant 0 : i32
      %dma_wait3A_744 = tpu.memref_slice %arg10[%add3A_654, %dma_wait3A] : memref<10240x64xf32, #tpu.memory_space<vmem_shared>> -> memref<16x64xf32, #tpu.memory_space<vmem_shared>>
      %dma_wait3A_745 = arith.constant 0 : i32
      %dma_wait3A_746 = tpu.memref_slice %arg10[%add3A_654, %dma_wait3A_745] : memref<10240x64xf32, #tpu.memory_space<vmem_shared>> -> memref<16x64xf32, #tpu.memory_space<vmem_shared>>
      tpu.wait_dma2 semaphore(%run_scoped3A : memref<!tpu.dma_semaphore, #tpu.memory_space<semaphore_mem>>) src(%arg9 : memref<16x64xf32, #tpu.memory_space<vmem>>) dst(%dma_wait3A_746 : memref<16x64xf32, #tpu.memory_space<vmem_shared>>)
      tpu.yield
    }) : () -> ()
    %mul3A_655 = arith.constant 640 : i32
    %mul3A_656 = arith.muli %arg1, %mul3A_655 : i32
    %add3A_657 = arith.constant 576 : i32
    %add3A_658 = arith.addi %mul3A_656, %add3A_657 : i32
    "tpu.region"() ({
      %run_scoped3A = tpu.sem_alloc : memref<!tpu.dma_semaphore, #tpu.memory_space<semaphore_mem>>
      %dma_start3A_740 = arith.constant 0 : i32
      %dma_start3A_741 = tpu.memref_slice %arg10[%add3A_658, %dma_start3A_740] : memref<10240x64xf32, #tpu.memory_space<vmem_shared>> -> memref<16x64xf32, #tpu.memory_space<vmem_shared>>
      %dma_start3A_742 = arith.constant 0 : i32
      %dma_start3A_743 = tpu.memref_slice %arg10[%add3A_658, %dma_start3A_742] : memref<10240x64xf32, #tpu.memory_space<vmem_shared>> -> memref<16x64xf32, #tpu.memory_space<vmem_shared>>
      tpu.enqueue_dma source(%arg9 : memref<16x64xf32, #tpu.memory_space<vmem>>) target(%dma_start3A_743 : memref<16x64xf32, #tpu.memory_space<vmem_shared>>) target_semaphore(%run_scoped3A : memref<!tpu.dma_semaphore, #tpu.memory_space<semaphore_mem>>)
      %dma_wait3A = arith.constant 0 : i32
      %dma_wait3A_744 = tpu.memref_slice %arg10[%add3A_658, %dma_wait3A] : memref<10240x64xf32, #tpu.memory_space<vmem_shared>> -> memref<16x64xf32, #tpu.memory_space<vmem_shared>>
      %dma_wait3A_745 = arith.constant 0 : i32
      %dma_wait3A_746 = tpu.memref_slice %arg10[%add3A_658, %dma_wait3A_745] : memref<10240x64xf32, #tpu.memory_space<vmem_shared>> -> memref<16x64xf32, #tpu.memory_space<vmem_shared>>
      tpu.wait_dma2 semaphore(%run_scoped3A : memref<!tpu.dma_semaphore, #tpu.memory_space<semaphore_mem>>) src(%arg9 : memref<16x64xf32, #tpu.memory_space<vmem>>) dst(%dma_wait3A_746 : memref<16x64xf32, #tpu.memory_space<vmem_shared>>)
      tpu.yield
    }) : () -> ()
    %mul3A_659 = arith.constant 640 : i32
    %mul3A_660 = arith.muli %arg1, %mul3A_659 : i32
    %add3A_661 = arith.constant 592 : i32
    %add3A_662 = arith.addi %mul3A_660, %add3A_661 : i32
    "tpu.region"() ({
      %run_scoped3A = tpu.sem_alloc : memref<!tpu.dma_semaphore, #tpu.memory_space<semaphore_mem>>
      %dma_start3A_740 = arith.constant 0 : i32
      %dma_start3A_741 = tpu.memref_slice %arg10[%add3A_662, %dma_start3A_740] : memref<10240x64xf32, #tpu.memory_space<vmem_shared>> -> memref<16x64xf32, #tpu.memory_space<vmem_shared>>
      %dma_start3A_742 = arith.constant 0 : i32
      %dma_start3A_743 = tpu.memref_slice %arg10[%add3A_662, %dma_start3A_742] : memref<10240x64xf32, #tpu.memory_space<vmem_shared>> -> memref<16x64xf32, #tpu.memory_space<vmem_shared>>
      tpu.enqueue_dma source(%arg9 : memref<16x64xf32, #tpu.memory_space<vmem>>) target(%dma_start3A_743 : memref<16x64xf32, #tpu.memory_space<vmem_shared>>) target_semaphore(%run_scoped3A : memref<!tpu.dma_semaphore, #tpu.memory_space<semaphore_mem>>)
      %dma_wait3A = arith.constant 0 : i32
      %dma_wait3A_744 = tpu.memref_slice %arg10[%add3A_662, %dma_wait3A] : memref<10240x64xf32, #tpu.memory_space<vmem_shared>> -> memref<16x64xf32, #tpu.memory_space<vmem_shared>>
      %dma_wait3A_745 = arith.constant 0 : i32
      %dma_wait3A_746 = tpu.memref_slice %arg10[%add3A_662, %dma_wait3A_745] : memref<10240x64xf32, #tpu.memory_space<vmem_shared>> -> memref<16x64xf32, #tpu.memory_space<vmem_shared>>
      tpu.wait_dma2 semaphore(%run_scoped3A : memref<!tpu.dma_semaphore, #tpu.memory_space<semaphore_mem>>) src(%arg9 : memref<16x64xf32, #tpu.memory_space<vmem>>) dst(%dma_wait3A_746 : memref<16x64xf32, #tpu.memory_space<vmem_shared>>)
      tpu.yield
    }) : () -> ()
    %mul3A_663 = arith.constant 640 : i32
    %mul3A_664 = arith.muli %arg1, %mul3A_663 : i32
    %add3A_665 = arith.constant 608 : i32
    %add3A_666 = arith.addi %mul3A_664, %add3A_665 : i32
    "tpu.region"() ({
      %run_scoped3A = tpu.sem_alloc : memref<!tpu.dma_semaphore, #tpu.memory_space<semaphore_mem>>
      %dma_start3A_740 = arith.constant 0 : i32
      %dma_start3A_741 = tpu.memref_slice %arg10[%add3A_666, %dma_start3A_740] : memref<10240x64xf32, #tpu.memory_space<vmem_shared>> -> memref<16x64xf32, #tpu.memory_space<vmem_shared>>
      %dma_start3A_742 = arith.constant 0 : i32
      %dma_start3A_743 = tpu.memref_slice %arg10[%add3A_666, %dma_start3A_742] : memref<10240x64xf32, #tpu.memory_space<vmem_shared>> -> memref<16x64xf32, #tpu.memory_space<vmem_shared>>
      tpu.enqueue_dma source(%arg9 : memref<16x64xf32, #tpu.memory_space<vmem>>) target(%dma_start3A_743 : memref<16x64xf32, #tpu.memory_space<vmem_shared>>) target_semaphore(%run_scoped3A : memref<!tpu.dma_semaphore, #tpu.memory_space<semaphore_mem>>)
      %dma_wait3A = arith.constant 0 : i32
      %dma_wait3A_744 = tpu.memref_slice %arg10[%add3A_666, %dma_wait3A] : memref<10240x64xf32, #tpu.memory_space<vmem_shared>> -> memref<16x64xf32, #tpu.memory_space<vmem_shared>>
      %dma_wait3A_745 = arith.constant 0 : i32
      %dma_wait3A_746 = tpu.memref_slice %arg10[%add3A_666, %dma_wait3A_745] : memref<10240x64xf32, #tpu.memory_space<vmem_shared>> -> memref<16x64xf32, #tpu.memory_space<vmem_shared>>
      tpu.wait_dma2 semaphore(%run_scoped3A : memref<!tpu.dma_semaphore, #tpu.memory_space<semaphore_mem>>) src(%arg9 : memref<16x64xf32, #tpu.memory_space<vmem>>) dst(%dma_wait3A_746 : memref<16x64xf32, #tpu.memory_space<vmem_shared>>)
      tpu.yield
    }) : () -> ()
    %mul3A_667 = arith.constant 640 : i32
    %mul3A_668 = arith.muli %arg1, %mul3A_667 : i32
    %add3A_669 = arith.constant 624 : i32
    %add3A_670 = arith.addi %mul3A_668, %add3A_669 : i32
    "tpu.region"() ({
      %run_scoped3A = tpu.sem_alloc : memref<!tpu.dma_semaphore, #tpu.memory_space<semaphore_mem>>
      %dma_start3A_740 = arith.constant 0 : i32
      %dma_start3A_741 = tpu.memref_slice %arg10[%add3A_670, %dma_start3A_740] : memref<10240x64xf32, #tpu.memory_space<vmem_shared>> -> memref<16x64xf32, #tpu.memory_space<vmem_shared>>
      %dma_start3A_742 = arith.constant 0 : i32
      %dma_start3A_743 = tpu.memref_slice %arg10[%add3A_670, %dma_start3A_742] : memref<10240x64xf32, #tpu.memory_space<vmem_shared>> -> memref<16x64xf32, #tpu.memory_space<vmem_shared>>
      tpu.enqueue_dma source(%arg9 : memref<16x64xf32, #tpu.memory_space<vmem>>) target(%dma_start3A_743 : memref<16x64xf32, #tpu.memory_space<vmem_shared>>) target_semaphore(%run_scoped3A : memref<!tpu.dma_semaphore, #tpu.memory_space<semaphore_mem>>)
      %dma_wait3A = arith.constant 0 : i32
      %dma_wait3A_744 = tpu.memref_slice %arg10[%add3A_670, %dma_wait3A] : memref<10240x64xf32, #tpu.memory_space<vmem_shared>> -> memref<16x64xf32, #tpu.memory_space<vmem_shared>>
      %dma_wait3A_745 = arith.constant 0 : i32
      %dma_wait3A_746 = tpu.memref_slice %arg10[%add3A_670, %dma_wait3A_745] : memref<10240x64xf32, #tpu.memory_space<vmem_shared>> -> memref<16x64xf32, #tpu.memory_space<vmem_shared>>
      tpu.wait_dma2 semaphore(%run_scoped3A : memref<!tpu.dma_semaphore, #tpu.memory_space<semaphore_mem>>) src(%arg9 : memref<16x64xf32, #tpu.memory_space<vmem>>) dst(%dma_wait3A_746 : memref<16x64xf32, #tpu.memory_space<vmem_shared>>)
      tpu.yield
    }) : () -> ()
    "tpu.region"() ({
      %run_scoped3A = tpu.sem_alloc : memref<!tpu.dma_semaphore, #tpu.memory_space<semaphore_mem>>
      %dma_start3A_740 = arith.constant 0 : i32
      %dma_start3A_741 = arith.constant 0 : i32
      %dma_start3A_742 = tpu.memref_slice %arg3[%add3A, %dma_start3A_740, %dma_start3A_741] : memref<32x80x125xi32, #tpu.memory_space<hbm>> -> memref<1x80x125xi32, #tpu.memory_space<hbm>>
      %dma_start3A_743 = tpu.memref_squeeze %dma_start3A_742 : memref<1x80x125xi32, #tpu.memory_space<hbm>> -> memref<80x125xi32, #tpu.memory_space<hbm>>
      %dma_start3A_744 = arith.constant 0 : i32
      %dma_start3A_745 = arith.constant 0 : i32
      %dma_start3A_746 = tpu.memref_slice %arg3[%add3A, %dma_start3A_744, %dma_start3A_745] : memref<32x80x125xi32, #tpu.memory_space<hbm>> -> memref<1x80x125xi32, #tpu.memory_space<hbm>>
      %dma_start3A_747 = tpu.memref_squeeze %dma_start3A_746 : memref<1x80x125xi32, #tpu.memory_space<hbm>> -> memref<80x125xi32, #tpu.memory_space<hbm>>
      tpu.enqueue_dma source(%dma_start3A_747 : memref<80x125xi32, #tpu.memory_space<hbm>>) target(%arg6 : memref<80x125xi32, #tpu.memory_space<vmem>>) target_semaphore(%run_scoped3A : memref<!tpu.dma_semaphore, #tpu.memory_space<semaphore_mem>>)
      %dma_wait3A = arith.constant 0 : i32
      %dma_wait3A_748 = arith.constant 0 : i32
      %dma_wait3A_749 = tpu.memref_slice %arg3[%add3A, %dma_wait3A, %dma_wait3A_748] : memref<32x80x125xi32, #tpu.memory_space<hbm>> -> memref<1x80x125xi32, #tpu.memory_space<hbm>>
      %dma_wait3A_750 = tpu.memref_squeeze %dma_wait3A_749 : memref<1x80x125xi32, #tpu.memory_space<hbm>> -> memref<80x125xi32, #tpu.memory_space<hbm>>
      %dma_wait3A_751 = arith.constant 0 : i32
      %dma_wait3A_752 = arith.constant 0 : i32
      %dma_wait3A_753 = tpu.memref_slice %arg3[%add3A, %dma_wait3A_751, %dma_wait3A_752] : memref<32x80x125xi32, #tpu.memory_space<hbm>> -> memref<1x80x125xi32, #tpu.memory_space<hbm>>
      %dma_wait3A_754 = tpu.memref_squeeze %dma_wait3A_753 : memref<1x80x125xi32, #tpu.memory_space<hbm>> -> memref<80x125xi32, #tpu.memory_space<hbm>>
      tpu.wait_dma2 semaphore(%run_scoped3A : memref<!tpu.dma_semaphore, #tpu.memory_space<semaphore_mem>>) src(%dma_wait3A_754 : memref<80x125xi32, #tpu.memory_space<hbm>>) dst(%arg6 : memref<80x125xi32, #tpu.memory_space<vmem>>)
      tpu.yield
    }) : () -> ()
    "tpu.region"() ({
      %run_scoped3A = tpu.sem_alloc : memref<!tpu.dma_semaphore, #tpu.memory_space<semaphore_mem>>
      %dma_start3A_740 = arith.constant 0 : i32
      %dma_start3A_741 = arith.constant 0 : i32
      %dma_start3A_742 = tpu.memref_slice %arg4[%add3A, %dma_start3A_740, %dma_start3A_741] : memref<32x80x125xi32, #tpu.memory_space<hbm>> -> memref<1x80x125xi32, #tpu.memory_space<hbm>>
      %dma_start3A_743 = tpu.memref_squeeze %dma_start3A_742 : memref<1x80x125xi32, #tpu.memory_space<hbm>> -> memref<80x125xi32, #tpu.memory_space<hbm>>
      %dma_start3A_744 = arith.constant 0 : i32
      %dma_start3A_745 = arith.constant 0 : i32
      %dma_start3A_746 = tpu.memref_slice %arg4[%add3A, %dma_start3A_744, %dma_start3A_745] : memref<32x80x125xi32, #tpu.memory_space<hbm>> -> memref<1x80x125xi32, #tpu.memory_space<hbm>>
      %dma_start3A_747 = tpu.memref_squeeze %dma_start3A_746 : memref<1x80x125xi32, #tpu.memory_space<hbm>> -> memref<80x125xi32, #tpu.memory_space<hbm>>
      tpu.enqueue_dma source(%dma_start3A_747 : memref<80x125xi32, #tpu.memory_space<hbm>>) target(%arg7 : memref<80x125xi32, #tpu.memory_space<vmem>>) target_semaphore(%run_scoped3A : memref<!tpu.dma_semaphore, #tpu.memory_space<semaphore_mem>>)
      %dma_wait3A = arith.constant 0 : i32
      %dma_wait3A_748 = arith.constant 0 : i32
      %dma_wait3A_749 = tpu.memref_slice %arg4[%add3A, %dma_wait3A, %dma_wait3A_748] : memref<32x80x125xi32, #tpu.memory_space<hbm>> -> memref<1x80x125xi32, #tpu.memory_space<hbm>>
      %dma_wait3A_750 = tpu.memref_squeeze %dma_wait3A_749 : memref<1x80x125xi32, #tpu.memory_space<hbm>> -> memref<80x125xi32, #tpu.memory_space<hbm>>
      %dma_wait3A_751 = arith.constant 0 : i32
      %dma_wait3A_752 = arith.constant 0 : i32
      %dma_wait3A_753 = tpu.memref_slice %arg4[%add3A, %dma_wait3A_751, %dma_wait3A_752] : memref<32x80x125xi32, #tpu.memory_space<hbm>> -> memref<1x80x125xi32, #tpu.memory_space<hbm>>
      %dma_wait3A_754 = tpu.memref_squeeze %dma_wait3A_753 : memref<1x80x125xi32, #tpu.memory_space<hbm>> -> memref<80x125xi32, #tpu.memory_space<hbm>>
      tpu.wait_dma2 semaphore(%run_scoped3A : memref<!tpu.dma_semaphore, #tpu.memory_space<semaphore_mem>>) src(%dma_wait3A_754 : memref<80x125xi32, #tpu.memory_space<hbm>>) dst(%arg7 : memref<80x125xi32, #tpu.memory_space<vmem>>)
      tpu.yield
    }) : () -> ()
    %barrier3A = arith.constant 0 : index
    tpu.barrier barrier_id(%barrier3A)
    %dma_start3A = arith.constant 0 : i32
    %dma_start3A_671 = arith.constant 0 : i32
    %dma_start3A_672 = arith.constant 0 : i32
    %dma_start3A_673 = arith.constant 0 : i32
    %dma_start3A_674 = tpu.memref_slice %arg8[%dma_start3A_671, %dma_start3A_672, %dma_start3A_673] : memref<5x125x64xf32, #tpu.memory_space<vmem>> -> memref<1x125x64xf32, #tpu.memory_space<vmem>>
    %dma_start3A_675 = tpu.memref_squeeze %dma_start3A_674 : memref<1x125x64xf32, #tpu.memory_space<vmem>> -> memref<125x64xf32, #tpu.memory_space<vmem>>
    %dma_start3A_676 = arith.constant 0 : i32
    %dma_start3A_677 = tpu.memref_slice %arg6[%dma_start3A, %dma_start3A_676] : memref<80x125xi32, #tpu.memory_space<vmem>> -> memref<1x125xi32, #tpu.memory_space<vmem>>
    %dma_start3A_678 = tpu.memref_squeeze %dma_start3A_677 : memref<1x125xi32, #tpu.memory_space<vmem>> -> memref<125xi32, #tpu.memory_space<vmem>>
    %dma_start3A_679 = arith.constant 0 : i32
    %dma_start3A_680 = arith.constant 0 : i32
    %dma_start3A_681 = tpu.memref_slice %arg2[%dma_start3A_679, %dma_start3A_680] : memref<10000x64xf32, #tpu.memory_space<hbm>> -> memref<10000x64xf32, #tpu.memory_space<hbm>>
    tpu.enqueue_indirect_dma source(%dma_start3A_681 : memref<10000x64xf32, #tpu.memory_space<hbm>>) target(%dma_start3A_675 : memref<125x64xf32, #tpu.memory_space<vmem>>) offsets(%dma_start3A_678 : memref<125xi32, #tpu.memory_space<vmem>>) semaphore(%arg11 : memref<!tpu.dma_semaphore, #tpu.memory_space<semaphore_mem>>)
    %dma_start3A_682 = arith.constant 1 : i32
    %dma_start3A_683 = arith.constant 1 : i32
    %dma_start3A_684 = arith.constant 0 : i32
    %dma_start3A_685 = arith.constant 0 : i32
    %dma_start3A_686 = tpu.memref_slice %arg8[%dma_start3A_683, %dma_start3A_684, %dma_start3A_685] : memref<5x125x64xf32, #tpu.memory_space<vmem>> -> memref<1x125x64xf32, #tpu.memory_space<vmem>>
    %dma_start3A_687 = tpu.memref_squeeze %dma_start3A_686 : memref<1x125x64xf32, #tpu.memory_space<vmem>> -> memref<125x64xf32, #tpu.memory_space<vmem>>
    %dma_start3A_688 = arith.constant 0 : i32
    %dma_start3A_689 = tpu.memref_slice %arg6[%dma_start3A_682, %dma_start3A_688] : memref<80x125xi32, #tpu.memory_space<vmem>> -> memref<1x125xi32, #tpu.memory_space<vmem>>
    %dma_start3A_690 = tpu.memref_squeeze %dma_start3A_689 : memref<1x125xi32, #tpu.memory_space<vmem>> -> memref<125xi32, #tpu.memory_space<vmem>>
    %dma_start3A_691 = arith.constant 0 : i32
    %dma_start3A_692 = arith.constant 0 : i32
    %dma_start3A_693 = tpu.memref_slice %arg2[%dma_start3A_691, %dma_start3A_692] : memref<10000x64xf32, #tpu.memory_space<hbm>> -> memref<10000x64xf32, #tpu.memory_space<hbm>>
    tpu.enqueue_indirect_dma source(%dma_start3A_693 : memref<10000x64xf32, #tpu.memory_space<hbm>>) target(%dma_start3A_687 : memref<125x64xf32, #tpu.memory_space<vmem>>) offsets(%dma_start3A_690 : memref<125xi32, #tpu.memory_space<vmem>>) semaphore(%arg12 : memref<!tpu.dma_semaphore, #tpu.memory_space<semaphore_mem>>)
    %dma_start3A_694 = arith.constant 2 : i32
    %dma_start3A_695 = arith.constant 2 : i32
    %dma_start3A_696 = arith.constant 0 : i32
    %dma_start3A_697 = arith.constant 0 : i32
    %dma_start3A_698 = tpu.memref_slice %arg8[%dma_start3A_695, %dma_start3A_696, %dma_start3A_697] : memref<5x125x64xf32, #tpu.memory_space<vmem>> -> memref<1x125x64xf32, #tpu.memory_space<vmem>>
    %dma_start3A_699 = tpu.memref_squeeze %dma_start3A_698 : memref<1x125x64xf32, #tpu.memory_space<vmem>> -> memref<125x64xf32, #tpu.memory_space<vmem>>
    %dma_start3A_700 = arith.constant 0 : i32
    %dma_start3A_701 = tpu.memref_slice %arg6[%dma_start3A_694, %dma_start3A_700] : memref<80x125xi32, #tpu.memory_space<vmem>> -> memref<1x125xi32, #tpu.memory_space<vmem>>
    %dma_start3A_702 = tpu.memref_squeeze %dma_start3A_701 : memref<1x125xi32, #tpu.memory_space<vmem>> -> memref<125xi32, #tpu.memory_space<vmem>>
    %dma_start3A_703 = arith.constant 0 : i32
    %dma_start3A_704 = arith.constant 0 : i32
    %dma_start3A_705 = tpu.memref_slice %arg2[%dma_start3A_703, %dma_start3A_704] : memref<10000x64xf32, #tpu.memory_space<hbm>> -> memref<10000x64xf32, #tpu.memory_space<hbm>>
    tpu.enqueue_indirect_dma source(%dma_start3A_705 : memref<10000x64xf32, #tpu.memory_space<hbm>>) target(%dma_start3A_699 : memref<125x64xf32, #tpu.memory_space<vmem>>) offsets(%dma_start3A_702 : memref<125xi32, #tpu.memory_space<vmem>>) semaphore(%arg13 : memref<!tpu.dma_semaphore, #tpu.memory_space<semaphore_mem>>)
    %dma_start3A_706 = arith.constant 3 : i32
    %dma_start3A_707 = arith.constant 3 : i32
    %dma_start3A_708 = arith.constant 0 : i32
    %dma_start3A_709 = arith.constant 0 : i32
    %dma_start3A_710 = tpu.memref_slice %arg8[%dma_start3A_707, %dma_start3A_708, %dma_start3A_709] : memref<5x125x64xf32, #tpu.memory_space<vmem>> -> memref<1x125x64xf32, #tpu.memory_space<vmem>>
    %dma_start3A_711 = tpu.memref_squeeze %dma_start3A_710 : memref<1x125x64xf32, #tpu.memory_space<vmem>> -> memref<125x64xf32, #tpu.memory_space<vmem>>
    %dma_start3A_712 = arith.constant 0 : i32
    %dma_start3A_713 = tpu.memref_slice %arg6[%dma_start3A_706, %dma_start3A_712] : memref<80x125xi32, #tpu.memory_space<vmem>> -> memref<1x125xi32, #tpu.memory_space<vmem>>
    %dma_start3A_714 = tpu.memref_squeeze %dma_start3A_713 : memref<1x125xi32, #tpu.memory_space<vmem>> -> memref<125xi32, #tpu.memory_space<vmem>>
    %dma_start3A_715 = arith.constant 0 : i32
    %dma_start3A_716 = arith.constant 0 : i32
    %dma_start3A_717 = tpu.memref_slice %arg2[%dma_start3A_715, %dma_start3A_716] : memref<10000x64xf32, #tpu.memory_space<hbm>> -> memref<10000x64xf32, #tpu.memory_space<hbm>>
    tpu.enqueue_indirect_dma source(%dma_start3A_717 : memref<10000x64xf32, #tpu.memory_space<hbm>>) target(%dma_start3A_711 : memref<125x64xf32, #tpu.memory_space<vmem>>) offsets(%dma_start3A_714 : memref<125xi32, #tpu.memory_space<vmem>>) semaphore(%arg14 : memref<!tpu.dma_semaphore, #tpu.memory_space<semaphore_mem>>)
    %dma_start3A_718 = arith.constant 4 : i32
    %dma_start3A_719 = arith.constant 4 : i32
    %dma_start3A_720 = arith.constant 0 : i32
    %dma_start3A_721 = arith.constant 0 : i32
    %dma_start3A_722 = tpu.memref_slice %arg8[%dma_start3A_719, %dma_start3A_720, %dma_start3A_721] : memref<5x125x64xf32, #tpu.memory_space<vmem>> -> memref<1x125x64xf32, #tpu.memory_space<vmem>>
    %dma_start3A_723 = tpu.memref_squeeze %dma_start3A_722 : memref<1x125x64xf32, #tpu.memory_space<vmem>> -> memref<125x64xf32, #tpu.memory_space<vmem>>
    %dma_start3A_724 = arith.constant 0 : i32
    %dma_start3A_725 = tpu.memref_slice %arg6[%dma_start3A_718, %dma_start3A_724] : memref<80x125xi32, #tpu.memory_space<vmem>> -> memref<1x125xi32, #tpu.memory_space<vmem>>
    %dma_start3A_726 = tpu.memref_squeeze %dma_start3A_725 : memref<1x125xi32, #tpu.memory_space<vmem>> -> memref<125xi32, #tpu.memory_space<vmem>>
    %dma_start3A_727 = arith.constant 0 : i32
    %dma_start3A_728 = arith.constant 0 : i32
    %dma_start3A_729 = tpu.memref_slice %arg2[%dma_start3A_727, %dma_start3A_728] : memref<10000x64xf32, #tpu.memory_space<hbm>> -> memref<10000x64xf32, #tpu.memory_space<hbm>>
    tpu.enqueue_indirect_dma source(%dma_start3A_729 : memref<10000x64xf32, #tpu.memory_space<hbm>>) target(%dma_start3A_723 : memref<125x64xf32, #tpu.memory_space<vmem>>) offsets(%dma_start3A_726 : memref<125xi32, #tpu.memory_space<vmem>>) semaphore(%arg15 : memref<!tpu.dma_semaphore, #tpu.memory_space<semaphore_mem>>)
    %scan3A = arith.constant 0 : i32
    %scan3A_730 = arith.constant 0 : i32
    %scan3A_731 = arith.constant 16 : i32
    %scan3A_732 = arith.addi %scan3A_730, %scan3A_731 : i32
    %scan3A_733 = arith.constant 1 : i32
    scf.for %scan3A_740 = %scan3A_730 to %scan3A_732 step %scan3A_733  : i32 {
      %mul3A_741 = arith.constant 5 : i32
      %mul3A_742 = arith.muli %scan3A_740, %mul3A_741 : i32
      %add3A_743 = arith.constant 0 : i32
      %add3A_744 = arith.addi %mul3A_742, %add3A_743 : i32
      %dma_wait3A = arith.constant 0 : i32
      %dma_wait3A_745 = arith.constant 0 : i32
      %dma_wait3A_746 = arith.constant 0 : i32
      %dma_wait3A_747 = tpu.memref_slice %arg8[%dma_wait3A, %dma_wait3A_745, %dma_wait3A_746] : memref<5x125x64xf32, #tpu.memory_space<vmem>> -> memref<1x125x64xf32, #tpu.memory_space<vmem>>
      %dma_wait3A_748 = tpu.memref_squeeze %dma_wait3A_747 : memref<1x125x64xf32, #tpu.memory_space<vmem>> -> memref<125x64xf32, #tpu.memory_space<vmem>>
      %dma_wait3A_749 = arith.constant 0 : i32
      %dma_wait3A_750 = tpu.memref_slice %arg6[%add3A_744, %dma_wait3A_749] : memref<80x125xi32, #tpu.memory_space<vmem>> -> memref<1x125xi32, #tpu.memory_space<vmem>>
      %dma_wait3A_751 = tpu.memref_squeeze %dma_wait3A_750 : memref<1x125xi32, #tpu.memory_space<vmem>> -> memref<125xi32, #tpu.memory_space<vmem>>
      %dma_wait3A_752 = arith.constant 0 : i32
      %dma_wait3A_753 = arith.constant 0 : i32
      %dma_wait3A_754 = tpu.memref_slice %arg2[%dma_wait3A_752, %dma_wait3A_753] : memref<10000x64xf32, #tpu.memory_space<hbm>> -> memref<10000x64xf32, #tpu.memory_space<hbm>>
      tpu.wait_indirect_dma semaphore(%arg11 : memref<!tpu.dma_semaphore, #tpu.memory_space<semaphore_mem>>) src(%dma_wait3A_754 : memref<10000x64xf32, #tpu.memory_space<hbm>>) dst(%dma_wait3A_748 : memref<125x64xf32, #tpu.memory_space<vmem>>)
      %dma_start3A_755 = arith.constant 0 : i32
      %dma_start3A_756 = arith.constant 0 : i32
      %dma_start3A_757 = arith.constant 0 : i32
      %dma_start3A_758 = tpu.memref_slice %arg8[%dma_start3A_755, %dma_start3A_756, %dma_start3A_757] : memref<5x125x64xf32, #tpu.memory_space<vmem>> -> memref<1x125x64xf32, #tpu.memory_space<vmem>>
      %dma_start3A_759 = tpu.memref_squeeze %dma_start3A_758 : memref<1x125x64xf32, #tpu.memory_space<vmem>> -> memref<125x64xf32, #tpu.memory_space<vmem>>
      %dma_start3A_760 = arith.constant 0 : i32
      %dma_start3A_761 = tpu.memref_slice %arg7[%add3A_744, %dma_start3A_760] : memref<80x125xi32, #tpu.memory_space<vmem>> -> memref<1x125xi32, #tpu.memory_space<vmem>>
      %dma_start3A_762 = tpu.memref_squeeze %dma_start3A_761 : memref<1x125xi32, #tpu.memory_space<vmem>> -> memref<125xi32, #tpu.memory_space<vmem>>
      %dma_start3A_763 = arith.constant 0 : i32
      %dma_start3A_764 = arith.constant 0 : i32
      %dma_start3A_765 = tpu.memref_slice %arg10[%dma_start3A_763, %dma_start3A_764] : memref<10240x64xf32, #tpu.memory_space<vmem_shared>> -> memref<10240x64xf32, #tpu.memory_space<vmem_shared>>
      tpu.enqueue_indirect_dma source(%dma_start3A_759 : memref<125x64xf32, #tpu.memory_space<vmem>>) target(%dma_start3A_765 : memref<10240x64xf32, #tpu.memory_space<vmem_shared>>) offsets(%dma_start3A_762 : memref<125xi32, #tpu.memory_space<vmem>>) semaphore(%arg16 : memref<!tpu.dma_semaphore, #tpu.memory_space<semaphore_mem>>) {add = true}
      %dma_wait3A_766 = arith.constant 0 : i32
      %dma_wait3A_767 = arith.constant 0 : i32
      %dma_wait3A_768 = arith.constant 0 : i32
      %dma_wait3A_769 = tpu.memref_slice %arg8[%dma_wait3A_766, %dma_wait3A_767, %dma_wait3A_768] : memref<5x125x64xf32, #tpu.memory_space<vmem>> -> memref<1x125x64xf32, #tpu.memory_space<vmem>>
      %dma_wait3A_770 = tpu.memref_squeeze %dma_wait3A_769 : memref<1x125x64xf32, #tpu.memory_space<vmem>> -> memref<125x64xf32, #tpu.memory_space<vmem>>
      %dma_wait3A_771 = arith.constant 0 : i32
      %dma_wait3A_772 = tpu.memref_slice %arg7[%add3A_744, %dma_wait3A_771] : memref<80x125xi32, #tpu.memory_space<vmem>> -> memref<1x125xi32, #tpu.memory_space<vmem>>
      %dma_wait3A_773 = tpu.memref_squeeze %dma_wait3A_772 : memref<1x125xi32, #tpu.memory_space<vmem>> -> memref<125xi32, #tpu.memory_space<vmem>>
      %dma_wait3A_774 = arith.constant 0 : i32
      %dma_wait3A_775 = arith.constant 0 : i32
      %dma_wait3A_776 = tpu.memref_slice %arg10[%dma_wait3A_774, %dma_wait3A_775] : memref<10240x64xf32, #tpu.memory_space<vmem_shared>> -> memref<10240x64xf32, #tpu.memory_space<vmem_shared>>
      tpu.wait_indirect_dma semaphore(%arg16 : memref<!tpu.dma_semaphore, #tpu.memory_space<semaphore_mem>>) src(%dma_wait3A_770 : memref<125x64xf32, #tpu.memory_space<vmem>>) dst(%dma_wait3A_776 : memref<10240x64xf32, #tpu.memory_space<vmem_shared>>)
      %lt3A = arith.constant 15 : i32
      %lt3A_777 = arith.cmpi slt, %scan3A_740, %lt3A : i32
      %convert_element_type3A = arith.extui %lt3A_777 : i1 to i32
      %cond3A = arith.constant 0 : i32
      %cond3A_778 = arith.cmpi ne, %convert_element_type3A, %cond3A : i32
      scf.if %cond3A_778 {
        %add3A_947 = arith.constant 5 : i32
        %add3A_948 = arith.addi %add3A_744, %add3A_947 : i32
        %dma_start3A_949 = arith.constant 0 : i32
        %dma_start3A_950 = arith.constant 0 : i32
        %dma_start3A_951 = arith.constant 0 : i32
        %dma_start3A_952 = tpu.memref_slice %arg8[%dma_start3A_949, %dma_start3A_950, %dma_start3A_951] : memref<5x125x64xf32, #tpu.memory_space<vmem>> -> memref<1x125x64xf32, #tpu.memory_space<vmem>>
        %dma_start3A_953 = tpu.memref_squeeze %dma_start3A_952 : memref<1x125x64xf32, #tpu.memory_space<vmem>> -> memref<125x64xf32, #tpu.memory_space<vmem>>
        %dma_start3A_954 = arith.constant 0 : i32
        %dma_start3A_955 = tpu.memref_slice %arg6[%add3A_948, %dma_start3A_954] : memref<80x125xi32, #tpu.memory_space<vmem>> -> memref<1x125xi32, #tpu.memory_space<vmem>>
        %dma_start3A_956 = tpu.memref_squeeze %dma_start3A_955 : memref<1x125xi32, #tpu.memory_space<vmem>> -> memref<125xi32, #tpu.memory_space<vmem>>
        %dma_start3A_957 = arith.constant 0 : i32
        %dma_start3A_958 = arith.constant 0 : i32
        %dma_start3A_959 = tpu.memref_slice %arg2[%dma_start3A_957, %dma_start3A_958] : memref<10000x64xf32, #tpu.memory_space<hbm>> -> memref<10000x64xf32, #tpu.memory_space<hbm>>
        tpu.enqueue_indirect_dma source(%dma_start3A_959 : memref<10000x64xf32, #tpu.memory_space<hbm>>) target(%dma_start3A_953 : memref<125x64xf32, #tpu.memory_space<vmem>>) offsets(%dma_start3A_956 : memref<125xi32, #tpu.memory_space<vmem>>) semaphore(%arg11 : memref<!tpu.dma_semaphore, #tpu.memory_space<semaphore_mem>>)
      } else {
      }
      %mul3A_779 = arith.constant 5 : i32
      %mul3A_780 = arith.muli %scan3A_740, %mul3A_779 : i32
      %add3A_781 = arith.constant 1 : i32
      %add3A_782 = arith.addi %mul3A_780, %add3A_781 : i32
      %dma_wait3A_783 = arith.constant 1 : i32
      %dma_wait3A_784 = arith.constant 0 : i32
      %dma_wait3A_785 = arith.constant 0 : i32
      %dma_wait3A_786 = tpu.memref_slice %arg8[%dma_wait3A_783, %dma_wait3A_784, %dma_wait3A_785] : memref<5x125x64xf32, #tpu.memory_space<vmem>> -> memref<1x125x64xf32, #tpu.memory_space<vmem>>
      %dma_wait3A_787 = tpu.memref_squeeze %dma_wait3A_786 : memref<1x125x64xf32, #tpu.memory_space<vmem>> -> memref<125x64xf32, #tpu.memory_space<vmem>>
      %dma_wait3A_788 = arith.constant 0 : i32
      %dma_wait3A_789 = tpu.memref_slice %arg6[%add3A_782, %dma_wait3A_788] : memref<80x125xi32, #tpu.memory_space<vmem>> -> memref<1x125xi32, #tpu.memory_space<vmem>>
      %dma_wait3A_790 = tpu.memref_squeeze %dma_wait3A_789 : memref<1x125xi32, #tpu.memory_space<vmem>> -> memref<125xi32, #tpu.memory_space<vmem>>
      %dma_wait3A_791 = arith.constant 0 : i32
      %dma_wait3A_792 = arith.constant 0 : i32
      %dma_wait3A_793 = tpu.memref_slice %arg2[%dma_wait3A_791, %dma_wait3A_792] : memref<10000x64xf32, #tpu.memory_space<hbm>> -> memref<10000x64xf32, #tpu.memory_space<hbm>>
      tpu.wait_indirect_dma semaphore(%arg12 : memref<!tpu.dma_semaphore, #tpu.memory_space<semaphore_mem>>) src(%dma_wait3A_793 : memref<10000x64xf32, #tpu.memory_space<hbm>>) dst(%dma_wait3A_787 : memref<125x64xf32, #tpu.memory_space<vmem>>)
      %dma_start3A_794 = arith.constant 1 : i32
      %dma_start3A_795 = arith.constant 0 : i32
      %dma_start3A_796 = arith.constant 0 : i32
      %dma_start3A_797 = tpu.memref_slice %arg8[%dma_start3A_794, %dma_start3A_795, %dma_start3A_796] : memref<5x125x64xf32, #tpu.memory_space<vmem>> -> memref<1x125x64xf32, #tpu.memory_space<vmem>>
      %dma_start3A_798 = tpu.memref_squeeze %dma_start3A_797 : memref<1x125x64xf32, #tpu.memory_space<vmem>> -> memref<125x64xf32, #tpu.memory_space<vmem>>
      %dma_start3A_799 = arith.constant 0 : i32
      %dma_start3A_800 = tpu.memref_slice %arg7[%add3A_782, %dma_start3A_799] : memref<80x125xi32, #tpu.memory_space<vmem>> -> memref<1x125xi32, #tpu.memory_space<vmem>>
      %dma_start3A_801 = tpu.memref_squeeze %dma_start3A_800 : memref<1x125xi32, #tpu.memory_space<vmem>> -> memref<125xi32, #tpu.memory_space<vmem>>
      %dma_start3A_802 = arith.constant 0 : i32
      %dma_start3A_803 = arith.constant 0 : i32
      %dma_start3A_804 = tpu.memref_slice %arg10[%dma_start3A_802, %dma_start3A_803] : memref<10240x64xf32, #tpu.memory_space<vmem_shared>> -> memref<10240x64xf32, #tpu.memory_space<vmem_shared>>
      tpu.enqueue_indirect_dma source(%dma_start3A_798 : memref<125x64xf32, #tpu.memory_space<vmem>>) target(%dma_start3A_804 : memref<10240x64xf32, #tpu.memory_space<vmem_shared>>) offsets(%dma_start3A_801 : memref<125xi32, #tpu.memory_space<vmem>>) semaphore(%arg17 : memref<!tpu.dma_semaphore, #tpu.memory_space<semaphore_mem>>) {add = true}
      %dma_wait3A_805 = arith.constant 1 : i32
      %dma_wait3A_806 = arith.constant 0 : i32
      %dma_wait3A_807 = arith.constant 0 : i32
      %dma_wait3A_808 = tpu.memref_slice %arg8[%dma_wait3A_805, %dma_wait3A_806, %dma_wait3A_807] : memref<5x125x64xf32, #tpu.memory_space<vmem>> -> memref<1x125x64xf32, #tpu.memory_space<vmem>>
      %dma_wait3A_809 = tpu.memref_squeeze %dma_wait3A_808 : memref<1x125x64xf32, #tpu.memory_space<vmem>> -> memref<125x64xf32, #tpu.memory_space<vmem>>
      %dma_wait3A_810 = arith.constant 0 : i32
      %dma_wait3A_811 = tpu.memref_slice %arg7[%add3A_782, %dma_wait3A_810] : memref<80x125xi32, #tpu.memory_space<vmem>> -> memref<1x125xi32, #tpu.memory_space<vmem>>
      %dma_wait3A_812 = tpu.memref_squeeze %dma_wait3A_811 : memref<1x125xi32, #tpu.memory_space<vmem>> -> memref<125xi32, #tpu.memory_space<vmem>>
      %dma_wait3A_813 = arith.constant 0 : i32
      %dma_wait3A_814 = arith.constant 0 : i32
      %dma_wait3A_815 = tpu.memref_slice %arg10[%dma_wait3A_813, %dma_wait3A_814] : memref<10240x64xf32, #tpu.memory_space<vmem_shared>> -> memref<10240x64xf32, #tpu.memory_space<vmem_shared>>
      tpu.wait_indirect_dma semaphore(%arg17 : memref<!tpu.dma_semaphore, #tpu.memory_space<semaphore_mem>>) src(%dma_wait3A_809 : memref<125x64xf32, #tpu.memory_space<vmem>>) dst(%dma_wait3A_815 : memref<10240x64xf32, #tpu.memory_space<vmem_shared>>)
      %lt3A_816 = arith.constant 15 : i32
      %lt3A_817 = arith.cmpi slt, %scan3A_740, %lt3A_816 : i32
      %convert_element_type3A_818 = arith.extui %lt3A_817 : i1 to i32
      %cond3A_819 = arith.constant 0 : i32
      %cond3A_820 = arith.cmpi ne, %convert_element_type3A_818, %cond3A_819 : i32
      scf.if %cond3A_820 {
        %add3A_947 = arith.constant 5 : i32
        %add3A_948 = arith.addi %add3A_782, %add3A_947 : i32
        %dma_start3A_949 = arith.constant 1 : i32
        %dma_start3A_950 = arith.constant 0 : i32
        %dma_start3A_951 = arith.constant 0 : i32
        %dma_start3A_952 = tpu.memref_slice %arg8[%dma_start3A_949, %dma_start3A_950, %dma_start3A_951] : memref<5x125x64xf32, #tpu.memory_space<vmem>> -> memref<1x125x64xf32, #tpu.memory_space<vmem>>
        %dma_start3A_953 = tpu.memref_squeeze %dma_start3A_952 : memref<1x125x64xf32, #tpu.memory_space<vmem>> -> memref<125x64xf32, #tpu.memory_space<vmem>>
        %dma_start3A_954 = arith.constant 0 : i32
        %dma_start3A_955 = tpu.memref_slice %arg6[%add3A_948, %dma_start3A_954] : memref<80x125xi32, #tpu.memory_space<vmem>> -> memref<1x125xi32, #tpu.memory_space<vmem>>
        %dma_start3A_956 = tpu.memref_squeeze %dma_start3A_955 : memref<1x125xi32, #tpu.memory_space<vmem>> -> memref<125xi32, #tpu.memory_space<vmem>>
        %dma_start3A_957 = arith.constant 0 : i32
        %dma_start3A_958 = arith.constant 0 : i32
        %dma_start3A_959 = tpu.memref_slice %arg2[%dma_start3A_957, %dma_start3A_958] : memref<10000x64xf32, #tpu.memory_space<hbm>> -> memref<10000x64xf32, #tpu.memory_space<hbm>>
        tpu.enqueue_indirect_dma source(%dma_start3A_959 : memref<10000x64xf32, #tpu.memory_space<hbm>>) target(%dma_start3A_953 : memref<125x64xf32, #tpu.memory_space<vmem>>) offsets(%dma_start3A_956 : memref<125xi32, #tpu.memory_space<vmem>>) semaphore(%arg12 : memref<!tpu.dma_semaphore, #tpu.memory_space<semaphore_mem>>)
      } else {
      }
      %mul3A_821 = arith.constant 5 : i32
      %mul3A_822 = arith.muli %scan3A_740, %mul3A_821 : i32
      %add3A_823 = arith.constant 2 : i32
      %add3A_824 = arith.addi %mul3A_822, %add3A_823 : i32
      %dma_wait3A_825 = arith.constant 2 : i32
      %dma_wait3A_826 = arith.constant 0 : i32
      %dma_wait3A_827 = arith.constant 0 : i32
      %dma_wait3A_828 = tpu.memref_slice %arg8[%dma_wait3A_825, %dma_wait3A_826, %dma_wait3A_827] : memref<5x125x64xf32, #tpu.memory_space<vmem>> -> memref<1x125x64xf32, #tpu.memory_space<vmem>>
      %dma_wait3A_829 = tpu.memref_squeeze %dma_wait3A_828 : memref<1x125x64xf32, #tpu.memory_space<vmem>> -> memref<125x64xf32, #tpu.memory_space<vmem>>
      %dma_wait3A_830 = arith.constant 0 : i32
      %dma_wait3A_831 = tpu.memref_slice %arg6[%add3A_824, %dma_wait3A_830] : memref<80x125xi32, #tpu.memory_space<vmem>> -> memref<1x125xi32, #tpu.memory_space<vmem>>
      %dma_wait3A_832 = tpu.memref_squeeze %dma_wait3A_831 : memref<1x125xi32, #tpu.memory_space<vmem>> -> memref<125xi32, #tpu.memory_space<vmem>>
      %dma_wait3A_833 = arith.constant 0 : i32
      %dma_wait3A_834 = arith.constant 0 : i32
      %dma_wait3A_835 = tpu.memref_slice %arg2[%dma_wait3A_833, %dma_wait3A_834] : memref<10000x64xf32, #tpu.memory_space<hbm>> -> memref<10000x64xf32, #tpu.memory_space<hbm>>
      tpu.wait_indirect_dma semaphore(%arg13 : memref<!tpu.dma_semaphore, #tpu.memory_space<semaphore_mem>>) src(%dma_wait3A_835 : memref<10000x64xf32, #tpu.memory_space<hbm>>) dst(%dma_wait3A_829 : memref<125x64xf32, #tpu.memory_space<vmem>>)
      %dma_start3A_836 = arith.constant 2 : i32
      %dma_start3A_837 = arith.constant 0 : i32
      %dma_start3A_838 = arith.constant 0 : i32
      %dma_start3A_839 = tpu.memref_slice %arg8[%dma_start3A_836, %dma_start3A_837, %dma_start3A_838] : memref<5x125x64xf32, #tpu.memory_space<vmem>> -> memref<1x125x64xf32, #tpu.memory_space<vmem>>
      %dma_start3A_840 = tpu.memref_squeeze %dma_start3A_839 : memref<1x125x64xf32, #tpu.memory_space<vmem>> -> memref<125x64xf32, #tpu.memory_space<vmem>>
      %dma_start3A_841 = arith.constant 0 : i32
      %dma_start3A_842 = tpu.memref_slice %arg7[%add3A_824, %dma_start3A_841] : memref<80x125xi32, #tpu.memory_space<vmem>> -> memref<1x125xi32, #tpu.memory_space<vmem>>
      %dma_start3A_843 = tpu.memref_squeeze %dma_start3A_842 : memref<1x125xi32, #tpu.memory_space<vmem>> -> memref<125xi32, #tpu.memory_space<vmem>>
      %dma_start3A_844 = arith.constant 0 : i32
      %dma_start3A_845 = arith.constant 0 : i32
      %dma_start3A_846 = tpu.memref_slice %arg10[%dma_start3A_844, %dma_start3A_845] : memref<10240x64xf32, #tpu.memory_space<vmem_shared>> -> memref<10240x64xf32, #tpu.memory_space<vmem_shared>>
      tpu.enqueue_indirect_dma source(%dma_start3A_840 : memref<125x64xf32, #tpu.memory_space<vmem>>) target(%dma_start3A_846 : memref<10240x64xf32, #tpu.memory_space<vmem_shared>>) offsets(%dma_start3A_843 : memref<125xi32, #tpu.memory_space<vmem>>) semaphore(%arg18 : memref<!tpu.dma_semaphore, #tpu.memory_space<semaphore_mem>>) {add = true}
      %dma_wait3A_847 = arith.constant 2 : i32
      %dma_wait3A_848 = arith.constant 0 : i32
      %dma_wait3A_849 = arith.constant 0 : i32
      %dma_wait3A_850 = tpu.memref_slice %arg8[%dma_wait3A_847, %dma_wait3A_848, %dma_wait3A_849] : memref<5x125x64xf32, #tpu.memory_space<vmem>> -> memref<1x125x64xf32, #tpu.memory_space<vmem>>
      %dma_wait3A_851 = tpu.memref_squeeze %dma_wait3A_850 : memref<1x125x64xf32, #tpu.memory_space<vmem>> -> memref<125x64xf32, #tpu.memory_space<vmem>>
      %dma_wait3A_852 = arith.constant 0 : i32
      %dma_wait3A_853 = tpu.memref_slice %arg7[%add3A_824, %dma_wait3A_852] : memref<80x125xi32, #tpu.memory_space<vmem>> -> memref<1x125xi32, #tpu.memory_space<vmem>>
      %dma_wait3A_854 = tpu.memref_squeeze %dma_wait3A_853 : memref<1x125xi32, #tpu.memory_space<vmem>> -> memref<125xi32, #tpu.memory_space<vmem>>
      %dma_wait3A_855 = arith.constant 0 : i32
      %dma_wait3A_856 = arith.constant 0 : i32
      %dma_wait3A_857 = tpu.memref_slice %arg10[%dma_wait3A_855, %dma_wait3A_856] : memref<10240x64xf32, #tpu.memory_space<vmem_shared>> -> memref<10240x64xf32, #tpu.memory_space<vmem_shared>>
      tpu.wait_indirect_dma semaphore(%arg18 : memref<!tpu.dma_semaphore, #tpu.memory_space<semaphore_mem>>) src(%dma_wait3A_851 : memref<125x64xf32, #tpu.memory_space<vmem>>) dst(%dma_wait3A_857 : memref<10240x64xf32, #tpu.memory_space<vmem_shared>>)
      %lt3A_858 = arith.constant 15 : i32
      %lt3A_859 = arith.cmpi slt, %scan3A_740, %lt3A_858 : i32
      %convert_element_type3A_860 = arith.extui %lt3A_859 : i1 to i32
      %cond3A_861 = arith.constant 0 : i32
      %cond3A_862 = arith.cmpi ne, %convert_element_type3A_860, %cond3A_861 : i32
      scf.if %cond3A_862 {
        %add3A_947 = arith.constant 5 : i32
        %add3A_948 = arith.addi %add3A_824, %add3A_947 : i32
        %dma_start3A_949 = arith.constant 2 : i32
        %dma_start3A_950 = arith.constant 0 : i32
        %dma_start3A_951 = arith.constant 0 : i32
        %dma_start3A_952 = tpu.memref_slice %arg8[%dma_start3A_949, %dma_start3A_950, %dma_start3A_951] : memref<5x125x64xf32, #tpu.memory_space<vmem>> -> memref<1x125x64xf32, #tpu.memory_space<vmem>>
        %dma_start3A_953 = tpu.memref_squeeze %dma_start3A_952 : memref<1x125x64xf32, #tpu.memory_space<vmem>> -> memref<125x64xf32, #tpu.memory_space<vmem>>
        %dma_start3A_954 = arith.constant 0 : i32
        %dma_start3A_955 = tpu.memref_slice %arg6[%add3A_948, %dma_start3A_954] : memref<80x125xi32, #tpu.memory_space<vmem>> -> memref<1x125xi32, #tpu.memory_space<vmem>>
        %dma_start3A_956 = tpu.memref_squeeze %dma_start3A_955 : memref<1x125xi32, #tpu.memory_space<vmem>> -> memref<125xi32, #tpu.memory_space<vmem>>
        %dma_start3A_957 = arith.constant 0 : i32
        %dma_start3A_958 = arith.constant 0 : i32
        %dma_start3A_959 = tpu.memref_slice %arg2[%dma_start3A_957, %dma_start3A_958] : memref<10000x64xf32, #tpu.memory_space<hbm>> -> memref<10000x64xf32, #tpu.memory_space<hbm>>
        tpu.enqueue_indirect_dma source(%dma_start3A_959 : memref<10000x64xf32, #tpu.memory_space<hbm>>) target(%dma_start3A_953 : memref<125x64xf32, #tpu.memory_space<vmem>>) offsets(%dma_start3A_956 : memref<125xi32, #tpu.memory_space<vmem>>) semaphore(%arg13 : memref<!tpu.dma_semaphore, #tpu.memory_space<semaphore_mem>>)
      } else {
      }
      %mul3A_863 = arith.constant 5 : i32
      %mul3A_864 = arith.muli %scan3A_740, %mul3A_863 : i32
      %add3A_865 = arith.constant 3 : i32
      %add3A_866 = arith.addi %mul3A_864, %add3A_865 : i32
      %dma_wait3A_867 = arith.constant 3 : i32
      %dma_wait3A_868 = arith.constant 0 : i32
      %dma_wait3A_869 = arith.constant 0 : i32
      %dma_wait3A_870 = tpu.memref_slice %arg8[%dma_wait3A_867, %dma_wait3A_868, %dma_wait3A_869] : memref<5x125x64xf32, #tpu.memory_space<vmem>> -> memref<1x125x64xf32, #tpu.memory_space<vmem>>
      %dma_wait3A_871 = tpu.memref_squeeze %dma_wait3A_870 : memref<1x125x64xf32, #tpu.memory_space<vmem>> -> memref<125x64xf32, #tpu.memory_space<vmem>>
      %dma_wait3A_872 = arith.constant 0 : i32
      %dma_wait3A_873 = tpu.memref_slice %arg6[%add3A_866, %dma_wait3A_872] : memref<80x125xi32, #tpu.memory_space<vmem>> -> memref<1x125xi32, #tpu.memory_space<vmem>>
      %dma_wait3A_874 = tpu.memref_squeeze %dma_wait3A_873 : memref<1x125xi32, #tpu.memory_space<vmem>> -> memref<125xi32, #tpu.memory_space<vmem>>
      %dma_wait3A_875 = arith.constant 0 : i32
      %dma_wait3A_876 = arith.constant 0 : i32
      %dma_wait3A_877 = tpu.memref_slice %arg2[%dma_wait3A_875, %dma_wait3A_876] : memref<10000x64xf32, #tpu.memory_space<hbm>> -> memref<10000x64xf32, #tpu.memory_space<hbm>>
      tpu.wait_indirect_dma semaphore(%arg14 : memref<!tpu.dma_semaphore, #tpu.memory_space<semaphore_mem>>) src(%dma_wait3A_877 : memref<10000x64xf32, #tpu.memory_space<hbm>>) dst(%dma_wait3A_871 : memref<125x64xf32, #tpu.memory_space<vmem>>)
      %dma_start3A_878 = arith.constant 3 : i32
      %dma_start3A_879 = arith.constant 0 : i32
      %dma_start3A_880 = arith.constant 0 : i32
      %dma_start3A_881 = tpu.memref_slice %arg8[%dma_start3A_878, %dma_start3A_879, %dma_start3A_880] : memref<5x125x64xf32, #tpu.memory_space<vmem>> -> memref<1x125x64xf32, #tpu.memory_space<vmem>>
      %dma_start3A_882 = tpu.memref_squeeze %dma_start3A_881 : memref<1x125x64xf32, #tpu.memory_space<vmem>> -> memref<125x64xf32, #tpu.memory_space<vmem>>
      %dma_start3A_883 = arith.constant 0 : i32
      %dma_start3A_884 = tpu.memref_slice %arg7[%add3A_866, %dma_start3A_883] : memref<80x125xi32, #tpu.memory_space<vmem>> -> memref<1x125xi32, #tpu.memory_space<vmem>>
      %dma_start3A_885 = tpu.memref_squeeze %dma_start3A_884 : memref<1x125xi32, #tpu.memory_space<vmem>> -> memref<125xi32, #tpu.memory_space<vmem>>
      %dma_start3A_886 = arith.constant 0 : i32
      %dma_start3A_887 = arith.constant 0 : i32
      %dma_start3A_888 = tpu.memref_slice %arg10[%dma_start3A_886, %dma_start3A_887] : memref<10240x64xf32, #tpu.memory_space<vmem_shared>> -> memref<10240x64xf32, #tpu.memory_space<vmem_shared>>
      tpu.enqueue_indirect_dma source(%dma_start3A_882 : memref<125x64xf32, #tpu.memory_space<vmem>>) target(%dma_start3A_888 : memref<10240x64xf32, #tpu.memory_space<vmem_shared>>) offsets(%dma_start3A_885 : memref<125xi32, #tpu.memory_space<vmem>>) semaphore(%arg19 : memref<!tpu.dma_semaphore, #tpu.memory_space<semaphore_mem>>) {add = true}
      %dma_wait3A_889 = arith.constant 3 : i32
      %dma_wait3A_890 = arith.constant 0 : i32
      %dma_wait3A_891 = arith.constant 0 : i32
      %dma_wait3A_892 = tpu.memref_slice %arg8[%dma_wait3A_889, %dma_wait3A_890, %dma_wait3A_891] : memref<5x125x64xf32, #tpu.memory_space<vmem>> -> memref<1x125x64xf32, #tpu.memory_space<vmem>>
      %dma_wait3A_893 = tpu.memref_squeeze %dma_wait3A_892 : memref<1x125x64xf32, #tpu.memory_space<vmem>> -> memref<125x64xf32, #tpu.memory_space<vmem>>
      %dma_wait3A_894 = arith.constant 0 : i32
      %dma_wait3A_895 = tpu.memref_slice %arg7[%add3A_866, %dma_wait3A_894] : memref<80x125xi32, #tpu.memory_space<vmem>> -> memref<1x125xi32, #tpu.memory_space<vmem>>
      %dma_wait3A_896 = tpu.memref_squeeze %dma_wait3A_895 : memref<1x125xi32, #tpu.memory_space<vmem>> -> memref<125xi32, #tpu.memory_space<vmem>>
      %dma_wait3A_897 = arith.constant 0 : i32
      %dma_wait3A_898 = arith.constant 0 : i32
      %dma_wait3A_899 = tpu.memref_slice %arg10[%dma_wait3A_897, %dma_wait3A_898] : memref<10240x64xf32, #tpu.memory_space<vmem_shared>> -> memref<10240x64xf32, #tpu.memory_space<vmem_shared>>
      tpu.wait_indirect_dma semaphore(%arg19 : memref<!tpu.dma_semaphore, #tpu.memory_space<semaphore_mem>>) src(%dma_wait3A_893 : memref<125x64xf32, #tpu.memory_space<vmem>>) dst(%dma_wait3A_899 : memref<10240x64xf32, #tpu.memory_space<vmem_shared>>)
      %lt3A_900 = arith.constant 15 : i32
      %lt3A_901 = arith.cmpi slt, %scan3A_740, %lt3A_900 : i32
      %convert_element_type3A_902 = arith.extui %lt3A_901 : i1 to i32
      %cond3A_903 = arith.constant 0 : i32
      %cond3A_904 = arith.cmpi ne, %convert_element_type3A_902, %cond3A_903 : i32
      scf.if %cond3A_904 {
        %add3A_947 = arith.constant 5 : i32
        %add3A_948 = arith.addi %add3A_866, %add3A_947 : i32
        %dma_start3A_949 = arith.constant 3 : i32
        %dma_start3A_950 = arith.constant 0 : i32
        %dma_start3A_951 = arith.constant 0 : i32
        %dma_start3A_952 = tpu.memref_slice %arg8[%dma_start3A_949, %dma_start3A_950, %dma_start3A_951] : memref<5x125x64xf32, #tpu.memory_space<vmem>> -> memref<1x125x64xf32, #tpu.memory_space<vmem>>
        %dma_start3A_953 = tpu.memref_squeeze %dma_start3A_952 : memref<1x125x64xf32, #tpu.memory_space<vmem>> -> memref<125x64xf32, #tpu.memory_space<vmem>>
        %dma_start3A_954 = arith.constant 0 : i32
        %dma_start3A_955 = tpu.memref_slice %arg6[%add3A_948, %dma_start3A_954] : memref<80x125xi32, #tpu.memory_space<vmem>> -> memref<1x125xi32, #tpu.memory_space<vmem>>
        %dma_start3A_956 = tpu.memref_squeeze %dma_start3A_955 : memref<1x125xi32, #tpu.memory_space<vmem>> -> memref<125xi32, #tpu.memory_space<vmem>>
        %dma_start3A_957 = arith.constant 0 : i32
        %dma_start3A_958 = arith.constant 0 : i32
        %dma_start3A_959 = tpu.memref_slice %arg2[%dma_start3A_957, %dma_start3A_958] : memref<10000x64xf32, #tpu.memory_space<hbm>> -> memref<10000x64xf32, #tpu.memory_space<hbm>>
        tpu.enqueue_indirect_dma source(%dma_start3A_959 : memref<10000x64xf32, #tpu.memory_space<hbm>>) target(%dma_start3A_953 : memref<125x64xf32, #tpu.memory_space<vmem>>) offsets(%dma_start3A_956 : memref<125xi32, #tpu.memory_space<vmem>>) semaphore(%arg14 : memref<!tpu.dma_semaphore, #tpu.memory_space<semaphore_mem>>)
      } else {
      }
      %mul3A_905 = arith.constant 5 : i32
      %mul3A_906 = arith.muli %scan3A_740, %mul3A_905 : i32
      %add3A_907 = arith.constant 4 : i32
      %add3A_908 = arith.addi %mul3A_906, %add3A_907 : i32
      %dma_wait3A_909 = arith.constant 4 : i32
      %dma_wait3A_910 = arith.constant 0 : i32
      %dma_wait3A_911 = arith.constant 0 : i32
      %dma_wait3A_912 = tpu.memref_slice %arg8[%dma_wait3A_909, %dma_wait3A_910, %dma_wait3A_911] : memref<5x125x64xf32, #tpu.memory_space<vmem>> -> memref<1x125x64xf32, #tpu.memory_space<vmem>>
      %dma_wait3A_913 = tpu.memref_squeeze %dma_wait3A_912 : memref<1x125x64xf32, #tpu.memory_space<vmem>> -> memref<125x64xf32, #tpu.memory_space<vmem>>
      %dma_wait3A_914 = arith.constant 0 : i32
      %dma_wait3A_915 = tpu.memref_slice %arg6[%add3A_908, %dma_wait3A_914] : memref<80x125xi32, #tpu.memory_space<vmem>> -> memref<1x125xi32, #tpu.memory_space<vmem>>
      %dma_wait3A_916 = tpu.memref_squeeze %dma_wait3A_915 : memref<1x125xi32, #tpu.memory_space<vmem>> -> memref<125xi32, #tpu.memory_space<vmem>>
      %dma_wait3A_917 = arith.constant 0 : i32
      %dma_wait3A_918 = arith.constant 0 : i32
      %dma_wait3A_919 = tpu.memref_slice %arg2[%dma_wait3A_917, %dma_wait3A_918] : memref<10000x64xf32, #tpu.memory_space<hbm>> -> memref<10000x64xf32, #tpu.memory_space<hbm>>
      tpu.wait_indirect_dma semaphore(%arg15 : memref<!tpu.dma_semaphore, #tpu.memory_space<semaphore_mem>>) src(%dma_wait3A_919 : memref<10000x64xf32, #tpu.memory_space<hbm>>) dst(%dma_wait3A_913 : memref<125x64xf32, #tpu.memory_space<vmem>>)
      %dma_start3A_920 = arith.constant 4 : i32
      %dma_start3A_921 = arith.constant 0 : i32
      %dma_start3A_922 = arith.constant 0 : i32
      %dma_start3A_923 = tpu.memref_slice %arg8[%dma_start3A_920, %dma_start3A_921, %dma_start3A_922] : memref<5x125x64xf32, #tpu.memory_space<vmem>> -> memref<1x125x64xf32, #tpu.memory_space<vmem>>
      %dma_start3A_924 = tpu.memref_squeeze %dma_start3A_923 : memref<1x125x64xf32, #tpu.memory_space<vmem>> -> memref<125x64xf32, #tpu.memory_space<vmem>>
      %dma_start3A_925 = arith.constant 0 : i32
      %dma_start3A_926 = tpu.memref_slice %arg7[%add3A_908, %dma_start3A_925] : memref<80x125xi32, #tpu.memory_space<vmem>> -> memref<1x125xi32, #tpu.memory_space<vmem>>
      %dma_start3A_927 = tpu.memref_squeeze %dma_start3A_926 : memref<1x125xi32, #tpu.memory_space<vmem>> -> memref<125xi32, #tpu.memory_space<vmem>>
      %dma_start3A_928 = arith.constant 0 : i32
      %dma_start3A_929 = arith.constant 0 : i32
      %dma_start3A_930 = tpu.memref_slice %arg10[%dma_start3A_928, %dma_start3A_929] : memref<10240x64xf32, #tpu.memory_space<vmem_shared>> -> memref<10240x64xf32, #tpu.memory_space<vmem_shared>>
      tpu.enqueue_indirect_dma source(%dma_start3A_924 : memref<125x64xf32, #tpu.memory_space<vmem>>) target(%dma_start3A_930 : memref<10240x64xf32, #tpu.memory_space<vmem_shared>>) offsets(%dma_start3A_927 : memref<125xi32, #tpu.memory_space<vmem>>) semaphore(%arg20 : memref<!tpu.dma_semaphore, #tpu.memory_space<semaphore_mem>>) {add = true}
      %dma_wait3A_931 = arith.constant 4 : i32
      %dma_wait3A_932 = arith.constant 0 : i32
      %dma_wait3A_933 = arith.constant 0 : i32
      %dma_wait3A_934 = tpu.memref_slice %arg8[%dma_wait3A_931, %dma_wait3A_932, %dma_wait3A_933] : memref<5x125x64xf32, #tpu.memory_space<vmem>> -> memref<1x125x64xf32, #tpu.memory_space<vmem>>
      %dma_wait3A_935 = tpu.memref_squeeze %dma_wait3A_934 : memref<1x125x64xf32, #tpu.memory_space<vmem>> -> memref<125x64xf32, #tpu.memory_space<vmem>>
      %dma_wait3A_936 = arith.constant 0 : i32
      %dma_wait3A_937 = tpu.memref_slice %arg7[%add3A_908, %dma_wait3A_936] : memref<80x125xi32, #tpu.memory_space<vmem>> -> memref<1x125xi32, #tpu.memory_space<vmem>>
      %dma_wait3A_938 = tpu.memref_squeeze %dma_wait3A_937 : memref<1x125xi32, #tpu.memory_space<vmem>> -> memref<125xi32, #tpu.memory_space<vmem>>
      %dma_wait3A_939 = arith.constant 0 : i32
      %dma_wait3A_940 = arith.constant 0 : i32
      %dma_wait3A_941 = tpu.memref_slice %arg10[%dma_wait3A_939, %dma_wait3A_940] : memref<10240x64xf32, #tpu.memory_space<vmem_shared>> -> memref<10240x64xf32, #tpu.memory_space<vmem_shared>>
      tpu.wait_indirect_dma semaphore(%arg20 : memref<!tpu.dma_semaphore, #tpu.memory_space<semaphore_mem>>) src(%dma_wait3A_935 : memref<125x64xf32, #tpu.memory_space<vmem>>) dst(%dma_wait3A_941 : memref<10240x64xf32, #tpu.memory_space<vmem_shared>>)
      %lt3A_942 = arith.constant 15 : i32
      %lt3A_943 = arith.cmpi slt, %scan3A_740, %lt3A_942 : i32
      %convert_element_type3A_944 = arith.extui %lt3A_943 : i1 to i32
      %cond3A_945 = arith.constant 0 : i32
      %cond3A_946 = arith.cmpi ne, %convert_element_type3A_944, %cond3A_945 : i32
      scf.if %cond3A_946 {
        %add3A_947 = arith.constant 5 : i32
        %add3A_948 = arith.addi %add3A_908, %add3A_947 : i32
        %dma_start3A_949 = arith.constant 4 : i32
        %dma_start3A_950 = arith.constant 0 : i32
        %dma_start3A_951 = arith.constant 0 : i32
        %dma_start3A_952 = tpu.memref_slice %arg8[%dma_start3A_949, %dma_start3A_950, %dma_start3A_951] : memref<5x125x64xf32, #tpu.memory_space<vmem>> -> memref<1x125x64xf32, #tpu.memory_space<vmem>>
        %dma_start3A_953 = tpu.memref_squeeze %dma_start3A_952 : memref<1x125x64xf32, #tpu.memory_space<vmem>> -> memref<125x64xf32, #tpu.memory_space<vmem>>
        %dma_start3A_954 = arith.constant 0 : i32
        %dma_start3A_955 = tpu.memref_slice %arg6[%add3A_948, %dma_start3A_954] : memref<80x125xi32, #tpu.memory_space<vmem>> -> memref<1x125xi32, #tpu.memory_space<vmem>>
        %dma_start3A_956 = tpu.memref_squeeze %dma_start3A_955 : memref<1x125xi32, #tpu.memory_space<vmem>> -> memref<125xi32, #tpu.memory_space<vmem>>
        %dma_start3A_957 = arith.constant 0 : i32
        %dma_start3A_958 = arith.constant 0 : i32
        %dma_start3A_959 = tpu.memref_slice %arg2[%dma_start3A_957, %dma_start3A_958] : memref<10000x64xf32, #tpu.memory_space<hbm>> -> memref<10000x64xf32, #tpu.memory_space<hbm>>
        tpu.enqueue_indirect_dma source(%dma_start3A_959 : memref<10000x64xf32, #tpu.memory_space<hbm>>) target(%dma_start3A_953 : memref<125x64xf32, #tpu.memory_space<vmem>>) offsets(%dma_start3A_956 : memref<125xi32, #tpu.memory_space<vmem>>) semaphore(%arg15 : memref<!tpu.dma_semaphore, #tpu.memory_space<semaphore_mem>>)
      } else {
      }
    }
    %scan3A_734 = arith.constant 16 : i32
    %barrier3A_735 = arith.constant 0 : index
    tpu.barrier barrier_id(%barrier3A_735)
    %mul3A_736 = arith.constant 640 : i32
    %mul3A_737 = arith.muli %arg1, %mul3A_736 : i32
    %mul3A_738 = arith.constant 640 : i32
    %mul3A_739 = arith.muli %arg1, %mul3A_738 : i32
    "tpu.region"() ({
      %run_scoped3A = tpu.sem_alloc : memref<!tpu.dma_semaphore, #tpu.memory_space<semaphore_mem>>
      %dma_start3A_740 = arith.constant 0 : i32
      %dma_start3A_741 = tpu.memref_slice %arg5[%arg0, %mul3A_739, %dma_start3A_740] : memref<2x10240x64xf32, #tpu.memory_space<hbm>> -> memref<1x640x64xf32, #tpu.memory_space<hbm>>
      %dma_start3A_742 = tpu.memref_squeeze %dma_start3A_741 : memref<1x640x64xf32, #tpu.memory_space<hbm>> -> memref<640x64xf32, #tpu.memory_space<hbm>>
      %dma_start3A_743 = arith.constant 0 : i32
      %dma_start3A_744 = tpu.memref_slice %arg10[%mul3A_737, %dma_start3A_743] : memref<10240x64xf32, #tpu.memory_space<vmem_shared>> -> memref<640x64xf32, #tpu.memory_space<vmem_shared>>
      tpu.enqueue_dma source(%dma_start3A_744 : memref<640x64xf32, #tpu.memory_space<vmem_shared>>) target(%dma_start3A_742 : memref<640x64xf32, #tpu.memory_space<hbm>>) target_semaphore(%run_scoped3A : memref<!tpu.dma_semaphore, #tpu.memory_space<semaphore_mem>>)
      %dma_wait3A = arith.constant 0 : i32
      %dma_wait3A_745 = tpu.memref_slice %arg5[%arg0, %mul3A_739, %dma_wait3A] : memref<2x10240x64xf32, #tpu.memory_space<hbm>> -> memref<1x640x64xf32, #tpu.memory_space<hbm>>
      %dma_wait3A_746 = tpu.memref_squeeze %dma_wait3A_745 : memref<1x640x64xf32, #tpu.memory_space<hbm>> -> memref<640x64xf32, #tpu.memory_space<hbm>>
      %dma_wait3A_747 = arith.constant 0 : i32
      %dma_wait3A_748 = tpu.memref_slice %arg10[%mul3A_737, %dma_wait3A_747] : memref<10240x64xf32, #tpu.memory_space<vmem_shared>> -> memref<640x64xf32, #tpu.memory_space<vmem_shared>>
      tpu.wait_dma2 semaphore(%run_scoped3A : memref<!tpu.dma_semaphore, #tpu.memory_space<semaphore_mem>>) src(%dma_wait3A_748 : memref<640x64xf32, #tpu.memory_space<vmem_shared>>) dst(%dma_wait3A_746 : memref<640x64xf32, #tpu.memory_space<hbm>>)
      tpu.yield
    }) : () -> ()
    return
  }
}

module attributes {stable_mosaic.version = 14 : i64} {
  func.func @_tc1a_body(%arg0: i32, %arg1: memref<2000x128xf32, #tpu.memory_space<vmem>>, %arg2: memref<128x64xf32, #tpu.memory_space<vmem>>, %arg3: memref<2000x64xf32, #tpu.memory_space<vmem>>) attributes {dimension_semantics = [#tpu.dimension_semantics<arbitrary>], iteration_bounds = array<i64: 5>, scalar_prefetch = 0 : i64, scratch_operands = 0 : i64, tpu.core_type = #tpu.core_type<tc>, window_params = [{transform_indices = @transform_0, window_bounds = array<i64: 2000, 128>}, {pipeline_mode = #tpu.pipeline_mode<synchronous>, transform_indices = @transform_1, window_bounds = array<i64: 128, 64>}, {transform_indices = @transform_2, window_bounds = array<i64: 2000, 64>}]} {
    %get3A = arith.constant 0 : index
    %get3A_0 = arith.constant 0 : index
    %get3A_1 = vector.load %arg1[%get3A, %get3A_0] : memref<2000x128xf32, #tpu.memory_space<vmem>>, vector<2000x128xf32>
    %get3A_2 = arith.constant 0 : index
    %get3A_3 = arith.constant 0 : index
    %get3A_4 = vector.load %arg2[%get3A_2, %get3A_3] : memref<128x64xf32, #tpu.memory_space<vmem>>, vector<128x64xf32>
    %dot_general3A = arith.constant dense<0.000000e+00> : vector<2000x64xf32>
    %dot_general3A_5 = tpu.matmul %get3A_1, %get3A_4, %dot_general3A {dimension_numbers = #tpu.dot_dimension_numbers<[1], [0], [0], [1], [0, 0, 1, 1], [], []>, transpose_lhs_hint = false} : vector<2000x128xf32>, vector<128x64xf32>, vector<2000x64xf32> -> vector<2000x64xf32>
    %swap3A = arith.constant 0 : index
    %swap3A_6 = arith.constant 0 : index
    %swap3A_7 = vector.load %arg3[%swap3A, %swap3A_6] : memref<2000x64xf32, #tpu.memory_space<vmem>>, vector<2000x64xf32>
    tpu.vector_store %arg3[%swap3A, %swap3A_6], %dot_general3A_5 {strides = array<i32>} : memref<2000x64xf32, #tpu.memory_space<vmem>>, vector<2000x64xf32>,
    return
  }
  func.func @transform_0(%arg0: i32) -> (i32, i32) {
    %c0_i32 = arith.constant 0 : i32
    %c0_i32_0 = arith.constant 0 : i32
    return %arg0, %c0_i32 : i32, i32
  }
  func.func @transform_1(%arg0: i32) -> (i32, i32) {
    %c0_i32 = arith.constant 0 : i32
    %c0_i32_0 = arith.constant 0 : i32
    %c0_i32_1 = arith.constant 0 : i32
    return %c0_i32, %c0_i32_0 : i32, i32
  }
  func.func @transform_2(%arg0: i32) -> (i32, i32) {
    %c0_i32 = arith.constant 0 : i32
    %c0_i32_0 = arith.constant 0 : i32
    return %arg0, %c0_i32 : i32, i32
  }
}

module attributes {stable_mosaic.version = 14 : i64} {
  func.func @_tc1b_body(%arg0: i32, %arg1: memref<2000x64xf32, #tpu.memory_space<vmem>>, %arg2: memref<2000x2xf32, #tpu.memory_space<vmem>>, %arg3: memref<2000x64xf32, #tpu.memory_space<vmem>>) attributes {dimension_semantics = [#tpu.dimension_semantics<arbitrary>], iteration_bounds = array<i64: 5>, scalar_prefetch = 0 : i64, scratch_operands = 0 : i64, tpu.core_type = #tpu.core_type<tc>, window_params = [{transform_indices = @transform_0, window_bounds = array<i64: 2000, 64>}, {transform_indices = @transform_1, window_bounds = array<i64: 2000, 2>}, {transform_indices = @transform_2, window_bounds = array<i64: 2000, 64>}]} {
    %get3A = arith.constant 0 : index
    %get3A_0 = arith.constant 0 : index
    %get3A_1 = vector.load %arg2[%get3A, %get3A_0] : memref<2000x2xf32, #tpu.memory_space<vmem>>, vector<2000x2xf32>
    %slice3A = vector.extract_strided_slice %get3A_1 {offsets = [0, 0], sizes = [2000, 1], strides = [1, 1]} : vector<2000x2xf32> to vector<2000x1xf32>
    %squeeze3A = vector.shape_cast %slice3A : vector<2000x1xf32> to vector<2000xf32>
    %slice3A_2 = vector.extract_strided_slice %get3A_1 {offsets = [0, 1], sizes = [2000, 1], strides = [1, 1]} : vector<2000x2xf32> to vector<2000x1xf32>
    %squeeze3A_3 = vector.shape_cast %slice3A_2 : vector<2000x1xf32> to vector<2000xf32>
    %add3A = arith.addf %squeeze3A, %squeeze3A_3 : vector<2000xf32>
    %add3A_4 = arith.constant 1.000000e+00 : f32
    %add3A_5 = vector.broadcast %add3A_4 : f32 to vector<2000xf32>
    %add3A_6 = arith.addf %add3A, %add3A_5 : vector<2000xf32>
    %rsqrt3A = math.rsqrt %add3A_6 : vector<2000xf32>
    %get3A_7 = arith.constant 0 : index
    %get3A_8 = arith.constant 0 : index
    %get3A_9 = vector.load %arg1[%get3A_7, %get3A_8] : memref<2000x64xf32, #tpu.memory_space<vmem>>, vector<2000x64xf32>
    %broadcast_in_dim3A = vector.shape_cast %rsqrt3A : vector<2000xf32> to vector<2000x1xf32>
    %mul3A = vector.broadcast %broadcast_in_dim3A : vector<2000x1xf32> to vector<2000x64xf32>
    %mul3A_10 = arith.mulf %get3A_9, %mul3A : vector<2000x64xf32>
    %swap3A = arith.constant 0 : index
    %swap3A_11 = arith.constant 0 : index
    %swap3A_12 = vector.load %arg3[%swap3A, %swap3A_11] : memref<2000x64xf32, #tpu.memory_space<vmem>>, vector<2000x64xf32>
    tpu.vector_store %arg3[%swap3A, %swap3A_11], %mul3A_10 {strides = array<i32>} : memref<2000x64xf32, #tpu.memory_space<vmem>>, vector<2000x64xf32>,
    return
  }
  func.func @transform_0(%arg0: i32) -> (i32, i32) {
    %c0_i32 = arith.constant 0 : i32
    %c0_i32_0 = arith.constant 0 : i32
    return %arg0, %c0_i32 : i32, i32
  }
  func.func @transform_1(%arg0: i32) -> (i32, i32) {
    %c0_i32 = arith.constant 0 : i32
    %c0_i32_0 = arith.constant 0 : i32
    return %arg0, %c0_i32 : i32, i32
  }
  func.func @transform_2(%arg0: i32) -> (i32, i32) {
    %c0_i32 = arith.constant 0 : i32
    %c0_i32_0 = arith.constant 0 : i32
    return %arg0, %c0_i32 : i32, i32
  }
}

module attributes {stable_mosaic.version = 14 : i64} {
  func.func @_tc2_body(%arg0: i32, %arg1: memref<2x2000x64xf32, #tpu.memory_space<vmem>>, %arg2: memref<2000x64xf32, #tpu.memory_space<vmem>>, %arg3: memref<2000x2xf32, #tpu.memory_space<vmem>>, %arg4: memref<1x64xf32, #tpu.memory_space<vmem>>, %arg5: memref<64x32xf32, #tpu.memory_space<vmem>>, %arg6: memref<1x32xf32, #tpu.memory_space<vmem>>, %arg7: memref<32x64xf32, #tpu.memory_space<vmem>>, %arg8: memref<1x64xf32, #tpu.memory_space<vmem>>, %arg9: memref<32x3xf32, #tpu.memory_space<vmem>>, %arg10: memref<1x3xf32, #tpu.memory_space<vmem>>, %arg11: memref<2000x32xf32, #tpu.memory_space<vmem>>, %arg12: memref<2000x3xf32, #tpu.memory_space<vmem>>, %arg13: memref<2000x64xf32, #tpu.memory_space<vmem>>) attributes {dimension_semantics = [#tpu.dimension_semantics<arbitrary>], iteration_bounds = array<i64: 5>, scalar_prefetch = 0 : i64, scratch_operands = 0 : i64, tpu.core_type = #tpu.core_type<tc>, window_params = [{transform_indices = @transform_0, window_bounds = array<i64: 2, 2000, 64>}, {transform_indices = @transform_1, window_bounds = array<i64: 2000, 64>}, {transform_indices = @transform_2, window_bounds = array<i64: 2000, 2>}, {pipeline_mode = #tpu.pipeline_mode<synchronous>, transform_indices = @transform_3, window_bounds = array<i64: 1, 64>}, {pipeline_mode = #tpu.pipeline_mode<synchronous>, transform_indices = @transform_4, window_bounds = array<i64: 64, 32>}, {pipeline_mode = #tpu.pipeline_mode<synchronous>, transform_indices = @transform_5, window_bounds = array<i64: 1, 32>}, {pipeline_mode = #tpu.pipeline_mode<synchronous>, transform_indices = @transform_6, window_bounds = array<i64: 32, 64>}, {pipeline_mode = #tpu.pipeline_mode<synchronous>, transform_indices = @transform_7, window_bounds = array<i64: 1, 64>}, {pipeline_mode = #tpu.pipeline_mode<synchronous>, transform_indices = @transform_8, window_bounds = array<i64: 32, 3>}, {pipeline_mode = #tpu.pipeline_mode<synchronous>, transform_indices = @transform_9, window_bounds = array<i64: 1, 3>}, {transform_indices = @transform_10, window_bounds = array<i64: 2000, 32>}, {transform_indices = @transform_11, window_bounds = array<i64: 2000, 3>}, {transform_indices = @transform_12, window_bounds = array<i64: 2000, 64>}]} {
    %get3A = arith.constant 0 : index
    %get3A_0 = arith.constant 0 : index
    %get3A_1 = vector.load %arg3[%get3A, %get3A_0] : memref<2000x2xf32, #tpu.memory_space<vmem>>, vector<2000x2xf32>
    %slice3A = vector.extract_strided_slice %get3A_1 {offsets = [0, 0], sizes = [2000, 1], strides = [1, 1]} : vector<2000x2xf32> to vector<2000x1xf32>
    %squeeze3A = vector.shape_cast %slice3A : vector<2000x1xf32> to vector<2000xf32>
    %slice3A_2 = vector.extract_strided_slice %get3A_1 {offsets = [0, 1], sizes = [2000, 1], strides = [1, 1]} : vector<2000x2xf32> to vector<2000x1xf32>
    %squeeze3A_3 = vector.shape_cast %slice3A_2 : vector<2000x1xf32> to vector<2000xf32>
    %add3A = arith.addf %squeeze3A, %squeeze3A_3 : vector<2000xf32>
    %add3A_4 = arith.constant 1.000000e+00 : f32
    %add3A_5 = vector.broadcast %add3A_4 : f32 to vector<2000xf32>
    %add3A_6 = arith.addf %add3A, %add3A_5 : vector<2000xf32>
    %rsqrt3A = math.rsqrt %add3A_6 : vector<2000xf32>
    %broadcast_in_dim3A = vector.shape_cast %rsqrt3A : vector<2000xf32> to vector<2000x1xf32>
    %get3A_7 = arith.constant 0 : index
    %get3A_8 = arith.constant 0 : index
    %get3A_9 = arith.constant 0 : index
    %get3A_10 = vector.load %arg1[%get3A_7, %get3A_8, %get3A_9] : memref<2x2000x64xf32, #tpu.memory_space<vmem>>, vector<1x2000x64xf32>
    %get3A_11 = vector.shape_cast %get3A_10 : vector<1x2000x64xf32> to vector<2000x64xf32>
    %get3A_12 = arith.constant 1 : index
    %get3A_13 = arith.constant 0 : index
    %get3A_14 = arith.constant 0 : index
    %get3A_15 = vector.load %arg1[%get3A_12, %get3A_13, %get3A_14] : memref<2x2000x64xf32, #tpu.memory_space<vmem>>, vector<1x2000x64xf32>
    %get3A_16 = vector.shape_cast %get3A_15 : vector<1x2000x64xf32> to vector<2000x64xf32>
    %add3A_17 = arith.addf %get3A_11, %get3A_16 : vector<2000x64xf32>
    %get3A_18 = arith.constant 0 : index
    %get3A_19 = arith.constant 0 : index
    %get3A_20 = vector.load %arg2[%get3A_18, %get3A_19] : memref<2000x64xf32, #tpu.memory_space<vmem>>, vector<2000x64xf32>
    %add3A_21 = arith.addf %add3A_17, %get3A_20 : vector<2000x64xf32>
    %mul3A = vector.broadcast %broadcast_in_dim3A : vector<2000x1xf32> to vector<2000x64xf32>
    %mul3A_22 = arith.mulf %mul3A, %add3A_21 : vector<2000x64xf32>
    %get3A_23 = arith.constant 0 : index
    %get3A_24 = arith.constant 0 : index
    %get3A_25 = vector.load %arg4[%get3A_23, %get3A_24] : memref<1x64xf32, #tpu.memory_space<vmem>>, vector<1x64xf32>
    %add3A_26 = vector.broadcast %get3A_25 : vector<1x64xf32> to vector<2000x64xf32>
    %add3A_27 = arith.addf %mul3A_22, %add3A_26 : vector<2000x64xf32>
    %max3A = arith.constant 0.000000e+00 : f32
    %max3A_28 = vector.broadcast %max3A : f32 to vector<2000x64xf32>
    %max3A_29 = arith.maximumf %add3A_27, %max3A_28 : vector<2000x64xf32>
    %get3A_30 = arith.constant 0 : index
    %get3A_31 = arith.constant 0 : index
    %get3A_32 = vector.load %arg5[%get3A_30, %get3A_31] : memref<64x32xf32, #tpu.memory_space<vmem>>, vector<64x32xf32>
    %dot_general3A = arith.constant dense<0.000000e+00> : vector<2000x32xf32>
    %dot_general3A_33 = tpu.matmul %max3A_29, %get3A_32, %dot_general3A {dimension_numbers = #tpu.dot_dimension_numbers<[1], [0], [0], [1], [0, 0, 1, 1], [], []>, transpose_lhs_hint = false} : vector<2000x64xf32>, vector<64x32xf32>, vector<2000x32xf32> -> vector<2000x32xf32>
    %get3A_34 = arith.constant 0 : index
    %get3A_35 = arith.constant 0 : index
    %get3A_36 = vector.load %arg6[%get3A_34, %get3A_35] : memref<1x32xf32, #tpu.memory_space<vmem>>, vector<1x32xf32>
    %add3A_37 = vector.broadcast %get3A_36 : vector<1x32xf32> to vector<2000x32xf32>
    %add3A_38 = arith.addf %dot_general3A_33, %add3A_37 : vector<2000x32xf32>
    %get3A_39 = arith.constant 0 : index
    %get3A_40 = arith.constant 0 : index
    %get3A_41 = vector.load %arg7[%get3A_39, %get3A_40] : memref<32x64xf32, #tpu.memory_space<vmem>>, vector<32x64xf32>
    %dot_general3A_42 = arith.constant dense<0.000000e+00> : vector<2000x64xf32>
    %dot_general3A_43 = tpu.matmul %add3A_38, %get3A_41, %dot_general3A_42 {dimension_numbers = #tpu.dot_dimension_numbers<[1], [0], [0], [1], [0, 0, 1, 1], [], []>, transpose_lhs_hint = false} : vector<2000x32xf32>, vector<32x64xf32>, vector<2000x64xf32> -> vector<2000x64xf32>
    %get3A_44 = arith.constant 0 : index
    %get3A_45 = arith.constant 0 : index
    %get3A_46 = vector.load %arg8[%get3A_44, %get3A_45] : memref<1x64xf32, #tpu.memory_space<vmem>>, vector<1x64xf32>
    %add3A_47 = vector.broadcast %get3A_46 : vector<1x64xf32> to vector<2000x64xf32>
    %add3A_48 = arith.addf %dot_general3A_43, %add3A_47 : vector<2000x64xf32>
    %max3A_49 = arith.constant 0.000000e+00 : f32
    %max3A_50 = vector.broadcast %max3A_49 : f32 to vector<2000x64xf32>
    %max3A_51 = arith.maximumf %add3A_48, %max3A_50 : vector<2000x64xf32>
    %swap3A = arith.constant 0 : index
    %swap3A_52 = arith.constant 0 : index
    %swap3A_53 = vector.load %arg11[%swap3A, %swap3A_52] : memref<2000x32xf32, #tpu.memory_space<vmem>>, vector<2000x32xf32>
    tpu.vector_store %arg11[%swap3A, %swap3A_52], %add3A_38 {strides = array<i32>} : memref<2000x32xf32, #tpu.memory_space<vmem>>, vector<2000x32xf32>,
    %get3A_54 = arith.constant 0 : index
    %get3A_55 = arith.constant 0 : index
    %get3A_56 = vector.load %arg9[%get3A_54, %get3A_55] : memref<32x3xf32, #tpu.memory_space<vmem>>, vector<32x3xf32>
    %dot_general3A_57 = arith.constant dense<0.000000e+00> : vector<2000x3xf32>
    %dot_general3A_58 = tpu.matmul %add3A_38, %get3A_56, %dot_general3A_57 {dimension_numbers = #tpu.dot_dimension_numbers<[1], [0], [0], [1], [0, 0, 1, 1], [], []>, transpose_lhs_hint = false} : vector<2000x32xf32>, vector<32x3xf32>, vector<2000x3xf32> -> vector<2000x3xf32>
    %get3A_59 = arith.constant 0 : index
    %get3A_60 = arith.constant 0 : index
    %get3A_61 = vector.load %arg10[%get3A_59, %get3A_60] : memref<1x3xf32, #tpu.memory_space<vmem>>, vector<1x3xf32>
    %add3A_62 = vector.broadcast %get3A_61 : vector<1x3xf32> to vector<2000x3xf32>
    %add3A_63 = arith.addf %dot_general3A_58, %add3A_62 : vector<2000x3xf32>
    %swap3A_64 = arith.constant 0 : index
    %swap3A_65 = arith.constant 0 : index
    %swap3A_66 = vector.load %arg12[%swap3A_64, %swap3A_65] : memref<2000x3xf32, #tpu.memory_space<vmem>>, vector<2000x3xf32>
    tpu.vector_store %arg12[%swap3A_64, %swap3A_65], %add3A_63 {strides = array<i32>} : memref<2000x3xf32, #tpu.memory_space<vmem>>, vector<2000x3xf32>,
    %broadcast_in_dim3A_67 = vector.shape_cast %rsqrt3A : vector<2000xf32> to vector<2000x1xf32>
    %mul3A_68 = vector.broadcast %broadcast_in_dim3A_67 : vector<2000x1xf32> to vector<2000x64xf32>
    %mul3A_69 = arith.mulf %max3A_51, %mul3A_68 : vector<2000x64xf32>
    %swap3A_70 = arith.constant 0 : index
    %swap3A_71 = arith.constant 0 : index
    %swap3A_72 = vector.load %arg13[%swap3A_70, %swap3A_71] : memref<2000x64xf32, #tpu.memory_space<vmem>>, vector<2000x64xf32>
    tpu.vector_store %arg13[%swap3A_70, %swap3A_71], %mul3A_69 {strides = array<i32>} : memref<2000x64xf32, #tpu.memory_space<vmem>>, vector<2000x64xf32>,
    return
  }
  func.func @transform_0(%arg0: i32) -> (i32, i32, i32) {
    %c0_i32 = arith.constant 0 : i32
    %c0_i32_0 = arith.constant 0 : i32
    %c0_i32_1 = arith.constant 0 : i32
    return %c0_i32, %arg0, %c0_i32_0 : i32, i32, i32
  }
  func.func @transform_1(%arg0: i32) -> (i32, i32) {
    %c0_i32 = arith.constant 0 : i32
    %c0_i32_0 = arith.constant 0 : i32
    return %arg0, %c0_i32 : i32, i32
  }
  func.func @transform_2(%arg0: i32) -> (i32, i32) {
    %c0_i32 = arith.constant 0 : i32
    %c0_i32_0 = arith.constant 0 : i32
    return %arg0, %c0_i32 : i32, i32
  }
  func.func @transform_3(%arg0: i32) -> (i32, i32) {
    %c0_i32 = arith.constant 0 : i32
    %c0_i32_0 = arith.constant 0 : i32
    %c0_i32_1 = arith.constant 0 : i32
    return %c0_i32, %c0_i32_0 : i32, i32
  }
  func.func @transform_4(%arg0: i32) -> (i32, i32) {
    %c0_i32 = arith.constant 0 : i32
    %c0_i32_0 = arith.constant 0 : i32
    %c0_i32_1 = arith.constant 0 : i32
    return %c0_i32, %c0_i32_0 : i32, i32
  }
  func.func @transform_5(%arg0: i32) -> (i32, i32) {
    %c0_i32 = arith.constant 0 : i32
    %c0_i32_0 = arith.constant 0 : i32
    %c0_i32_1 = arith.constant 0 : i32
    return %c0_i32, %c0_i32_0 : i32, i32
  }
  func.func @transform_6(%arg0: i32) -> (i32, i32) {
    %c0_i32 = arith.constant 0 : i32
    %c0_i32_0 = arith.constant 0 : i32
    %c0_i32_1 = arith.constant 0 : i32
    return %c0_i32, %c0_i32_0 : i32, i32
  }
  func.func @transform_7(%arg0: i32) -> (i32, i32) {
    %c0_i32 = arith.constant 0 : i32
    %c0_i32_0 = arith.constant 0 : i32
    %c0_i32_1 = arith.constant 0 : i32
    return %c0_i32, %c0_i32_0 : i32, i32
  }
  func.func @transform_8(%arg0: i32) -> (i32, i32) {
    %c0_i32 = arith.constant 0 : i32
    %c0_i32_0 = arith.constant 0 : i32
    %c0_i32_1 = arith.constant 0 : i32
    return %c0_i32, %c0_i32_0 : i32, i32
  }
  func.func @transform_9(%arg0: i32) -> (i32, i32) {
    %c0_i32 = arith.constant 0 : i32
    %c0_i32_0 = arith.constant 0 : i32
    %c0_i32_1 = arith.constant 0 : i32
    return %c0_i32, %c0_i32_0 : i32, i32
  }
  func.func @transform_10(%arg0: i32) -> (i32, i32) {
    %c0_i32 = arith.constant 0 : i32
    %c0_i32_0 = arith.constant 0 : i32
    return %arg0, %c0_i32 : i32, i32
  }
  func.func @transform_11(%arg0: i32) -> (i32, i32) {
    %c0_i32 = arith.constant 0 : i32
    %c0_i32_0 = arith.constant 0 : i32
    return %arg0, %c0_i32 : i32, i32
  }
  func.func @transform_12(%arg0: i32) -> (i32, i32) {
    %c0_i32 = arith.constant 0 : i32
    %c0_i32_0 = arith.constant 0 : i32
    return %arg0, %c0_i32 : i32, i32
  }
}

module attributes {stable_mosaic.version = 14 : i64} {
  func.func @_tc3_body(%arg0: i32, %arg1: memref<2x2000x64xf32, #tpu.memory_space<vmem>>, %arg2: memref<2000x64xf32, #tpu.memory_space<vmem>>, %arg3: memref<2000x2xf32, #tpu.memory_space<vmem>>, %arg4: memref<64x128xf32, #tpu.memory_space<vmem>>, %arg5: memref<1x128xf32, #tpu.memory_space<vmem>>, %arg6: memref<2000x128xf32, #tpu.memory_space<vmem>>) attributes {dimension_semantics = [#tpu.dimension_semantics<arbitrary>], iteration_bounds = array<i64: 5>, scalar_prefetch = 0 : i64, scratch_operands = 0 : i64, tpu.core_type = #tpu.core_type<tc>, window_params = [{transform_indices = @transform_0, window_bounds = array<i64: 2, 2000, 64>}, {transform_indices = @transform_1, window_bounds = array<i64: 2000, 64>}, {transform_indices = @transform_2, window_bounds = array<i64: 2000, 2>}, {pipeline_mode = #tpu.pipeline_mode<synchronous>, transform_indices = @transform_3, window_bounds = array<i64: 64, 128>}, {pipeline_mode = #tpu.pipeline_mode<synchronous>, transform_indices = @transform_4, window_bounds = array<i64: 1, 128>}, {transform_indices = @transform_5, window_bounds = array<i64: 2000, 128>}]} {
    %get3A = arith.constant 0 : index
    %get3A_0 = arith.constant 0 : index
    %get3A_1 = vector.load %arg3[%get3A, %get3A_0] : memref<2000x2xf32, #tpu.memory_space<vmem>>, vector<2000x2xf32>
    %slice3A = vector.extract_strided_slice %get3A_1 {offsets = [0, 0], sizes = [2000, 1], strides = [1, 1]} : vector<2000x2xf32> to vector<2000x1xf32>
    %squeeze3A = vector.shape_cast %slice3A : vector<2000x1xf32> to vector<2000xf32>
    %slice3A_2 = vector.extract_strided_slice %get3A_1 {offsets = [0, 1], sizes = [2000, 1], strides = [1, 1]} : vector<2000x2xf32> to vector<2000x1xf32>
    %squeeze3A_3 = vector.shape_cast %slice3A_2 : vector<2000x1xf32> to vector<2000xf32>
    %add3A = arith.addf %squeeze3A, %squeeze3A_3 : vector<2000xf32>
    %add3A_4 = arith.constant 1.000000e+00 : f32
    %add3A_5 = vector.broadcast %add3A_4 : f32 to vector<2000xf32>
    %add3A_6 = arith.addf %add3A, %add3A_5 : vector<2000xf32>
    %rsqrt3A = math.rsqrt %add3A_6 : vector<2000xf32>
    %broadcast_in_dim3A = vector.shape_cast %rsqrt3A : vector<2000xf32> to vector<2000x1xf32>
    %get3A_7 = arith.constant 0 : index
    %get3A_8 = arith.constant 0 : index
    %get3A_9 = arith.constant 0 : index
    %get3A_10 = vector.load %arg1[%get3A_7, %get3A_8, %get3A_9] : memref<2x2000x64xf32, #tpu.memory_space<vmem>>, vector<1x2000x64xf32>
    %get3A_11 = vector.shape_cast %get3A_10 : vector<1x2000x64xf32> to vector<2000x64xf32>
    %get3A_12 = arith.constant 1 : index
    %get3A_13 = arith.constant 0 : index
    %get3A_14 = arith.constant 0 : index
    %get3A_15 = vector.load %arg1[%get3A_12, %get3A_13, %get3A_14] : memref<2x2000x64xf32, #tpu.memory_space<vmem>>, vector<1x2000x64xf32>
    %get3A_16 = vector.shape_cast %get3A_15 : vector<1x2000x64xf32> to vector<2000x64xf32>
    %add3A_17 = arith.addf %get3A_11, %get3A_16 : vector<2000x64xf32>
    %get3A_18 = arith.constant 0 : index
    %get3A_19 = arith.constant 0 : index
    %get3A_20 = vector.load %arg2[%get3A_18, %get3A_19] : memref<2000x64xf32, #tpu.memory_space<vmem>>, vector<2000x64xf32>
    %add3A_21 = arith.addf %add3A_17, %get3A_20 : vector<2000x64xf32>
    %mul3A = vector.broadcast %broadcast_in_dim3A : vector<2000x1xf32> to vector<2000x64xf32>
    %mul3A_22 = arith.mulf %mul3A, %add3A_21 : vector<2000x64xf32>
    %get3A_23 = arith.constant 0 : index
    %get3A_24 = arith.constant 0 : index
    %get3A_25 = vector.load %arg4[%get3A_23, %get3A_24] : memref<64x128xf32, #tpu.memory_space<vmem>>, vector<64x128xf32>
    %dot_general3A = arith.constant dense<0.000000e+00> : vector<2000x128xf32>
    %dot_general3A_26 = tpu.matmul %mul3A_22, %get3A_25, %dot_general3A {dimension_numbers = #tpu.dot_dimension_numbers<[1], [0], [0], [1], [0, 0, 1, 1], [], []>, transpose_lhs_hint = false} : vector<2000x64xf32>, vector<64x128xf32>, vector<2000x128xf32> -> vector<2000x128xf32>
    %get3A_27 = arith.constant 0 : index
    %get3A_28 = arith.constant 0 : index
    %get3A_29 = vector.load %arg5[%get3A_27, %get3A_28] : memref<1x128xf32, #tpu.memory_space<vmem>>, vector<1x128xf32>
    %add3A_30 = vector.broadcast %get3A_29 : vector<1x128xf32> to vector<2000x128xf32>
    %add3A_31 = arith.addf %dot_general3A_26, %add3A_30 : vector<2000x128xf32>
    %swap3A = arith.constant 0 : index
    %swap3A_32 = arith.constant 0 : index
    %swap3A_33 = vector.load %arg6[%swap3A, %swap3A_32] : memref<2000x128xf32, #tpu.memory_space<vmem>>, vector<2000x128xf32>
    tpu.vector_store %arg6[%swap3A, %swap3A_32], %add3A_31 {strides = array<i32>} : memref<2000x128xf32, #tpu.memory_space<vmem>>, vector<2000x128xf32>,
    return
  }
  func.func @transform_0(%arg0: i32) -> (i32, i32, i32) {
    %c0_i32 = arith.constant 0 : i32
    %c0_i32_0 = arith.constant 0 : i32
    %c0_i32_1 = arith.constant 0 : i32
    return %c0_i32, %arg0, %c0_i32_0 : i32, i32, i32
  }
  func.func @transform_1(%arg0: i32) -> (i32, i32) {
    %c0_i32 = arith.constant 0 : i32
    %c0_i32_0 = arith.constant 0 : i32
    return %arg0, %c0_i32 : i32, i32
  }
  func.func @transform_2(%arg0: i32) -> (i32, i32) {
    %c0_i32 = arith.constant 0 : i32
    %c0_i32_0 = arith.constant 0 : i32
    return %arg0, %c0_i32 : i32, i32
  }
  func.func @transform_3(%arg0: i32) -> (i32, i32) {
    %c0_i32 = arith.constant 0 : i32
    %c0_i32_0 = arith.constant 0 : i32
    %c0_i32_1 = arith.constant 0 : i32
    return %c0_i32, %c0_i32_0 : i32, i32
  }
  func.func @transform_4(%arg0: i32) -> (i32, i32) {
    %c0_i32 = arith.constant 0 : i32
    %c0_i32_0 = arith.constant 0 : i32
    %c0_i32_1 = arith.constant 0 : i32
    return %c0_i32, %c0_i32_0 : i32, i32
  }
  func.func @transform_5(%arg0: i32) -> (i32, i32) {
    %c0_i32 = arith.constant 0 : i32
    %c0_i32_0 = arith.constant 0 : i32
    return %arg0, %c0_i32 : i32, i32
  }
}

</mosaic_0001>

<sc_bundles>
// kernel: kernel.12.cloned.1.call-start
scs
__scs_entry_jumppad:
0x0: {  	(pc) =	sbr.rel $0x88, $3  }
0x1: {  	(tag) =	ssettag $0x0;
	lr =	simm.s32 $0x1  }
0x2: {  	[smem:$0x3F95] =	sst lr;
	_ =	strace $0xD0000000  }
0x3: {  	_ = 	snop  }
0x4: {  	_ = 	snop  }
0x5: {  	_ = 	snop  }
0x6: {  	_ = 	snop  }
0x7: {  	_ = 	snop  }
__scs_overlays_trampoline_lowered:
0x8: {  	[smem:$0x3FA4] =	sst s0  }
0x9: {  	[smem:$0x3FA5] =	sst s1  }
0xa: {  	[smem:$0x3FA6] =	sst s2  }
0xb: {  	[smem:$0x3FA7] =	sst s3  }
0xc: {  	[smem:$0x3FA8] =	sst s4  }
0xd: {  	[smem:$0x3FA9] =	sst s5  }
0xe: {  	[smem:$0x3FAA] =	sst s6  }
0xf: {  	[smem:$0x3FAB] =	sst s7  }
0x10: {  	[smem:$0x3FAC] =	sst s8  }
0x11: {  	[smem:$0x3FAD] =	sst s9;
	s0 =	simm.s32 @!p0 $0x0  }
0x12: {  	s1 =	sld [smem:$0x3F93];
	s0 =	simm.s32 @p0 $0x1  }
0x13: {  	[smem:$0x3FAE] =	sst s0;
	s0 =	simm.s32 @!p1 $0x0  }
0x14: {  	s2 =	sld [smem:$0x3F92];
	s0 =	simm.s32 @p1 $0x1  }
0x15: {  	[smem:$0x3FAF] =	sst s0;
	s0 =	simm.s32 @!p2 $0x0  }
0x16: {  	s3 =	sld [smem:$0x3FDB];
	s0 =	simm.s32 @p2 $0x1  }
0x17: {  	s4 =	simm.s32 $0x1BF5;
	[smem:$0x3FB1] =	sst s0  }
0x18: {  	s0 =	sld [smem:$0x3F94];
	_ =	swait.ge [sflag:s4], $0x0  }
0x19: {  	s7 =	sld [smem:$0x3F95]  }
0x1a: {  	s8 =	sadd.s32 $0xFFFFE003, lr  }
0x1b: {  	s9 =	sadd.s32 $0xFFFFFEF7, lr;
	s5 =	simm.s32 $0xFFFFFFFF;
	p2 =	slt.u32 s8, $0xFFFFF086  }
0x1c: {  	p1 =	slt.u32 s9, $0xF7A;
	s5 =	simm.s32 @!p2 $0x0  }
0x1d: {  	s5 =	simm.s32 @p1 $0x1;
	p0 =	seq.s32 s7, s2  }
0x1e: {  	s7 =	smul.u32 @!p0 $0xF7A, s2;
	p2 =	seq.s32 @!p0 s5, $0x0  }
0x1f: {  	s9 =	smul.u32 $0xF7A, s1;
	s8 =	simm.s32 @!p0 $0x1BF5;
	p2 =	por !p2, p0  }
0x20: {  	[sflag:s8] =	ssyncset.s32 @!p0 $0xFFFFF086;
	s6 =	sadd.s32 @!p0 s3, s7;
	s7 =	simm.s32 @!p0 $0x108  }
0x21: {  	s3 =	sadd.s32 s3, s9;
	s6 =	sadd.s32 @!p0 $0x88, s6;
	s7 =	simm.s32 @p2 $0x1082  }
0x22: {  	[simem:s7], [sflag:s8] =	dma.local @!p0 [hbm:s6], $0xF7A  }
0x23: {  	s9 =	sor.u32 $0xD0000000, s2;
	s6 =	simm.s32 $0x108;
	_ =	swait.ge @!p0 [sflag:s8], $0x0  }
0x24: {  	s3 =	sadd.s32 $0x88, s3;
	s6 =	simm.s32 @!p1 $0x1082;
	[sflag:s4] =	ssyncset.s32 $0xFFFFF086  }
0x25: {  	[simem:s6], [sflag:s4] =	dma.local [hbm:s3], $0xF7A  }
0x26: {  	[smem:$0x3F95] =	sst s1;
	(tag) =	ssettag s2;
	_ =	strace s9  }
0x27: {  	s1 =	sld [smem:$0x3FA5]  }
0x28: {  	s2 =	sld [smem:$0x3FA6]  }
0x29: {  	s4 =	sld [smem:$0x3FA8]  }
0x2a: {  	p0 =	seq.s32 s5, $0x0;
	s5 =	sld [smem:$0x3FA9]  }
0x2b: {  	s6 =	sld [smem:$0x3FAA]  }
0x2c: {  	s7 =	sld [smem:$0x3FAB]  }
0x2d: {  	s3 =	simm.s32 $0x108;
	s8 =	sld [smem:$0x3FAC]  }
0x2e: {  	s3 =	simm.s32 @!p0 $0x1082;
	s9 =	sld [smem:$0x3FAD]  }
0x2f: {  	lr =	sadd.s32 s0, s3;
	s0 =	sld [smem:$0x3FA4]  }
0x30: {  	s3 =	sld [smem:$0x3FA7]  }
0x31: {  	[smem:$0x3FB0] =	sst s10  }
0x32: {  	s10 =	sld [smem:$0x3FAE];
	_ =	sdelay $0x3  }
0x33: {  	p0 =	seq.s32 s10, $0x1;
	s10 =	sld [smem:$0x3FB0];
	_ =	sdelay $0x3  }
0x34: {  	[smem:$0x3FB0] =	sst s10  }
0x35: {  	s10 =	sld [smem:$0x3FAF];
	_ =	sdelay $0x3  }
0x36: {  	p1 =	seq.s32 s10, $0x1;
	s10 =	sld [smem:$0x3FB0];
	_ =	sdelay $0x3  }
0x37: {  	[smem:$0x3FB0] =	sst s10  }
0x38: {  	s10 =	sld [smem:$0x3FB1]  }
0x39: {  	_ = 	snop;
	(pc) =	sbr.ind lr, $3  }
0x3a: {  	_ = 	snop  }
0x3b: {  	_ = 	snop  }
0x3c: {  	p2 =	seq.s32 s10, $0x1;
	s10 =	sld [smem:$0x3FB0]  }
0x3d: {  	_ =	shalt  }
0x3e: {  	_ =	shalt  }
0x3f: {  	_ =	shalt  }
0x40: {  	_ =	shalt  }
0x41: {  	_ =	shalt  }
0x42: {  	_ =	shalt  }
0x43: {  	_ =	shalt  }
0x44: {  	_ =	shalt  }
0x45: {  	_ =	shalt  }
0x46: {  	_ =	shalt  }
0x47: {  	_ =	shalt  }
0x48: {  	_ =	shalt  }
0x49: {  	_ =	shalt  }
0x4a: {  	_ =	shalt  }
0x4b: {  	_ =	shalt  }
0x4c: {  	_ =	shalt  }
0x4d: {  	_ =	shalt  }
0x4e: {  	_ =	shalt  }
0x4f: {  	_ =	shalt  }
0x50: {  	_ =	shalt  }
0x51: {  	_ =	shalt  }
0x52: {  	_ =	shalt  }
0x53: {  	_ =	shalt  }
0x54: {  	_ =	shalt  }
0x55: {  	_ =	shalt  }
0x56: {  	_ =	shalt  }
0x57: {  	_ =	shalt  }
0x58: {  	_ =	shalt  }
0x59: {  	_ =	shalt  }
0x5a: {  	_ =	shalt  }
0x5b: {  	_ =	shalt  }
0x5c: {  	_ =	shalt  }
0x5d: {  	_ =	shalt  }
0x5e: {  	_ =	shalt  }
0x5f: {  	_ =	shalt  }
0x60: {  	_ =	shalt  }
0x61: {  	_ =	shalt  }
0x62: {  	_ =	shalt  }
0x63: {  	_ =	shalt  }
0x64: {  	_ =	shalt  }
0x65: {  	_ =	shalt  }
0x66: {  	_ =	shalt  }
0x67: {  	_ =	shalt  }
0x68: {  	_ =	shalt  }
0x69: {  	_ =	shalt  }
0x6a: {  	_ =	shalt  }
0x6b: {  	_ =	shalt  }
0x6c: {  	_ =	shalt  }
0x6d: {  	_ =	shalt  }
0x6e: {  	_ =	shalt  }
0x6f: {  	_ =	shalt  }
0x70: {  	_ =	shalt  }
0x71: {  	_ =	shalt  }
0x72: {  	_ =	shalt  }
0x73: {  	_ =	shalt  }
0x74: {  	_ =	shalt  }
0x75: {  	_ =	shalt  }
0x76: {  	_ =	shalt  }
0x77: {  	_ =	shalt  }
0x78: {  	_ =	shalt  }
0x79: {  	_ =	shalt  }
0x7a: {  	_ =	shalt  }
0x7b: {  	_ =	shalt  }
0x7c: {  	_ =	shalt  }
0x7d: {  	_ =	shalt  }
0x7e: {  	_ =	shalt  }
0x7f: {  	_ =	shalt  }
0x80: {  	_ =	shalt  }
0x81: {  	_ =	shalt  }
0x82: {  	_ =	shalt  }
0x83: {  	_ =	shalt  }
0x84: {  	_ =	shalt  }
0x85: {  	_ =	shalt  }
0x86: {  	_ =	shalt  }
0x87: {  	_ =	shalt  }
.Lfunc_end0:
.L_simem_size_0:
called_computation.1_lowered:
.L_overlay_start_0:
0x88: {  	s2 =	sld [smem:$0x3FD9]  }
0x89: {  	s3 =	sld [smem:$0x3FFE];
	_ =	sdelay $0x1  }
0x8a: {  	s1 =	srdreg.scid  }
0x8b: {  	s0 =	sand.u32 $0x1, s1  }
0x8c: {  	s14 =	sshll.u32 s0, $0xA;
	s2 =	sadd.s32 s3, s2  }
0x8d: {  	s2 =	sadd.s32 s2, s14  }
0x8e: {  	[smem:$0x3FBC] =	sst s2  }
0x8f: {  	_ = 	snop  }
0x90: {  	s2 =	sld [smem:$0x3FD0];
	_ =	sdelay $0x2  }
0x91: {  	s15 =	simm.s32 $0xA;
	s4 =	simm.s32 $0x10  }
0x92: {  	[smem:s4], [sflag:s15] =	dma.local [hbm:s2], $0x1  }
0x93: {  	_ =	swait.eq [sflag:s15], $0x1  }
0x94: {  	[sflag:s15] =	ssyncset.done $0x0  }
0x95: {  	[sflag:s15] =	ssyncadd.s32 $0xFFFFFFFF  }
0x96: {  	s16 =	sld [smem:$0x10];
	(tm) =	ssettm $0x1  }
0x97: {  	s17 =	sld [smem:$0x3FFB];
	_ =	sdelay $0x3  }
0x98: {  	_ =	strace s17  }
0x99: {  	s3 =	sld [smem:$0x3FFC];
	_ =	sdelay $0x3  }
0x9a: {  	_ =	strace s3  }
0x9b: {  	s3 =	sld [smem:$0x3FFD];
	_ =	sdelay $0x3  }
0x9c: {  	_ =	strace s3  }
0x9d: {  	_ =	strace $0x8FFFFFFF  }
0x9e: {  	s18 =	sld [smem:$0x3FDB];
	_ =	sdelay $0x1  }
0x9f: {  	s19 =	simm.s32 $_scs_section_size  }
0xa0: {  	s5 =	simm.s32 $_size__tile_overlayer_lowered;
	s6 =	simm.s32 $_tile_overlayer_lowered  }
0xa1: {  	s22 =	simm.s32 $0x1BFF;
	s21 =	sshll.u32 s6, $0x1;
	s3 =	sadd.s32 s19, s18  }
0xa2: {  	s7 =	simm.s32 $0x0;
	s20 =	sshll.u32 s5, $0x1;
	s5 =	sadd.s32 s21, s3  }
0xa3: {  	[timem:s7], [sflag:s22] =	dma.local [hbm:s5], s20  }
0xa4: {  	_ =	swait.ge [sflag:s22], s20  }
0xa5: {  	s4 =	ssub.s32 $0x0, s20;
	[sflag:s22] =	ssyncset.done $0x0  }
0xa6: {  	[sflag:s22] =	ssyncadd.s32 s4;
	_ =	sdelay $0x1  }
0xa7: {  	s23 =	simm.s32 $0x1B8B  }
0xa8: {  	_ =	swait.ge [sflag:s23], $0x1  }
0xa9: {  	[sflag:s23] =	ssyncset.done $0x0  }
0xaa: {  	s25 =	simm.s32 $0x1B8E;
	s24 =	sld [smem:$0x3FFE];
	[sflag:s23] =	ssyncadd.s32 $0xFFFFFFFF  }
0xab: {  	s26 =	simm.s32 $execute0_lowered;
	[smem:$0x3FD2] =	sst s25  }
0xac: {  	s5 =	sshll.u32 s26, $0x1;
	_ =	strace $0x80000049;
	[dreg:$0x1] =	wrdreg $0xFFFFFFFF  }
0xad: {  	s28 =	simm.s32 $_size_execute0_lowered;
	s3 =	sadd.s32 s3, s5;
	[dreg:$0x0] =	wrdreg $0x0  }
0xae: {  	s5 =	sshll.u32 s28, $0x1;
	[dreg:$0x2] =	wrdreg s3  }
0xaf: {  	[dreg:$0x3] =	wrdreg s5  }
0xb0: {  	[dreg:$0x4] =	wrdreg $0xC0  }
0xb1: {  	_ =	task [dreg:s7], $0x5FFFF  }
0xb2: {  	[dreg:$0x1] =	wrdreg $0xFFFFFFFF  }
0xb3: {  	[dreg:$0x0] =	wrdreg $0x60  }
0xb4: {  	[dreg:$0x2] =	wrdreg s16  }
0xb5: {  	[dreg:$0x3] =	wrdreg s24  }
0xb6: {  	[dreg:$0x4] =	wrdreg $0xF0400  }
0xb7: {  	[dreg:$0x5] =	wrdreg $0x9  }
0xb8: {  	_ =	task.clear_ibuf [dreg:s7], $0x6FFFF;
	_ =	strace $0x90000049  }
0xb9: {  	s29 =	simm.s32 $0x9;
	_ =	strace $0x8000004B  }
0xba: {  	_ =	swait.ge [sflag:s29], $0x1  }
0xbb: {  	[sflag:s29] =	ssyncadd.s32 $0xFFFFFFFF  }
0xbc: {  	_ =	strace $0x9000004B  }
0xbd: {  	_ =	sfence  }
0xbe: {  	s30 =	sld [smem:$0x0];
	_ =	sdelay $0x2  }
0xbf: {  	s31 =	sshll.u32 s1, $0xD;
	s1 =	sshrl.u32 s1, $0x2  }
0xc0: {  	s3 =	sand.u32 $0x4000, s31;
	s1 =	sadd.s32 s1, s30  }
0xc1: {  	s0 =	sor.u32 s3, s0;
	s1 =	sshll.u32 s1, $0x11  }
0xc2: {  	s0 =	sor.u32 s1, s0  }
0xc3: {  	s0 =	sadd.s32 $0x8F2B, s0  }
0xc4: {  	[sflag:s0] =	ssyncadd.remote.s32 $0x1  }
0xc5: {  	_ =	sfence.sel $0xFFFF  }
0xc6: {  	[dreg:$0x0] =	wrdreg $0xFFFFFFFF;
	(pc) =	sbr.abs _section_cstart, $3  }
0xc7: {  	[dreg:$0x1] =	wrdreg $0xFFFFFFFF  }
0xc8: {  	_ =	task.clear_ibuf [dreg:s7], $0x2FFFF;
	_ =	strace $0x9FFFFFFF  }
0xc9: {  	(tm) =	ssettm $0x7FFFFFFF  }
tec
execute0_lowered:
.L_overlay_start_1:
0x0: {  	(tag) =	ssettag $0x1  }
0x1: {  	s1 =	srdreg.scid;
	s8 =	stileid.u32  }
0x2: {  	s1 =	sand.u32 $0x1, s1;
	s6 =	smul.u32 $0xA000, s8  }
0x3: {  	s2 =	rddreg [dreg:$0x0];
	s5 =	sshll.u32 s1, $0x4;
	s7 =	smul.u32 $0xA0000, s1  }
0x4: {  	s0 =	rddreg [dreg:$0x1];
	s5 =	sor.u32 s8, s5;
	s8 =	smul.u32 $0x28000, s8  }
0x5: {  	s3 =	rddreg [dreg:$0x2];
	s5 =	smul.u32 $0x500, s5  }
0x6: {  	s4 =	simm.s32 $0x0;
	s7 =	sadd.s32 s6, s7;
	s25 =	sshrl.u32 s8, $0x2  }
0x7: {  	s9 =	sadd.s32 s5, s0;
	s5 =	sadd.s32 s6, s3;
	s6 =	sadd.s32 s25, s3  }
0x8: {  	[smem:$0x7FF] =	sst s4;
	s23 =	sshrl.u32 s7, $0x3;
	s7 =	sadd.s32 $0x400, s6  }
0x9: {  	_ =	strace $0x8000004A;
	s26 =	sadd.s32 $0x800, s6;
	[dreg:$0x4] =	wrdreg s7  }
0xa: {  	s8 =	sadd.s32 $0xC00, s6;
	[dreg:$0x5] =	wrdreg s26  }
0xb: {  	s10 =	sadd.s32 $0x1000, s6;
	[dreg:$0x6] =	wrdreg s8  }
0xc: {  	s11 =	sadd.s32 $0x1400, s6;
	[dreg:$0x7] =	wrdreg s10  }
0xd: {  	s12 =	sadd.s32 $0x1800, s6;
	[dreg:$0x8] =	wrdreg s11  }
0xe: {  	s13 =	sadd.s32 $0x1C00, s6;
	[dreg:$0x9] =	wrdreg s12  }
0xf: {  	s14 =	sadd.s32 $0x2000, s6;
	[dreg:$0xa] =	wrdreg s13  }
0x10: {  	s15 =	sadd.s32 $0x2400, s6;
	[dreg:$0xb] =	wrdreg s14  }
0x11: {  	s16 =	sadd.s32 $0x2800, s6;
	[dreg:$0xc] =	wrdreg s15  }
0x12: {  	s17 =	sadd.s32 $0x2C00, s6;
	[dreg:$0xd] =	wrdreg s16  }
0x13: {  	s18 =	sadd.s32 $0x3000, s6;
	[dreg:$0xe] =	wrdreg s17  }
0x14: {  	s19 =	sadd.s32 $0x3400, s6;
	[dreg:$0xf] =	wrdreg s18  }
0x15: {  	s20 =	sadd.s32 $0x3800, s6;
	[dreg:$0x10] =	wrdreg s19  }
0x16: {  	s1 =	ssub.s32 $0x2, s1;
	s21 =	sadd.s32 $0x3C00, s6;
	[dreg:$0x11] =	wrdreg s20  }
0x17: {  	s24 =	sshrl.u32 s1, $0x1;
	s22 =	sadd.s32 $0x4000, s6;
	[dreg:$0x12] =	wrdreg s21  }
0x18: {  	s0 =	sadd.s32 s23, s0;
	s23 =	sadd.s32 $0x4400, s6;
	[dreg:$0x13] =	wrdreg s22  }
0x19: {  	s1 =	ssub.s32 s1, s24;
	s24 =	sadd.s32 $0x4800, s6;
	[dreg:$0x14] =	wrdreg s23  }
0x1a: {  	s25 =	sadd.s32 $0x4C00, s6;
	[dreg:$0x15] =	wrdreg s24  }
0x1b: {  	[dreg:$0x16] =	wrdreg s25;
	s26 =	sadd.s32 $0x5000, s6  }
0x1c: {  	s8 =	sadd.s32 $0x5400, s6;
	[dreg:$0x17] =	wrdreg s26  }
0x1d: {  	s10 =	sadd.s32 $0x5800, s6;
	[dreg:$0x18] =	wrdreg s8  }
0x1e: {  	s11 =	sadd.s32 $0x5C00, s6;
	[dreg:$0x19] =	wrdreg s10  }
0x1f: {  	s12 =	sadd.s32 $0x6000, s6;
	[dreg:$0x1a] =	wrdreg s11  }
0x20: {  	s13 =	sadd.s32 $0x6400, s6;
	[dreg:$0x1b] =	wrdreg s12  }
0x21: {  	s14 =	sadd.s32 $0x6800, s6;
	[dreg:$0x1c] =	wrdreg s13  }
0x22: {  	s15 =	sadd.s32 $0x6C00, s6;
	[dreg:$0x1d] =	wrdreg s14  }
0x23: {  	s16 =	sadd.s32 $0x7000, s6;
	[dreg:$0x1e] =	wrdreg s15  }
0x24: {  	s17 =	sadd.s32 $0x7400, s6;
	[dreg:$0x1f] =	wrdreg s16  }
0x25: {  	s18 =	sadd.s32 $0x7800, s6;
	[smem:$0x7F4] =	sst s17  }
0x26: {  	s19 =	sadd.s32 $0x7C00, s6;
	[smem:$0x7F5] =	sst s18  }
0x27: {  	s20 =	sadd.s32 $0x8000, s6;
	[smem:$0x7F6] =	sst s19  }
0x28: {  	s21 =	sadd.s32 $0x8400, s6;
	[smem:$0x7F7] =	sst s20  }
0x29: {  	s22 =	sadd.s32 $0x8800, s6;
	[smem:$0x7F8] =	sst s21  }
0x2a: {  	s28 =	simm.s32 $0x8E80;
	s23 =	sadd.s32 $0x8C00, s6;
	[smem:$0x7F9] =	sst s22  }
0x2b: {  	s29 =	simm.s32 $0xADC0;
	s24 =	sadd.s32 $0x9000, s6;
	[smem:$0x7FA] =	sst s23  }
0x2c: {  	s30 =	simm.s32 $0xCD00;
	s25 =	sadd.s32 $0x9400, s6;
	[smem:$0x7FB] =	sst s24  }
0x2d: {  	s31 =	simm.s32 $0x1;
	s7 =	simm.s32 $0x3;
	[smem:$0x7FC] =	sst s25  }
0x2e: {  	s26 =	sadd.s32 $0x9800, s6;
	s17 =	sadd.s32 $0x9C00, s6;
	s18 =	sadd.s32 $0xCE00, s9  }
0x2f: {  	s19 =	sadd.s32 $0x2E00, s9;
	s20 =	sadd.s32 $0x3EE00, s0;
	s21 =	smax.u32 s1, $0x1  }
0x30: {  	s22 =	simm.s32 $0xEC40;
	s23 =	simm.s32 $0xB;
	s24 =	simm.s32 $0x7D  }
0x31: {  	s25 =	simm.s32 $0x5000;
	s0 =	simm.s32 $0x6;
	s1 =	simm.s32 $0x2  }
0x32: {  	s6 =	simm.s32 $0x7;
	s8 =	simm.s32 $0x8;
	s9 =	simm.s32 $0x4  }
0x33: {  	s10 =	simm.s32 $0x9;
	s11 =	simm.s32 $0x5;
	s12 =	simm.s32 $0xA  }
0x34: {  	v0 =	vimm.f32 $0.0e+00;
	s13 =	simm.s32 $0x0;
	[smem:$0x7FD] =	sst s26;
	s26 =	simm.s32 $0x6F40  }
.LBB2_1:
0x35: {  	[tilespmem:$0xEC40] =	vst v0  }
0x36: {  	[tilespmem:$0xEC50] =	vst v0  }
0x37: {  	[tilespmem:$0xEC60] =	vst v0  }
0x38: {  	[tilespmem:$0xEC70] =	vst v0  }
0x39: {  	[tilespmem:$0xEC80] =	vst v0  }
0x3a: {  	[tilespmem:$0xEC90] =	vst v0  }
0x3b: {  	[tilespmem:$0xECA0] =	vst v0  }
0x3c: {  	[tilespmem:$0xECB0] =	vst v0  }
0x3d: {  	[tilespmem:$0xECC0] =	vst v0  }
0x3e: {  	[tilespmem:$0xECD0] =	vst v0  }
0x3f: {  	[tilespmem:$0xECE0] =	vst v0  }
0x40: {  	[tilespmem:$0xECF0] =	vst v0  }
0x41: {  	[tilespmem:$0xED00] =	vst v0  }
0x42: {  	[tilespmem:$0xED10] =	vst v0  }
0x43: {  	[tilespmem:$0xED20] =	vst v0  }
0x44: {  	[tilespmem:$0xED30] =	vst v0  }
0x45: {  	[tilespmem:$0xED40] =	vst v0  }
0x46: {  	[tilespmem:$0xED50] =	vst v0  }
0x47: {  	[tilespmem:$0xED60] =	vst v0  }
0x48: {  	[tilespmem:$0xED70] =	vst v0  }
0x49: {  	[tilespmem:$0xED80] =	vst v0  }
0x4a: {  	[tilespmem:$0xED90] =	vst v0  }
0x4b: {  	[tilespmem:$0xEDA0] =	vst v0  }
0x4c: {  	[tilespmem:$0xEDB0] =	vst v0  }
0x4d: {  	[tilespmem:$0xEDC0] =	vst v0  }
0x4e: {  	[tilespmem:$0xEDD0] =	vst v0  }
0x4f: {  	[tilespmem:$0xEDE0] =	vst v0  }
0x50: {  	[tilespmem:$0xEDF0] =	vst v0  }
0x51: {  	[tilespmem:$0xEE00] =	vst v0  }
0x52: {  	[tilespmem:$0xEE10] =	vst v0  }
0x53: {  	[tilespmem:$0xEE20] =	vst v0  }
0x54: {  	[tilespmem:$0xEE30] =	vst v0  }
0x55: {  	[tilespmem:$0xEE40] =	vst v0  }
0x56: {  	[tilespmem:$0xEE50] =	vst v0  }
0x57: {  	[tilespmem:$0xEE60] =	vst v0  }
0x58: {  	[tilespmem:$0xEE70] =	vst v0  }
0x59: {  	[tilespmem:$0xEE80] =	vst v0  }
0x5a: {  	[tilespmem:$0xEE90] =	vst v0  }
0x5b: {  	[tilespmem:$0xEEA0] =	vst v0  }
0x5c: {  	[tilespmem:$0xEEB0] =	vst v0  }
0x5d: {  	[tilespmem:$0xEEC0] =	vst v0  }
0x5e: {  	[tilespmem:$0xEED0] =	vst v0  }
0x5f: {  	[tilespmem:$0xEEE0] =	vst v0  }
0x60: {  	[tilespmem:$0xEEF0] =	vst v0  }
0x61: {  	[tilespmem:$0xEF00] =	vst v0  }
0x62: {  	[tilespmem:$0xEF10] =	vst v0  }
0x63: {  	[tilespmem:$0xEF20] =	vst v0  }
0x64: {  	[tilespmem:$0xEF30] =	vst v0  }
0x65: {  	[tilespmem:$0xEF40] =	vst v0  }
0x66: {  	[tilespmem:$0xEF50] =	vst v0  }
0x67: {  	[tilespmem:$0xEF60] =	vst v0  }
0x68: {  	[tilespmem:$0xEF70] =	vst v0  }
0x69: {  	[tilespmem:$0xEF80] =	vst v0  }
0x6a: {  	[tilespmem:$0xEF90] =	vst v0  }
0x6b: {  	[tilespmem:$0xEFA0] =	vst v0  }
0x6c: {  	[tilespmem:$0xEFB0] =	vst v0  }
0x6d: {  	[tilespmem:$0xEFC0] =	vst v0  }
0x6e: {  	[tilespmem:$0xEFD0] =	vst v0  }
0x6f: {  	[tilespmem:$0xEFE0] =	vst v0  }
0x70: {  	[tilespmem:$0xEFF0] =	vst v0  }
0x71: {  	[tilespmem:$0xF000] =	vst v0  }
0x72: {  	[tilespmem:$0xF010] =	vst v0  }
0x73: {  	[tilespmem:$0xF020] =	vst v0  }
0x74: {  	[tilespmem:$0xF030] =	vst v0  }
0x75: {  	[spmem:s5] =	stream.linear.scatter [tilespmem:s22], [sflag:$0xB], $0x400, $0x38;
	[tilespmem:$0x19040] =	vst v63  }
0x76: {  	_ =	swait.ge [sflag:s23], $0x400  }
0x77: {  	[sflag:s23] =	ssyncset.done $0x0  }
0x78: {  	s14 =	rddreg [dreg:$0x4];
	[sflag:s23] =	ssyncadd.s32 $0xFFFFFC00  }
0x79: {  	[spmem:s14] =	stream.linear.scatter [tilespmem:s22], [sflag:$0xB], $0x400, $0x38;
	[tilespmem:$0x19040] =	vst v63  }
0x7a: {  	_ =	swait.ge [sflag:s23], $0x400  }
0x7b: {  	[sflag:s23] =	ssyncset.done $0x0  }
0x7c: {  	s16 =	rddreg [dreg:$0x5];
	[sflag:s23] =	ssyncadd.s32 $0xFFFFFC00  }
0x7d: {  	[spmem:s16] =	stream.linear.scatter [tilespmem:s22], [sflag:$0xB], $0x400, $0x38;
	[tilespmem:$0x19040] =	vst v63  }
0x7e: {  	_ =	swait.ge [sflag:s23], $0x400  }
0x7f: {  	[sflag:s23] =	ssyncset.done $0x0  }
0x80: {  	s15 =	rddreg [dreg:$0x6];
	[sflag:s23] =	ssyncadd.s32 $0xFFFFFC00  }
0x81: {  	[spmem:s15] =	stream.linear.scatter [tilespmem:s22], [sflag:$0xB], $0x400, $0x38;
	[tilespmem:$0x19040] =	vst v63  }
0x82: {  	_ =	swait.ge [sflag:s23], $0x400  }
0x83: {  	[sflag:s23] =	ssyncset.done $0x0  }
0x84: {  	s16 =	rddreg [dreg:$0x7];
	[sflag:s23] =	ssyncadd.s32 $0xFFFFFC00  }
0x85: {  	[spmem:s16] =	stream.linear.scatter [tilespmem:s22], [sflag:$0xB], $0x400, $0x38;
	[tilespmem:$0x19040] =	vst v63  }
0x86: {  	_ =	swait.ge [sflag:s23], $0x400  }
0x87: {  	[sflag:s23] =	ssyncset.done $0x0  }
0x88: {  	s15 =	rddreg [dreg:$0x8];
	[sflag:s23] =	ssyncadd.s32 $0xFFFFFC00  }
0x89: {  	[spmem:s15] =	stream.linear.scatter [tilespmem:s22], [sflag:$0xB], $0x400, $0x38;
	[tilespmem:$0x19040] =	vst v63  }
0x8a: {  	_ =	swait.ge [sflag:s23], $0x400  }
0x8b: {  	[sflag:s23] =	ssyncset.done $0x0  }
0x8c: {  	s16 =	rddreg [dreg:$0x9];
	[sflag:s23] =	ssyncadd.s32 $0xFFFFFC00  }
0x8d: {  	[spmem:s16] =	stream.linear.scatter [tilespmem:s22], [sflag:$0xB], $0x400, $0x38;
	[tilespmem:$0x19040] =	vst v63  }
0x8e: {  	_ =	swait.ge [sflag:s23], $0x400  }
0x8f: {  	[sflag:s23] =	ssyncset.done $0x0  }
0x90: {  	s15 =	rddreg [dreg:$0xa];
	[sflag:s23] =	ssyncadd.s32 $0xFFFFFC00  }
0x91: {  	[spmem:s15] =	stream.linear.scatter [tilespmem:s22], [sflag:$0xB], $0x400, $0x38;
	[tilespmem:$0x19040] =	vst v63  }
0x92: {  	_ =	swait.ge [sflag:s23], $0x400  }
0x93: {  	[sflag:s23] =	ssyncset.done $0x0  }
0x94: {  	s16 =	rddreg [dreg:$0xb];
	[sflag:s23] =	ssyncadd.s32 $0xFFFFFC00  }
0x95: {  	[spmem:s16] =	stream.linear.scatter [tilespmem:s22], [sflag:$0xB], $0x400, $0x38;
	[tilespmem:$0x19040] =	vst v63  }
0x96: {  	_ =	swait.ge [sflag:s23], $0x400  }
0x97: {  	[sflag:s23] =	ssyncset.done $0x0  }
0x98: {  	s15 =	rddreg [dreg:$0xc];
	[sflag:s23] =	ssyncadd.s32 $0xFFFFFC00  }
0x99: {  	[spmem:s15] =	stream.linear.scatter [tilespmem:s22], [sflag:$0xB], $0x400, $0x38;
	[tilespmem:$0x19040] =	vst v63  }
0x9a: {  	_ =	swait.ge [sflag:s23], $0x400  }
0x9b: {  	[sflag:s23] =	ssyncset.done $0x0  }
0x9c: {  	s16 =	rddreg [dreg:$0xd];
	[sflag:s23] =	ssyncadd.s32 $0xFFFFFC00  }
0x9d: {  	[spmem:s16] =	stream.linear.scatter [tilespmem:s22], [sflag:$0xB], $0x400, $0x38;
	[tilespmem:$0x19040] =	vst v63  }
0x9e: {  	_ =	swait.ge [sflag:s23], $0x400  }
0x9f: {  	[sflag:s23] =	ssyncset.done $0x0  }
0xa0: {  	s15 =	rddreg [dreg:$0xe];
	[sflag:s23] =	ssyncadd.s32 $0xFFFFFC00  }
0xa1: {  	[spmem:s15] =	stream.linear.scatter [tilespmem:s22], [sflag:$0xB], $0x400, $0x38;
	[tilespmem:$0x19040] =	vst v63  }
0xa2: {  	_ =	swait.ge [sflag:s23], $0x400  }
0xa3: {  	[sflag:s23] =	ssyncset.done $0x0  }
0xa4: {  	s16 =	rddreg [dreg:$0xf];
	[sflag:s23] =	ssyncadd.s32 $0xFFFFFC00  }
0xa5: {  	[spmem:s16] =	stream.linear.scatter [tilespmem:s22], [sflag:$0xB], $0x400, $0x38;
	[tilespmem:$0x19040] =	vst v63  }
0xa6: {  	_ =	swait.ge [sflag:s23], $0x400  }
0xa7: {  	[sflag:s23] =	ssyncset.done $0x0  }
0xa8: {  	s15 =	rddreg [dreg:$0x10];
	[sflag:s23] =	ssyncadd.s32 $0xFFFFFC00  }
0xa9: {  	[spmem:s15] =	stream.linear.scatter [tilespmem:s22], [sflag:$0xB], $0x400, $0x38;
	[tilespmem:$0x19040] =	vst v63  }
0xaa: {  	_ =	swait.ge [sflag:s23], $0x400  }
0xab: {  	[sflag:s23] =	ssyncset.done $0x0  }
0xac: {  	s16 =	rddreg [dreg:$0x11];
	[sflag:s23] =	ssyncadd.s32 $0xFFFFFC00  }
0xad: {  	[spmem:s16] =	stream.linear.scatter [tilespmem:s22], [sflag:$0xB], $0x400, $0x38;
	[tilespmem:$0x19040] =	vst v63  }
0xae: {  	_ =	swait.ge [sflag:s23], $0x400  }
0xaf: {  	[sflag:s23] =	ssyncset.done $0x0  }
0xb0: {  	s15 =	rddreg [dreg:$0x12];
	[sflag:s23] =	ssyncadd.s32 $0xFFFFFC00  }
0xb1: {  	[spmem:s15] =	stream.linear.scatter [tilespmem:s22], [sflag:$0xB], $0x400, $0x38;
	[tilespmem:$0x19040] =	vst v63  }
0xb2: {  	_ =	swait.ge [sflag:s23], $0x400  }
0xb3: {  	[sflag:s23] =	ssyncset.done $0x0  }
0xb4: {  	s16 =	rddreg [dreg:$0x13];
	[sflag:s23] =	ssyncadd.s32 $0xFFFFFC00  }
0xb5: {  	[spmem:s16] =	stream.linear.scatter [tilespmem:s22], [sflag:$0xB], $0x400, $0x38;
	[tilespmem:$0x19040] =	vst v63  }
0xb6: {  	_ =	swait.ge [sflag:s23], $0x400  }
0xb7: {  	[sflag:s23] =	ssyncset.done $0x0  }
0xb8: {  	s15 =	rddreg [dreg:$0x14];
	[sflag:s23] =	ssyncadd.s32 $0xFFFFFC00  }
0xb9: {  	[spmem:s15] =	stream.linear.scatter [tilespmem:s22], [sflag:$0xB], $0x400, $0x38;
	[tilespmem:$0x19040] =	vst v63  }
0xba: {  	_ =	swait.ge [sflag:s23], $0x400  }
0xbb: {  	[sflag:s23] =	ssyncset.done $0x0  }
0xbc: {  	s16 =	rddreg [dreg:$0x15];
	[sflag:s23] =	ssyncadd.s32 $0xFFFFFC00  }
0xbd: {  	[spmem:s16] =	stream.linear.scatter [tilespmem:s22], [sflag:$0xB], $0x400, $0x38;
	[tilespmem:$0x19040] =	vst v63  }
0xbe: {  	_ =	swait.ge [sflag:s23], $0x400  }
0xbf: {  	[sflag:s23] =	ssyncset.done $0x0  }
0xc0: {  	s15 =	rddreg [dreg:$0x16];
	[sflag:s23] =	ssyncadd.s32 $0xFFFFFC00  }
0xc1: {  	[spmem:s15] =	stream.linear.scatter [tilespmem:s22], [sflag:$0xB], $0x400, $0x38;
	[tilespmem:$0x19040] =	vst v63  }
0xc2: {  	_ =	swait.ge [sflag:s23], $0x400  }
0xc3: {  	[sflag:s23] =	ssyncset.done $0x0  }
0xc4: {  	s16 =	rddreg [dreg:$0x17];
	[sflag:s23] =	ssyncadd.s32 $0xFFFFFC00  }
0xc5: {  	[spmem:s16] =	stream.linear.scatter [tilespmem:s22], [sflag:$0xB], $0x400, $0x38;
	[tilespmem:$0x19040] =	vst v63  }
0xc6: {  	_ =	swait.ge [sflag:s23], $0x400  }
0xc7: {  	[sflag:s23] =	ssyncset.done $0x0  }
0xc8: {  	s15 =	rddreg [dreg:$0x18];
	[sflag:s23] =	ssyncadd.s32 $0xFFFFFC00  }
0xc9: {  	[spmem:s15] =	stream.linear.scatter [tilespmem:s22], [sflag:$0xB], $0x400, $0x38;
	[tilespmem:$0x19040] =	vst v63  }
0xca: {  	_ =	swait.ge [sflag:s23], $0x400  }
0xcb: {  	[sflag:s23] =	ssyncset.done $0x0  }
0xcc: {  	s16 =	rddreg [dreg:$0x19];
	[sflag:s23] =	ssyncadd.s32 $0xFFFFFC00  }
0xcd: {  	[spmem:s16] =	stream.linear.scatter [tilespmem:s22], [sflag:$0xB], $0x400, $0x38;
	[tilespmem:$0x19040] =	vst v63  }
0xce: {  	_ =	swait.ge [sflag:s23], $0x400  }
0xcf: {  	[sflag:s23] =	ssyncset.done $0x0  }
0xd0: {  	s15 =	rddreg [dreg:$0x1a];
	[sflag:s23] =	ssyncadd.s32 $0xFFFFFC00  }
0xd1: {  	[spmem:s15] =	stream.linear.scatter [tilespmem:s22], [sflag:$0xB], $0x400, $0x38;
	[tilespmem:$0x19040] =	vst v63  }
0xd2: {  	_ =	swait.ge [sflag:s23], $0x400  }
0xd3: {  	[sflag:s23] =	ssyncset.done $0x0  }
0xd4: {  	s16 =	rddreg [dreg:$0x1b];
	[sflag:s23] =	ssyncadd.s32 $0xFFFFFC00  }
0xd5: {  	[spmem:s16] =	stream.linear.scatter [tilespmem:s22], [sflag:$0xB], $0x400, $0x38;
	[tilespmem:$0x19040] =	vst v63  }
0xd6: {  	_ =	swait.ge [sflag:s23], $0x400  }
0xd7: {  	[sflag:s23] =	ssyncset.done $0x0  }
0xd8: {  	s15 =	rddreg [dreg:$0x1c];
	[sflag:s23] =	ssyncadd.s32 $0xFFFFFC00  }
0xd9: {  	[spmem:s15] =	stream.linear.scatter [tilespmem:s22], [sflag:$0xB], $0x400, $0x38;
	[tilespmem:$0x19040] =	vst v63  }
0xda: {  	_ =	swait.ge [sflag:s23], $0x400  }
0xdb: {  	[sflag:s23] =	ssyncset.done $0x0  }
0xdc: {  	s16 =	rddreg [dreg:$0x1d];
	[sflag:s23] =	ssyncadd.s32 $0xFFFFFC00  }
0xdd: {  	[spmem:s16] =	stream.linear.scatter [tilespmem:s22], [sflag:$0xB], $0x400, $0x38;
	[tilespmem:$0x19040] =	vst v63  }
0xde: {  	_ =	swait.ge [sflag:s23], $0x400  }
0xdf: {  	[sflag:s23] =	ssyncset.done $0x0  }
0xe0: {  	s15 =	rddreg [dreg:$0x1e];
	[sflag:s23] =	ssyncadd.s32 $0xFFFFFC00  }
0xe1: {  	[spmem:s15] =	stream.linear.scatter [tilespmem:s22], [sflag:$0xB], $0x400, $0x38;
	[tilespmem:$0x19040] =	vst v63  }
0xe2: {  	_ =	swait.ge [sflag:s23], $0x400  }
0xe3: {  	[sflag:s23] =	ssyncset.done $0x0  }
0xe4: {  	s16 =	rddreg [dreg:$0x1f];
	[sflag:s23] =	ssyncadd.s32 $0xFFFFFC00  }
0xe5: {  	[spmem:s16] =	stream.linear.scatter [tilespmem:s22], [sflag:$0xB], $0x400, $0x38;
	[tilespmem:$0x19040] =	vst v63  }
0xe6: {  	_ =	swait.ge [sflag:s23], $0x400  }
0xe7: {  	s15 =	sld [smem:$0x7F4]  }
0xe8: {  	[sflag:s23] =	ssyncset.done $0x0  }
0xe9: {  	[sflag:s23] =	ssyncadd.s32 $0xFFFFFC00  }
0xea: {  	[spmem:s15] =	stream.linear.scatter [tilespmem:s22], [sflag:$0xB], $0x400, $0x38;
	[tilespmem:$0x19040] =	vst v63  }
0xeb: {  	_ =	swait.ge [sflag:s23], $0x400  }
0xec: {  	s16 =	sld [smem:$0x7F5]  }
0xed: {  	[sflag:s23] =	ssyncset.done $0x0  }
0xee: {  	[sflag:s23] =	ssyncadd.s32 $0xFFFFFC00  }
0xef: {  	[spmem:s16] =	stream.linear.scatter [tilespmem:s22], [sflag:$0xB], $0x400, $0x38;
	[tilespmem:$0x19040] =	vst v63  }
0xf0: {  	_ =	swait.ge [sflag:s23], $0x400  }
0xf1: {  	s15 =	sld [smem:$0x7F6]  }
0xf2: {  	[sflag:s23] =	ssyncset.done $0x0  }
0xf3: {  	[sflag:s23] =	ssyncadd.s32 $0xFFFFFC00  }
0xf4: {  	[spmem:s15] =	stream.linear.scatter [tilespmem:s22], [sflag:$0xB], $0x400, $0x38;
	[tilespmem:$0x19040] =	vst v63  }
0xf5: {  	_ =	swait.ge [sflag:s23], $0x400  }
0xf6: {  	s16 =	sld [smem:$0x7F7]  }
0xf7: {  	[sflag:s23] =	ssyncset.done $0x0  }
0xf8: {  	[sflag:s23] =	ssyncadd.s32 $0xFFFFFC00  }
0xf9: {  	[spmem:s16] =	stream.linear.scatter [tilespmem:s22], [sflag:$0xB], $0x400, $0x38;
	[tilespmem:$0x19040] =	vst v63  }
0xfa: {  	_ =	swait.ge [sflag:s23], $0x400  }
0xfb: {  	s15 =	sld [smem:$0x7F8]  }
0xfc: {  	[sflag:s23] =	ssyncset.done $0x0  }
0xfd: {  	[sflag:s23] =	ssyncadd.s32 $0xFFFFFC00  }
0xfe: {  	[spmem:s15] =	stream.linear.scatter [tilespmem:s22], [sflag:$0xB], $0x400, $0x38;
	[tilespmem:$0x19040] =	vst v63  }
0xff: {  	_ =	swait.ge [sflag:s23], $0x400  }
0x100: {  	s16 =	sld [smem:$0x7F9]  }
0x101: {  	[sflag:s23] =	ssyncset.done $0x0  }
0x102: {  	[sflag:s23] =	ssyncadd.s32 $0xFFFFFC00  }
0x103: {  	[spmem:s16] =	stream.linear.scatter [tilespmem:s22], [sflag:$0xB], $0x400, $0x38;
	[tilespmem:$0x19040] =	vst v63  }
0x104: {  	_ =	swait.ge [sflag:s23], $0x400  }
0x105: {  	s15 =	sld [smem:$0x7FA]  }
0x106: {  	[sflag:s23] =	ssyncset.done $0x0  }
0x107: {  	[sflag:s23] =	ssyncadd.s32 $0xFFFFFC00  }
0x108: {  	[spmem:s15] =	stream.linear.scatter [tilespmem:s22], [sflag:$0xB], $0x400, $0x38;
	[tilespmem:$0x19040] =	vst v63  }
0x109: {  	_ =	swait.ge [sflag:s23], $0x400  }
0x10a: {  	s16 =	sld [smem:$0x7FB]  }
0x10b: {  	[sflag:s23] =	ssyncset.done $0x0  }
0x10c: {  	[sflag:s23] =	ssyncadd.s32 $0xFFFFFC00  }
0x10d: {  	[spmem:s16] =	stream.linear.scatter [tilespmem:s22], [sflag:$0xB], $0x400, $0x38;
	[tilespmem:$0x19040] =	vst v63  }
0x10e: {  	_ =	swait.ge [sflag:s23], $0x400  }
0x10f: {  	s15 =	sld [smem:$0x7FC]  }
0x110: {  	[sflag:s23] =	ssyncset.done $0x0  }
0x111: {  	[sflag:s23] =	ssyncadd.s32 $0xFFFFFC00  }
0x112: {  	[spmem:s15] =	stream.linear.scatter [tilespmem:s22], [sflag:$0xB], $0x400, $0x38;
	[tilespmem:$0x19040] =	vst v63  }
0x113: {  	_ =	swait.ge [sflag:s23], $0x400  }
0x114: {  	s16 =	sld [smem:$0x7FD]  }
0x115: {  	[sflag:s23] =	ssyncset.done $0x0  }
0x116: {  	[sflag:s23] =	ssyncadd.s32 $0xFFFFFC00  }
0x117: {  	[spmem:s16] =	stream.linear.scatter [tilespmem:s22], [sflag:$0xB], $0x400, $0x38;
	[tilespmem:$0x19040] =	vst v63  }
0x118: {  	_ =	swait.ge [sflag:s23], $0x400  }
0x119: {  	[sflag:s23] =	ssyncset.done $0x0  }
0x11a: {  	[sflag:s23] =	ssyncadd.s32 $0xFFFFFC00  }
0x11b: {  	[spmem:s17] =	stream.linear.scatter [tilespmem:s22], [sflag:$0xB], $0x400, $0x38;
	[tilespmem:$0x19040] =	vst v63  }
0x11c: {  	_ =	swait.ge [sflag:s23], $0x400  }
0x11d: {  	[sflag:s23] =	ssyncset.done $0x0  }
0x11e: {  	[sflag:s23] =	ssyncadd.s32 $0xFFFFFC00  }
0x11f: {  	[tilespmem:s4], [sflag:$0xB] =	stream.linear.gather [hbm4b:s18+s4], $0x2800, $0x38;
	[tilespmem:$0x19040] =	vst v63  }
0x120: {  	_ =	swait.ge [sflag:s23], $0x2800  }
0x121: {  	[sflag:s23] =	ssyncset.done $0x0  }
0x122: {  	s15 =	simm.s32 $0x2800;
	[sflag:s23] =	ssyncadd.s32 $0xFFFFD800  }
0x123: {  	[tilespmem:s15], [sflag:$0xB] =	stream.linear.gather [hbm4b:s19+s4], $0x2800, $0x38;
	[tilespmem:$0x19040] =	vst v63  }
0x124: {  	_ =	swait.ge [sflag:s23], $0x2800  }
0x125: {  	[sflag:s23] =	ssyncset.done $0x0  }
0x126: {  	[sflag:s23] =	ssyncadd.s32 $0xFFFFD800  }
0x127: {  	[bflag:$0x0] =	sbarrier.arrive $0xFFFF  }
0x128: {  	[tilespmem:s25], [sflag:$0x1] =	stream.indirect.gather [hbm4b:s2+s24], $0x40, s4, s24, $0xb8;
	[tilespmem:$0x19040] =	vst v63  }
0x129: {  	s16 =	simm.s32 $0x80  }
0x12a: {  	[tilespmem:s26], [sflag:$0x2] =	stream.indirect.gather [hbm4b:s2+s24], $0x40, s16, s24, $0xb8;
	[tilespmem:$0x19040] =	vst v63  }
0x12b: {  	s15 =	simm.s32 $0x100  }
0x12c: {  	[tilespmem:s28], [sflag:$0x3] =	stream.indirect.gather [hbm4b:s2+s24], $0x40, s15, s24, $0xb8;
	[tilespmem:$0x19040] =	vst v63  }
0x12d: {  	s16 =	simm.s32 $0x180  }
0x12e: {  	[tilespmem:s29], [sflag:$0x4] =	stream.indirect.gather [hbm4b:s2+s24], $0x40, s16, s24, $0xb8;
	[tilespmem:$0x19040] =	vst v63  }
0x12f: {  	s15 =	simm.s32 $0x200  }
0x130: {  	[tilespmem:s30], [sflag:$0x5] =	stream.indirect.gather [hbm4b:s2+s24], $0x40, s15, s24, $0xb8;
	[tilespmem:$0x19040] =	vst v63  }
0x131: {  	_ =	swait.ge [sflag:s31], $0x1F40  }
0x132: {  	[sflag:s31] =	ssyncset.done $0x0  }
0x133: {  	s16 =	simm.s32 $0x2800;
	[sflag:s31] =	ssyncadd.s32 $0xFFFFE0C0  }
0x134: {  	[spmem:s3] =	stream.indirect.scatter.add.f32 [tilespmem:s25], [sflag:$0x6], $0x40, s16, s24, $0xb8;
	[tilespmem:$0x19040] =	vst v63  }
0x135: {  	_ =	swait.ge [sflag:s0], $0x1F40  }
0x136: {  	[sflag:s0] =	ssyncset.done $0x0  }
0x137: {  	s15 =	simm.s32 $0x280;
	[sflag:s0] =	ssyncadd.s32 $0xFFFFE0C0  }
0x138: {  	[tilespmem:s25], [sflag:$0x1] =	stream.indirect.gather [hbm4b:s2+s24], $0x40, s15, s24, $0xb8;
	[tilespmem:$0x19040] =	vst v63  }
0x139: {  	_ =	swait.ge [sflag:s1], $0x1F40  }
0x13a: {  	[sflag:s1] =	ssyncset.done $0x0  }
0x13b: {  	s16 =	simm.s32 $0x2880;
	[sflag:s1] =	ssyncadd.s32 $0xFFFFE0C0  }
0x13c: {  	[spmem:s3] =	stream.indirect.scatter.add.f32 [tilespmem:s26], [sflag:$0x7], $0x40, s16, s24, $0xb8;
	[tilespmem:$0x19040] =	vst v63  }
0x13d: {  	_ =	swait.ge [sflag:s6], $0x1F40  }
0x13e: {  	[sflag:s6] =	ssyncset.done $0x0  }
0x13f: {  	s15 =	simm.s32 $0x300;
	[sflag:s6] =	ssyncadd.s32 $0xFFFFE0C0  }
0x140: {  	[tilespmem:s26], [sflag:$0x2] =	stream.indirect.gather [hbm4b:s2+s24], $0x40, s15, s24, $0xb8;
	[tilespmem:$0x19040] =	vst v63  }
0x141: {  	_ =	swait.ge [sflag:s7], $0x1F40  }
0x142: {  	[sflag:s7] =	ssyncset.done $0x0  }
0x143: {  	s16 =	simm.s32 $0x2900;
	[sflag:s7] =	ssyncadd.s32 $0xFFFFE0C0  }
0x144: {  	[spmem:s3] =	stream.indirect.scatter.add.f32 [tilespmem:s28], [sflag:$0x8], $0x40, s16, s24, $0xb8;
	[tilespmem:$0x19040] =	vst v63  }
0x145: {  	_ =	swait.ge [sflag:s8], $0x1F40  }
0x146: {  	[sflag:s8] =	ssyncset.done $0x0  }
0x147: {  	s15 =	simm.s32 $0x380;
	[sflag:s8] =	ssyncadd.s32 $0xFFFFE0C0  }
0x148: {  	[tilespmem:s28], [sflag:$0x3] =	stream.indirect.gather [hbm4b:s2+s24], $0x40, s15, s24, $0xb8;
	[tilespmem:$0x19040] =	vst v63  }
0x149: {  	_ =	swait.ge [sflag:s9], $0x1F40  }
0x14a: {  	[sflag:s9] =	ssyncset.done $0x0  }
0x14b: {  	s16 =	simm.s32 $0x2980;
	[sflag:s9] =	ssyncadd.s32 $0xFFFFE0C0  }
0x14c: {  	[spmem:s3] =	stream.indirect.scatter.add.f32 [tilespmem:s29], [sflag:$0x9], $0x40, s16, s24, $0xb8;
	[tilespmem:$0x19040] =	vst v63  }
0x14d: {  	_ =	swait.ge [sflag:s10], $0x1F40  }
0x14e: {  	[sflag:s10] =	ssyncset.done $0x0  }
0x14f: {  	s15 =	simm.s32 $0x400;
	[sflag:s10] =	ssyncadd.s32 $0xFFFFE0C0  }
0x150: {  	[tilespmem:s29], [sflag:$0x4] =	stream.indirect.gather [hbm4b:s2+s24], $0x40, s15, s24, $0xb8;
	[tilespmem:$0x19040] =	vst v63  }
0x151: {  	_ =	swait.ge [sflag:s11], $0x1F40  }
0x152: {  	[sflag:s11] =	ssyncset.done $0x0  }
0x153: {  	s16 =	simm.s32 $0x2A00;
	[sflag:s11] =	ssyncadd.s32 $0xFFFFE0C0  }
0x154: {  	[spmem:s3] =	stream.indirect.scatter.add.f32 [tilespmem:s30], [sflag:$0xA], $0x40, s16, s24, $0xb8;
	[tilespmem:$0x19040] =	vst v63  }
0x155: {  	_ =	swait.ge [sflag:s12], $0x1F40  }
0x156: {  	[sflag:s12] =	ssyncset.done $0x0  }
0x157: {  	s14 =	simm.s32 $0xA00;
	s15 =	simm.s32 $0x480;
	[sflag:s12] =	ssyncadd.s32 $0xFFFFE0C0  }
.LBB2_2:
0x158: {  	[tilespmem:s30], [sflag:$0x5] =	stream.indirect.gather [hbm4b:s2+s24], $0x40, s15, s24, $0xb8;
	[tilespmem:$0x19040] =	vst v63  }
0x159: {  	s15 =	smov.u32 s14  }
0x15a: {  	p0 =	sne.s32 s14, $0x8C00;
	s14 =	sadd.s32 $0xA00, s14;
	_ =	swait.ge [sflag:s31], $0x1F40  }
0x15b: {  	s15 =	sshra.s32 s15, $0x2;
	[sflag:s31] =	ssyncset.done $0x0  }
0x15c: {  	s16 =	sadd.s32 $0x2800, s15;
	[sflag:s31] =	ssyncadd.s32 $0xFFFFE0C0  }
0x15d: {  	[spmem:s3] =	stream.indirect.scatter.add.f32 [tilespmem:s25], [sflag:$0x6], $0x40, s16, s24, $0xb8;
	[tilespmem:$0x19040] =	vst v63  }
0x15e: {  	_ =	swait.ge [sflag:s0], $0x1F40  }
0x15f: {  	[sflag:s0] =	ssyncset.done $0x0  }
0x160: {  	s16 =	sadd.s32 $0x280, s15;
	[sflag:s0] =	ssyncadd.s32 $0xFFFFE0C0  }
0x161: {  	[tilespmem:s25], [sflag:$0x1] =	stream.indirect.gather [hbm4b:s2+s24], $0x40, s16, s24, $0xb8;
	[tilespmem:$0x19040] =	vst v63  }
0x162: {  	_ =	swait.ge [sflag:s1], $0x1F40  }
0x163: {  	[sflag:s1] =	ssyncset.done $0x0  }
0x164: {  	s16 =	sadd.s32 $0x2880, s15;
	[sflag:s1] =	ssyncadd.s32 $0xFFFFE0C0  }
0x165: {  	[spmem:s3] =	stream.indirect.scatter.add.f32 [tilespmem:s26], [sflag:$0x7], $0x40, s16, s24, $0xb8;
	[tilespmem:$0x19040] =	vst v63  }
0x166: {  	_ =	swait.ge [sflag:s6], $0x1F40  }
0x167: {  	[sflag:s6] =	ssyncset.done $0x0  }
0x168: {  	s16 =	sadd.s32 $0x300, s15;
	[sflag:s6] =	ssyncadd.s32 $0xFFFFE0C0  }
0x169: {  	[tilespmem:s26], [sflag:$0x2] =	stream.indirect.gather [hbm4b:s2+s24], $0x40, s16, s24, $0xb8;
	[tilespmem:$0x19040] =	vst v63  }
0x16a: {  	_ =	swait.ge [sflag:s7], $0x1F40  }
0x16b: {  	[sflag:s7] =	ssyncset.done $0x0  }
0x16c: {  	s16 =	sadd.s32 $0x2900, s15;
	[sflag:s7] =	ssyncadd.s32 $0xFFFFE0C0  }
0x16d: {  	[spmem:s3] =	stream.indirect.scatter.add.f32 [tilespmem:s28], [sflag:$0x8], $0x40, s16, s24, $0xb8;
	[tilespmem:$0x19040] =	vst v63  }
0x16e: {  	_ =	swait.ge [sflag:s8], $0x1F40  }
0x16f: {  	[sflag:s8] =	ssyncset.done $0x0  }
0x170: {  	s16 =	sadd.s32 $0x380, s15;
	[sflag:s8] =	ssyncadd.s32 $0xFFFFE0C0  }
0x171: {  	[tilespmem:s28], [sflag:$0x3] =	stream.indirect.gather [hbm4b:s2+s24], $0x40, s16, s24, $0xb8;
	[tilespmem:$0x19040] =	vst v63  }
0x172: {  	_ =	swait.ge [sflag:s9], $0x1F40  }
0x173: {  	[sflag:s9] =	ssyncset.done $0x0  }
0x174: {  	s16 =	sadd.s32 $0x2980, s15;
	[sflag:s9] =	ssyncadd.s32 $0xFFFFE0C0  }
0x175: {  	[spmem:s3] =	stream.indirect.scatter.add.f32 [tilespmem:s29], [sflag:$0x9], $0x40, s16, s24, $0xb8;
	[tilespmem:$0x19040] =	vst v63  }
0x176: {  	_ =	swait.ge [sflag:s10], $0x1F40  }
0x177: {  	[sflag:s10] =	ssyncset.done $0x0  }
0x178: {  	s16 =	sadd.s32 $0x400, s15;
	[sflag:s10] =	ssyncadd.s32 $0xFFFFE0C0  }
0x179: {  	[tilespmem:s29], [sflag:$0x4] =	stream.indirect.gather [hbm4b:s2+s24], $0x40, s16, s24, $0xb8;
	[tilespmem:$0x19040] =	vst v63  }
0x17a: {  	_ =	swait.ge [sflag:s11], $0x1F40  }
0x17b: {  	[sflag:s11] =	ssyncset.done $0x0  }
.Ltmp0:
0x17c: {  	s16 =	sadd.s32 $0x2A00, s15;
	[sflag:s11] =	ssyncadd.s32 $0xFFFFE0C0;
	(pc) =	sbr.rel @p0 .LBB2_2-.Ltmp0, $4  }
0x17d: {  	[spmem:s3] =	stream.indirect.scatter.add.f32 [tilespmem:s30], [sflag:$0xA], $0x40, s16, s24, $0xb8;
	[tilespmem:$0x19040] =	vst v63  }
0x17e: {  	_ =	swait.ge [sflag:s12], $0x1F40  }
0x17f: {  	[sflag:s12] =	ssyncset.done $0x0  }
0x180: {  	s15 =	sadd.s32 $0x480, s15;
	[sflag:s12] =	ssyncadd.s32 $0xFFFFE0C0  }
0x181: {  	[tilespmem:s30], [sflag:$0x5] =	stream.indirect.gather [hbm4b:s2+s24], $0x40, s15, s24, $0xb8;
	[tilespmem:$0x19040] =	vst v63  }
0x182: {  	_ =	swait.ge [sflag:s31], $0x1F40  }
0x183: {  	[sflag:s31] =	ssyncset.done $0x0  }
0x184: {  	s14 =	simm.s32 $0x4D80;
	[sflag:s31] =	ssyncadd.s32 $0xFFFFE0C0  }
0x185: {  	[spmem:s3] =	stream.indirect.scatter.add.f32 [tilespmem:s25], [sflag:$0x6], $0x40, s14, s24, $0xb8;
	[tilespmem:$0x19040] =	vst v63  }
0x186: {  	_ =	swait.ge [sflag:s0], $0x1F40  }
0x187: {  	[sflag:s0] =	ssyncset.done $0x0  }
0x188: {  	[sflag:s0] =	ssyncadd.s32 $0xFFFFE0C0  }
0x189: {  	_ =	swait.ge [sflag:s1], $0x1F40  }
0x18a: {  	[sflag:s1] =	ssyncset.done $0x0  }
0x18b: {  	s15 =	simm.s32 $0x4E00;
	[sflag:s1] =	ssyncadd.s32 $0xFFFFE0C0  }
0x18c: {  	[spmem:s3] =	stream.indirect.scatter.add.f32 [tilespmem:s26], [sflag:$0x7], $0x40, s15, s24, $0xb8;
	[tilespmem:$0x19040] =	vst v63  }
0x18d: {  	_ =	swait.ge [sflag:s6], $0x1F40  }
0x18e: {  	[sflag:s6] =	ssyncset.done $0x0  }
0x18f: {  	[sflag:s6] =	ssyncadd.s32 $0xFFFFE0C0  }
0x190: {  	_ =	swait.ge [sflag:s7], $0x1F40  }
0x191: {  	[sflag:s7] =	ssyncset.done $0x0  }
0x192: {  	s16 =	simm.s32 $0x4E80;
	[sflag:s7] =	ssyncadd.s32 $0xFFFFE0C0  }
0x193: {  	[spmem:s3] =	stream.indirect.scatter.add.f32 [tilespmem:s28], [sflag:$0x8], $0x40, s16, s24, $0xb8;
	[tilespmem:$0x19040] =	vst v63  }
0x194: {  	_ =	swait.ge [sflag:s8], $0x1F40  }
0x195: {  	[sflag:s8] =	ssyncset.done $0x0  }
0x196: {  	[sflag:s8] =	ssyncadd.s32 $0xFFFFE0C0  }
0x197: {  	_ =	swait.ge [sflag:s9], $0x1F40  }
0x198: {  	[sflag:s9] =	ssyncset.done $0x0  }
0x199: {  	s15 =	simm.s32 $0x4F00;
	[sflag:s9] =	ssyncadd.s32 $0xFFFFE0C0  }
0x19a: {  	[spmem:s3] =	stream.indirect.scatter.add.f32 [tilespmem:s29], [sflag:$0x9], $0x40, s15, s24, $0xb8;
	[tilespmem:$0x19040] =	vst v63  }
0x19b: {  	_ =	swait.ge [sflag:s10], $0x1F40  }
0x19c: {  	[sflag:s10] =	ssyncset.done $0x0  }
0x19d: {  	[sflag:s10] =	ssyncadd.s32 $0xFFFFE0C0  }
0x19e: {  	_ =	swait.ge [sflag:s11], $0x1F40  }
0x19f: {  	[sflag:s11] =	ssyncset.done $0x0  }
0x1a0: {  	s16 =	simm.s32 $0x4F80;
	[sflag:s11] =	ssyncadd.s32 $0xFFFFE0C0  }
0x1a1: {  	[spmem:s3] =	stream.indirect.scatter.add.f32 [tilespmem:s30], [sflag:$0xA], $0x40, s16, s24, $0xb8;
	[tilespmem:$0x19040] =	vst v63  }
0x1a2: {  	s15 =	stileid.u32;
	_ =	swait.ge [sflag:s12], $0x1F40  }
0x1a3: {  	s13 =	sadd.s32 $0x1, s13;
	s14 =	sshll.u32 s15, $0x6;
	[sflag:s12] =	ssyncset.done $0x0  }
0x1a4: {  	p0 =	sne.s32 s13, s21;
	s14 =	sor.u32 $0x1C0B, s14;
	[sflag:s12] =	ssyncadd.s32 $0xFFFFE0C0  }
.Ltmp1:
0x1a5: {  	s16 =	sshrl.u32 s5, $0x3;
	[bflag:$0x0] =	sbarrier.arrive $0xFFFF;
	(pc) =	sbr.rel @p0 .LBB2_1-.Ltmp1, $4  }
0x1a6: {  	[hbm:s20], [sflag:s14] =	dma.local [spmem:s16], $0x1400  }
0x1a7: {  	_ =	swait.ge [sflag:s23], $0x1400  }
0x1a8: {  	[sflag:s23] =	ssyncset.done $0x0  }
0x1a9: {  	[sflag:s23] =	ssyncadd.s32 $0xFFFFEC00  }
0x1aa: {  	_ =	sfence.sel $0x180000  }
0x1ab: {  	[bflag:$0x0] =	sbarrier.arrive $0xFFFF  }
0x1ac: {  	_ =	strace $0x9000004A  }
0x1ad: {  	s0 =	stileid.u32;
	[bflag:$0x2] =	sbarrier.arrive $0xFFFF  }
0x1ae: {  	p0 =	sne.s32 s0, $0x0;
	s0 =	rddreg [dreg:$0x3]  }
0x1af: {  	s0 =	sadd.s32 @!p0 $0x100000, s0  }
0x1b0: {  	[sflag:s0] =	ssyncadd.tile.s32 @!p0 $0x1;
	_ =	shalt  }
.Lfunc_end2:
_tile_overlayer_lowered:
.L_overlay_start_2:
0x1b1: {  	(tag) =	ssettag $0x2  }
0x1b2: {  	s0 =	rddreg [dreg:$0x0];
	s2 =	stileid.u32  }
0x1b3: {  	s1 =	rddreg [dreg:$0x1];
	p0 =	sne.s32 s2, $0x0  }
0x1b4: {  	s3 =	rddreg [dreg:$0x2];
	[bflag:$0x3] =	sbarrier.arrive $0xFFFF;
	s2 =	simm.s32 @!p0 $0x1C0B  }
0x1b5: {  	[timem:s3], [sflag:s2] =	dma.local @!p0 [hbm:s0], s1  }
0x1b6: {  	s0 =	simm.s32 @!p0 $0xB  }
0x1b7: {  	_ =	swait.ge @!p0 [sflag:s0], s1  }
0x1b8: {  	s1 =	ssub.s32 @!p0 $0x0, s1;
	[sflag:s0] =	ssyncset.done @!p0 $0x0  }
0x1b9: {  	[sflag:s0] =	ssyncadd.s32 @!p0 s1  }
0x1ba: {  	[bflag:$0x3] =	sbarrier.arrive $0xFFFF  }
0x1bb: {  	_ =	shalt  }

// kernel: kernel.15.cloned.1.call-start
scs
__scs_entry_jumppad:
0x0: {  	(pc) =	sbr.rel $0x88, $3  }
0x1: {  	(tag) =	ssettag $0x0;
	lr =	simm.s32 $0x1  }
0x2: {  	[smem:$0x3F95] =	sst lr;
	_ =	strace $0xD0000000  }
0x3: {  	_ = 	snop  }
0x4: {  	_ = 	snop  }
0x5: {  	_ = 	snop  }
0x6: {  	_ = 	snop  }
0x7: {  	_ = 	snop  }
__scs_overlays_trampoline_lowered:
0x8: {  	[smem:$0x3FA4] =	sst s0  }
0x9: {  	[smem:$0x3FA5] =	sst s1  }
0xa: {  	[smem:$0x3FA6] =	sst s2  }
0xb: {  	[smem:$0x3FA7] =	sst s3  }
0xc: {  	[smem:$0x3FA8] =	sst s4  }
0xd: {  	[smem:$0x3FA9] =	sst s5  }
0xe: {  	[smem:$0x3FAA] =	sst s6  }
0xf: {  	[smem:$0x3FAB] =	sst s7  }
0x10: {  	[smem:$0x3FAC] =	sst s8  }
0x11: {  	[smem:$0x3FAD] =	sst s9;
	s0 =	simm.s32 @!p0 $0x0  }
0x12: {  	s1 =	sld [smem:$0x3F93];
	s0 =	simm.s32 @p0 $0x1  }
0x13: {  	[smem:$0x3FAE] =	sst s0;
	s0 =	simm.s32 @!p1 $0x0  }
0x14: {  	s2 =	sld [smem:$0x3F92];
	s0 =	simm.s32 @p1 $0x1  }
0x15: {  	[smem:$0x3FAF] =	sst s0;
	s0 =	simm.s32 @!p2 $0x0  }
0x16: {  	s3 =	sld [smem:$0x3FDB];
	s0 =	simm.s32 @p2 $0x1  }
0x17: {  	s4 =	simm.s32 $0x1BF5;
	[smem:$0x3FB1] =	sst s0  }
0x18: {  	s0 =	sld [smem:$0x3F94];
	_ =	swait.ge [sflag:s4], $0x0  }
0x19: {  	s7 =	sld [smem:$0x3F95]  }
0x1a: {  	s8 =	sadd.s32 $0xFFFFE003, lr  }
0x1b: {  	s9 =	sadd.s32 $0xFFFFFEF7, lr;
	s5 =	simm.s32 $0xFFFFFFFF;
	p2 =	slt.u32 s8, $0xFFFFF086  }
0x1c: {  	p1 =	slt.u32 s9, $0xF7A;
	s5 =	simm.s32 @!p2 $0x0  }
0x1d: {  	s5 =	simm.s32 @p1 $0x1;
	p0 =	seq.s32 s7, s2  }
0x1e: {  	s7 =	smul.u32 @!p0 $0xF7A, s2;
	p2 =	seq.s32 @!p0 s5, $0x0  }
0x1f: {  	s9 =	smul.u32 $0xF7A, s1;
	s8 =	simm.s32 @!p0 $0x1BF5;
	p2 =	por !p2, p0  }
0x20: {  	[sflag:s8] =	ssyncset.s32 @!p0 $0xFFFFF086;
	s6 =	sadd.s32 @!p0 s3, s7;
	s7 =	simm.s32 @!p0 $0x108  }
0x21: {  	s3 =	sadd.s32 s3, s9;
	s6 =	sadd.s32 @!p0 $0x88, s6;
	s7 =	simm.s32 @p2 $0x1082  }
0x22: {  	[simem:s7], [sflag:s8] =	dma.local @!p0 [hbm:s6], $0xF7A  }
0x23: {  	s9 =	sor.u32 $0xD0000000, s2;
	s6 =	simm.s32 $0x108;
	_ =	swait.ge @!p0 [sflag:s8], $0x0  }
0x24: {  	s3 =	sadd.s32 $0x88, s3;
	s6 =	simm.s32 @!p1 $0x1082;
	[sflag:s4] =	ssyncset.s32 $0xFFFFF086  }
0x25: {  	[simem:s6], [sflag:s4] =	dma.local [hbm:s3], $0xF7A  }
0x26: {  	[smem:$0x3F95] =	sst s1;
	(tag) =	ssettag s2;
	_ =	strace s9  }
0x27: {  	s1 =	sld [smem:$0x3FA5]  }
0x28: {  	s2 =	sld [smem:$0x3FA6]  }
0x29: {  	s4 =	sld [smem:$0x3FA8]  }
0x2a: {  	p0 =	seq.s32 s5, $0x0;
	s5 =	sld [smem:$0x3FA9]  }
0x2b: {  	s6 =	sld [smem:$0x3FAA]  }
0x2c: {  	s7 =	sld [smem:$0x3FAB]  }
0x2d: {  	s3 =	simm.s32 $0x108;
	s8 =	sld [smem:$0x3FAC]  }
0x2e: {  	s3 =	simm.s32 @!p0 $0x1082;
	s9 =	sld [smem:$0x3FAD]  }
0x2f: {  	lr =	sadd.s32 s0, s3;
	s0 =	sld [smem:$0x3FA4]  }
0x30: {  	s3 =	sld [smem:$0x3FA7]  }
0x31: {  	[smem:$0x3FB0] =	sst s10  }
0x32: {  	s10 =	sld [smem:$0x3FAE];
	_ =	sdelay $0x3  }
0x33: {  	p0 =	seq.s32 s10, $0x1;
	s10 =	sld [smem:$0x3FB0];
	_ =	sdelay $0x3  }
0x34: {  	[smem:$0x3FB0] =	sst s10  }
0x35: {  	s10 =	sld [smem:$0x3FAF];
	_ =	sdelay $0x3  }
0x36: {  	p1 =	seq.s32 s10, $0x1;
	s10 =	sld [smem:$0x3FB0];
	_ =	sdelay $0x3  }
0x37: {  	[smem:$0x3FB0] =	sst s10  }
0x38: {  	s10 =	sld [smem:$0x3FB1]  }
0x39: {  	_ = 	snop;
	(pc) =	sbr.ind lr, $3  }
0x3a: {  	_ = 	snop  }
0x3b: {  	_ = 	snop  }
0x3c: {  	p2 =	seq.s32 s10, $0x1;
	s10 =	sld [smem:$0x3FB0]  }
0x3d: {  	_ =	shalt  }
0x3e: {  	_ =	shalt  }
0x3f: {  	_ =	shalt  }
0x40: {  	_ =	shalt  }
0x41: {  	_ =	shalt  }
0x42: {  	_ =	shalt  }
0x43: {  	_ =	shalt  }
0x44: {  	_ =	shalt  }
0x45: {  	_ =	shalt  }
0x46: {  	_ =	shalt  }
0x47: {  	_ =	shalt  }
0x48: {  	_ =	shalt  }
0x49: {  	_ =	shalt  }
0x4a: {  	_ =	shalt  }
0x4b: {  	_ =	shalt  }
0x4c: {  	_ =	shalt  }
0x4d: {  	_ =	shalt  }
0x4e: {  	_ =	shalt  }
0x4f: {  	_ =	shalt  }
0x50: {  	_ =	shalt  }
0x51: {  	_ =	shalt  }
0x52: {  	_ =	shalt  }
0x53: {  	_ =	shalt  }
0x54: {  	_ =	shalt  }
0x55: {  	_ =	shalt  }
0x56: {  	_ =	shalt  }
0x57: {  	_ =	shalt  }
0x58: {  	_ =	shalt  }
0x59: {  	_ =	shalt  }
0x5a: {  	_ =	shalt  }
0x5b: {  	_ =	shalt  }
0x5c: {  	_ =	shalt  }
0x5d: {  	_ =	shalt  }
0x5e: {  	_ =	shalt  }
0x5f: {  	_ =	shalt  }
0x60: {  	_ =	shalt  }
0x61: {  	_ =	shalt  }
0x62: {  	_ =	shalt  }
0x63: {  	_ =	shalt  }
0x64: {  	_ =	shalt  }
0x65: {  	_ =	shalt  }
0x66: {  	_ =	shalt  }
0x67: {  	_ =	shalt  }
0x68: {  	_ =	shalt  }
0x69: {  	_ =	shalt  }
0x6a: {  	_ =	shalt  }
0x6b: {  	_ =	shalt  }
0x6c: {  	_ =	shalt  }
0x6d: {  	_ =	shalt  }
0x6e: {  	_ =	shalt  }
0x6f: {  	_ =	shalt  }
0x70: {  	_ =	shalt  }
0x71: {  	_ =	shalt  }
0x72: {  	_ =	shalt  }
0x73: {  	_ =	shalt  }
0x74: {  	_ =	shalt  }
0x75: {  	_ =	shalt  }
0x76: {  	_ =	shalt  }
0x77: {  	_ =	shalt  }
0x78: {  	_ =	shalt  }
0x79: {  	_ =	shalt  }
0x7a: {  	_ =	shalt  }
0x7b: {  	_ =	shalt  }
0x7c: {  	_ =	shalt  }
0x7d: {  	_ =	shalt  }
0x7e: {  	_ =	shalt  }
0x7f: {  	_ =	shalt  }
0x80: {  	_ =	shalt  }
0x81: {  	_ =	shalt  }
0x82: {  	_ =	shalt  }
0x83: {  	_ =	shalt  }
0x84: {  	_ =	shalt  }
0x85: {  	_ =	shalt  }
0x86: {  	_ =	shalt  }
0x87: {  	_ =	shalt  }
.Lfunc_end0:
.L_simem_size_0:
called_computation.2_lowered:
.L_overlay_start_0:
0x88: {  	s2 =	sld [smem:$0x3FD9]  }
0x89: {  	s3 =	sld [smem:$0x3FFE];
	_ =	sdelay $0x1  }
0x8a: {  	s1 =	srdreg.scid  }
0x8b: {  	s0 =	sand.u32 $0x1, s1  }
0x8c: {  	s14 =	sshll.u32 s0, $0xA;
	s2 =	sadd.s32 s3, s2  }
0x8d: {  	s2 =	sadd.s32 s2, s14  }
0x8e: {  	[smem:$0x3FBC] =	sst s2  }
0x8f: {  	_ = 	snop  }
0x90: {  	s2 =	sld [smem:$0x3FD0];
	_ =	sdelay $0x2  }
0x91: {  	s15 =	simm.s32 $0xA;
	s4 =	simm.s32 $0x10  }
0x92: {  	[smem:s4], [sflag:s15] =	dma.local [hbm:s2], $0x1  }
0x93: {  	_ =	swait.eq [sflag:s15], $0x1  }
0x94: {  	[sflag:s15] =	ssyncset.done $0x0  }
0x95: {  	[sflag:s15] =	ssyncadd.s32 $0xFFFFFFFF  }
0x96: {  	s16 =	sld [smem:$0x10];
	(tm) =	ssettm $0x1  }
0x97: {  	s17 =	sld [smem:$0x3FFB];
	_ =	sdelay $0x3  }
0x98: {  	_ =	strace s17  }
0x99: {  	s3 =	sld [smem:$0x3FFC];
	_ =	sdelay $0x3  }
0x9a: {  	_ =	strace s3  }
0x9b: {  	s3 =	sld [smem:$0x3FFD];
	_ =	sdelay $0x3  }
0x9c: {  	_ =	strace s3  }
0x9d: {  	_ =	strace $0x8FFFFFFF  }
0x9e: {  	s18 =	sld [smem:$0x3FDB];
	_ =	sdelay $0x1  }
0x9f: {  	s19 =	simm.s32 $_scs_section_size  }
0xa0: {  	s5 =	simm.s32 $_size__tile_overlayer_lowered;
	s6 =	simm.s32 $_tile_overlayer_lowered  }
0xa1: {  	s22 =	simm.s32 $0x1BFF;
	s21 =	sshll.u32 s6, $0x1;
	s3 =	sadd.s32 s19, s18  }
0xa2: {  	s7 =	simm.s32 $0x0;
	s20 =	sshll.u32 s5, $0x1;
	s5 =	sadd.s32 s21, s3  }
0xa3: {  	[timem:s7], [sflag:s22] =	dma.local [hbm:s5], s20  }
0xa4: {  	_ =	swait.ge [sflag:s22], s20  }
0xa5: {  	s4 =	ssub.s32 $0x0, s20;
	[sflag:s22] =	ssyncset.done $0x0  }
0xa6: {  	[sflag:s22] =	ssyncadd.s32 s4;
	_ =	sdelay $0x1  }
0xa7: {  	s23 =	simm.s32 $0x1B8B  }
0xa8: {  	_ =	swait.ge [sflag:s23], $0x1  }
0xa9: {  	[sflag:s23] =	ssyncset.done $0x0  }
0xaa: {  	s25 =	simm.s32 $0x1B8E;
	s24 =	sld [smem:$0x3FFE];
	[sflag:s23] =	ssyncadd.s32 $0xFFFFFFFF  }
0xab: {  	s26 =	simm.s32 $execute0_lowered;
	[smem:$0x3FD2] =	sst s25  }
0xac: {  	s5 =	sshll.u32 s26, $0x1;
	_ =	strace $0x8000004C;
	[dreg:$0x1] =	wrdreg $0xFFFFFFFF  }
0xad: {  	s28 =	simm.s32 $_size_execute0_lowered;
	s3 =	sadd.s32 s3, s5;
	[dreg:$0x0] =	wrdreg $0x0  }
0xae: {  	s5 =	sshll.u32 s28, $0x1;
	[dreg:$0x2] =	wrdreg s3  }
0xaf: {  	[dreg:$0x3] =	wrdreg s5  }
0xb0: {  	[dreg:$0x4] =	wrdreg $0xC0  }
0xb1: {  	_ =	task [dreg:s7], $0x5FFFF  }
0xb2: {  	[dreg:$0x1] =	wrdreg $0xFFFFFFFF  }
0xb3: {  	[dreg:$0x0] =	wrdreg $0x60  }
0xb4: {  	[dreg:$0x2] =	wrdreg s16  }
0xb5: {  	[dreg:$0x3] =	wrdreg s24  }
0xb6: {  	[dreg:$0x4] =	wrdreg $0xF0400  }
0xb7: {  	[dreg:$0x5] =	wrdreg $0x9  }
0xb8: {  	_ =	task.clear_ibuf [dreg:s7], $0x6FFFF;
	_ =	strace $0x9000004C  }
0xb9: {  	s29 =	simm.s32 $0x9;
	_ =	strace $0x8000004E  }
0xba: {  	_ =	swait.ge [sflag:s29], $0x1  }
0xbb: {  	[sflag:s29] =	ssyncadd.s32 $0xFFFFFFFF  }
0xbc: {  	_ =	strace $0x9000004E  }
0xbd: {  	_ =	sfence  }
0xbe: {  	s30 =	sld [smem:$0x0];
	_ =	sdelay $0x2  }
0xbf: {  	s31 =	sshll.u32 s1, $0xD;
	s1 =	sshrl.u32 s1, $0x2  }
0xc0: {  	s3 =	sand.u32 $0x4000, s31;
	s1 =	sadd.s32 s1, s30  }
0xc1: {  	s0 =	sor.u32 s3, s0;
	s1 =	sshll.u32 s1, $0x11  }
0xc2: {  	s0 =	sor.u32 s1, s0  }
0xc3: {  	s0 =	sadd.s32 $0x8F2B, s0  }
0xc4: {  	[sflag:s0] =	ssyncadd.remote.s32 $0x1  }
0xc5: {  	_ =	sfence.sel $0xFFFF  }
0xc6: {  	[dreg:$0x0] =	wrdreg $0xFFFFFFFF;
	(pc) =	sbr.abs _section_cstart, $3  }
0xc7: {  	[dreg:$0x1] =	wrdreg $0xFFFFFFFF  }
0xc8: {  	_ =	task.clear_ibuf [dreg:s7], $0x2FFFF;
	_ =	strace $0x9FFFFFFF  }
0xc9: {  	(tm) =	ssettm $0x7FFFFFFF  }
tec
execute0_lowered:
.L_overlay_start_1:
0x0: {  	(tag) =	ssettag $0x1  }
0x1: {  	s1 =	srdreg.scid;
	s8 =	stileid.u32  }
0x2: {  	s1 =	sand.u32 $0x1, s1;
	s6 =	smul.u32 $0xA000, s8  }
0x3: {  	s2 =	rddreg [dreg:$0x0];
	s5 =	sshll.u32 s1, $0x4;
	s7 =	smul.u32 $0xA0000, s1  }
0x4: {  	s0 =	rddreg [dreg:$0x1];
	s5 =	sor.u32 s8, s5;
	s8 =	smul.u32 $0x28000, s8  }
0x5: {  	s3 =	rddreg [dreg:$0x2];
	s5 =	smul.u32 $0x500, s5  }
0x6: {  	s4 =	simm.s32 $0x0;
	s7 =	sadd.s32 s6, s7;
	s25 =	sshrl.u32 s8, $0x2  }
0x7: {  	s9 =	sadd.s32 s5, s0;
	s5 =	sadd.s32 s6, s3;
	s6 =	sadd.s32 s25, s3  }
0x8: {  	[smem:$0x7FF] =	sst s4;
	s23 =	sshrl.u32 s7, $0x3;
	s7 =	sadd.s32 $0x400, s6  }
0x9: {  	_ =	strace $0x8000004D;
	s26 =	sadd.s32 $0x800, s6;
	[dreg:$0x4] =	wrdreg s7  }
0xa: {  	s8 =	sadd.s32 $0xC00, s6;
	[dreg:$0x5] =	wrdreg s26  }
0xb: {  	s10 =	sadd.s32 $0x1000, s6;
	[dreg:$0x6] =	wrdreg s8  }
0xc: {  	s11 =	sadd.s32 $0x1400, s6;
	[dreg:$0x7] =	wrdreg s10  }
0xd: {  	s12 =	sadd.s32 $0x1800, s6;
	[dreg:$0x8] =	wrdreg s11  }
0xe: {  	s13 =	sadd.s32 $0x1C00, s6;
	[dreg:$0x9] =	wrdreg s12  }
0xf: {  	s14 =	sadd.s32 $0x2000, s6;
	[dreg:$0xa] =	wrdreg s13  }
0x10: {  	s15 =	sadd.s32 $0x2400, s6;
	[dreg:$0xb] =	wrdreg s14  }
0x11: {  	s16 =	sadd.s32 $0x2800, s6;
	[dreg:$0xc] =	wrdreg s15  }
0x12: {  	s17 =	sadd.s32 $0x2C00, s6;
	[dreg:$0xd] =	wrdreg s16  }
0x13: {  	s18 =	sadd.s32 $0x3000, s6;
	[dreg:$0xe] =	wrdreg s17  }
0x14: {  	s19 =	sadd.s32 $0x3400, s6;
	[dreg:$0xf] =	wrdreg s18  }
0x15: {  	s20 =	sadd.s32 $0x3800, s6;
	[dreg:$0x10] =	wrdreg s19  }
0x16: {  	s1 =	ssub.s32 $0x2, s1;
	s21 =	sadd.s32 $0x3C00, s6;
	[dreg:$0x11] =	wrdreg s20  }
0x17: {  	s24 =	sshrl.u32 s1, $0x1;
	s22 =	sadd.s32 $0x4000, s6;
	[dreg:$0x12] =	wrdreg s21  }
0x18: {  	s0 =	sadd.s32 s23, s0;
	s23 =	sadd.s32 $0x4400, s6;
	[dreg:$0x13] =	wrdreg s22  }
0x19: {  	s1 =	ssub.s32 s1, s24;
	s24 =	sadd.s32 $0x4800, s6;
	[dreg:$0x14] =	wrdreg s23  }
0x1a: {  	s25 =	sadd.s32 $0x4C00, s6;
	[dreg:$0x15] =	wrdreg s24  }
0x1b: {  	[dreg:$0x16] =	wrdreg s25;
	s26 =	sadd.s32 $0x5000, s6  }
0x1c: {  	s8 =	sadd.s32 $0x5400, s6;
	[dreg:$0x17] =	wrdreg s26  }
0x1d: {  	s10 =	sadd.s32 $0x5800, s6;
	[dreg:$0x18] =	wrdreg s8  }
0x1e: {  	s11 =	sadd.s32 $0x5C00, s6;
	[dreg:$0x19] =	wrdreg s10  }
0x1f: {  	s12 =	sadd.s32 $0x6000, s6;
	[dreg:$0x1a] =	wrdreg s11  }
0x20: {  	s13 =	sadd.s32 $0x6400, s6;
	[dreg:$0x1b] =	wrdreg s12  }
0x21: {  	s14 =	sadd.s32 $0x6800, s6;
	[dreg:$0x1c] =	wrdreg s13  }
0x22: {  	s15 =	sadd.s32 $0x6C00, s6;
	[dreg:$0x1d] =	wrdreg s14  }
0x23: {  	s16 =	sadd.s32 $0x7000, s6;
	[dreg:$0x1e] =	wrdreg s15  }
0x24: {  	s17 =	sadd.s32 $0x7400, s6;
	[dreg:$0x1f] =	wrdreg s16  }
0x25: {  	s18 =	sadd.s32 $0x7800, s6;
	[smem:$0x7F4] =	sst s17  }
0x26: {  	s19 =	sadd.s32 $0x7C00, s6;
	[smem:$0x7F5] =	sst s18  }
0x27: {  	s20 =	sadd.s32 $0x8000, s6;
	[smem:$0x7F6] =	sst s19  }
0x28: {  	s21 =	sadd.s32 $0x8400, s6;
	[smem:$0x7F7] =	sst s20  }
0x29: {  	s22 =	sadd.s32 $0x8800, s6;
	[smem:$0x7F8] =	sst s21  }
0x2a: {  	s28 =	simm.s32 $0x8E80;
	s23 =	sadd.s32 $0x8C00, s6;
	[smem:$0x7F9] =	sst s22  }
0x2b: {  	s29 =	simm.s32 $0xADC0;
	s24 =	sadd.s32 $0x9000, s6;
	[smem:$0x7FA] =	sst s23  }
0x2c: {  	s30 =	simm.s32 $0xCD00;
	s25 =	sadd.s32 $0x9400, s6;
	[smem:$0x7FB] =	sst s24  }
0x2d: {  	s31 =	simm.s32 $0x1;
	s7 =	simm.s32 $0x3;
	[smem:$0x7FC] =	sst s25  }
0x2e: {  	s26 =	sadd.s32 $0x9800, s6;
	s17 =	sadd.s32 $0x9C00, s6;
	s18 =	sadd.s32 $0xCE00, s9  }
0x2f: {  	s19 =	sadd.s32 $0x2E00, s9;
	s20 =	sadd.s32 $0x3EE00, s0;
	s21 =	smax.u32 s1, $0x1  }
0x30: {  	s22 =	simm.s32 $0xEC40;
	s23 =	simm.s32 $0xB;
	s24 =	simm.s32 $0x7D  }
0x31: {  	s25 =	simm.s32 $0x5000;
	s0 =	simm.s32 $0x6;
	s1 =	simm.s32 $0x2  }
0x32: {  	s6 =	simm.s32 $0x7;
	s8 =	simm.s32 $0x8;
	s9 =	simm.s32 $0x4  }
0x33: {  	s10 =	simm.s32 $0x9;
	s11 =	simm.s32 $0x5;
	s12 =	simm.s32 $0xA  }
0x34: {  	v0 =	vimm.f32 $0.0e+00;
	s13 =	simm.s32 $0x0;
	[smem:$0x7FD] =	sst s26;
	s26 =	simm.s32 $0x6F40  }
.LBB2_1:
0x35: {  	[tilespmem:$0xEC40] =	vst v0  }
0x36: {  	[tilespmem:$0xEC50] =	vst v0  }
0x37: {  	[tilespmem:$0xEC60] =	vst v0  }
0x38: {  	[tilespmem:$0xEC70] =	vst v0  }
0x39: {  	[tilespmem:$0xEC80] =	vst v0  }
0x3a: {  	[tilespmem:$0xEC90] =	vst v0  }
0x3b: {  	[tilespmem:$0xECA0] =	vst v0  }
0x3c: {  	[tilespmem:$0xECB0] =	vst v0  }
0x3d: {  	[tilespmem:$0xECC0] =	vst v0  }
0x3e: {  	[tilespmem:$0xECD0] =	vst v0  }
0x3f: {  	[tilespmem:$0xECE0] =	vst v0  }
0x40: {  	[tilespmem:$0xECF0] =	vst v0  }
0x41: {  	[tilespmem:$0xED00] =	vst v0  }
0x42: {  	[tilespmem:$0xED10] =	vst v0  }
0x43: {  	[tilespmem:$0xED20] =	vst v0  }
0x44: {  	[tilespmem:$0xED30] =	vst v0  }
0x45: {  	[tilespmem:$0xED40] =	vst v0  }
0x46: {  	[tilespmem:$0xED50] =	vst v0  }
0x47: {  	[tilespmem:$0xED60] =	vst v0  }
0x48: {  	[tilespmem:$0xED70] =	vst v0  }
0x49: {  	[tilespmem:$0xED80] =	vst v0  }
0x4a: {  	[tilespmem:$0xED90] =	vst v0  }
0x4b: {  	[tilespmem:$0xEDA0] =	vst v0  }
0x4c: {  	[tilespmem:$0xEDB0] =	vst v0  }
0x4d: {  	[tilespmem:$0xEDC0] =	vst v0  }
0x4e: {  	[tilespmem:$0xEDD0] =	vst v0  }
0x4f: {  	[tilespmem:$0xEDE0] =	vst v0  }
0x50: {  	[tilespmem:$0xEDF0] =	vst v0  }
0x51: {  	[tilespmem:$0xEE00] =	vst v0  }
0x52: {  	[tilespmem:$0xEE10] =	vst v0  }
0x53: {  	[tilespmem:$0xEE20] =	vst v0  }
0x54: {  	[tilespmem:$0xEE30] =	vst v0  }
0x55: {  	[tilespmem:$0xEE40] =	vst v0  }
0x56: {  	[tilespmem:$0xEE50] =	vst v0  }
0x57: {  	[tilespmem:$0xEE60] =	vst v0  }
0x58: {  	[tilespmem:$0xEE70] =	vst v0  }
0x59: {  	[tilespmem:$0xEE80] =	vst v0  }
0x5a: {  	[tilespmem:$0xEE90] =	vst v0  }
0x5b: {  	[tilespmem:$0xEEA0] =	vst v0  }
0x5c: {  	[tilespmem:$0xEEB0] =	vst v0  }
0x5d: {  	[tilespmem:$0xEEC0] =	vst v0  }
0x5e: {  	[tilespmem:$0xEED0] =	vst v0  }
0x5f: {  	[tilespmem:$0xEEE0] =	vst v0  }
0x60: {  	[tilespmem:$0xEEF0] =	vst v0  }
0x61: {  	[tilespmem:$0xEF00] =	vst v0  }
0x62: {  	[tilespmem:$0xEF10] =	vst v0  }
0x63: {  	[tilespmem:$0xEF20] =	vst v0  }
0x64: {  	[tilespmem:$0xEF30] =	vst v0  }
0x65: {  	[tilespmem:$0xEF40] =	vst v0  }
0x66: {  	[tilespmem:$0xEF50] =	vst v0  }
0x67: {  	[tilespmem:$0xEF60] =	vst v0  }
0x68: {  	[tilespmem:$0xEF70] =	vst v0  }
0x69: {  	[tilespmem:$0xEF80] =	vst v0  }
0x6a: {  	[tilespmem:$0xEF90] =	vst v0  }
0x6b: {  	[tilespmem:$0xEFA0] =	vst v0  }
0x6c: {  	[tilespmem:$0xEFB0] =	vst v0  }
0x6d: {  	[tilespmem:$0xEFC0] =	vst v0  }
0x6e: {  	[tilespmem:$0xEFD0] =	vst v0  }
0x6f: {  	[tilespmem:$0xEFE0] =	vst v0  }
0x70: {  	[tilespmem:$0xEFF0] =	vst v0  }
0x71: {  	[tilespmem:$0xF000] =	vst v0  }
0x72: {  	[tilespmem:$0xF010] =	vst v0  }
0x73: {  	[tilespmem:$0xF020] =	vst v0  }
0x74: {  	[tilespmem:$0xF030] =	vst v0  }
0x75: {  	[spmem:s5] =	stream.linear.scatter [tilespmem:s22], [sflag:$0xB], $0x400, $0x38;
	[tilespmem:$0x19040] =	vst v63  }
0x76: {  	_ =	swait.ge [sflag:s23], $0x400  }
0x77: {  	[sflag:s23] =	ssyncset.done $0x0  }
0x78: {  	s14 =	rddreg [dreg:$0x4];
	[sflag:s23] =	ssyncadd.s32 $0xFFFFFC00  }
0x79: {  	[spmem:s14] =	stream.linear.scatter [tilespmem:s22], [sflag:$0xB], $0x400, $0x38;
	[tilespmem:$0x19040] =	vst v63  }
0x7a: {  	_ =	swait.ge [sflag:s23], $0x400  }
0x7b: {  	[sflag:s23] =	ssyncset.done $0x0  }
0x7c: {  	s16 =	rddreg [dreg:$0x5];
	[sflag:s23] =	ssyncadd.s32 $0xFFFFFC00  }
0x7d: {  	[spmem:s16] =	stream.linear.scatter [tilespmem:s22], [sflag:$0xB], $0x400, $0x38;
	[tilespmem:$0x19040] =	vst v63  }
0x7e: {  	_ =	swait.ge [sflag:s23], $0x400  }
0x7f: {  	[sflag:s23] =	ssyncset.done $0x0  }
0x80: {  	s15 =	rddreg [dreg:$0x6];
	[sflag:s23] =	ssyncadd.s32 $0xFFFFFC00  }
0x81: {  	[spmem:s15] =	stream.linear.scatter [tilespmem:s22], [sflag:$0xB], $0x400, $0x38;
	[tilespmem:$0x19040] =	vst v63  }
0x82: {  	_ =	swait.ge [sflag:s23], $0x400  }
0x83: {  	[sflag:s23] =	ssyncset.done $0x0  }
0x84: {  	s16 =	rddreg [dreg:$0x7];
	[sflag:s23] =	ssyncadd.s32 $0xFFFFFC00  }
0x85: {  	[spmem:s16] =	stream.linear.scatter [tilespmem:s22], [sflag:$0xB], $0x400, $0x38;
	[tilespmem:$0x19040] =	vst v63  }
0x86: {  	_ =	swait.ge [sflag:s23], $0x400  }
0x87: {  	[sflag:s23] =	ssyncset.done $0x0  }
0x88: {  	s15 =	rddreg [dreg:$0x8];
	[sflag:s23] =	ssyncadd.s32 $0xFFFFFC00  }
0x89: {  	[spmem:s15] =	stream.linear.scatter [tilespmem:s22], [sflag:$0xB], $0x400, $0x38;
	[tilespmem:$0x19040] =	vst v63  }
0x8a: {  	_ =	swait.ge [sflag:s23], $0x400  }
0x8b: {  	[sflag:s23] =	ssyncset.done $0x0  }
0x8c: {  	s16 =	rddreg [dreg:$0x9];
	[sflag:s23] =	ssyncadd.s32 $0xFFFFFC00  }
0x8d: {  	[spmem:s16] =	stream.linear.scatter [tilespmem:s22], [sflag:$0xB], $0x400, $0x38;
	[tilespmem:$0x19040] =	vst v63  }
0x8e: {  	_ =	swait.ge [sflag:s23], $0x400  }
0x8f: {  	[sflag:s23] =	ssyncset.done $0x0  }
0x90: {  	s15 =	rddreg [dreg:$0xa];
	[sflag:s23] =	ssyncadd.s32 $0xFFFFFC00  }
0x91: {  	[spmem:s15] =	stream.linear.scatter [tilespmem:s22], [sflag:$0xB], $0x400, $0x38;
	[tilespmem:$0x19040] =	vst v63  }
0x92: {  	_ =	swait.ge [sflag:s23], $0x400  }
0x93: {  	[sflag:s23] =	ssyncset.done $0x0  }
0x94: {  	s16 =	rddreg [dreg:$0xb];
	[sflag:s23] =	ssyncadd.s32 $0xFFFFFC00  }
0x95: {  	[spmem:s16] =	stream.linear.scatter [tilespmem:s22], [sflag:$0xB], $0x400, $0x38;
	[tilespmem:$0x19040] =	vst v63  }
0x96: {  	_ =	swait.ge [sflag:s23], $0x400  }
0x97: {  	[sflag:s23] =	ssyncset.done $0x0  }
0x98: {  	s15 =	rddreg [dreg:$0xc];
	[sflag:s23] =	ssyncadd.s32 $0xFFFFFC00  }
0x99: {  	[spmem:s15] =	stream.linear.scatter [tilespmem:s22], [sflag:$0xB], $0x400, $0x38;
	[tilespmem:$0x19040] =	vst v63  }
0x9a: {  	_ =	swait.ge [sflag:s23], $0x400  }
0x9b: {  	[sflag:s23] =	ssyncset.done $0x0  }
0x9c: {  	s16 =	rddreg [dreg:$0xd];
	[sflag:s23] =	ssyncadd.s32 $0xFFFFFC00  }
0x9d: {  	[spmem:s16] =	stream.linear.scatter [tilespmem:s22], [sflag:$0xB], $0x400, $0x38;
	[tilespmem:$0x19040] =	vst v63  }
0x9e: {  	_ =	swait.ge [sflag:s23], $0x400  }
0x9f: {  	[sflag:s23] =	ssyncset.done $0x0  }
0xa0: {  	s15 =	rddreg [dreg:$0xe];
	[sflag:s23] =	ssyncadd.s32 $0xFFFFFC00  }
0xa1: {  	[spmem:s15] =	stream.linear.scatter [tilespmem:s22], [sflag:$0xB], $0x400, $0x38;
	[tilespmem:$0x19040] =	vst v63  }
0xa2: {  	_ =	swait.ge [sflag:s23], $0x400  }
0xa3: {  	[sflag:s23] =	ssyncset.done $0x0  }
0xa4: {  	s16 =	rddreg [dreg:$0xf];
	[sflag:s23] =	ssyncadd.s32 $0xFFFFFC00  }
0xa5: {  	[spmem:s16] =	stream.linear.scatter [tilespmem:s22], [sflag:$0xB], $0x400, $0x38;
	[tilespmem:$0x19040] =	vst v63  }
0xa6: {  	_ =	swait.ge [sflag:s23], $0x400  }
0xa7: {  	[sflag:s23] =	ssyncset.done $0x0  }
0xa8: {  	s15 =	rddreg [dreg:$0x10];
	[sflag:s23] =	ssyncadd.s32 $0xFFFFFC00  }
0xa9: {  	[spmem:s15] =	stream.linear.scatter [tilespmem:s22], [sflag:$0xB], $0x400, $0x38;
	[tilespmem:$0x19040] =	vst v63  }
0xaa: {  	_ =	swait.ge [sflag:s23], $0x400  }
0xab: {  	[sflag:s23] =	ssyncset.done $0x0  }
0xac: {  	s16 =	rddreg [dreg:$0x11];
	[sflag:s23] =	ssyncadd.s32 $0xFFFFFC00  }
0xad: {  	[spmem:s16] =	stream.linear.scatter [tilespmem:s22], [sflag:$0xB], $0x400, $0x38;
	[tilespmem:$0x19040] =	vst v63  }
0xae: {  	_ =	swait.ge [sflag:s23], $0x400  }
0xaf: {  	[sflag:s23] =	ssyncset.done $0x0  }
0xb0: {  	s15 =	rddreg [dreg:$0x12];
	[sflag:s23] =	ssyncadd.s32 $0xFFFFFC00  }
0xb1: {  	[spmem:s15] =	stream.linear.scatter [tilespmem:s22], [sflag:$0xB], $0x400, $0x38;
	[tilespmem:$0x19040] =	vst v63  }
0xb2: {  	_ =	swait.ge [sflag:s23], $0x400  }
0xb3: {  	[sflag:s23] =	ssyncset.done $0x0  }
0xb4: {  	s16 =	rddreg [dreg:$0x13];
	[sflag:s23] =	ssyncadd.s32 $0xFFFFFC00  }
0xb5: {  	[spmem:s16] =	stream.linear.scatter [tilespmem:s22], [sflag:$0xB], $0x400, $0x38;
	[tilespmem:$0x19040] =	vst v63  }
0xb6: {  	_ =	swait.ge [sflag:s23], $0x400  }
0xb7: {  	[sflag:s23] =	ssyncset.done $0x0  }
0xb8: {  	s15 =	rddreg [dreg:$0x14];
	[sflag:s23] =	ssyncadd.s32 $0xFFFFFC00  }
0xb9: {  	[spmem:s15] =	stream.linear.scatter [tilespmem:s22], [sflag:$0xB], $0x400, $0x38;
	[tilespmem:$0x19040] =	vst v63  }
0xba: {  	_ =	swait.ge [sflag:s23], $0x400  }
0xbb: {  	[sflag:s23] =	ssyncset.done $0x0  }
0xbc: {  	s16 =	rddreg [dreg:$0x15];
	[sflag:s23] =	ssyncadd.s32 $0xFFFFFC00  }
0xbd: {  	[spmem:s16] =	stream.linear.scatter [tilespmem:s22], [sflag:$0xB], $0x400, $0x38;
	[tilespmem:$0x19040] =	vst v63  }
0xbe: {  	_ =	swait.ge [sflag:s23], $0x400  }
0xbf: {  	[sflag:s23] =	ssyncset.done $0x0  }
0xc0: {  	s15 =	rddreg [dreg:$0x16];
	[sflag:s23] =	ssyncadd.s32 $0xFFFFFC00  }
0xc1: {  	[spmem:s15] =	stream.linear.scatter [tilespmem:s22], [sflag:$0xB], $0x400, $0x38;
	[tilespmem:$0x19040] =	vst v63  }
0xc2: {  	_ =	swait.ge [sflag:s23], $0x400  }
0xc3: {  	[sflag:s23] =	ssyncset.done $0x0  }
0xc4: {  	s16 =	rddreg [dreg:$0x17];
	[sflag:s23] =	ssyncadd.s32 $0xFFFFFC00  }
0xc5: {  	[spmem:s16] =	stream.linear.scatter [tilespmem:s22], [sflag:$0xB], $0x400, $0x38;
	[tilespmem:$0x19040] =	vst v63  }
0xc6: {  	_ =	swait.ge [sflag:s23], $0x400  }
0xc7: {  	[sflag:s23] =	ssyncset.done $0x0  }
0xc8: {  	s15 =	rddreg [dreg:$0x18];
	[sflag:s23] =	ssyncadd.s32 $0xFFFFFC00  }
0xc9: {  	[spmem:s15] =	stream.linear.scatter [tilespmem:s22], [sflag:$0xB], $0x400, $0x38;
	[tilespmem:$0x19040] =	vst v63  }
0xca: {  	_ =	swait.ge [sflag:s23], $0x400  }
0xcb: {  	[sflag:s23] =	ssyncset.done $0x0  }
0xcc: {  	s16 =	rddreg [dreg:$0x19];
	[sflag:s23] =	ssyncadd.s32 $0xFFFFFC00  }
0xcd: {  	[spmem:s16] =	stream.linear.scatter [tilespmem:s22], [sflag:$0xB], $0x400, $0x38;
	[tilespmem:$0x19040] =	vst v63  }
0xce: {  	_ =	swait.ge [sflag:s23], $0x400  }
0xcf: {  	[sflag:s23] =	ssyncset.done $0x0  }
0xd0: {  	s15 =	rddreg [dreg:$0x1a];
	[sflag:s23] =	ssyncadd.s32 $0xFFFFFC00  }
0xd1: {  	[spmem:s15] =	stream.linear.scatter [tilespmem:s22], [sflag:$0xB], $0x400, $0x38;
	[tilespmem:$0x19040] =	vst v63  }
0xd2: {  	_ =	swait.ge [sflag:s23], $0x400  }
0xd3: {  	[sflag:s23] =	ssyncset.done $0x0  }
0xd4: {  	s16 =	rddreg [dreg:$0x1b];
	[sflag:s23] =	ssyncadd.s32 $0xFFFFFC00  }
0xd5: {  	[spmem:s16] =	stream.linear.scatter [tilespmem:s22], [sflag:$0xB], $0x400, $0x38;
	[tilespmem:$0x19040] =	vst v63  }
0xd6: {  	_ =	swait.ge [sflag:s23], $0x400  }
0xd7: {  	[sflag:s23] =	ssyncset.done $0x0  }
0xd8: {  	s15 =	rddreg [dreg:$0x1c];
	[sflag:s23] =	ssyncadd.s32 $0xFFFFFC00  }
0xd9: {  	[spmem:s15] =	stream.linear.scatter [tilespmem:s22], [sflag:$0xB], $0x400, $0x38;
	[tilespmem:$0x19040] =	vst v63  }
0xda: {  	_ =	swait.ge [sflag:s23], $0x400  }
0xdb: {  	[sflag:s23] =	ssyncset.done $0x0  }
0xdc: {  	s16 =	rddreg [dreg:$0x1d];
	[sflag:s23] =	ssyncadd.s32 $0xFFFFFC00  }
0xdd: {  	[spmem:s16] =	stream.linear.scatter [tilespmem:s22], [sflag:$0xB], $0x400, $0x38;
	[tilespmem:$0x19040] =	vst v63  }
0xde: {  	_ =	swait.ge [sflag:s23], $0x400  }
0xdf: {  	[sflag:s23] =	ssyncset.done $0x0  }
0xe0: {  	s15 =	rddreg [dreg:$0x1e];
	[sflag:s23] =	ssyncadd.s32 $0xFFFFFC00  }
0xe1: {  	[spmem:s15] =	stream.linear.scatter [tilespmem:s22], [sflag:$0xB], $0x400, $0x38;
	[tilespmem:$0x19040] =	vst v63  }
0xe2: {  	_ =	swait.ge [sflag:s23], $0x400  }
0xe3: {  	[sflag:s23] =	ssyncset.done $0x0  }
0xe4: {  	s16 =	rddreg [dreg:$0x1f];
	[sflag:s23] =	ssyncadd.s32 $0xFFFFFC00  }
0xe5: {  	[spmem:s16] =	stream.linear.scatter [tilespmem:s22], [sflag:$0xB], $0x400, $0x38;
	[tilespmem:$0x19040] =	vst v63  }
0xe6: {  	_ =	swait.ge [sflag:s23], $0x400  }
0xe7: {  	s15 =	sld [smem:$0x7F4]  }
0xe8: {  	[sflag:s23] =	ssyncset.done $0x0  }
0xe9: {  	[sflag:s23] =	ssyncadd.s32 $0xFFFFFC00  }
0xea: {  	[spmem:s15] =	stream.linear.scatter [tilespmem:s22], [sflag:$0xB], $0x400, $0x38;
	[tilespmem:$0x19040] =	vst v63  }
0xeb: {  	_ =	swait.ge [sflag:s23], $0x400  }
0xec: {  	s16 =	sld [smem:$0x7F5]  }
0xed: {  	[sflag:s23] =	ssyncset.done $0x0  }
0xee: {  	[sflag:s23] =	ssyncadd.s32 $0xFFFFFC00  }
0xef: {  	[spmem:s16] =	stream.linear.scatter [tilespmem:s22], [sflag:$0xB], $0x400, $0x38;
	[tilespmem:$0x19040] =	vst v63  }
0xf0: {  	_ =	swait.ge [sflag:s23], $0x400  }
0xf1: {  	s15 =	sld [smem:$0x7F6]  }
0xf2: {  	[sflag:s23] =	ssyncset.done $0x0  }
0xf3: {  	[sflag:s23] =	ssyncadd.s32 $0xFFFFFC00  }
0xf4: {  	[spmem:s15] =	stream.linear.scatter [tilespmem:s22], [sflag:$0xB], $0x400, $0x38;
	[tilespmem:$0x19040] =	vst v63  }
0xf5: {  	_ =	swait.ge [sflag:s23], $0x400  }
0xf6: {  	s16 =	sld [smem:$0x7F7]  }
0xf7: {  	[sflag:s23] =	ssyncset.done $0x0  }
0xf8: {  	[sflag:s23] =	ssyncadd.s32 $0xFFFFFC00  }
0xf9: {  	[spmem:s16] =	stream.linear.scatter [tilespmem:s22], [sflag:$0xB], $0x400, $0x38;
	[tilespmem:$0x19040] =	vst v63  }
0xfa: {  	_ =	swait.ge [sflag:s23], $0x400  }
0xfb: {  	s15 =	sld [smem:$0x7F8]  }
0xfc: {  	[sflag:s23] =	ssyncset.done $0x0  }
0xfd: {  	[sflag:s23] =	ssyncadd.s32 $0xFFFFFC00  }
0xfe: {  	[spmem:s15] =	stream.linear.scatter [tilespmem:s22], [sflag:$0xB], $0x400, $0x38;
	[tilespmem:$0x19040] =	vst v63  }
0xff: {  	_ =	swait.ge [sflag:s23], $0x400  }
0x100: {  	s16 =	sld [smem:$0x7F9]  }
0x101: {  	[sflag:s23] =	ssyncset.done $0x0  }
0x102: {  	[sflag:s23] =	ssyncadd.s32 $0xFFFFFC00  }
0x103: {  	[spmem:s16] =	stream.linear.scatter [tilespmem:s22], [sflag:$0xB], $0x400, $0x38;
	[tilespmem:$0x19040] =	vst v63  }
0x104: {  	_ =	swait.ge [sflag:s23], $0x400  }
0x105: {  	s15 =	sld [smem:$0x7FA]  }
0x106: {  	[sflag:s23] =	ssyncset.done $0x0  }
0x107: {  	[sflag:s23] =	ssyncadd.s32 $0xFFFFFC00  }
0x108: {  	[spmem:s15] =	stream.linear.scatter [tilespmem:s22], [sflag:$0xB], $0x400, $0x38;
	[tilespmem:$0x19040] =	vst v63  }
0x109: {  	_ =	swait.ge [sflag:s23], $0x400  }
0x10a: {  	s16 =	sld [smem:$0x7FB]  }
0x10b: {  	[sflag:s23] =	ssyncset.done $0x0  }
0x10c: {  	[sflag:s23] =	ssyncadd.s32 $0xFFFFFC00  }
0x10d: {  	[spmem:s16] =	stream.linear.scatter [tilespmem:s22], [sflag:$0xB], $0x400, $0x38;
	[tilespmem:$0x19040] =	vst v63  }
0x10e: {  	_ =	swait.ge [sflag:s23], $0x400  }
0x10f: {  	s15 =	sld [smem:$0x7FC]  }
0x110: {  	[sflag:s23] =	ssyncset.done $0x0  }
0x111: {  	[sflag:s23] =	ssyncadd.s32 $0xFFFFFC00  }
0x112: {  	[spmem:s15] =	stream.linear.scatter [tilespmem:s22], [sflag:$0xB], $0x400, $0x38;
	[tilespmem:$0x19040] =	vst v63  }
0x113: {  	_ =	swait.ge [sflag:s23], $0x400  }
0x114: {  	s16 =	sld [smem:$0x7FD]  }
0x115: {  	[sflag:s23] =	ssyncset.done $0x0  }
0x116: {  	[sflag:s23] =	ssyncadd.s32 $0xFFFFFC00  }
0x117: {  	[spmem:s16] =	stream.linear.scatter [tilespmem:s22], [sflag:$0xB], $0x400, $0x38;
	[tilespmem:$0x19040] =	vst v63  }
0x118: {  	_ =	swait.ge [sflag:s23], $0x400  }
0x119: {  	[sflag:s23] =	ssyncset.done $0x0  }
0x11a: {  	[sflag:s23] =	ssyncadd.s32 $0xFFFFFC00  }
0x11b: {  	[spmem:s17] =	stream.linear.scatter [tilespmem:s22], [sflag:$0xB], $0x400, $0x38;
	[tilespmem:$0x19040] =	vst v63  }
0x11c: {  	_ =	swait.ge [sflag:s23], $0x400  }
0x11d: {  	[sflag:s23] =	ssyncset.done $0x0  }
0x11e: {  	[sflag:s23] =	ssyncadd.s32 $0xFFFFFC00  }
0x11f: {  	[tilespmem:s4], [sflag:$0xB] =	stream.linear.gather [hbm4b:s18+s4], $0x2800, $0x38;
	[tilespmem:$0x19040] =	vst v63  }
0x120: {  	_ =	swait.ge [sflag:s23], $0x2800  }
0x121: {  	[sflag:s23] =	ssyncset.done $0x0  }
0x122: {  	s15 =	simm.s32 $0x2800;
	[sflag:s23] =	ssyncadd.s32 $0xFFFFD800  }
0x123: {  	[tilespmem:s15], [sflag:$0xB] =	stream.linear.gather [hbm4b:s19+s4], $0x2800, $0x38;
	[tilespmem:$0x19040] =	vst v63  }
0x124: {  	_ =	swait.ge [sflag:s23], $0x2800  }
0x125: {  	[sflag:s23] =	ssyncset.done $0x0  }
0x126: {  	[sflag:s23] =	ssyncadd.s32 $0xFFFFD800  }
0x127: {  	[bflag:$0x0] =	sbarrier.arrive $0xFFFF  }
0x128: {  	[tilespmem:s25], [sflag:$0x1] =	stream.indirect.gather [hbm4b:s2+s24], $0x40, s4, s24, $0xb8;
	[tilespmem:$0x19040] =	vst v63  }
0x129: {  	s16 =	simm.s32 $0x80  }
0x12a: {  	[tilespmem:s26], [sflag:$0x2] =	stream.indirect.gather [hbm4b:s2+s24], $0x40, s16, s24, $0xb8;
	[tilespmem:$0x19040] =	vst v63  }
0x12b: {  	s15 =	simm.s32 $0x100  }
0x12c: {  	[tilespmem:s28], [sflag:$0x3] =	stream.indirect.gather [hbm4b:s2+s24], $0x40, s15, s24, $0xb8;
	[tilespmem:$0x19040] =	vst v63  }
0x12d: {  	s16 =	simm.s32 $0x180  }
0x12e: {  	[tilespmem:s29], [sflag:$0x4] =	stream.indirect.gather [hbm4b:s2+s24], $0x40, s16, s24, $0xb8;
	[tilespmem:$0x19040] =	vst v63  }
0x12f: {  	s15 =	simm.s32 $0x200  }
0x130: {  	[tilespmem:s30], [sflag:$0x5] =	stream.indirect.gather [hbm4b:s2+s24], $0x40, s15, s24, $0xb8;
	[tilespmem:$0x19040] =	vst v63  }
0x131: {  	_ =	swait.ge [sflag:s31], $0x1F40  }
0x132: {  	[sflag:s31] =	ssyncset.done $0x0  }
0x133: {  	s16 =	simm.s32 $0x2800;
	[sflag:s31] =	ssyncadd.s32 $0xFFFFE0C0  }
0x134: {  	[spmem:s3] =	stream.indirect.scatter.add.f32 [tilespmem:s25], [sflag:$0x6], $0x40, s16, s24, $0xb8;
	[tilespmem:$0x19040] =	vst v63  }
0x135: {  	_ =	swait.ge [sflag:s0], $0x1F40  }
0x136: {  	[sflag:s0] =	ssyncset.done $0x0  }
0x137: {  	s15 =	simm.s32 $0x280;
	[sflag:s0] =	ssyncadd.s32 $0xFFFFE0C0  }
0x138: {  	[tilespmem:s25], [sflag:$0x1] =	stream.indirect.gather [hbm4b:s2+s24], $0x40, s15, s24, $0xb8;
	[tilespmem:$0x19040] =	vst v63  }
0x139: {  	_ =	swait.ge [sflag:s1], $0x1F40  }
0x13a: {  	[sflag:s1] =	ssyncset.done $0x0  }
0x13b: {  	s16 =	simm.s32 $0x2880;
	[sflag:s1] =	ssyncadd.s32 $0xFFFFE0C0  }
0x13c: {  	[spmem:s3] =	stream.indirect.scatter.add.f32 [tilespmem:s26], [sflag:$0x7], $0x40, s16, s24, $0xb8;
	[tilespmem:$0x19040] =	vst v63  }
0x13d: {  	_ =	swait.ge [sflag:s6], $0x1F40  }
0x13e: {  	[sflag:s6] =	ssyncset.done $0x0  }
0x13f: {  	s15 =	simm.s32 $0x300;
	[sflag:s6] =	ssyncadd.s32 $0xFFFFE0C0  }
0x140: {  	[tilespmem:s26], [sflag:$0x2] =	stream.indirect.gather [hbm4b:s2+s24], $0x40, s15, s24, $0xb8;
	[tilespmem:$0x19040] =	vst v63  }
0x141: {  	_ =	swait.ge [sflag:s7], $0x1F40  }
0x142: {  	[sflag:s7] =	ssyncset.done $0x0  }
0x143: {  	s16 =	simm.s32 $0x2900;
	[sflag:s7] =	ssyncadd.s32 $0xFFFFE0C0  }
0x144: {  	[spmem:s3] =	stream.indirect.scatter.add.f32 [tilespmem:s28], [sflag:$0x8], $0x40, s16, s24, $0xb8;
	[tilespmem:$0x19040] =	vst v63  }
0x145: {  	_ =	swait.ge [sflag:s8], $0x1F40  }
0x146: {  	[sflag:s8] =	ssyncset.done $0x0  }
0x147: {  	s15 =	simm.s32 $0x380;
	[sflag:s8] =	ssyncadd.s32 $0xFFFFE0C0  }
0x148: {  	[tilespmem:s28], [sflag:$0x3] =	stream.indirect.gather [hbm4b:s2+s24], $0x40, s15, s24, $0xb8;
	[tilespmem:$0x19040] =	vst v63  }
0x149: {  	_ =	swait.ge [sflag:s9], $0x1F40  }
0x14a: {  	[sflag:s9] =	ssyncset.done $0x0  }
0x14b: {  	s16 =	simm.s32 $0x2980;
	[sflag:s9] =	ssyncadd.s32 $0xFFFFE0C0  }
0x14c: {  	[spmem:s3] =	stream.indirect.scatter.add.f32 [tilespmem:s29], [sflag:$0x9], $0x40, s16, s24, $0xb8;
	[tilespmem:$0x19040] =	vst v63  }
0x14d: {  	_ =	swait.ge [sflag:s10], $0x1F40  }
0x14e: {  	[sflag:s10] =	ssyncset.done $0x0  }
0x14f: {  	s15 =	simm.s32 $0x400;
	[sflag:s10] =	ssyncadd.s32 $0xFFFFE0C0  }
0x150: {  	[tilespmem:s29], [sflag:$0x4] =	stream.indirect.gather [hbm4b:s2+s24], $0x40, s15, s24, $0xb8;
	[tilespmem:$0x19040] =	vst v63  }
0x151: {  	_ =	swait.ge [sflag:s11], $0x1F40  }
0x152: {  	[sflag:s11] =	ssyncset.done $0x0  }
0x153: {  	s16 =	simm.s32 $0x2A00;
	[sflag:s11] =	ssyncadd.s32 $0xFFFFE0C0  }
0x154: {  	[spmem:s3] =	stream.indirect.scatter.add.f32 [tilespmem:s30], [sflag:$0xA], $0x40, s16, s24, $0xb8;
	[tilespmem:$0x19040] =	vst v63  }
0x155: {  	_ =	swait.ge [sflag:s12], $0x1F40  }
0x156: {  	[sflag:s12] =	ssyncset.done $0x0  }
0x157: {  	s14 =	simm.s32 $0xA00;
	s15 =	simm.s32 $0x480;
	[sflag:s12] =	ssyncadd.s32 $0xFFFFE0C0  }
.LBB2_2:
0x158: {  	[tilespmem:s30], [sflag:$0x5] =	stream.indirect.gather [hbm4b:s2+s24], $0x40, s15, s24, $0xb8;
	[tilespmem:$0x19040] =	vst v63  }
0x159: {  	s15 =	smov.u32 s14  }
0x15a: {  	p0 =	sne.s32 s14, $0x8C00;
	s14 =	sadd.s32 $0xA00, s14;
	_ =	swait.ge [sflag:s31], $0x1F40  }
0x15b: {  	s15 =	sshra.s32 s15, $0x2;
	[sflag:s31] =	ssyncset.done $0x0  }
0x15c: {  	s16 =	sadd.s32 $0x2800, s15;
	[sflag:s31] =	ssyncadd.s32 $0xFFFFE0C0  }
0x15d: {  	[spmem:s3] =	stream.indirect.scatter.add.f32 [tilespmem:s25], [sflag:$0x6], $0x40, s16, s24, $0xb8;
	[tilespmem:$0x19040] =	vst v63  }
0x15e: {  	_ =	swait.ge [sflag:s0], $0x1F40  }
0x15f: {  	[sflag:s0] =	ssyncset.done $0x0  }
0x160: {  	s16 =	sadd.s32 $0x280, s15;
	[sflag:s0] =	ssyncadd.s32 $0xFFFFE0C0  }
0x161: {  	[tilespmem:s25], [sflag:$0x1] =	stream.indirect.gather [hbm4b:s2+s24], $0x40, s16, s24, $0xb8;
	[tilespmem:$0x19040] =	vst v63  }
0x162: {  	_ =	swait.ge [sflag:s1], $0x1F40  }
0x163: {  	[sflag:s1] =	ssyncset.done $0x0  }
0x164: {  	s16 =	sadd.s32 $0x2880, s15;
	[sflag:s1] =	ssyncadd.s32 $0xFFFFE0C0  }
0x165: {  	[spmem:s3] =	stream.indirect.scatter.add.f32 [tilespmem:s26], [sflag:$0x7], $0x40, s16, s24, $0xb8;
	[tilespmem:$0x19040] =	vst v63  }
0x166: {  	_ =	swait.ge [sflag:s6], $0x1F40  }
0x167: {  	[sflag:s6] =	ssyncset.done $0x0  }
0x168: {  	s16 =	sadd.s32 $0x300, s15;
	[sflag:s6] =	ssyncadd.s32 $0xFFFFE0C0  }
0x169: {  	[tilespmem:s26], [sflag:$0x2] =	stream.indirect.gather [hbm4b:s2+s24], $0x40, s16, s24, $0xb8;
	[tilespmem:$0x19040] =	vst v63  }
0x16a: {  	_ =	swait.ge [sflag:s7], $0x1F40  }
0x16b: {  	[sflag:s7] =	ssyncset.done $0x0  }
0x16c: {  	s16 =	sadd.s32 $0x2900, s15;
	[sflag:s7] =	ssyncadd.s32 $0xFFFFE0C0  }
0x16d: {  	[spmem:s3] =	stream.indirect.scatter.add.f32 [tilespmem:s28], [sflag:$0x8], $0x40, s16, s24, $0xb8;
	[tilespmem:$0x19040] =	vst v63  }
0x16e: {  	_ =	swait.ge [sflag:s8], $0x1F40  }
0x16f: {  	[sflag:s8] =	ssyncset.done $0x0  }
0x170: {  	s16 =	sadd.s32 $0x380, s15;
	[sflag:s8] =	ssyncadd.s32 $0xFFFFE0C0  }
0x171: {  	[tilespmem:s28], [sflag:$0x3] =	stream.indirect.gather [hbm4b:s2+s24], $0x40, s16, s24, $0xb8;
	[tilespmem:$0x19040] =	vst v63  }
0x172: {  	_ =	swait.ge [sflag:s9], $0x1F40  }
0x173: {  	[sflag:s9] =	ssyncset.done $0x0  }
0x174: {  	s16 =	sadd.s32 $0x2980, s15;
	[sflag:s9] =	ssyncadd.s32 $0xFFFFE0C0  }
0x175: {  	[spmem:s3] =	stream.indirect.scatter.add.f32 [tilespmem:s29], [sflag:$0x9], $0x40, s16, s24, $0xb8;
	[tilespmem:$0x19040] =	vst v63  }
0x176: {  	_ =	swait.ge [sflag:s10], $0x1F40  }
0x177: {  	[sflag:s10] =	ssyncset.done $0x0  }
0x178: {  	s16 =	sadd.s32 $0x400, s15;
	[sflag:s10] =	ssyncadd.s32 $0xFFFFE0C0  }
0x179: {  	[tilespmem:s29], [sflag:$0x4] =	stream.indirect.gather [hbm4b:s2+s24], $0x40, s16, s24, $0xb8;
	[tilespmem:$0x19040] =	vst v63  }
0x17a: {  	_ =	swait.ge [sflag:s11], $0x1F40  }
0x17b: {  	[sflag:s11] =	ssyncset.done $0x0  }
.Ltmp0:
0x17c: {  	s16 =	sadd.s32 $0x2A00, s15;
	[sflag:s11] =	ssyncadd.s32 $0xFFFFE0C0;
	(pc) =	sbr.rel @p0 .LBB2_2-.Ltmp0, $4  }
0x17d: {  	[spmem:s3] =	stream.indirect.scatter.add.f32 [tilespmem:s30], [sflag:$0xA], $0x40, s16, s24, $0xb8;
	[tilespmem:$0x19040] =	vst v63  }
0x17e: {  	_ =	swait.ge [sflag:s12], $0x1F40  }
0x17f: {  	[sflag:s12] =	ssyncset.done $0x0  }
0x180: {  	s15 =	sadd.s32 $0x480, s15;
	[sflag:s12] =	ssyncadd.s32 $0xFFFFE0C0  }
0x181: {  	[tilespmem:s30], [sflag:$0x5] =	stream.indirect.gather [hbm4b:s2+s24], $0x40, s15, s24, $0xb8;
	[tilespmem:$0x19040] =	vst v63  }
0x182: {  	_ =	swait.ge [sflag:s31], $0x1F40  }
0x183: {  	[sflag:s31] =	ssyncset.done $0x0  }
0x184: {  	s14 =	simm.s32 $0x4D80;
	[sflag:s31] =	ssyncadd.s32 $0xFFFFE0C0  }
0x185: {  	[spmem:s3] =	stream.indirect.scatter.add.f32 [tilespmem:s25], [sflag:$0x6], $0x40, s14, s24, $0xb8;
	[tilespmem:$0x19040] =	vst v63  }
0x186: {  	_ =	swait.ge [sflag:s0], $0x1F40  }
0x187: {  	[sflag:s0] =	ssyncset.done $0x0  }
0x188: {  	[sflag:s0] =	ssyncadd.s32 $0xFFFFE0C0  }
0x189: {  	_ =	swait.ge [sflag:s1], $0x1F40  }
0x18a: {  	[sflag:s1] =	ssyncset.done $0x0  }
0x18b: {  	s15 =	simm.s32 $0x4E00;
	[sflag:s1] =	ssyncadd.s32 $0xFFFFE0C0  }
0x18c: {  	[spmem:s3] =	stream.indirect.scatter.add.f32 [tilespmem:s26], [sflag:$0x7], $0x40, s15, s24, $0xb8;
	[tilespmem:$0x19040] =	vst v63  }
0x18d: {  	_ =	swait.ge [sflag:s6], $0x1F40  }
0x18e: {  	[sflag:s6] =	ssyncset.done $0x0  }
0x18f: {  	[sflag:s6] =	ssyncadd.s32 $0xFFFFE0C0  }
0x190: {  	_ =	swait.ge [sflag:s7], $0x1F40  }
0x191: {  	[sflag:s7] =	ssyncset.done $0x0  }
0x192: {  	s16 =	simm.s32 $0x4E80;
	[sflag:s7] =	ssyncadd.s32 $0xFFFFE0C0  }
0x193: {  	[spmem:s3] =	stream.indirect.scatter.add.f32 [tilespmem:s28], [sflag:$0x8], $0x40, s16, s24, $0xb8;
	[tilespmem:$0x19040] =	vst v63  }
0x194: {  	_ =	swait.ge [sflag:s8], $0x1F40  }
0x195: {  	[sflag:s8] =	ssyncset.done $0x0  }
0x196: {  	[sflag:s8] =	ssyncadd.s32 $0xFFFFE0C0  }
0x197: {  	_ =	swait.ge [sflag:s9], $0x1F40  }
0x198: {  	[sflag:s9] =	ssyncset.done $0x0  }
0x199: {  	s15 =	simm.s32 $0x4F00;
	[sflag:s9] =	ssyncadd.s32 $0xFFFFE0C0  }
0x19a: {  	[spmem:s3] =	stream.indirect.scatter.add.f32 [tilespmem:s29], [sflag:$0x9], $0x40, s15, s24, $0xb8;
	[tilespmem:$0x19040] =	vst v63  }
0x19b: {  	_ =	swait.ge [sflag:s10], $0x1F40  }
0x19c: {  	[sflag:s10] =	ssyncset.done $0x0  }
0x19d: {  	[sflag:s10] =	ssyncadd.s32 $0xFFFFE0C0  }
0x19e: {  	_ =	swait.ge [sflag:s11], $0x1F40  }
0x19f: {  	[sflag:s11] =	ssyncset.done $0x0  }
0x1a0: {  	s16 =	simm.s32 $0x4F80;
	[sflag:s11] =	ssyncadd.s32 $0xFFFFE0C0  }
0x1a1: {  	[spmem:s3] =	stream.indirect.scatter.add.f32 [tilespmem:s30], [sflag:$0xA], $0x40, s16, s24, $0xb8;
	[tilespmem:$0x19040] =	vst v63  }
0x1a2: {  	s15 =	stileid.u32;
	_ =	swait.ge [sflag:s12], $0x1F40  }
0x1a3: {  	s13 =	sadd.s32 $0x1, s13;
	s14 =	sshll.u32 s15, $0x6;
	[sflag:s12] =	ssyncset.done $0x0  }
0x1a4: {  	p0 =	sne.s32 s13, s21;
	s14 =	sor.u32 $0x1C0B, s14;
	[sflag:s12] =	ssyncadd.s32 $0xFFFFE0C0  }
.Ltmp1:
0x1a5: {  	s16 =	sshrl.u32 s5, $0x3;
	[bflag:$0x0] =	sbarrier.arrive $0xFFFF;
	(pc) =	sbr.rel @p0 .LBB2_1-.Ltmp1, $4  }
0x1a6: {  	[hbm:s20], [sflag:s14] =	dma.local [spmem:s16], $0x1400  }
0x1a7: {  	_ =	swait.ge [sflag:s23], $0x1400  }
0x1a8: {  	[sflag:s23] =	ssyncset.done $0x0  }
0x1a9: {  	[sflag:s23] =	ssyncadd.s32 $0xFFFFEC00  }
0x1aa: {  	_ =	sfence.sel $0x180000  }
0x1ab: {  	[bflag:$0x0] =	sbarrier.arrive $0xFFFF  }
0x1ac: {  	_ =	strace $0x9000004D  }
0x1ad: {  	s0 =	stileid.u32;
	[bflag:$0x2] =	sbarrier.arrive $0xFFFF  }
0x1ae: {  	p0 =	sne.s32 s0, $0x0;
	s0 =	rddreg [dreg:$0x3]  }
0x1af: {  	s0 =	sadd.s32 @!p0 $0x100000, s0  }
0x1b0: {  	[sflag:s0] =	ssyncadd.tile.s32 @!p0 $0x1;
	_ =	shalt  }
.Lfunc_end2:
_tile_overlayer_lowered:
.L_overlay_start_2:
0x1b1: {  	(tag) =	ssettag $0x2  }
0x1b2: {  	s0 =	rddreg [dreg:$0x0];
	s2 =	stileid.u32  }
0x1b3: {  	s1 =	rddreg [dreg:$0x1];
	p0 =	sne.s32 s2, $0x0  }
0x1b4: {  	s3 =	rddreg [dreg:$0x2];
	[bflag:$0x3] =	sbarrier.arrive $0xFFFF;
	s2 =	simm.s32 @!p0 $0x1C0B  }
0x1b5: {  	[timem:s3], [sflag:s2] =	dma.local @!p0 [hbm:s0], s1  }
0x1b6: {  	s0 =	simm.s32 @!p0 $0xB  }
0x1b7: {  	_ =	swait.ge @!p0 [sflag:s0], s1  }
0x1b8: {  	s1 =	ssub.s32 @!p0 $0x0, s1;
	[sflag:s0] =	ssyncset.done @!p0 $0x0  }
0x1b9: {  	[sflag:s0] =	ssyncadd.s32 @!p0 s1  }
0x1ba: {  	[bflag:$0x3] =	sbarrier.arrive $0xFFFF  }
0x1bb: {  	_ =	shalt  }

// kernel: kernel.9.cloned.1.call-start
scs
__scs_entry_jumppad:
0x0: {  	(pc) =	sbr.rel $0x88, $3  }
0x1: {  	(tag) =	ssettag $0x0;
	lr =	simm.s32 $0x1  }
0x2: {  	[smem:$0x3F95] =	sst lr;
	_ =	strace $0xD0000000  }
0x3: {  	_ = 	snop  }
0x4: {  	_ = 	snop  }
0x5: {  	_ = 	snop  }
0x6: {  	_ = 	snop  }
0x7: {  	_ = 	snop  }
__scs_overlays_trampoline_lowered:
0x8: {  	[smem:$0x3FA4] =	sst s0  }
0x9: {  	[smem:$0x3FA5] =	sst s1  }
0xa: {  	[smem:$0x3FA6] =	sst s2  }
0xb: {  	[smem:$0x3FA7] =	sst s3  }
0xc: {  	[smem:$0x3FA8] =	sst s4  }
0xd: {  	[smem:$0x3FA9] =	sst s5  }
0xe: {  	[smem:$0x3FAA] =	sst s6  }
0xf: {  	[smem:$0x3FAB] =	sst s7  }
0x10: {  	[smem:$0x3FAC] =	sst s8  }
0x11: {  	[smem:$0x3FAD] =	sst s9;
	s0 =	simm.s32 @!p0 $0x0  }
0x12: {  	s1 =	sld [smem:$0x3F93];
	s0 =	simm.s32 @p0 $0x1  }
0x13: {  	[smem:$0x3FAE] =	sst s0;
	s0 =	simm.s32 @!p1 $0x0  }
0x14: {  	s2 =	sld [smem:$0x3F92];
	s0 =	simm.s32 @p1 $0x1  }
0x15: {  	[smem:$0x3FAF] =	sst s0;
	s0 =	simm.s32 @!p2 $0x0  }
0x16: {  	s3 =	sld [smem:$0x3FDB];
	s0 =	simm.s32 @p2 $0x1  }
0x17: {  	s4 =	simm.s32 $0x1BF5;
	[smem:$0x3FB1] =	sst s0  }
0x18: {  	s0 =	sld [smem:$0x3F94];
	_ =	swait.ge [sflag:s4], $0x0  }
0x19: {  	s7 =	sld [smem:$0x3F95]  }
0x1a: {  	s8 =	sadd.s32 $0xFFFFE003, lr  }
0x1b: {  	s9 =	sadd.s32 $0xFFFFFEF7, lr;
	s5 =	simm.s32 $0xFFFFFFFF;
	p2 =	slt.u32 s8, $0xFFFFF086  }
0x1c: {  	p1 =	slt.u32 s9, $0xF7A;
	s5 =	simm.s32 @!p2 $0x0  }
0x1d: {  	s5 =	simm.s32 @p1 $0x1;
	p0 =	seq.s32 s7, s2  }
0x1e: {  	s7 =	smul.u32 @!p0 $0xF7A, s2;
	p2 =	seq.s32 @!p0 s5, $0x0  }
0x1f: {  	s9 =	smul.u32 $0xF7A, s1;
	s8 =	simm.s32 @!p0 $0x1BF5;
	p2 =	por !p2, p0  }
0x20: {  	[sflag:s8] =	ssyncset.s32 @!p0 $0xFFFFF086;
	s6 =	sadd.s32 @!p0 s3, s7;
	s7 =	simm.s32 @!p0 $0x108  }
0x21: {  	s3 =	sadd.s32 s3, s9;
	s6 =	sadd.s32 @!p0 $0x88, s6;
	s7 =	simm.s32 @p2 $0x1082  }
0x22: {  	[simem:s7], [sflag:s8] =	dma.local @!p0 [hbm:s6], $0xF7A  }
0x23: {  	s9 =	sor.u32 $0xD0000000, s2;
	s6 =	simm.s32 $0x108;
	_ =	swait.ge @!p0 [sflag:s8], $0x0  }
0x24: {  	s3 =	sadd.s32 $0x88, s3;
	s6 =	simm.s32 @!p1 $0x1082;
	[sflag:s4] =	ssyncset.s32 $0xFFFFF086  }
0x25: {  	[simem:s6], [sflag:s4] =	dma.local [hbm:s3], $0xF7A  }
0x26: {  	[smem:$0x3F95] =	sst s1;
	(tag) =	ssettag s2;
	_ =	strace s9  }
0x27: {  	s1 =	sld [smem:$0x3FA5]  }
0x28: {  	s2 =	sld [smem:$0x3FA6]  }
0x29: {  	s4 =	sld [smem:$0x3FA8]  }
0x2a: {  	p0 =	seq.s32 s5, $0x0;
	s5 =	sld [smem:$0x3FA9]  }
0x2b: {  	s6 =	sld [smem:$0x3FAA]  }
0x2c: {  	s7 =	sld [smem:$0x3FAB]  }
0x2d: {  	s3 =	simm.s32 $0x108;
	s8 =	sld [smem:$0x3FAC]  }
0x2e: {  	s3 =	simm.s32 @!p0 $0x1082;
	s9 =	sld [smem:$0x3FAD]  }
0x2f: {  	lr =	sadd.s32 s0, s3;
	s0 =	sld [smem:$0x3FA4]  }
0x30: {  	s3 =	sld [smem:$0x3FA7]  }
0x31: {  	[smem:$0x3FB0] =	sst s10  }
0x32: {  	s10 =	sld [smem:$0x3FAE];
	_ =	sdelay $0x3  }
0x33: {  	p0 =	seq.s32 s10, $0x1;
	s10 =	sld [smem:$0x3FB0];
	_ =	sdelay $0x3  }
0x34: {  	[smem:$0x3FB0] =	sst s10  }
0x35: {  	s10 =	sld [smem:$0x3FAF];
	_ =	sdelay $0x3  }
0x36: {  	p1 =	seq.s32 s10, $0x1;
	s10 =	sld [smem:$0x3FB0];
	_ =	sdelay $0x3  }
0x37: {  	[smem:$0x3FB0] =	sst s10  }
0x38: {  	s10 =	sld [smem:$0x3FB1]  }
0x39: {  	_ = 	snop;
	(pc) =	sbr.ind lr, $3  }
0x3a: {  	_ = 	snop  }
0x3b: {  	_ = 	snop  }
0x3c: {  	p2 =	seq.s32 s10, $0x1;
	s10 =	sld [smem:$0x3FB0]  }
0x3d: {  	_ =	shalt  }
0x3e: {  	_ =	shalt  }
0x3f: {  	_ =	shalt  }
0x40: {  	_ =	shalt  }
0x41: {  	_ =	shalt  }
0x42: {  	_ =	shalt  }
0x43: {  	_ =	shalt  }
0x44: {  	_ =	shalt  }
0x45: {  	_ =	shalt  }
0x46: {  	_ =	shalt  }
0x47: {  	_ =	shalt  }
0x48: {  	_ =	shalt  }
0x49: {  	_ =	shalt  }
0x4a: {  	_ =	shalt  }
0x4b: {  	_ =	shalt  }
0x4c: {  	_ =	shalt  }
0x4d: {  	_ =	shalt  }
0x4e: {  	_ =	shalt  }
0x4f: {  	_ =	shalt  }
0x50: {  	_ =	shalt  }
0x51: {  	_ =	shalt  }
0x52: {  	_ =	shalt  }
0x53: {  	_ =	shalt  }
0x54: {  	_ =	shalt  }
0x55: {  	_ =	shalt  }
0x56: {  	_ =	shalt  }
0x57: {  	_ =	shalt  }
0x58: {  	_ =	shalt  }
0x59: {  	_ =	shalt  }
0x5a: {  	_ =	shalt  }
0x5b: {  	_ =	shalt  }
0x5c: {  	_ =	shalt  }
0x5d: {  	_ =	shalt  }
0x5e: {  	_ =	shalt  }
0x5f: {  	_ =	shalt  }
0x60: {  	_ =	shalt  }
0x61: {  	_ =	shalt  }
0x62: {  	_ =	shalt  }
0x63: {  	_ =	shalt  }
0x64: {  	_ =	shalt  }
0x65: {  	_ =	shalt  }
0x66: {  	_ =	shalt  }
0x67: {  	_ =	shalt  }
0x68: {  	_ =	shalt  }
0x69: {  	_ =	shalt  }
0x6a: {  	_ =	shalt  }
0x6b: {  	_ =	shalt  }
0x6c: {  	_ =	shalt  }
0x6d: {  	_ =	shalt  }
0x6e: {  	_ =	shalt  }
0x6f: {  	_ =	shalt  }
0x70: {  	_ =	shalt  }
0x71: {  	_ =	shalt  }
0x72: {  	_ =	shalt  }
0x73: {  	_ =	shalt  }
0x74: {  	_ =	shalt  }
0x75: {  	_ =	shalt  }
0x76: {  	_ =	shalt  }
0x77: {  	_ =	shalt  }
0x78: {  	_ =	shalt  }
0x79: {  	_ =	shalt  }
0x7a: {  	_ =	shalt  }
0x7b: {  	_ =	shalt  }
0x7c: {  	_ =	shalt  }
0x7d: {  	_ =	shalt  }
0x7e: {  	_ =	shalt  }
0x7f: {  	_ =	shalt  }
0x80: {  	_ =	shalt  }
0x81: {  	_ =	shalt  }
0x82: {  	_ =	shalt  }
0x83: {  	_ =	shalt  }
0x84: {  	_ =	shalt  }
0x85: {  	_ =	shalt  }
0x86: {  	_ =	shalt  }
0x87: {  	_ =	shalt  }
.Lfunc_end0:
.L_simem_size_0:
called_computation_lowered:
.L_overlay_start_0:
0x88: {  	s2 =	sld [smem:$0x3FD9]  }
0x89: {  	s3 =	sld [smem:$0x3FFE];
	_ =	sdelay $0x1  }
0x8a: {  	s1 =	srdreg.scid  }
0x8b: {  	s0 =	sand.u32 $0x1, s1  }
0x8c: {  	s15 =	sshll.u32 s0, $0xA;
	s2 =	sadd.s32 s3, s2  }
0x8d: {  	s2 =	sadd.s32 s2, s15  }
0x8e: {  	[smem:$0x3FBC] =	sst s2  }
0x8f: {  	_ = 	snop  }
0x90: {  	s2 =	sld [smem:$0x3FD0];
	_ =	sdelay $0x2  }
0x91: {  	s16 =	simm.s32 $0xA;
	s4 =	simm.s32 $0x10  }
0x92: {  	[smem:s4], [sflag:s16] =	dma.local [hbm:s2], $0x1  }
0x93: {  	_ =	swait.eq [sflag:s16], $0x1  }
0x94: {  	[sflag:s16] =	ssyncset.done $0x0  }
0x95: {  	s17 =	sld [smem:$0x10];
	[sflag:s16] =	ssyncadd.s32 $0xFFFFFFFF  }
0x96: {  	s18 =	sld [smem:$0x12];
	(tm) =	ssettm $0x1  }
0x97: {  	s19 =	sld [smem:$0x3FFB];
	_ =	sdelay $0x3  }
0x98: {  	_ =	strace s19  }
0x99: {  	s4 =	sld [smem:$0x3FFC];
	_ =	sdelay $0x3  }
0x9a: {  	_ =	strace s4  }
0x9b: {  	s4 =	sld [smem:$0x3FFD];
	_ =	sdelay $0x3  }
0x9c: {  	_ =	strace s4  }
0x9d: {  	_ =	strace $0x8FFFFFFF  }
0x9e: {  	s20 =	sld [smem:$0x3FDB];
	_ =	sdelay $0x1  }
0x9f: {  	s5 =	simm.s32 $_scs_section_size  }
0xa0: {  	s6 =	simm.s32 $_size__tile_overlayer_lowered;
	s7 =	simm.s32 $_tile_overlayer_lowered  }
0xa1: {  	s23 =	simm.s32 $0x1BFF;
	s22 =	sshll.u32 s7, $0x1;
	s4 =	sadd.s32 s5, s20  }
0xa2: {  	s8 =	simm.s32 $0x0;
	s21 =	sshll.u32 s6, $0x1;
	s6 =	sadd.s32 s22, s4  }
0xa3: {  	[timem:s8], [sflag:s23] =	dma.local [hbm:s6], s21  }
0xa4: {  	_ =	swait.ge [sflag:s23], s21  }
0xa5: {  	s5 =	ssub.s32 $0x0, s21;
	[sflag:s23] =	ssyncset.done $0x0  }
0xa6: {  	[sflag:s23] =	ssyncadd.s32 s5;
	_ =	sdelay $0x1  }
0xa7: {  	s24 =	simm.s32 $0x1B8B  }
0xa8: {  	_ =	swait.ge [sflag:s24], $0x1  }
0xa9: {  	[sflag:s24] =	ssyncset.done $0x0  }
0xaa: {  	s25 =	simm.s32 $0x1B8E;
	[sflag:s24] =	ssyncadd.s32 $0xFFFFFFFF  }
0xab: {  	s26 =	simm.s32 $execute0_lowered;
	[smem:$0x3FD2] =	sst s25  }
0xac: {  	s5 =	sshll.u32 s26, $0x1;
	_ =	strace $0x80000046;
	[dreg:$0x1] =	wrdreg $0xFFFFFFFF  }
0xad: {  	s28 =	simm.s32 $_size_execute0_lowered;
	s4 =	sadd.s32 s4, s5;
	[dreg:$0x0] =	wrdreg $0x0  }
0xae: {  	s5 =	sshll.u32 s28, $0x1;
	[dreg:$0x2] =	wrdreg s4  }
0xaf: {  	[dreg:$0x3] =	wrdreg s5  }
0xb0: {  	[dreg:$0x4] =	wrdreg $0xC0  }
0xb1: {  	_ =	task [dreg:s8], $0x5FFFF  }
0xb2: {  	[dreg:$0x1] =	wrdreg $0xFFFFFFFF  }
0xb3: {  	[dreg:$0x0] =	wrdreg $0x60  }
0xb4: {  	[dreg:$0x2] =	wrdreg s17  }
0xb5: {  	[dreg:$0x3] =	wrdreg s18  }
0xb6: {  	[dreg:$0x4] =	wrdreg $0x29000  }
0xb7: {  	[dreg:$0x5] =	wrdreg $0x9  }
0xb8: {  	_ =	task.clear_ibuf [dreg:s8], $0x6FFFF;
	_ =	strace $0x90000046  }
0xb9: {  	s29 =	simm.s32 $0x9;
	_ =	strace $0x80000048  }
0xba: {  	_ =	swait.ge [sflag:s29], $0x1  }
0xbb: {  	[sflag:s29] =	ssyncadd.s32 $0xFFFFFFFF  }
0xbc: {  	_ =	strace $0x90000048  }
0xbd: {  	_ =	sfence  }
0xbe: {  	s30 =	sld [smem:$0x0];
	_ =	sdelay $0x2  }
0xbf: {  	s31 =	sshll.u32 s1, $0xD;
	s1 =	sshrl.u32 s1, $0x2  }
0xc0: {  	s3 =	sand.u32 $0x4000, s31;
	s1 =	sadd.s32 s1, s30  }
0xc1: {  	s0 =	sor.u32 s3, s0;
	s1 =	sshll.u32 s1, $0x11  }
0xc2: {  	s0 =	sor.u32 s1, s0  }
0xc3: {  	s0 =	sadd.s32 $0x8F2B, s0  }
0xc4: {  	[sflag:s0] =	ssyncadd.remote.s32 $0x1  }
0xc5: {  	_ =	sfence.sel $0xFFFF  }
0xc6: {  	[dreg:$0x0] =	wrdreg $0xFFFFFFFF;
	(pc) =	sbr.abs _section_cstart, $3  }
0xc7: {  	[dreg:$0x1] =	wrdreg $0xFFFFFFFF  }
0xc8: {  	_ =	task.clear_ibuf [dreg:s8], $0x2FFFF;
	_ =	strace $0x9FFFFFFF  }
0xc9: {  	(tm) =	ssettm $0x7FFFFFFF  }
tec
execute0_lowered:
.L_overlay_start_1:
0x0: {  	(tag) =	ssettag $0x1  }
0x1: {  	s14 =	rddreg [dreg:$0x0]  }
0x2: {  	s15 =	rddreg [dreg:$0x1]  }
0x3: {  	s2 =	rddreg [dreg:$0x2];
	s0 =	stileid.u32  }
0x4: {  	s4 =	srdreg.scid;
	s1 =	rddreg [dreg:$0x3]  }
0x5: {  	s3 =	simm.s32 $0x0;
	s19 =	simm.s32 $0x7D;
	s20 =	simm.s32 $0x2800  }
0x6: {  	s23 =	simm.s32 $0x20;
	s24 =	simm.s32 $0x10;
	s25 =	simm.s32 $0x0  }
0x7: {  	s5 =	smul.u32 $0xA00, s0;
	s11 =	sand.u32 $0x1, s4;
	[smem:$0x7FF] =	sst s3  }
0x8: {  	s13 =	smul.u32 $0x500, s0;
	s21 =	sshll.u32 s0, $0x6;
	s6 =	ssub.s32 $0x2, s11  }
0x9: {  	_ =	strace $0x80000047;
	s10 =	sshll.u32 s11, $0x4;
	s18 =	sshll.u32 s11, $0x7  }
0xa: {  	s21 =	sor.u32 $0x1C01, s21;
	s29 =	sshrl.u32 s5, $0x2;
	s30 =	sshrl.u32 s6, $0x1  }
0xb: {  	s12 =	sor.u32 s0, s10;
	s18 =	sor.u32 s18, s13;
	s4 =	sadd.s32 s29, s2  }
0xc: {  	s16 =	ssub.s32 s6, s30;
	s17 =	smul.u32 $0x500, s12;
	s31 =	sshrl.u32 s18, $0x3  }
0xd: {  	s18 =	simm.s32 $0x1;
	s5 =	sadd.s32 $0x40, s4;
	s6 =	sadd.s32 $0x80, s4  }
0xe: {  	s7 =	sadd.s32 $0xC0, s4;
	s8 =	sadd.s32 $0x100, s4;
	s9 =	sadd.s32 $0x140, s4  }
0xf: {  	s10 =	sadd.s32 $0x180, s4;
	s11 =	sadd.s32 $0x1C0, s4;
	s12 =	sadd.s32 $0x200, s4  }
0x10: {  	s13 =	sadd.s32 $0x240, s4;
	s15 =	sadd.s32 s15, s31;
	s16 =	smax.u32 s16, $0x1  }
0x11: {  	v0 =	vimm.f32 $1.000000000e+00;
	v1 =	vimm.f32 $0.0e+00;
	s22 =	sshrl.u32 s4, $0x3;
	s14 =	sadd.s32 s14, s17;
	s17 =	simm.s32 $0x2880  }
.LBB2_1:
0x12: {  	[tilespmem:$0x2800] =	vst v0  }
0x13: {  	[tilespmem:$0x2810] =	vst v0  }
0x14: {  	[tilespmem:$0x2820] =	vst v0  }
0x15: {  	[tilespmem:$0x2830] =	vst v0  }
0x16: {  	[tilespmem:$0x2840] =	vst v0  }
0x17: {  	[tilespmem:$0x2850] =	vst v0  }
0x18: {  	[tilespmem:$0x2860] =	vst v0  }
0x19: {  	[tilespmem:$0x2870] =	vst v0  }
0x1a: {  	[tilespmem:$0x2880] =	vst v1  }
0x1b: {  	[tilespmem:$0x2890] =	vst v1  }
0x1c: {  	[tilespmem:$0x28A0] =	vst v1  }
0x1d: {  	[tilespmem:$0x28B0] =	vst v1  }
0x1e: {  	[spmem:s4] =	stream.linear.scatter [tilespmem:s17], [sflag:$0x1], $0x40, $0x38;
	[tilespmem:$0x2B80] =	vst v63  }
0x1f: {  	_ =	swait.ge [sflag:s18], $0x40  }
0x20: {  	[sflag:s18] =	ssyncset.done $0x0  }
0x21: {  	[sflag:s18] =	ssyncadd.s32 $0xFFFFFFC0  }
0x22: {  	[spmem:s5] =	stream.linear.scatter [tilespmem:s17], [sflag:$0x1], $0x40, $0x38;
	[tilespmem:$0x2B80] =	vst v63  }
0x23: {  	_ =	swait.ge [sflag:s18], $0x40  }
0x24: {  	[sflag:s18] =	ssyncset.done $0x0  }
0x25: {  	[sflag:s18] =	ssyncadd.s32 $0xFFFFFFC0  }
0x26: {  	[spmem:s6] =	stream.linear.scatter [tilespmem:s17], [sflag:$0x1], $0x40, $0x38;
	[tilespmem:$0x2B80] =	vst v63  }
0x27: {  	_ =	swait.ge [sflag:s18], $0x40  }
0x28: {  	[sflag:s18] =	ssyncset.done $0x0  }
0x29: {  	[sflag:s18] =	ssyncadd.s32 $0xFFFFFFC0  }
0x2a: {  	[spmem:s7] =	stream.linear.scatter [tilespmem:s17], [sflag:$0x1], $0x40, $0x38;
	[tilespmem:$0x2B80] =	vst v63  }
0x2b: {  	_ =	swait.ge [sflag:s18], $0x40  }
0x2c: {  	[sflag:s18] =	ssyncset.done $0x0  }
0x2d: {  	[sflag:s18] =	ssyncadd.s32 $0xFFFFFFC0  }
0x2e: {  	[spmem:s8] =	stream.linear.scatter [tilespmem:s17], [sflag:$0x1], $0x40, $0x38;
	[tilespmem:$0x2B80] =	vst v63  }
0x2f: {  	_ =	swait.ge [sflag:s18], $0x40  }
0x30: {  	[sflag:s18] =	ssyncset.done $0x0  }
0x31: {  	[sflag:s18] =	ssyncadd.s32 $0xFFFFFFC0  }
0x32: {  	[spmem:s9] =	stream.linear.scatter [tilespmem:s17], [sflag:$0x1], $0x40, $0x38;
	[tilespmem:$0x2B80] =	vst v63  }
0x33: {  	_ =	swait.ge [sflag:s18], $0x40  }
0x34: {  	[sflag:s18] =	ssyncset.done $0x0  }
0x35: {  	[sflag:s18] =	ssyncadd.s32 $0xFFFFFFC0  }
0x36: {  	[spmem:s10] =	stream.linear.scatter [tilespmem:s17], [sflag:$0x1], $0x40, $0x38;
	[tilespmem:$0x2B80] =	vst v63  }
0x37: {  	_ =	swait.ge [sflag:s18], $0x40  }
0x38: {  	[sflag:s18] =	ssyncset.done $0x0  }
0x39: {  	[sflag:s18] =	ssyncadd.s32 $0xFFFFFFC0  }
0x3a: {  	[spmem:s11] =	stream.linear.scatter [tilespmem:s17], [sflag:$0x1], $0x40, $0x38;
	[tilespmem:$0x2B80] =	vst v63  }
0x3b: {  	_ =	swait.ge [sflag:s18], $0x40  }
0x3c: {  	[sflag:s18] =	ssyncset.done $0x0  }
0x3d: {  	[sflag:s18] =	ssyncadd.s32 $0xFFFFFFC0  }
0x3e: {  	[spmem:s12] =	stream.linear.scatter [tilespmem:s17], [sflag:$0x1], $0x40, $0x38;
	[tilespmem:$0x2B80] =	vst v63  }
0x3f: {  	_ =	swait.ge [sflag:s18], $0x40  }
0x40: {  	[sflag:s18] =	ssyncset.done $0x0  }
0x41: {  	[sflag:s18] =	ssyncadd.s32 $0xFFFFFFC0  }
0x42: {  	[spmem:s13] =	stream.linear.scatter [tilespmem:s17], [sflag:$0x1], $0x40, $0x38;
	[tilespmem:$0x2B80] =	vst v63  }
0x43: {  	_ =	swait.ge [sflag:s18], $0x40  }
0x44: {  	[sflag:s18] =	ssyncset.done $0x0  }
0x45: {  	[sflag:s18] =	ssyncadd.s32 $0xFFFFFFC0  }
0x46: {  	[tilespmem:s3], [sflag:$0x1] =	stream.linear.gather [hbm4b:s14+s3], $0x2800, $0x38;
	[tilespmem:$0x2B80] =	vst v63  }
0x47: {  	_ =	swait.ge [sflag:s18], $0x2800  }
0x48: {  	[sflag:s18] =	ssyncset.done $0x0  }
0x49: {  	[sflag:s18] =	ssyncadd.s32 $0xFFFFD800  }
0x4a: {  	s26 =	simm.s32 $0x0;
	[bflag:$0x0] =	sbarrier.arrive $0xFFFF  }
0x4b: {  	[spmem:s2] =	stream.indirect.scatter.add.f32 [tilespmem:s20], [sflag:$0x1], $0x1, s26, s19, $0xb8;
	[tilespmem:$0x2B80] =	vst v63  }
0x4c: {  	_ =	swait.ge [sflag:s18], $0x7D  }
0x4d: {  	s26 =	simm.s32 $0x200;
	[sflag:s18] =	ssyncset.done $0x0  }
.LBB2_2:
0x4e: {  	s28 =	sshra.s32 s26, $0x2;
	[sflag:s18] =	ssyncadd.s32 $0xFFFFFF83;
	p0 =	sne.s32 s26, $0x9E00  }
0x4f: {  	[spmem:s2] =	stream.indirect.scatter.add.f32 [tilespmem:s20], [sflag:$0x1], $0x1, s28, s19, $0xb8;
	[tilespmem:$0x2B80] =	vst v63  }
.Ltmp0:
0x50: {  	_ = 	snop;
	(pc) =	sbr.rel @p0 .LBB2_2-.Ltmp0, $4  }
0x51: {  	_ = 	snop  }
0x52: {  	s26 =	sadd.s32 $0x200, s26  }
0x53: {  	_ =	swait.ge [sflag:s18], $0x7D  }
0x54: {  	[sflag:s18] =	ssyncset.done $0x0  }
0x55: {  	s25 =	sadd.s32 $0x1, s25  }
0x56: {  	[sflag:s18] =	ssyncadd.s32 $0xFFFFFF83;
	p0 =	sne.s32 s25, s16  }
.Ltmp1:
0x57: {  	[bflag:$0x0] =	sbarrier.arrive $0xFFFF;
	(pc) =	sbr.rel @p0 .LBB2_1-.Ltmp1, $4  }
0x58: {  	[hbm:s15@s23], [sflag:s21] =	dma.strided [spmem:s22@s24], $0x50, s18, $0x10   }
0x59: {  	_ =	swait.ge [sflag:s18], $0x50  }
0x5a: {  	[sflag:s18] =	ssyncset.done $0x0  }
0x5b: {  	[sflag:s18] =	ssyncadd.s32 $0xFFFFFFB0  }
0x5c: {  	_ =	sfence.sel $0x180000  }
0x5d: {  	[bflag:$0x0] =	sbarrier.arrive $0xFFFF  }
0x5e: {  	p0 =	sne.s32 s0, $0x0;
	_ =	strace $0x90000047  }
0x5f: {  	s0 =	sadd.s32 @!p0 $0x100000, s1;
	[bflag:$0x2] =	sbarrier.arrive $0xFFFF  }
0x60: {  	[sflag:s0] =	ssyncadd.tile.s32 @!p0 $0x1;
	_ =	shalt  }
.Lfunc_end2:
_tile_overlayer_lowered:
.L_overlay_start_2:
0x61: {  	(tag) =	ssettag $0x2  }
0x62: {  	s0 =	rddreg [dreg:$0x0];
	s2 =	stileid.u32  }
0x63: {  	s1 =	rddreg [dreg:$0x1];
	p0 =	sne.s32 s2, $0x0  }
0x64: {  	s3 =	rddreg [dreg:$0x2];
	[bflag:$0x3] =	sbarrier.arrive $0xFFFF;
	s2 =	simm.s32 @!p0 $0x1C01  }
0x65: {  	[timem:s3], [sflag:s2] =	dma.local @!p0 [hbm:s0], s1  }
0x66: {  	s0 =	simm.s32 @!p0 $0x1  }
0x67: {  	_ =	swait.ge @!p0 [sflag:s0], s1  }
0x68: {  	s1 =	ssub.s32 @!p0 $0x0, s1;
	[sflag:s0] =	ssyncset.done @!p0 $0x0  }
0x69: {  	[sflag:s0] =	ssyncadd.s32 @!p0 s1  }
0x6a: {  	[bflag:$0x3] =	sbarrier.arrive $0xFFFF  }
0x6b: {  	_ =	shalt  }

</sc_bundles>
